<compile_context>
chip_gen: v7x
topology: tpu7x:2x2x1
jax: 0.10.2.dev20260603
libtpu: 0.0.44.dev20260713+nightly
codegen_flags: <defaults>
</compile_context>

<pallas_src>
import functools

import jax
import jax.numpy as jnp
from jax import lax
from jax.experimental import pallas as pl
from jax.experimental.pallas import tpu as pltpu
from jax.experimental.pallas import tpu_sc as plsc

B = 16384
F = 26
V = 100000
D = 64
NF = F + 1
NPAIR = NF * (NF - 1) // 2

_NC, _NS = 2, 16
_NW = _NC * _NS
_FL = 4096
_UNROLL = 16


@functools.cache
def _make_sc_gather():
    mesh = plsc.VectorSubcoreMesh(core_axis_name="c", subcore_axis_name="s")

    @functools.partial(
        pl.kernel,
        mesh=mesh,
        out_type=jax.ShapeDtypeStruct((F * D, B), jnp.float32),
        scratch_types=[
            pltpu.VMEM((B,), jnp.int32),
            pltpu.VMEM((V,), jnp.float32),
            pltpu.VMEM((2, _FL), jnp.float32),
            pltpu.SemaphoreType.DMA,
            pltpu.SemaphoreType.DMA,
            pltpu.SemaphoreType.DMA,
        ],
        compiler_params=pltpu.CompilerParams(needs_layout_passes=False),
    )
    def _sc_gather(tab_hbm, idx_hbm, out_hbm, idx_v, row_v, gat_v, sem, osem, isem):
        wid = lax.axis_index("s") * _NC + lax.axis_index("c")

        def row_body(j, carry):
            f = j // 2
            dd = (j % 2) * _NW
            r = f * D + wid + dd

            @pl.when(dd == 0)
            def _():
                icp = pltpu.async_copy(idx_hbm.at[f], idx_v, isem)
                rcp = pltpu.async_copy(tab_hbm.at[r], row_v, sem)
                icp.wait()
                rcp.wait()

            @pl.when(dd != 0)
            def _():
                pltpu.async_copy(tab_hbm.at[r], row_v, sem).wait()
            prev = None
            for part in range(B // _FL):
                buf = part % 2

                @plsc.parallel_loop(0, _FL, step=16, unroll=_UNROLL)
                def grp(o, part=part, buf=buf):
                    idxs = idx_v[pl.ds(part * _FL + o, 16)]
                    gat_v[buf, pl.ds(o, 16)] = plsc.load_gather(row_v, [idxs])

                if prev is not None:
                    prev.wait()
                prev = pltpu.async_copy(
                    gat_v.at[buf], out_hbm.at[r, pl.ds(part * _FL, _FL)], osem)
            prev.wait()
            return carry

        lax.fori_loop(0, 2 * F, row_body, 0)

    return _sc_gather


_BT = 512
_G = B // _BT


def _tc_body(dxT_ref, embsT_ref, w1t_ref, b1_ref, w2t_ref, b2_ref, w3t_ref,
             b3_ref, w4t_ref, b4_ref, w5t_ref, b5_ref, out_ref, xf_s):
    f32 = jnp.float32
    dxT = dxT_ref[...]
    h = jnp.maximum(
        jnp.dot(w1t_ref[...], dxT, preferred_element_type=f32) + b1_ref[...], 0.0)
    xbT = jnp.maximum(
        jnp.dot(w2t_ref[...], h, preferred_element_type=f32) + b2_ref[...], 0.0)
    xf_s[0:D, :] = xbT
    q = D
    for n in range(NF - 1):
        a = xbT if n == 0 else embsT_ref[(n - 1) * D:n * D, :]
        for m in range(n + 1, NF):
            b = embsT_ref[(m - 1) * D:m * D, :]
            xf_s[q, :] = jnp.sum(a * b, axis=0)
            q += 1
    xf = xf_s[0:D + NPAIR, :]
    t = jnp.maximum(
        jnp.dot(w3t_ref[...], xf, preferred_element_type=f32) + b3_ref[...], 0.0)
    t = jnp.maximum(
        jnp.dot(w4t_ref[...], t, preferred_element_type=f32) + b4_ref[...], 0.0)
    z = jnp.dot(w5t_ref[...], t, preferred_element_type=f32) + b5_ref[...]
    out_ref[0] = 1.0 / (1.0 + jnp.exp(-z))


def kernel(dense_x, sparse_x, emb_tables, W1, b1, W2, b2, W3, b3, W4, b4, W5, b5):
    tabP = jnp.transpose(emb_tables, (0, 2, 1)).reshape(F * D, V)
    idxT = sparse_x.T.astype(jnp.int32)
    embsT = _make_sc_gather()(tabP, idxT)

    dxT = dense_x.T
    args = (
        dxT, embsT,
        W1.T, b1.reshape(-1, 1), W2.T, b2.reshape(-1, 1),
        W3.T, b3.reshape(-1, 1), W4.T, b4.reshape(-1, 1),
        W5.T, b5.reshape(-1, 1),
    )
    full = lambda i: (0, 0)
    out = pl.pallas_call(
        _tc_body,
        grid=(_G,),
        in_specs=[
            pl.BlockSpec((13, _BT), lambda i: (0, i)),
            pl.BlockSpec((F * D, _BT), lambda i: (0, i)),
            pl.BlockSpec((256, 13), full), pl.BlockSpec((256, 1), full),
            pl.BlockSpec((D, 256), full), pl.BlockSpec((D, 1), full),
            pl.BlockSpec((128, D + NPAIR), full), pl.BlockSpec((128, 1), full),
            pl.BlockSpec((D, 128), full), pl.BlockSpec((D, 1), full),
            pl.BlockSpec((1, D), full), pl.BlockSpec((1, 1), full),
        ],
        out_specs=pl.BlockSpec((1, 1, _BT), lambda i: (i, 0, 0)),
        out_shape=jax.ShapeDtypeStruct((_G, 1, _BT), jnp.float32),
        scratch_shapes=[pltpu.VMEM((D + NPAIR + 1, _BT), jnp.float32)],
        compiler_params=pltpu.CompilerParams(
            dimension_semantics=("arbitrary",),
        ),
    )(*args)
    return out.reshape(B, 1)

# --- scband reference (transcript-rebuilt; emitter-appended) ---
"""Pipeline reference for scband-dlrm-15290083574229 (READ-ONLY COPY).

The authoritative reference and input builder live on the scoring server;
editing this copy changes nothing except your own understanding.
"""

import jax, jax.numpy as jnp
import numpy as np

B = 16384
F = 26
V = 100000
D = 64
DENSE = 13
NF = F + 1
ROWS, COLS = np.triu_indices(NF, k=1)
TOP_IN = D + NF * (NF - 1) // 2


def setup_inputs(seed: int = 0) -> dict:
    key = jax.random.key(seed)
    ks = jax.random.split(key, 16)
    dense_x = jax.random.normal(ks[0], (B, DENSE), dtype=jnp.float32)
    sparse_x = jax.random.randint(ks[1], (B, F), 0, V)
    emb_tables = jax.random.normal(ks[2], (F, V, D), dtype=jnp.float32) * 0.01
    W1 = jax.random.normal(ks[3], (DENSE, 256), dtype=jnp.float32) * 0.05
    b1 = jnp.zeros((256,), dtype=jnp.float32)
    W2 = jax.random.normal(ks[4], (256, D), dtype=jnp.float32) * 0.05
    b2 = jnp.zeros((D,), dtype=jnp.float32)
    W3 = jax.random.normal(ks[5], (TOP_IN, 128), dtype=jnp.float32) * 0.05
    b3 = jnp.zeros((128,), dtype=jnp.float32)
    W4 = jax.random.normal(ks[6], (128, 64), dtype=jnp.float32) * 0.05
    b4 = jnp.zeros((64,), dtype=jnp.float32)
    W5 = jax.random.normal(ks[7], (64, 1), dtype=jnp.float32) * 0.05
    b5 = jnp.zeros((1,), dtype=jnp.float32)
    return {"dense_x": dense_x, "sparse_x": sparse_x, "emb_tables": emb_tables,
            "W1": W1, "b1": b1, "W2": W2, "b2": b2, "W3": W3, "b3": b3,
            "W4": W4, "b4": b4, "W5": W5, "b5": b5}


def reference(dense_x, sparse_x, emb_tables, W1, b1, W2, b2, W3, b3, W4, b4, W5, b5):
    # bottom MLP
    h = jax.nn.relu(dense_x @ W1 + b1)
    x_bottom = jax.nn.relu(h @ W2 + b2)
    # embedding lookups: one table per sparse field -> [B, F, D]
    sparse_embs = emb_tables[jnp.arange(F)[None, :], sparse_x]
    combined = jnp.concatenate([x_bottom[:, None, :], sparse_embs], axis=1)  # [B, NF, D]
    # pairwise dot-product interactions
    interactions = jnp.einsum('bnd,bmd->bnm', combined, combined)
    x_int = interactions[:, ROWS, COLS]  # [B, NF*(NF-1)/2]
    x_final = jnp.concatenate([x_bottom, x_int], axis=-1)
    # top MLP
    t = jax.nn.relu(x_final @ W3 + b3)
    t = jax.nn.relu(t @ W4 + b4)
    return jax.nn.sigmoid(t @ W5 + b5)

if __name__ == "__main__":
    import jax
    _d = setup_inputs()
    print(jax.jit(kernel)(*tuple(_d.values())))

</pallas_src>

<mosaic_0001>
#map = affine_map<(d0, d1) -> (0, 0)>
module attributes {stable_mosaic.version = 14 : i64} {
  func.func @_sc_gather(%arg0: i32, %arg1: i32, %arg2: memref<1664x100000xf32, #tpu.memory_space<hbm>>, %arg3: memref<26x16384xi32, #tpu.memory_space<hbm>>, %arg4: memref<1664x16384xf32, #tpu.memory_space<hbm>>, %arg5: memref<16384xi32, #tpu.memory_space<vmem>>, %arg6: memref<100000xf32, #tpu.memory_space<vmem>>, %arg7: memref<2x4096xf32, #tpu.memory_space<vmem>>, %arg8: memref<!tpu.dma_semaphore, #tpu.memory_space<semaphore_mem>>, %arg9: memref<!tpu.dma_semaphore, #tpu.memory_space<semaphore_mem>>, %arg10: memref<!tpu.dma_semaphore, #tpu.memory_space<semaphore_mem>>) attributes {dimension_semantics = [#tpu.dimension_semantics<core_parallel>, #tpu.dimension_semantics<subcore_parallel>], iteration_bounds = array<i64: 2, 16>, scalar_prefetch = 0 : i64, scratch_operands = 6 : i64, tpu.core_type = #tpu.core_type<sc_vector_subcore>, window_params = [{transform_indices = #map}, {transform_indices = #map}, {transform_indices = #map}]} {
    %mul3A = arith.constant 2 : i32
    %mul3A_0 = arith.muli %arg1, %mul3A : i32
    %add3A = arith.addi %mul3A_0, %arg0 : i32
    %scan3A = arith.constant 0 : i32
    %scan3A_1 = arith.constant 0 : i32
    %scan3A_2 = arith.constant 52 : i32
    %scan3A_3 = arith.addi %scan3A_1, %scan3A_2 : i32
    %scan3A_4 = arith.constant 1 : i32
    scf.for %scan3A_6 = %scan3A_1 to %scan3A_3 step %scan3A_4  : i32 {
      %jit3A = arith.constant 2 : i32
      %div3A = arith.divsi %scan3A_6, %jit3A : i32
      %sign3A = arith.constant 0 : i32
      %sign3A_7 = arith.cmpi sgt, %scan3A_6, %sign3A : i32
      %sign3A_8 = arith.extui %sign3A_7 : i1 to i32
      %sign3A_9 = arith.constant 0 : i32
      %sign3A_10 = arith.cmpi slt, %scan3A_6, %sign3A_9 : i32
      %sign3A_11 = arith.extui %sign3A_10 : i1 to i32
      %sign3A_12 = arith.subi %sign3A_8, %sign3A_11 : i32
      %sign3A_13 = arith.constant 0 : i32
      %sign3A_14 = arith.cmpi sgt, %jit3A, %sign3A_13 : i32
      %sign3A_15 = arith.extui %sign3A_14 : i1 to i32
      %sign3A_16 = arith.constant 0 : i32
      %sign3A_17 = arith.cmpi slt, %jit3A, %sign3A_16 : i32
      %sign3A_18 = arith.extui %sign3A_17 : i1 to i32
      %sign3A_19 = arith.subi %sign3A_15, %sign3A_18 : i32
      %ne3A = arith.cmpi ne, %sign3A_12, %sign3A_19 : i32
      %rem3A = arith.remsi %scan3A_6, %jit3A : i32
      %ne3A_20 = arith.constant 0 : i32
      %ne3A_21 = arith.cmpi ne, %rem3A, %ne3A_20 : i32
      %and3A = arith.andi %ne3A, %ne3A_21 : i1
      %sub3A = arith.constant 1 : i32
      %sub3A_22 = arith.subi %div3A, %sub3A : i32
      %select_n3A = arith.select %and3A, %sub3A_22, %div3A : i32
      %jit3A_23 = arith.constant 2 : i32
      %eq3A = arith.constant 0 : i32
      %eq3A_24 = arith.cmpi eq, %jit3A_23, %eq3A : i32
      %jit3A_25 = arith.constant 1 : i32
      %select_n3A_26 = arith.select %eq3A_24, %jit3A_25, %jit3A_23 : i32
      %rem3A_27 = arith.remsi %scan3A_6, %select_n3A_26 : i32
      %ne3A_28 = arith.constant 0 : i32
      %ne3A_29 = arith.cmpi ne, %rem3A_27, %ne3A_28 : i32
      %lt3A = arith.constant 0 : i32
      %lt3A_30 = arith.cmpi slt, %rem3A_27, %lt3A : i32
      %lt3A_31 = arith.constant 0 : i32
      %lt3A_32 = arith.cmpi slt, %select_n3A_26, %lt3A_31 : i32
      %ne3A_33 = arith.xori %lt3A_30, %lt3A_32 : i1
      %and3A_34 = arith.andi %ne3A_33, %ne3A_29 : i1
      %add3A_35 = arith.addi %rem3A_27, %select_n3A_26 : i32
      %select_n3A_36 = arith.select %and3A_34, %add3A_35, %rem3A_27 : i32
      %mul3A_37 = arith.constant 32 : i32
      %mul3A_38 = arith.muli %select_n3A_36, %mul3A_37 : i32
      %mul3A_39 = arith.constant 64 : i32
      %mul3A_40 = arith.muli %select_n3A, %mul3A_39 : i32
      %add3A_41 = arith.addi %mul3A_40, %add3A : i32
      %add3A_42 = arith.addi %add3A_41, %mul3A_38 : i32
      %eq3A_43 = arith.constant 0 : i32
      %eq3A_44 = arith.cmpi eq, %mul3A_38, %eq3A_43 : i32
      %convert_element_type3A = arith.extui %eq3A_44 : i1 to i32
      %cond3A = arith.constant 0 : i32
      %cond3A_45 = arith.cmpi ne, %convert_element_type3A, %cond3A : i32
      scf.if %cond3A_45 {
        %dma_start3A_164 = arith.constant 0 : i32
        %dma_start3A_165 = tpu.memref_slice %arg3[%select_n3A, %dma_start3A_164] : memref<26x16384xi32, #tpu.memory_space<hbm>> -> memref<1x16384xi32, #tpu.memory_space<hbm>>
        %dma_start3A_166 = tpu.memref_squeeze %dma_start3A_165 : memref<1x16384xi32, #tpu.memory_space<hbm>> -> memref<16384xi32, #tpu.memory_space<hbm>>
        %dma_start3A_167 = arith.constant 0 : i32
        %dma_start3A_168 = tpu.memref_slice %arg3[%select_n3A, %dma_start3A_167] : memref<26x16384xi32, #tpu.memory_space<hbm>> -> memref<1x16384xi32, #tpu.memory_space<hbm>>
        %dma_start3A_169 = tpu.memref_squeeze %dma_start3A_168 : memref<1x16384xi32, #tpu.memory_space<hbm>> -> memref<16384xi32, #tpu.memory_space<hbm>>
        tpu.enqueue_dma source(%dma_start3A_169 : memref<16384xi32, #tpu.memory_space<hbm>>) target(%arg5 : memref<16384xi32, #tpu.memory_space<vmem>>) target_semaphore(%arg10 : memref<!tpu.dma_semaphore, #tpu.memory_space<semaphore_mem>>)
        %dma_start3A_170 = arith.constant 0 : i32
        %dma_start3A_171 = tpu.memref_slice %arg2[%add3A_42, %dma_start3A_170] : memref<1664x100000xf32, #tpu.memory_space<hbm>> -> memref<1x100000xf32, #tpu.memory_space<hbm>>
        %dma_start3A_172 = tpu.memref_squeeze %dma_start3A_171 : memref<1x100000xf32, #tpu.memory_space<hbm>> -> memref<100000xf32, #tpu.memory_space<hbm>>
        %dma_start3A_173 = arith.constant 0 : i32
        %dma_start3A_174 = tpu.memref_slice %arg2[%add3A_42, %dma_start3A_173] : memref<1664x100000xf32, #tpu.memory_space<hbm>> -> memref<1x100000xf32, #tpu.memory_space<hbm>>
        %dma_start3A_175 = tpu.memref_squeeze %dma_start3A_174 : memref<1x100000xf32, #tpu.memory_space<hbm>> -> memref<100000xf32, #tpu.memory_space<hbm>>
        tpu.enqueue_dma source(%dma_start3A_175 : memref<100000xf32, #tpu.memory_space<hbm>>) target(%arg6 : memref<100000xf32, #tpu.memory_space<vmem>>) target_semaphore(%arg8 : memref<!tpu.dma_semaphore, #tpu.memory_space<semaphore_mem>>)
        %dma_wait3A_176 = arith.constant 0 : i32
        %dma_wait3A_177 = tpu.memref_slice %arg3[%select_n3A, %dma_wait3A_176] : memref<26x16384xi32, #tpu.memory_space<hbm>> -> memref<1x16384xi32, #tpu.memory_space<hbm>>
        %dma_wait3A_178 = tpu.memref_squeeze %dma_wait3A_177 : memref<1x16384xi32, #tpu.memory_space<hbm>> -> memref<16384xi32, #tpu.memory_space<hbm>>
        %dma_wait3A_179 = arith.constant 0 : i32
        %dma_wait3A_180 = tpu.memref_slice %arg3[%select_n3A, %dma_wait3A_179] : memref<26x16384xi32, #tpu.memory_space<hbm>> -> memref<1x16384xi32, #tpu.memory_space<hbm>>
        %dma_wait3A_181 = tpu.memref_squeeze %dma_wait3A_180 : memref<1x16384xi32, #tpu.memory_space<hbm>> -> memref<16384xi32, #tpu.memory_space<hbm>>
        tpu.wait_dma2 semaphore(%arg10 : memref<!tpu.dma_semaphore, #tpu.memory_space<semaphore_mem>>) src(%dma_wait3A_181 : memref<16384xi32, #tpu.memory_space<hbm>>) dst(%arg5 : memref<16384xi32, #tpu.memory_space<vmem>>)
        %dma_wait3A_182 = arith.constant 0 : i32
        %dma_wait3A_183 = tpu.memref_slice %arg2[%add3A_42, %dma_wait3A_182] : memref<1664x100000xf32, #tpu.memory_space<hbm>> -> memref<1x100000xf32, #tpu.memory_space<hbm>>
        %dma_wait3A_184 = tpu.memref_squeeze %dma_wait3A_183 : memref<1x100000xf32, #tpu.memory_space<hbm>> -> memref<100000xf32, #tpu.memory_space<hbm>>
        %dma_wait3A_185 = arith.constant 0 : i32
        %dma_wait3A_186 = tpu.memref_slice %arg2[%add3A_42, %dma_wait3A_185] : memref<1664x100000xf32, #tpu.memory_space<hbm>> -> memref<1x100000xf32, #tpu.memory_space<hbm>>
        %dma_wait3A_187 = tpu.memref_squeeze %dma_wait3A_186 : memref<1x100000xf32, #tpu.memory_space<hbm>> -> memref<100000xf32, #tpu.memory_space<hbm>>
        tpu.wait_dma2 semaphore(%arg8 : memref<!tpu.dma_semaphore, #tpu.memory_space<semaphore_mem>>) src(%dma_wait3A_187 : memref<100000xf32, #tpu.memory_space<hbm>>) dst(%arg6 : memref<100000xf32, #tpu.memory_space<vmem>>)
      } else {
      }
      %ne3A_46 = arith.constant 0 : i32
      %ne3A_47 = arith.cmpi ne, %mul3A_38, %ne3A_46 : i32
      %convert_element_type3A_48 = arith.extui %ne3A_47 : i1 to i32
      %cond3A_49 = arith.constant 0 : i32
      %cond3A_50 = arith.cmpi ne, %convert_element_type3A_48, %cond3A_49 : i32
      scf.if %cond3A_50 {
        %dma_start3A_164 = arith.constant 0 : i32
        %dma_start3A_165 = tpu.memref_slice %arg2[%add3A_42, %dma_start3A_164] : memref<1664x100000xf32, #tpu.memory_space<hbm>> -> memref<1x100000xf32, #tpu.memory_space<hbm>>
        %dma_start3A_166 = tpu.memref_squeeze %dma_start3A_165 : memref<1x100000xf32, #tpu.memory_space<hbm>> -> memref<100000xf32, #tpu.memory_space<hbm>>
        %dma_start3A_167 = arith.constant 0 : i32
        %dma_start3A_168 = tpu.memref_slice %arg2[%add3A_42, %dma_start3A_167] : memref<1664x100000xf32, #tpu.memory_space<hbm>> -> memref<1x100000xf32, #tpu.memory_space<hbm>>
        %dma_start3A_169 = tpu.memref_squeeze %dma_start3A_168 : memref<1x100000xf32, #tpu.memory_space<hbm>> -> memref<100000xf32, #tpu.memory_space<hbm>>
        tpu.enqueue_dma source(%dma_start3A_169 : memref<100000xf32, #tpu.memory_space<hbm>>) target(%arg6 : memref<100000xf32, #tpu.memory_space<vmem>>) target_semaphore(%arg8 : memref<!tpu.dma_semaphore, #tpu.memory_space<semaphore_mem>>)
        %dma_wait3A_170 = arith.constant 0 : i32
        %dma_wait3A_171 = tpu.memref_slice %arg2[%add3A_42, %dma_wait3A_170] : memref<1664x100000xf32, #tpu.memory_space<hbm>> -> memref<1x100000xf32, #tpu.memory_space<hbm>>
        %dma_wait3A_172 = tpu.memref_squeeze %dma_wait3A_171 : memref<1x100000xf32, #tpu.memory_space<hbm>> -> memref<100000xf32, #tpu.memory_space<hbm>>
        %dma_wait3A_173 = arith.constant 0 : i32
        %dma_wait3A_174 = tpu.memref_slice %arg2[%add3A_42, %dma_wait3A_173] : memref<1664x100000xf32, #tpu.memory_space<hbm>> -> memref<1x100000xf32, #tpu.memory_space<hbm>>
        %dma_wait3A_175 = tpu.memref_squeeze %dma_wait3A_174 : memref<1x100000xf32, #tpu.memory_space<hbm>> -> memref<100000xf32, #tpu.memory_space<hbm>>
        tpu.wait_dma2 semaphore(%arg8 : memref<!tpu.dma_semaphore, #tpu.memory_space<semaphore_mem>>) src(%dma_wait3A_175 : memref<100000xf32, #tpu.memory_space<hbm>>) dst(%arg6 : memref<100000xf32, #tpu.memory_space<vmem>>)
      } else {
      }
      %parallel_loop3A = arith.constant 0 : i32
      %parallel_loop3A_51 = arith.constant 4096 : i32
      %parallel_loop3A_52 = arith.constant 16 : i32
      scf.for %parallel_loop3A_164 = %parallel_loop3A to %parallel_loop3A_51 step %parallel_loop3A_52  : i32 {
        %parallel_loop3A_165 = arith.constant 0 : i32
        %parallel_loop3A_166 = arith.addi %parallel_loop3A_165, %parallel_loop3A_164 : i32
        %parallel_loop3A_167 = arith.index_cast %parallel_loop3A_166 : i32 to index
        %parallel_loop3A_168 = tpu.vector_load %arg5[%parallel_loop3A_167] {strides = array<i32>} : memref<16384xi32, #tpu.memory_space<vmem>>, vector<16xi32>,
        %parallel_loop3A_169 = tpu.vector_load_idx %arg6[%parallel_loop3A_168] : memref<100000xf32, #tpu.memory_space<vmem>>[vector<16xi32>], vector<16xf32>,
        %parallel_loop3A_170 = arith.constant 0 : i32
        %parallel_loop3A_171 = arith.index_cast %parallel_loop3A_170 : i32 to index
        %parallel_loop3A_172 = arith.index_cast %parallel_loop3A_164 : i32 to index
        %parallel_loop3A_173 = tpu.vector_load %arg7[%parallel_loop3A_171, %parallel_loop3A_172] {strides = array<i32>} : memref<2x4096xf32, #tpu.memory_space<vmem>>, vector<16xf32>,
        tpu.vector_store %arg7[%parallel_loop3A_171, %parallel_loop3A_172], %parallel_loop3A_169 {strides = array<i32>} : memref<2x4096xf32, #tpu.memory_space<vmem>>, vector<16xf32>,
      } {sc.loop_unroll_factor = 16 : i64, sc.parallel_access}
      %dma_start3A = arith.constant 0 : i32
      %dma_start3A_53 = arith.constant 0 : i32
      %dma_start3A_54 = tpu.memref_slice %arg7[%dma_start3A, %dma_start3A_53] : memref<2x4096xf32, #tpu.memory_space<vmem>> -> memref<1x4096xf32, #tpu.memory_space<vmem>>
      %dma_start3A_55 = tpu.memref_squeeze %dma_start3A_54 : memref<1x4096xf32, #tpu.memory_space<vmem>> -> memref<4096xf32, #tpu.memory_space<vmem>>
      %dma_start3A_56 = arith.constant 0 : i32
      %dma_start3A_57 = tpu.memref_slice %arg4[%add3A_42, %dma_start3A_56] : memref<1664x16384xf32, #tpu.memory_space<hbm>> -> memref<1x4096xf32, #tpu.memory_space<hbm>>
      %dma_start3A_58 = tpu.memref_squeeze %dma_start3A_57 : memref<1x4096xf32, #tpu.memory_space<hbm>> -> memref<4096xf32, #tpu.memory_space<hbm>>
      %dma_start3A_59 = arith.constant 0 : i32
      %dma_start3A_60 = tpu.memref_slice %arg4[%add3A_42, %dma_start3A_59] : memref<1664x16384xf32, #tpu.memory_space<hbm>> -> memref<1x4096xf32, #tpu.memory_space<hbm>>
      %dma_start3A_61 = tpu.memref_squeeze %dma_start3A_60 : memref<1x4096xf32, #tpu.memory_space<hbm>> -> memref<4096xf32, #tpu.memory_space<hbm>>
      %dma_start3A_62 = arith.constant 0 : i32
      %dma_start3A_63 = tpu.memref_slice %arg7[%dma_start3A, %dma_start3A_62] : memref<2x4096xf32, #tpu.memory_space<vmem>> -> memref<1x4096xf32, #tpu.memory_space<vmem>>
      %dma_start3A_64 = tpu.memref_squeeze %dma_start3A_63 : memref<1x4096xf32, #tpu.memory_space<vmem>> -> memref<4096xf32, #tpu.memory_space<vmem>>
      tpu.enqueue_dma source(%dma_start3A_64 : memref<4096xf32, #tpu.memory_space<vmem>>) target(%dma_start3A_61 : memref<4096xf32, #tpu.memory_space<hbm>>) target_semaphore(%arg9 : memref<!tpu.dma_semaphore, #tpu.memory_space<semaphore_mem>>)
      %parallel_loop3A_65 = arith.constant 0 : i32
      %parallel_loop3A_66 = arith.constant 4096 : i32
      %parallel_loop3A_67 = arith.constant 16 : i32
      scf.for %parallel_loop3A_164 = %parallel_loop3A_65 to %parallel_loop3A_66 step %parallel_loop3A_67  : i32 {
        %parallel_loop3A_165 = arith.constant 4096 : i32
        %parallel_loop3A_166 = arith.addi %parallel_loop3A_165, %parallel_loop3A_164 : i32
        %parallel_loop3A_167 = arith.index_cast %parallel_loop3A_166 : i32 to index
        %parallel_loop3A_168 = tpu.vector_load %arg5[%parallel_loop3A_167] {strides = array<i32>} : memref<16384xi32, #tpu.memory_space<vmem>>, vector<16xi32>,
        %parallel_loop3A_169 = tpu.vector_load_idx %arg6[%parallel_loop3A_168] : memref<100000xf32, #tpu.memory_space<vmem>>[vector<16xi32>], vector<16xf32>,
        %parallel_loop3A_170 = arith.constant 1 : i32
        %parallel_loop3A_171 = arith.index_cast %parallel_loop3A_170 : i32 to index
        %parallel_loop3A_172 = arith.index_cast %parallel_loop3A_164 : i32 to index
        %parallel_loop3A_173 = tpu.vector_load %arg7[%parallel_loop3A_171, %parallel_loop3A_172] {strides = array<i32>} : memref<2x4096xf32, #tpu.memory_space<vmem>>, vector<16xf32>,
        tpu.vector_store %arg7[%parallel_loop3A_171, %parallel_loop3A_172], %parallel_loop3A_169 {strides = array<i32>} : memref<2x4096xf32, #tpu.memory_space<vmem>>, vector<16xf32>,
      } {sc.loop_unroll_factor = 16 : i64, sc.parallel_access}
      %dma_wait3A = arith.constant 0 : i32
      %dma_wait3A_68 = arith.constant 0 : i32
      %dma_wait3A_69 = tpu.memref_slice %arg7[%dma_wait3A, %dma_wait3A_68] : memref<2x4096xf32, #tpu.memory_space<vmem>> -> memref<1x4096xf32, #tpu.memory_space<vmem>>
      %dma_wait3A_70 = tpu.memref_squeeze %dma_wait3A_69 : memref<1x4096xf32, #tpu.memory_space<vmem>> -> memref<4096xf32, #tpu.memory_space<vmem>>
      %dma_wait3A_71 = arith.constant 0 : i32
      %dma_wait3A_72 = tpu.memref_slice %arg4[%add3A_42, %dma_wait3A_71] : memref<1664x16384xf32, #tpu.memory_space<hbm>> -> memref<1x4096xf32, #tpu.memory_space<hbm>>
      %dma_wait3A_73 = tpu.memref_squeeze %dma_wait3A_72 : memref<1x4096xf32, #tpu.memory_space<hbm>> -> memref<4096xf32, #tpu.memory_space<hbm>>
      %dma_wait3A_74 = arith.constant 0 : i32
      %dma_wait3A_75 = tpu.memref_slice %arg4[%add3A_42, %dma_wait3A_74] : memref<1664x16384xf32, #tpu.memory_space<hbm>> -> memref<1x4096xf32, #tpu.memory_space<hbm>>
      %dma_wait3A_76 = tpu.memref_squeeze %dma_wait3A_75 : memref<1x4096xf32, #tpu.memory_space<hbm>> -> memref<4096xf32, #tpu.memory_space<hbm>>
      %dma_wait3A_77 = arith.constant 0 : i32
      %dma_wait3A_78 = tpu.memref_slice %arg7[%dma_wait3A, %dma_wait3A_77] : memref<2x4096xf32, #tpu.memory_space<vmem>> -> memref<1x4096xf32, #tpu.memory_space<vmem>>
      %dma_wait3A_79 = tpu.memref_squeeze %dma_wait3A_78 : memref<1x4096xf32, #tpu.memory_space<vmem>> -> memref<4096xf32, #tpu.memory_space<vmem>>
      tpu.wait_dma2 semaphore(%arg9 : memref<!tpu.dma_semaphore, #tpu.memory_space<semaphore_mem>>) src(%dma_wait3A_79 : memref<4096xf32, #tpu.memory_space<vmem>>) dst(%dma_wait3A_76 : memref<4096xf32, #tpu.memory_space<hbm>>)
      %dma_start3A_80 = arith.constant 1 : i32
      %dma_start3A_81 = arith.constant 0 : i32
      %dma_start3A_82 = tpu.memref_slice %arg7[%dma_start3A_80, %dma_start3A_81] : memref<2x4096xf32, #tpu.memory_space<vmem>> -> memref<1x4096xf32, #tpu.memory_space<vmem>>
      %dma_start3A_83 = tpu.memref_squeeze %dma_start3A_82 : memref<1x4096xf32, #tpu.memory_space<vmem>> -> memref<4096xf32, #tpu.memory_space<vmem>>
      %dma_start3A_84 = arith.constant 4096 : i32
      %dma_start3A_85 = tpu.memref_slice %arg4[%add3A_42, %dma_start3A_84] : memref<1664x16384xf32, #tpu.memory_space<hbm>> -> memref<1x4096xf32, #tpu.memory_space<hbm>>
      %dma_start3A_86 = tpu.memref_squeeze %dma_start3A_85 : memref<1x4096xf32, #tpu.memory_space<hbm>> -> memref<4096xf32, #tpu.memory_space<hbm>>
      %dma_start3A_87 = arith.constant 4096 : i32
      %dma_start3A_88 = tpu.memref_slice %arg4[%add3A_42, %dma_start3A_87] : memref<1664x16384xf32, #tpu.memory_space<hbm>> -> memref<1x4096xf32, #tpu.memory_space<hbm>>
      %dma_start3A_89 = tpu.memref_squeeze %dma_start3A_88 : memref<1x4096xf32, #tpu.memory_space<hbm>> -> memref<4096xf32, #tpu.memory_space<hbm>>
      %dma_start3A_90 = arith.constant 0 : i32
      %dma_start3A_91 = tpu.memref_slice %arg7[%dma_start3A_80, %dma_start3A_90] : memref<2x4096xf32, #tpu.memory_space<vmem>> -> memref<1x4096xf32, #tpu.memory_space<vmem>>
      %dma_start3A_92 = tpu.memref_squeeze %dma_start3A_91 : memref<1x4096xf32, #tpu.memory_space<vmem>> -> memref<4096xf32, #tpu.memory_space<vmem>>
      tpu.enqueue_dma source(%dma_start3A_92 : memref<4096xf32, #tpu.memory_space<vmem>>) target(%dma_start3A_89 : memref<4096xf32, #tpu.memory_space<hbm>>) target_semaphore(%arg9 : memref<!tpu.dma_semaphore, #tpu.memory_space<semaphore_mem>>)
      %parallel_loop3A_93 = arith.constant 0 : i32
      %parallel_loop3A_94 = arith.constant 4096 : i32
      %parallel_loop3A_95 = arith.constant 16 : i32
      scf.for %parallel_loop3A_164 = %parallel_loop3A_93 to %parallel_loop3A_94 step %parallel_loop3A_95  : i32 {
        %parallel_loop3A_165 = arith.constant 8192 : i32
        %parallel_loop3A_166 = arith.addi %parallel_loop3A_165, %parallel_loop3A_164 : i32
        %parallel_loop3A_167 = arith.index_cast %parallel_loop3A_166 : i32 to index
        %parallel_loop3A_168 = tpu.vector_load %arg5[%parallel_loop3A_167] {strides = array<i32>} : memref<16384xi32, #tpu.memory_space<vmem>>, vector<16xi32>,
        %parallel_loop3A_169 = tpu.vector_load_idx %arg6[%parallel_loop3A_168] : memref<100000xf32, #tpu.memory_space<vmem>>[vector<16xi32>], vector<16xf32>,
        %parallel_loop3A_170 = arith.constant 0 : i32
        %parallel_loop3A_171 = arith.index_cast %parallel_loop3A_170 : i32 to index
        %parallel_loop3A_172 = arith.index_cast %parallel_loop3A_164 : i32 to index
        %parallel_loop3A_173 = tpu.vector_load %arg7[%parallel_loop3A_171, %parallel_loop3A_172] {strides = array<i32>} : memref<2x4096xf32, #tpu.memory_space<vmem>>, vector<16xf32>,
        tpu.vector_store %arg7[%parallel_loop3A_171, %parallel_loop3A_172], %parallel_loop3A_169 {strides = array<i32>} : memref<2x4096xf32, #tpu.memory_space<vmem>>, vector<16xf32>,
      } {sc.loop_unroll_factor = 16 : i64, sc.parallel_access}
      %dma_wait3A_96 = arith.constant 1 : i32
      %dma_wait3A_97 = arith.constant 0 : i32
      %dma_wait3A_98 = tpu.memref_slice %arg7[%dma_wait3A_96, %dma_wait3A_97] : memref<2x4096xf32, #tpu.memory_space<vmem>> -> memref<1x4096xf32, #tpu.memory_space<vmem>>
      %dma_wait3A_99 = tpu.memref_squeeze %dma_wait3A_98 : memref<1x4096xf32, #tpu.memory_space<vmem>> -> memref<4096xf32, #tpu.memory_space<vmem>>
      %dma_wait3A_100 = arith.constant 4096 : i32
      %dma_wait3A_101 = tpu.memref_slice %arg4[%add3A_42, %dma_wait3A_100] : memref<1664x16384xf32, #tpu.memory_space<hbm>> -> memref<1x4096xf32, #tpu.memory_space<hbm>>
      %dma_wait3A_102 = tpu.memref_squeeze %dma_wait3A_101 : memref<1x4096xf32, #tpu.memory_space<hbm>> -> memref<4096xf32, #tpu.memory_space<hbm>>
      %dma_wait3A_103 = arith.constant 4096 : i32
      %dma_wait3A_104 = tpu.memref_slice %arg4[%add3A_42, %dma_wait3A_103] : memref<1664x16384xf32, #tpu.memory_space<hbm>> -> memref<1x4096xf32, #tpu.memory_space<hbm>>
      %dma_wait3A_105 = tpu.memref_squeeze %dma_wait3A_104 : memref<1x4096xf32, #tpu.memory_space<hbm>> -> memref<4096xf32, #tpu.memory_space<hbm>>
      %dma_wait3A_106 = arith.constant 0 : i32
      %dma_wait3A_107 = tpu.memref_slice %arg7[%dma_wait3A_96, %dma_wait3A_106] : memref<2x4096xf32, #tpu.memory_space<vmem>> -> memref<1x4096xf32, #tpu.memory_space<vmem>>
      %dma_wait3A_108 = tpu.memref_squeeze %dma_wait3A_107 : memref<1x4096xf32, #tpu.memory_space<vmem>> -> memref<4096xf32, #tpu.memory_space<vmem>>
      tpu.wait_dma2 semaphore(%arg9 : memref<!tpu.dma_semaphore, #tpu.memory_space<semaphore_mem>>) src(%dma_wait3A_108 : memref<4096xf32, #tpu.memory_space<vmem>>) dst(%dma_wait3A_105 : memref<4096xf32, #tpu.memory_space<hbm>>)
      %dma_start3A_109 = arith.constant 0 : i32
      %dma_start3A_110 = arith.constant 0 : i32
      %dma_start3A_111 = tpu.memref_slice %arg7[%dma_start3A_109, %dma_start3A_110] : memref<2x4096xf32, #tpu.memory_space<vmem>> -> memref<1x4096xf32, #tpu.memory_space<vmem>>
      %dma_start3A_112 = tpu.memref_squeeze %dma_start3A_111 : memref<1x4096xf32, #tpu.memory_space<vmem>> -> memref<4096xf32, #tpu.memory_space<vmem>>
      %dma_start3A_113 = arith.constant 8192 : i32
      %dma_start3A_114 = tpu.memref_slice %arg4[%add3A_42, %dma_start3A_113] : memref<1664x16384xf32, #tpu.memory_space<hbm>> -> memref<1x4096xf32, #tpu.memory_space<hbm>>
      %dma_start3A_115 = tpu.memref_squeeze %dma_start3A_114 : memref<1x4096xf32, #tpu.memory_space<hbm>> -> memref<4096xf32, #tpu.memory_space<hbm>>
      %dma_start3A_116 = arith.constant 8192 : i32
      %dma_start3A_117 = tpu.memref_slice %arg4[%add3A_42, %dma_start3A_116] : memref<1664x16384xf32, #tpu.memory_space<hbm>> -> memref<1x4096xf32, #tpu.memory_space<hbm>>
      %dma_start3A_118 = tpu.memref_squeeze %dma_start3A_117 : memref<1x4096xf32, #tpu.memory_space<hbm>> -> memref<4096xf32, #tpu.memory_space<hbm>>
      %dma_start3A_119 = arith.constant 0 : i32
      %dma_start3A_120 = tpu.memref_slice %arg7[%dma_start3A_109, %dma_start3A_119] : memref<2x4096xf32, #tpu.memory_space<vmem>> -> memref<1x4096xf32, #tpu.memory_space<vmem>>
      %dma_start3A_121 = tpu.memref_squeeze %dma_start3A_120 : memref<1x4096xf32, #tpu.memory_space<vmem>> -> memref<4096xf32, #tpu.memory_space<vmem>>
      tpu.enqueue_dma source(%dma_start3A_121 : memref<4096xf32, #tpu.memory_space<vmem>>) target(%dma_start3A_118 : memref<4096xf32, #tpu.memory_space<hbm>>) target_semaphore(%arg9 : memref<!tpu.dma_semaphore, #tpu.memory_space<semaphore_mem>>)
      %parallel_loop3A_122 = arith.constant 0 : i32
      %parallel_loop3A_123 = arith.constant 4096 : i32
      %parallel_loop3A_124 = arith.constant 16 : i32
      scf.for %parallel_loop3A_164 = %parallel_loop3A_122 to %parallel_loop3A_123 step %parallel_loop3A_124  : i32 {
        %parallel_loop3A_165 = arith.constant 12288 : i32
        %parallel_loop3A_166 = arith.addi %parallel_loop3A_165, %parallel_loop3A_164 : i32
        %parallel_loop3A_167 = arith.index_cast %parallel_loop3A_166 : i32 to index
        %parallel_loop3A_168 = tpu.vector_load %arg5[%parallel_loop3A_167] {strides = array<i32>} : memref<16384xi32, #tpu.memory_space<vmem>>, vector<16xi32>,
        %parallel_loop3A_169 = tpu.vector_load_idx %arg6[%parallel_loop3A_168] : memref<100000xf32, #tpu.memory_space<vmem>>[vector<16xi32>], vector<16xf32>,
        %parallel_loop3A_170 = arith.constant 1 : i32
        %parallel_loop3A_171 = arith.index_cast %parallel_loop3A_170 : i32 to index
        %parallel_loop3A_172 = arith.index_cast %parallel_loop3A_164 : i32 to index
        %parallel_loop3A_173 = tpu.vector_load %arg7[%parallel_loop3A_171, %parallel_loop3A_172] {strides = array<i32>} : memref<2x4096xf32, #tpu.memory_space<vmem>>, vector<16xf32>,
        tpu.vector_store %arg7[%parallel_loop3A_171, %parallel_loop3A_172], %parallel_loop3A_169 {strides = array<i32>} : memref<2x4096xf32, #tpu.memory_space<vmem>>, vector<16xf32>,
      } {sc.loop_unroll_factor = 16 : i64, sc.parallel_access}
      %dma_wait3A_125 = arith.constant 0 : i32
      %dma_wait3A_126 = arith.constant 0 : i32
      %dma_wait3A_127 = tpu.memref_slice %arg7[%dma_wait3A_125, %dma_wait3A_126] : memref<2x4096xf32, #tpu.memory_space<vmem>> -> memref<1x4096xf32, #tpu.memory_space<vmem>>
      %dma_wait3A_128 = tpu.memref_squeeze %dma_wait3A_127 : memref<1x4096xf32, #tpu.memory_space<vmem>> -> memref<4096xf32, #tpu.memory_space<vmem>>
      %dma_wait3A_129 = arith.constant 8192 : i32
      %dma_wait3A_130 = tpu.memref_slice %arg4[%add3A_42, %dma_wait3A_129] : memref<1664x16384xf32, #tpu.memory_space<hbm>> -> memref<1x4096xf32, #tpu.memory_space<hbm>>
      %dma_wait3A_131 = tpu.memref_squeeze %dma_wait3A_130 : memref<1x4096xf32, #tpu.memory_space<hbm>> -> memref<4096xf32, #tpu.memory_space<hbm>>
      %dma_wait3A_132 = arith.constant 8192 : i32
      %dma_wait3A_133 = tpu.memref_slice %arg4[%add3A_42, %dma_wait3A_132] : memref<1664x16384xf32, #tpu.memory_space<hbm>> -> memref<1x4096xf32, #tpu.memory_space<hbm>>
      %dma_wait3A_134 = tpu.memref_squeeze %dma_wait3A_133 : memref<1x4096xf32, #tpu.memory_space<hbm>> -> memref<4096xf32, #tpu.memory_space<hbm>>
      %dma_wait3A_135 = arith.constant 0 : i32
      %dma_wait3A_136 = tpu.memref_slice %arg7[%dma_wait3A_125, %dma_wait3A_135] : memref<2x4096xf32, #tpu.memory_space<vmem>> -> memref<1x4096xf32, #tpu.memory_space<vmem>>
      %dma_wait3A_137 = tpu.memref_squeeze %dma_wait3A_136 : memref<1x4096xf32, #tpu.memory_space<vmem>> -> memref<4096xf32, #tpu.memory_space<vmem>>
      tpu.wait_dma2 semaphore(%arg9 : memref<!tpu.dma_semaphore, #tpu.memory_space<semaphore_mem>>) src(%dma_wait3A_137 : memref<4096xf32, #tpu.memory_space<vmem>>) dst(%dma_wait3A_134 : memref<4096xf32, #tpu.memory_space<hbm>>)
      %dma_start3A_138 = arith.constant 1 : i32
      %dma_start3A_139 = arith.constant 0 : i32
      %dma_start3A_140 = tpu.memref_slice %arg7[%dma_start3A_138, %dma_start3A_139] : memref<2x4096xf32, #tpu.memory_space<vmem>> -> memref<1x4096xf32, #tpu.memory_space<vmem>>
      %dma_start3A_141 = tpu.memref_squeeze %dma_start3A_140 : memref<1x4096xf32, #tpu.memory_space<vmem>> -> memref<4096xf32, #tpu.memory_space<vmem>>
      %dma_start3A_142 = arith.constant 12288 : i32
      %dma_start3A_143 = tpu.memref_slice %arg4[%add3A_42, %dma_start3A_142] : memref<1664x16384xf32, #tpu.memory_space<hbm>> -> memref<1x4096xf32, #tpu.memory_space<hbm>>
      %dma_start3A_144 = tpu.memref_squeeze %dma_start3A_143 : memref<1x4096xf32, #tpu.memory_space<hbm>> -> memref<4096xf32, #tpu.memory_space<hbm>>
      %dma_start3A_145 = arith.constant 12288 : i32
      %dma_start3A_146 = tpu.memref_slice %arg4[%add3A_42, %dma_start3A_145] : memref<1664x16384xf32, #tpu.memory_space<hbm>> -> memref<1x4096xf32, #tpu.memory_space<hbm>>
      %dma_start3A_147 = tpu.memref_squeeze %dma_start3A_146 : memref<1x4096xf32, #tpu.memory_space<hbm>> -> memref<4096xf32, #tpu.memory_space<hbm>>
      %dma_start3A_148 = arith.constant 0 : i32
      %dma_start3A_149 = tpu.memref_slice %arg7[%dma_start3A_138, %dma_start3A_148] : memref<2x4096xf32, #tpu.memory_space<vmem>> -> memref<1x4096xf32, #tpu.memory_space<vmem>>
      %dma_start3A_150 = tpu.memref_squeeze %dma_start3A_149 : memref<1x4096xf32, #tpu.memory_space<vmem>> -> memref<4096xf32, #tpu.memory_space<vmem>>
      tpu.enqueue_dma source(%dma_start3A_150 : memref<4096xf32, #tpu.memory_space<vmem>>) target(%dma_start3A_147 : memref<4096xf32, #tpu.memory_space<hbm>>) target_semaphore(%arg9 : memref<!tpu.dma_semaphore, #tpu.memory_space<semaphore_mem>>)
      %dma_wait3A_151 = arith.constant 1 : i32
      %dma_wait3A_152 = arith.constant 0 : i32
      %dma_wait3A_153 = tpu.memref_slice %arg7[%dma_wait3A_151, %dma_wait3A_152] : memref<2x4096xf32, #tpu.memory_space<vmem>> -> memref<1x4096xf32, #tpu.memory_space<vmem>>
      %dma_wait3A_154 = tpu.memref_squeeze %dma_wait3A_153 : memref<1x4096xf32, #tpu.memory_space<vmem>> -> memref<4096xf32, #tpu.memory_space<vmem>>
      %dma_wait3A_155 = arith.constant 12288 : i32
      %dma_wait3A_156 = tpu.memref_slice %arg4[%add3A_42, %dma_wait3A_155] : memref<1664x16384xf32, #tpu.memory_space<hbm>> -> memref<1x4096xf32, #tpu.memory_space<hbm>>
      %dma_wait3A_157 = tpu.memref_squeeze %dma_wait3A_156 : memref<1x4096xf32, #tpu.memory_space<hbm>> -> memref<4096xf32, #tpu.memory_space<hbm>>
      %dma_wait3A_158 = arith.constant 12288 : i32
      %dma_wait3A_159 = tpu.memref_slice %arg4[%add3A_42, %dma_wait3A_158] : memref<1664x16384xf32, #tpu.memory_space<hbm>> -> memref<1x4096xf32, #tpu.memory_space<hbm>>
      %dma_wait3A_160 = tpu.memref_squeeze %dma_wait3A_159 : memref<1x4096xf32, #tpu.memory_space<hbm>> -> memref<4096xf32, #tpu.memory_space<hbm>>
      %dma_wait3A_161 = arith.constant 0 : i32
      %dma_wait3A_162 = tpu.memref_slice %arg7[%dma_wait3A_151, %dma_wait3A_161] : memref<2x4096xf32, #tpu.memory_space<vmem>> -> memref<1x4096xf32, #tpu.memory_space<vmem>>
      %dma_wait3A_163 = tpu.memref_squeeze %dma_wait3A_162 : memref<1x4096xf32, #tpu.memory_space<vmem>> -> memref<4096xf32, #tpu.memory_space<vmem>>
      tpu.wait_dma2 semaphore(%arg9 : memref<!tpu.dma_semaphore, #tpu.memory_space<semaphore_mem>>) src(%dma_wait3A_163 : memref<4096xf32, #tpu.memory_space<vmem>>) dst(%dma_wait3A_160 : memref<4096xf32, #tpu.memory_space<hbm>>)
    }
    %scan3A_5 = arith.constant 52 : i32
    return
  }
}

module attributes {stable_mosaic.version = 14 : i64} {
  func.func @_tc_body(%arg0: i32, %arg1: memref<13x512xf32, #tpu.memory_space<vmem>>, %arg2: memref<1664x512xf32, #tpu.memory_space<vmem>>, %arg3: memref<256x13xf32, #tpu.memory_space<vmem>>, %arg4: memref<256x1xf32, #tpu.memory_space<vmem>>, %arg5: memref<64x256xf32, #tpu.memory_space<vmem>>, %arg6: memref<64x1xf32, #tpu.memory_space<vmem>>, %arg7: memref<128x415xf32, #tpu.memory_space<vmem>>, %arg8: memref<128x1xf32, #tpu.memory_space<vmem>>, %arg9: memref<64x128xf32, #tpu.memory_space<vmem>>, %arg10: memref<64x1xf32, #tpu.memory_space<vmem>>, %arg11: memref<1x64xf32, #tpu.memory_space<vmem>>, %arg12: memref<1x1xf32, #tpu.memory_space<vmem>>, %arg13: memref<1x1x512xf32, #tpu.memory_space<vmem>>, %arg14: memref<416x512xf32, #tpu.memory_space<vmem>>) attributes {dimension_semantics = [#tpu.dimension_semantics<arbitrary>], iteration_bounds = array<i64: 32>, scalar_prefetch = 0 : i64, scratch_operands = 1 : i64, tpu.core_type = #tpu.core_type<tc>, window_params = [{transform_indices = @transform_0, window_bounds = array<i64: 13, 512>}, {transform_indices = @transform_1, window_bounds = array<i64: 1664, 512>}, {pipeline_mode = #tpu.pipeline_mode<synchronous>, transform_indices = @transform_2, window_bounds = array<i64: 256, 13>}, {pipeline_mode = #tpu.pipeline_mode<synchronous>, transform_indices = @transform_3, window_bounds = array<i64: 256, 1>}, {pipeline_mode = #tpu.pipeline_mode<synchronous>, transform_indices = @transform_4, window_bounds = array<i64: 64, 256>}, {pipeline_mode = #tpu.pipeline_mode<synchronous>, transform_indices = @transform_5, window_bounds = array<i64: 64, 1>}, {pipeline_mode = #tpu.pipeline_mode<synchronous>, transform_indices = @transform_6, window_bounds = array<i64: 128, 415>}, {pipeline_mode = #tpu.pipeline_mode<synchronous>, transform_indices = @transform_7, window_bounds = array<i64: 128, 1>}, {pipeline_mode = #tpu.pipeline_mode<synchronous>, transform_indices = @transform_8, window_bounds = array<i64: 64, 128>}, {pipeline_mode = #tpu.pipeline_mode<synchronous>, transform_indices = @transform_9, window_bounds = array<i64: 64, 1>}, {pipeline_mode = #tpu.pipeline_mode<synchronous>, transform_indices = @transform_10, window_bounds = array<i64: 1, 64>}, {pipeline_mode = #tpu.pipeline_mode<synchronous>, transform_indices = @transform_11, window_bounds = array<i64: 1, 1>}, {transform_indices = @transform_12, window_bounds = array<i64: 1, 1, 512>}]} {
    %get3A = arith.constant 0 : index
    %get3A_0 = arith.constant 0 : index
    %get3A_1 = vector.load %arg1[%get3A, %get3A_0] : memref<13x512xf32, #tpu.memory_space<vmem>>, vector<13x512xf32>
    %get3A_2 = arith.constant 0 : index
    %get3A_3 = arith.constant 0 : index
    %get3A_4 = vector.load %arg3[%get3A_2, %get3A_3] : memref<256x13xf32, #tpu.memory_space<vmem>>, vector<256x13xf32>
    %dot_general3A = arith.constant dense<0.000000e+00> : vector<256x512xf32>
    %dot_general3A_5 = tpu.matmul %get3A_4, %get3A_1, %dot_general3A {dimension_numbers = #tpu.dot_dimension_numbers<[1], [0], [0], [1], [0, 0, 1, 1], [], []>, transpose_lhs_hint = false} : vector<256x13xf32>, vector<13x512xf32>, vector<256x512xf32> -> vector<256x512xf32>
    %get3A_6 = arith.constant 0 : index
    %get3A_7 = arith.constant 0 : index
    %get3A_8 = vector.load %arg4[%get3A_6, %get3A_7] : memref<256x1xf32, #tpu.memory_space<vmem>>, vector<256x1xf32>
    %add3A = vector.broadcast %get3A_8 : vector<256x1xf32> to vector<256x512xf32>
    %add3A_9 = arith.addf %dot_general3A_5, %add3A : vector<256x512xf32>
    %max3A = arith.constant 0.000000e+00 : f32
    %max3A_10 = vector.broadcast %max3A : f32 to vector<256x512xf32>
    %max3A_11 = arith.maximumf %add3A_9, %max3A_10 : vector<256x512xf32>
    %get3A_12 = arith.constant 0 : index
    %get3A_13 = arith.constant 0 : index
    %get3A_14 = vector.load %arg5[%get3A_12, %get3A_13] : memref<64x256xf32, #tpu.memory_space<vmem>>, vector<64x256xf32>
    %dot_general3A_15 = arith.constant dense<0.000000e+00> : vector<64x512xf32>
    %dot_general3A_16 = tpu.matmul %get3A_14, %max3A_11, %dot_general3A_15 {dimension_numbers = #tpu.dot_dimension_numbers<[1], [0], [0], [1], [0, 0, 1, 1], [], []>, transpose_lhs_hint = false} : vector<64x256xf32>, vector<256x512xf32>, vector<64x512xf32> -> vector<64x512xf32>
    %get3A_17 = arith.constant 0 : index
    %get3A_18 = arith.constant 0 : index
    %get3A_19 = vector.load %arg6[%get3A_17, %get3A_18] : memref<64x1xf32, #tpu.memory_space<vmem>>, vector<64x1xf32>
    %add3A_20 = vector.broadcast %get3A_19 : vector<64x1xf32> to vector<64x512xf32>
    %add3A_21 = arith.addf %dot_general3A_16, %add3A_20 : vector<64x512xf32>
    %max3A_22 = arith.constant 0.000000e+00 : f32
    %max3A_23 = vector.broadcast %max3A_22 : f32 to vector<64x512xf32>
    %max3A_24 = arith.maximumf %add3A_21, %max3A_23 : vector<64x512xf32>
    %swap3A = arith.constant 0 : index
    %swap3A_25 = arith.constant 0 : index
    %swap3A_26 = vector.load %arg14[%swap3A, %swap3A_25] : memref<416x512xf32, #tpu.memory_space<vmem>>, vector<64x512xf32>
    tpu.vector_store %arg14[%swap3A, %swap3A_25], %max3A_24 {strides = array<i32>} : memref<416x512xf32, #tpu.memory_space<vmem>>, vector<64x512xf32>,
    %get3A_27 = arith.constant 0 : index
    %get3A_28 = arith.constant 0 : index
    %get3A_29 = vector.load %arg2[%get3A_27, %get3A_28] : memref<1664x512xf32, #tpu.memory_space<vmem>>, vector<64x512xf32>
    %mul3A = arith.mulf %max3A_24, %get3A_29 : vector<64x512xf32>
    %reduce_sum3A = arith.constant dense<0.000000e+00> : vector<512xf32>
    %reduce_sum3A_30 = vector.multi_reduction <add>, %mul3A, %reduce_sum3A [0] : vector<64x512xf32> to vector<512xf32>
    %swap3A_31 = arith.constant 64 : index
    %swap3A_32 = arith.constant 0 : index
    %swap3A_33 = vector.load %arg14[%swap3A_31, %swap3A_32] : memref<416x512xf32, #tpu.memory_space<vmem>>, vector<1x512xf32>
    %swap3A_34 = vector.shape_cast %swap3A_33 : vector<1x512xf32> to vector<512xf32>
    %swap3A_35 = vector.shape_cast %reduce_sum3A_30 : vector<512xf32> to vector<1x512xf32>
    tpu.vector_store %arg14[%swap3A_31, %swap3A_32], %swap3A_35 {strides = array<i32>} : memref<416x512xf32, #tpu.memory_space<vmem>>, vector<1x512xf32>,
    %get3A_36 = arith.constant 64 : index
    %get3A_37 = arith.constant 0 : index
    %get3A_38 = vector.load %arg2[%get3A_36, %get3A_37] : memref<1664x512xf32, #tpu.memory_space<vmem>>, vector<64x512xf32>
    %mul3A_39 = arith.mulf %max3A_24, %get3A_38 : vector<64x512xf32>
    %reduce_sum3A_40 = arith.constant dense<0.000000e+00> : vector<512xf32>
    %reduce_sum3A_41 = vector.multi_reduction <add>, %mul3A_39, %reduce_sum3A_40 [0] : vector<64x512xf32> to vector<512xf32>
    %swap3A_42 = arith.constant 65 : index
    %swap3A_43 = arith.constant 0 : index
    %swap3A_44 = vector.load %arg14[%swap3A_42, %swap3A_43] : memref<416x512xf32, #tpu.memory_space<vmem>>, vector<1x512xf32>
    %swap3A_45 = vector.shape_cast %swap3A_44 : vector<1x512xf32> to vector<512xf32>
    %swap3A_46 = vector.shape_cast %reduce_sum3A_41 : vector<512xf32> to vector<1x512xf32>
    tpu.vector_store %arg14[%swap3A_42, %swap3A_43], %swap3A_46 {strides = array<i32>} : memref<416x512xf32, #tpu.memory_space<vmem>>, vector<1x512xf32>,
    %get3A_47 = arith.constant 128 : index
    %get3A_48 = arith.constant 0 : index
    %get3A_49 = vector.load %arg2[%get3A_47, %get3A_48] : memref<1664x512xf32, #tpu.memory_space<vmem>>, vector<64x512xf32>
    %mul3A_50 = arith.mulf %max3A_24, %get3A_49 : vector<64x512xf32>
    %reduce_sum3A_51 = arith.constant dense<0.000000e+00> : vector<512xf32>
    %reduce_sum3A_52 = vector.multi_reduction <add>, %mul3A_50, %reduce_sum3A_51 [0] : vector<64x512xf32> to vector<512xf32>
    %swap3A_53 = arith.constant 66 : index
    %swap3A_54 = arith.constant 0 : index
    %swap3A_55 = vector.load %arg14[%swap3A_53, %swap3A_54] : memref<416x512xf32, #tpu.memory_space<vmem>>, vector<1x512xf32>
    %swap3A_56 = vector.shape_cast %swap3A_55 : vector<1x512xf32> to vector<512xf32>
    %swap3A_57 = vector.shape_cast %reduce_sum3A_52 : vector<512xf32> to vector<1x512xf32>
    tpu.vector_store %arg14[%swap3A_53, %swap3A_54], %swap3A_57 {strides = array<i32>} : memref<416x512xf32, #tpu.memory_space<vmem>>, vector<1x512xf32>,
    %get3A_58 = arith.constant 192 : index
    %get3A_59 = arith.constant 0 : index
    %get3A_60 = vector.load %arg2[%get3A_58, %get3A_59] : memref<1664x512xf32, #tpu.memory_space<vmem>>, vector<64x512xf32>
    %mul3A_61 = arith.mulf %max3A_24, %get3A_60 : vector<64x512xf32>
    %reduce_sum3A_62 = arith.constant dense<0.000000e+00> : vector<512xf32>
    %reduce_sum3A_63 = vector.multi_reduction <add>, %mul3A_61, %reduce_sum3A_62 [0] : vector<64x512xf32> to vector<512xf32>
    %swap3A_64 = arith.constant 67 : index
    %swap3A_65 = arith.constant 0 : index
    %swap3A_66 = vector.load %arg14[%swap3A_64, %swap3A_65] : memref<416x512xf32, #tpu.memory_space<vmem>>, vector<1x512xf32>
    %swap3A_67 = vector.shape_cast %swap3A_66 : vector<1x512xf32> to vector<512xf32>
    %swap3A_68 = vector.shape_cast %reduce_sum3A_63 : vector<512xf32> to vector<1x512xf32>
    tpu.vector_store %arg14[%swap3A_64, %swap3A_65], %swap3A_68 {strides = array<i32>} : memref<416x512xf32, #tpu.memory_space<vmem>>, vector<1x512xf32>,
    %get3A_69 = arith.constant 256 : index
    %get3A_70 = arith.constant 0 : index
    %get3A_71 = vector.load %arg2[%get3A_69, %get3A_70] : memref<1664x512xf32, #tpu.memory_space<vmem>>, vector<64x512xf32>
    %mul3A_72 = arith.mulf %max3A_24, %get3A_71 : vector<64x512xf32>
    %reduce_sum3A_73 = arith.constant dense<0.000000e+00> : vector<512xf32>
    %reduce_sum3A_74 = vector.multi_reduction <add>, %mul3A_72, %reduce_sum3A_73 [0] : vector<64x512xf32> to vector<512xf32>
    %swap3A_75 = arith.constant 68 : index
    %swap3A_76 = arith.constant 0 : index
    %swap3A_77 = vector.load %arg14[%swap3A_75, %swap3A_76] : memref<416x512xf32, #tpu.memory_space<vmem>>, vector<1x512xf32>
    %swap3A_78 = vector.shape_cast %swap3A_77 : vector<1x512xf32> to vector<512xf32>
    %swap3A_79 = vector.shape_cast %reduce_sum3A_74 : vector<512xf32> to vector<1x512xf32>
    tpu.vector_store %arg14[%swap3A_75, %swap3A_76], %swap3A_79 {strides = array<i32>} : memref<416x512xf32, #tpu.memory_space<vmem>>, vector<1x512xf32>,
    %get3A_80 = arith.constant 320 : index
    %get3A_81 = arith.constant 0 : index
    %get3A_82 = vector.load %arg2[%get3A_80, %get3A_81] : memref<1664x512xf32, #tpu.memory_space<vmem>>, vector<64x512xf32>
    %mul3A_83 = arith.mulf %max3A_24, %get3A_82 : vector<64x512xf32>
    %reduce_sum3A_84 = arith.constant dense<0.000000e+00> : vector<512xf32>
    %reduce_sum3A_85 = vector.multi_reduction <add>, %mul3A_83, %reduce_sum3A_84 [0] : vector<64x512xf32> to vector<512xf32>
    %swap3A_86 = arith.constant 69 : index
    %swap3A_87 = arith.constant 0 : index
    %swap3A_88 = vector.load %arg14[%swap3A_86, %swap3A_87] : memref<416x512xf32, #tpu.memory_space<vmem>>, vector<1x512xf32>
    %swap3A_89 = vector.shape_cast %swap3A_88 : vector<1x512xf32> to vector<512xf32>
    %swap3A_90 = vector.shape_cast %reduce_sum3A_85 : vector<512xf32> to vector<1x512xf32>
    tpu.vector_store %arg14[%swap3A_86, %swap3A_87], %swap3A_90 {strides = array<i32>} : memref<416x512xf32, #tpu.memory_space<vmem>>, vector<1x512xf32>,
    %get3A_91 = arith.constant 384 : index
    %get3A_92 = arith.constant 0 : index
    %get3A_93 = vector.load %arg2[%get3A_91, %get3A_92] : memref<1664x512xf32, #tpu.memory_space<vmem>>, vector<64x512xf32>
    %mul3A_94 = arith.mulf %max3A_24, %get3A_93 : vector<64x512xf32>
    %reduce_sum3A_95 = arith.constant dense<0.000000e+00> : vector<512xf32>
    %reduce_sum3A_96 = vector.multi_reduction <add>, %mul3A_94, %reduce_sum3A_95 [0] : vector<64x512xf32> to vector<512xf32>
    %swap3A_97 = arith.constant 70 : index
    %swap3A_98 = arith.constant 0 : index
    %swap3A_99 = vector.load %arg14[%swap3A_97, %swap3A_98] : memref<416x512xf32, #tpu.memory_space<vmem>>, vector<1x512xf32>
    %swap3A_100 = vector.shape_cast %swap3A_99 : vector<1x512xf32> to vector<512xf32>
    %swap3A_101 = vector.shape_cast %reduce_sum3A_96 : vector<512xf32> to vector<1x512xf32>
    tpu.vector_store %arg14[%swap3A_97, %swap3A_98], %swap3A_101 {strides = array<i32>} : memref<416x512xf32, #tpu.memory_space<vmem>>, vector<1x512xf32>,
    %get3A_102 = arith.constant 448 : index
    %get3A_103 = arith.constant 0 : index
    %get3A_104 = vector.load %arg2[%get3A_102, %get3A_103] : memref<1664x512xf32, #tpu.memory_space<vmem>>, vector<64x512xf32>
    %mul3A_105 = arith.mulf %max3A_24, %get3A_104 : vector<64x512xf32>
    %reduce_sum3A_106 = arith.constant dense<0.000000e+00> : vector<512xf32>
    %reduce_sum3A_107 = vector.multi_reduction <add>, %mul3A_105, %reduce_sum3A_106 [0] : vector<64x512xf32> to vector<512xf32>
    %swap3A_108 = arith.constant 71 : index
    %swap3A_109 = arith.constant 0 : index
    %swap3A_110 = vector.load %arg14[%swap3A_108, %swap3A_109] : memref<416x512xf32, #tpu.memory_space<vmem>>, vector<1x512xf32>
    %swap3A_111 = vector.shape_cast %swap3A_110 : vector<1x512xf32> to vector<512xf32>
    %swap3A_112 = vector.shape_cast %reduce_sum3A_107 : vector<512xf32> to vector<1x512xf32>
    tpu.vector_store %arg14[%swap3A_108, %swap3A_109], %swap3A_112 {strides = array<i32>} : memref<416x512xf32, #tpu.memory_space<vmem>>, vector<1x512xf32>,
    %get3A_113 = arith.constant 512 : index
    %get3A_114 = arith.constant 0 : index
    %get3A_115 = vector.load %arg2[%get3A_113, %get3A_114] : memref<1664x512xf32, #tpu.memory_space<vmem>>, vector<64x512xf32>
    %mul3A_116 = arith.mulf %max3A_24, %get3A_115 : vector<64x512xf32>
    %reduce_sum3A_117 = arith.constant dense<0.000000e+00> : vector<512xf32>
    %reduce_sum3A_118 = vector.multi_reduction <add>, %mul3A_116, %reduce_sum3A_117 [0] : vector<64x512xf32> to vector<512xf32>
    %swap3A_119 = arith.constant 72 : index
    %swap3A_120 = arith.constant 0 : index
    %swap3A_121 = vector.load %arg14[%swap3A_119, %swap3A_120] : memref<416x512xf32, #tpu.memory_space<vmem>>, vector<1x512xf32>
    %swap3A_122 = vector.shape_cast %swap3A_121 : vector<1x512xf32> to vector<512xf32>
    %swap3A_123 = vector.shape_cast %reduce_sum3A_118 : vector<512xf32> to vector<1x512xf32>
    tpu.vector_store %arg14[%swap3A_119, %swap3A_120], %swap3A_123 {strides = array<i32>} : memref<416x512xf32, #tpu.memory_space<vmem>>, vector<1x512xf32>,
    %get3A_124 = arith.constant 576 : index
    %get3A_125 = arith.constant 0 : index
    %get3A_126 = vector.load %arg2[%get3A_124, %get3A_125] : memref<1664x512xf32, #tpu.memory_space<vmem>>, vector<64x512xf32>
    %mul3A_127 = arith.mulf %max3A_24, %get3A_126 : vector<64x512xf32>
    %reduce_sum3A_128 = arith.constant dense<0.000000e+00> : vector<512xf32>
    %reduce_sum3A_129 = vector.multi_reduction <add>, %mul3A_127, %reduce_sum3A_128 [0] : vector<64x512xf32> to vector<512xf32>
    %swap3A_130 = arith.constant 73 : index
    %swap3A_131 = arith.constant 0 : index
    %swap3A_132 = vector.load %arg14[%swap3A_130, %swap3A_131] : memref<416x512xf32, #tpu.memory_space<vmem>>, vector<1x512xf32>
    %swap3A_133 = vector.shape_cast %swap3A_132 : vector<1x512xf32> to vector<512xf32>
    %swap3A_134 = vector.shape_cast %reduce_sum3A_129 : vector<512xf32> to vector<1x512xf32>
    tpu.vector_store %arg14[%swap3A_130, %swap3A_131], %swap3A_134 {strides = array<i32>} : memref<416x512xf32, #tpu.memory_space<vmem>>, vector<1x512xf32>,
    %get3A_135 = arith.constant 640 : index
    %get3A_136 = arith.constant 0 : index
    %get3A_137 = vector.load %arg2[%get3A_135, %get3A_136] : memref<1664x512xf32, #tpu.memory_space<vmem>>, vector<64x512xf32>
    %mul3A_138 = arith.mulf %max3A_24, %get3A_137 : vector<64x512xf32>
    %reduce_sum3A_139 = arith.constant dense<0.000000e+00> : vector<512xf32>
    %reduce_sum3A_140 = vector.multi_reduction <add>, %mul3A_138, %reduce_sum3A_139 [0] : vector<64x512xf32> to vector<512xf32>
    %swap3A_141 = arith.constant 74 : index
    %swap3A_142 = arith.constant 0 : index
    %swap3A_143 = vector.load %arg14[%swap3A_141, %swap3A_142] : memref<416x512xf32, #tpu.memory_space<vmem>>, vector<1x512xf32>
    %swap3A_144 = vector.shape_cast %swap3A_143 : vector<1x512xf32> to vector<512xf32>
    %swap3A_145 = vector.shape_cast %reduce_sum3A_140 : vector<512xf32> to vector<1x512xf32>
    tpu.vector_store %arg14[%swap3A_141, %swap3A_142], %swap3A_145 {strides = array<i32>} : memref<416x512xf32, #tpu.memory_space<vmem>>, vector<1x512xf32>,
    %get3A_146 = arith.constant 704 : index
    %get3A_147 = arith.constant 0 : index
    %get3A_148 = vector.load %arg2[%get3A_146, %get3A_147] : memref<1664x512xf32, #tpu.memory_space<vmem>>, vector<64x512xf32>
    %mul3A_149 = arith.mulf %max3A_24, %get3A_148 : vector<64x512xf32>
    %reduce_sum3A_150 = arith.constant dense<0.000000e+00> : vector<512xf32>
    %reduce_sum3A_151 = vector.multi_reduction <add>, %mul3A_149, %reduce_sum3A_150 [0] : vector<64x512xf32> to vector<512xf32>
    %swap3A_152 = arith.constant 75 : index
    %swap3A_153 = arith.constant 0 : index
    %swap3A_154 = vector.load %arg14[%swap3A_152, %swap3A_153] : memref<416x512xf32, #tpu.memory_space<vmem>>, vector<1x512xf32>
    %swap3A_155 = vector.shape_cast %swap3A_154 : vector<1x512xf32> to vector<512xf32>
    %swap3A_156 = vector.shape_cast %reduce_sum3A_151 : vector<512xf32> to vector<1x512xf32>
    tpu.vector_store %arg14[%swap3A_152, %swap3A_153], %swap3A_156 {strides = array<i32>} : memref<416x512xf32, #tpu.memory_space<vmem>>, vector<1x512xf32>,
    %get3A_157 = arith.constant 768 : index
    %get3A_158 = arith.constant 0 : index
    %get3A_159 = vector.load %arg2[%get3A_157, %get3A_158] : memref<1664x512xf32, #tpu.memory_space<vmem>>, vector<64x512xf32>
    %mul3A_160 = arith.mulf %max3A_24, %get3A_159 : vector<64x512xf32>
    %reduce_sum3A_161 = arith.constant dense<0.000000e+00> : vector<512xf32>
    %reduce_sum3A_162 = vector.multi_reduction <add>, %mul3A_160, %reduce_sum3A_161 [0] : vector<64x512xf32> to vector<512xf32>
    %swap3A_163 = arith.constant 76 : index
    %swap3A_164 = arith.constant 0 : index
    %swap3A_165 = vector.load %arg14[%swap3A_163, %swap3A_164] : memref<416x512xf32, #tpu.memory_space<vmem>>, vector<1x512xf32>
    %swap3A_166 = vector.shape_cast %swap3A_165 : vector<1x512xf32> to vector<512xf32>
    %swap3A_167 = vector.shape_cast %reduce_sum3A_162 : vector<512xf32> to vector<1x512xf32>
    tpu.vector_store %arg14[%swap3A_163, %swap3A_164], %swap3A_167 {strides = array<i32>} : memref<416x512xf32, #tpu.memory_space<vmem>>, vector<1x512xf32>,
    %get3A_168 = arith.constant 832 : index
    %get3A_169 = arith.constant 0 : index
    %get3A_170 = vector.load %arg2[%get3A_168, %get3A_169] : memref<1664x512xf32, #tpu.memory_space<vmem>>, vector<64x512xf32>
    %mul3A_171 = arith.mulf %max3A_24, %get3A_170 : vector<64x512xf32>
    %reduce_sum3A_172 = arith.constant dense<0.000000e+00> : vector<512xf32>
    %reduce_sum3A_173 = vector.multi_reduction <add>, %mul3A_171, %reduce_sum3A_172 [0] : vector<64x512xf32> to vector<512xf32>
    %swap3A_174 = arith.constant 77 : index
    %swap3A_175 = arith.constant 0 : index
    %swap3A_176 = vector.load %arg14[%swap3A_174, %swap3A_175] : memref<416x512xf32, #tpu.memory_space<vmem>>, vector<1x512xf32>
    %swap3A_177 = vector.shape_cast %swap3A_176 : vector<1x512xf32> to vector<512xf32>
    %swap3A_178 = vector.shape_cast %reduce_sum3A_173 : vector<512xf32> to vector<1x512xf32>
    tpu.vector_store %arg14[%swap3A_174, %swap3A_175], %swap3A_178 {strides = array<i32>} : memref<416x512xf32, #tpu.memory_space<vmem>>, vector<1x512xf32>,
    %get3A_179 = arith.constant 896 : index
    %get3A_180 = arith.constant 0 : index
    %get3A_181 = vector.load %arg2[%get3A_179, %get3A_180] : memref<1664x512xf32, #tpu.memory_space<vmem>>, vector<64x512xf32>
    %mul3A_182 = arith.mulf %max3A_24, %get3A_181 : vector<64x512xf32>
    %reduce_sum3A_183 = arith.constant dense<0.000000e+00> : vector<512xf32>
    %reduce_sum3A_184 = vector.multi_reduction <add>, %mul3A_182, %reduce_sum3A_183 [0] : vector<64x512xf32> to vector<512xf32>
    %swap3A_185 = arith.constant 78 : index
    %swap3A_186 = arith.constant 0 : index
    %swap3A_187 = vector.load %arg14[%swap3A_185, %swap3A_186] : memref<416x512xf32, #tpu.memory_space<vmem>>, vector<1x512xf32>
    %swap3A_188 = vector.shape_cast %swap3A_187 : vector<1x512xf32> to vector<512xf32>
    %swap3A_189 = vector.shape_cast %reduce_sum3A_184 : vector<512xf32> to vector<1x512xf32>
    tpu.vector_store %arg14[%swap3A_185, %swap3A_186], %swap3A_189 {strides = array<i32>} : memref<416x512xf32, #tpu.memory_space<vmem>>, vector<1x512xf32>,
    %get3A_190 = arith.constant 960 : index
    %get3A_191 = arith.constant 0 : index
    %get3A_192 = vector.load %arg2[%get3A_190, %get3A_191] : memref<1664x512xf32, #tpu.memory_space<vmem>>, vector<64x512xf32>
    %mul3A_193 = arith.mulf %max3A_24, %get3A_192 : vector<64x512xf32>
    %reduce_sum3A_194 = arith.constant dense<0.000000e+00> : vector<512xf32>
    %reduce_sum3A_195 = vector.multi_reduction <add>, %mul3A_193, %reduce_sum3A_194 [0] : vector<64x512xf32> to vector<512xf32>
    %swap3A_196 = arith.constant 79 : index
    %swap3A_197 = arith.constant 0 : index
    %swap3A_198 = vector.load %arg14[%swap3A_196, %swap3A_197] : memref<416x512xf32, #tpu.memory_space<vmem>>, vector<1x512xf32>
    %swap3A_199 = vector.shape_cast %swap3A_198 : vector<1x512xf32> to vector<512xf32>
    %swap3A_200 = vector.shape_cast %reduce_sum3A_195 : vector<512xf32> to vector<1x512xf32>
    tpu.vector_store %arg14[%swap3A_196, %swap3A_197], %swap3A_200 {strides = array<i32>} : memref<416x512xf32, #tpu.memory_space<vmem>>, vector<1x512xf32>,
    %get3A_201 = arith.constant 1024 : index
    %get3A_202 = arith.constant 0 : index
    %get3A_203 = vector.load %arg2[%get3A_201, %get3A_202] : memref<1664x512xf32, #tpu.memory_space<vmem>>, vector<64x512xf32>
    %mul3A_204 = arith.mulf %max3A_24, %get3A_203 : vector<64x512xf32>
    %reduce_sum3A_205 = arith.constant dense<0.000000e+00> : vector<512xf32>
    %reduce_sum3A_206 = vector.multi_reduction <add>, %mul3A_204, %reduce_sum3A_205 [0] : vector<64x512xf32> to vector<512xf32>
    %swap3A_207 = arith.constant 80 : index
    %swap3A_208 = arith.constant 0 : index
    %swap3A_209 = vector.load %arg14[%swap3A_207, %swap3A_208] : memref<416x512xf32, #tpu.memory_space<vmem>>, vector<1x512xf32>
    %swap3A_210 = vector.shape_cast %swap3A_209 : vector<1x512xf32> to vector<512xf32>
    %swap3A_211 = vector.shape_cast %reduce_sum3A_206 : vector<512xf32> to vector<1x512xf32>
    tpu.vector_store %arg14[%swap3A_207, %swap3A_208], %swap3A_211 {strides = array<i32>} : memref<416x512xf32, #tpu.memory_space<vmem>>, vector<1x512xf32>,
    %get3A_212 = arith.constant 1088 : index
    %get3A_213 = arith.constant 0 : index
    %get3A_214 = vector.load %arg2[%get3A_212, %get3A_213] : memref<1664x512xf32, #tpu.memory_space<vmem>>, vector<64x512xf32>
    %mul3A_215 = arith.mulf %max3A_24, %get3A_214 : vector<64x512xf32>
    %reduce_sum3A_216 = arith.constant dense<0.000000e+00> : vector<512xf32>
    %reduce_sum3A_217 = vector.multi_reduction <add>, %mul3A_215, %reduce_sum3A_216 [0] : vector<64x512xf32> to vector<512xf32>
    %swap3A_218 = arith.constant 81 : index
    %swap3A_219 = arith.constant 0 : index
    %swap3A_220 = vector.load %arg14[%swap3A_218, %swap3A_219] : memref<416x512xf32, #tpu.memory_space<vmem>>, vector<1x512xf32>
    %swap3A_221 = vector.shape_cast %swap3A_220 : vector<1x512xf32> to vector<512xf32>
    %swap3A_222 = vector.shape_cast %reduce_sum3A_217 : vector<512xf32> to vector<1x512xf32>
    tpu.vector_store %arg14[%swap3A_218, %swap3A_219], %swap3A_222 {strides = array<i32>} : memref<416x512xf32, #tpu.memory_space<vmem>>, vector<1x512xf32>,
    %get3A_223 = arith.constant 1152 : index
    %get3A_224 = arith.constant 0 : index
    %get3A_225 = vector.load %arg2[%get3A_223, %get3A_224] : memref<1664x512xf32, #tpu.memory_space<vmem>>, vector<64x512xf32>
    %mul3A_226 = arith.mulf %max3A_24, %get3A_225 : vector<64x512xf32>
    %reduce_sum3A_227 = arith.constant dense<0.000000e+00> : vector<512xf32>
    %reduce_sum3A_228 = vector.multi_reduction <add>, %mul3A_226, %reduce_sum3A_227 [0] : vector<64x512xf32> to vector<512xf32>
    %swap3A_229 = arith.constant 82 : index
    %swap3A_230 = arith.constant 0 : index
    %swap3A_231 = vector.load %arg14[%swap3A_229, %swap3A_230] : memref<416x512xf32, #tpu.memory_space<vmem>>, vector<1x512xf32>
    %swap3A_232 = vector.shape_cast %swap3A_231 : vector<1x512xf32> to vector<512xf32>
    %swap3A_233 = vector.shape_cast %reduce_sum3A_228 : vector<512xf32> to vector<1x512xf32>
    tpu.vector_store %arg14[%swap3A_229, %swap3A_230], %swap3A_233 {strides = array<i32>} : memref<416x512xf32, #tpu.memory_space<vmem>>, vector<1x512xf32>,
    %get3A_234 = arith.constant 1216 : index
    %get3A_235 = arith.constant 0 : index
    %get3A_236 = vector.load %arg2[%get3A_234, %get3A_235] : memref<1664x512xf32, #tpu.memory_space<vmem>>, vector<64x512xf32>
    %mul3A_237 = arith.mulf %max3A_24, %get3A_236 : vector<64x512xf32>
    %reduce_sum3A_238 = arith.constant dense<0.000000e+00> : vector<512xf32>
    %reduce_sum3A_239 = vector.multi_reduction <add>, %mul3A_237, %reduce_sum3A_238 [0] : vector<64x512xf32> to vector<512xf32>
    %swap3A_240 = arith.constant 83 : index
    %swap3A_241 = arith.constant 0 : index
    %swap3A_242 = vector.load %arg14[%swap3A_240, %swap3A_241] : memref<416x512xf32, #tpu.memory_space<vmem>>, vector<1x512xf32>
    %swap3A_243 = vector.shape_cast %swap3A_242 : vector<1x512xf32> to vector<512xf32>
    %swap3A_244 = vector.shape_cast %reduce_sum3A_239 : vector<512xf32> to vector<1x512xf32>
    tpu.vector_store %arg14[%swap3A_240, %swap3A_241], %swap3A_244 {strides = array<i32>} : memref<416x512xf32, #tpu.memory_space<vmem>>, vector<1x512xf32>,
    %get3A_245 = arith.constant 1280 : index
    %get3A_246 = arith.constant 0 : index
    %get3A_247 = vector.load %arg2[%get3A_245, %get3A_246] : memref<1664x512xf32, #tpu.memory_space<vmem>>, vector<64x512xf32>
    %mul3A_248 = arith.mulf %max3A_24, %get3A_247 : vector<64x512xf32>
    %reduce_sum3A_249 = arith.constant dense<0.000000e+00> : vector<512xf32>
    %reduce_sum3A_250 = vector.multi_reduction <add>, %mul3A_248, %reduce_sum3A_249 [0] : vector<64x512xf32> to vector<512xf32>
    %swap3A_251 = arith.constant 84 : index
    %swap3A_252 = arith.constant 0 : index
    %swap3A_253 = vector.load %arg14[%swap3A_251, %swap3A_252] : memref<416x512xf32, #tpu.memory_space<vmem>>, vector<1x512xf32>
    %swap3A_254 = vector.shape_cast %swap3A_253 : vector<1x512xf32> to vector<512xf32>
    %swap3A_255 = vector.shape_cast %reduce_sum3A_250 : vector<512xf32> to vector<1x512xf32>
    tpu.vector_store %arg14[%swap3A_251, %swap3A_252], %swap3A_255 {strides = array<i32>} : memref<416x512xf32, #tpu.memory_space<vmem>>, vector<1x512xf32>,
    %get3A_256 = arith.constant 1344 : index
    %get3A_257 = arith.constant 0 : index
    %get3A_258 = vector.load %arg2[%get3A_256, %get3A_257] : memref<1664x512xf32, #tpu.memory_space<vmem>>, vector<64x512xf32>
    %mul3A_259 = arith.mulf %max3A_24, %get3A_258 : vector<64x512xf32>
    %reduce_sum3A_260 = arith.constant dense<0.000000e+00> : vector<512xf32>
    %reduce_sum3A_261 = vector.multi_reduction <add>, %mul3A_259, %reduce_sum3A_260 [0] : vector<64x512xf32> to vector<512xf32>
    %swap3A_262 = arith.constant 85 : index
    %swap3A_263 = arith.constant 0 : index
    %swap3A_264 = vector.load %arg14[%swap3A_262, %swap3A_263] : memref<416x512xf32, #tpu.memory_space<vmem>>, vector<1x512xf32>
    %swap3A_265 = vector.shape_cast %swap3A_264 : vector<1x512xf32> to vector<512xf32>
    %swap3A_266 = vector.shape_cast %reduce_sum3A_261 : vector<512xf32> to vector<1x512xf32>
    tpu.vector_store %arg14[%swap3A_262, %swap3A_263], %swap3A_266 {strides = array<i32>} : memref<416x512xf32, #tpu.memory_space<vmem>>, vector<1x512xf32>,
    %get3A_267 = arith.constant 1408 : index
    %get3A_268 = arith.constant 0 : index
    %get3A_269 = vector.load %arg2[%get3A_267, %get3A_268] : memref<1664x512xf32, #tpu.memory_space<vmem>>, vector<64x512xf32>
    %mul3A_270 = arith.mulf %max3A_24, %get3A_269 : vector<64x512xf32>
    %reduce_sum3A_271 = arith.constant dense<0.000000e+00> : vector<512xf32>
    %reduce_sum3A_272 = vector.multi_reduction <add>, %mul3A_270, %reduce_sum3A_271 [0] : vector<64x512xf32> to vector<512xf32>
    %swap3A_273 = arith.constant 86 : index
    %swap3A_274 = arith.constant 0 : index
    %swap3A_275 = vector.load %arg14[%swap3A_273, %swap3A_274] : memref<416x512xf32, #tpu.memory_space<vmem>>, vector<1x512xf32>
    %swap3A_276 = vector.shape_cast %swap3A_275 : vector<1x512xf32> to vector<512xf32>
    %swap3A_277 = vector.shape_cast %reduce_sum3A_272 : vector<512xf32> to vector<1x512xf32>
    tpu.vector_store %arg14[%swap3A_273, %swap3A_274], %swap3A_277 {strides = array<i32>} : memref<416x512xf32, #tpu.memory_space<vmem>>, vector<1x512xf32>,
    %get3A_278 = arith.constant 1472 : index
    %get3A_279 = arith.constant 0 : index
    %get3A_280 = vector.load %arg2[%get3A_278, %get3A_279] : memref<1664x512xf32, #tpu.memory_space<vmem>>, vector<64x512xf32>
    %mul3A_281 = arith.mulf %max3A_24, %get3A_280 : vector<64x512xf32>
    %reduce_sum3A_282 = arith.constant dense<0.000000e+00> : vector<512xf32>
    %reduce_sum3A_283 = vector.multi_reduction <add>, %mul3A_281, %reduce_sum3A_282 [0] : vector<64x512xf32> to vector<512xf32>
    %swap3A_284 = arith.constant 87 : index
    %swap3A_285 = arith.constant 0 : index
    %swap3A_286 = vector.load %arg14[%swap3A_284, %swap3A_285] : memref<416x512xf32, #tpu.memory_space<vmem>>, vector<1x512xf32>
    %swap3A_287 = vector.shape_cast %swap3A_286 : vector<1x512xf32> to vector<512xf32>
    %swap3A_288 = vector.shape_cast %reduce_sum3A_283 : vector<512xf32> to vector<1x512xf32>
    tpu.vector_store %arg14[%swap3A_284, %swap3A_285], %swap3A_288 {strides = array<i32>} : memref<416x512xf32, #tpu.memory_space<vmem>>, vector<1x512xf32>,
    %get3A_289 = arith.constant 1536 : index
    %get3A_290 = arith.constant 0 : index
    %get3A_291 = vector.load %arg2[%get3A_289, %get3A_290] : memref<1664x512xf32, #tpu.memory_space<vmem>>, vector<64x512xf32>
    %mul3A_292 = arith.mulf %max3A_24, %get3A_291 : vector<64x512xf32>
    %reduce_sum3A_293 = arith.constant dense<0.000000e+00> : vector<512xf32>
    %reduce_sum3A_294 = vector.multi_reduction <add>, %mul3A_292, %reduce_sum3A_293 [0] : vector<64x512xf32> to vector<512xf32>
    %swap3A_295 = arith.constant 88 : index
    %swap3A_296 = arith.constant 0 : index
    %swap3A_297 = vector.load %arg14[%swap3A_295, %swap3A_296] : memref<416x512xf32, #tpu.memory_space<vmem>>, vector<1x512xf32>
    %swap3A_298 = vector.shape_cast %swap3A_297 : vector<1x512xf32> to vector<512xf32>
    %swap3A_299 = vector.shape_cast %reduce_sum3A_294 : vector<512xf32> to vector<1x512xf32>
    tpu.vector_store %arg14[%swap3A_295, %swap3A_296], %swap3A_299 {strides = array<i32>} : memref<416x512xf32, #tpu.memory_space<vmem>>, vector<1x512xf32>,
    %get3A_300 = arith.constant 1600 : index
    %get3A_301 = arith.constant 0 : index
    %get3A_302 = vector.load %arg2[%get3A_300, %get3A_301] : memref<1664x512xf32, #tpu.memory_space<vmem>>, vector<64x512xf32>
    %mul3A_303 = arith.mulf %max3A_24, %get3A_302 : vector<64x512xf32>
    %reduce_sum3A_304 = arith.constant dense<0.000000e+00> : vector<512xf32>
    %reduce_sum3A_305 = vector.multi_reduction <add>, %mul3A_303, %reduce_sum3A_304 [0] : vector<64x512xf32> to vector<512xf32>
    %swap3A_306 = arith.constant 89 : index
    %swap3A_307 = arith.constant 0 : index
    %swap3A_308 = vector.load %arg14[%swap3A_306, %swap3A_307] : memref<416x512xf32, #tpu.memory_space<vmem>>, vector<1x512xf32>
    %swap3A_309 = vector.shape_cast %swap3A_308 : vector<1x512xf32> to vector<512xf32>
    %swap3A_310 = vector.shape_cast %reduce_sum3A_305 : vector<512xf32> to vector<1x512xf32>
    tpu.vector_store %arg14[%swap3A_306, %swap3A_307], %swap3A_310 {strides = array<i32>} : memref<416x512xf32, #tpu.memory_space<vmem>>, vector<1x512xf32>,
    %get3A_311 = arith.constant 0 : index
    %get3A_312 = arith.constant 0 : index
    %get3A_313 = vector.load %arg2[%get3A_311, %get3A_312] : memref<1664x512xf32, #tpu.memory_space<vmem>>, vector<64x512xf32>
    %get3A_314 = arith.constant 64 : index
    %get3A_315 = arith.constant 0 : index
    %get3A_316 = vector.load %arg2[%get3A_314, %get3A_315] : memref<1664x512xf32, #tpu.memory_space<vmem>>, vector<64x512xf32>
    %mul3A_317 = arith.mulf %get3A_313, %get3A_316 : vector<64x512xf32>
    %reduce_sum3A_318 = arith.constant dense<0.000000e+00> : vector<512xf32>
    %reduce_sum3A_319 = vector.multi_reduction <add>, %mul3A_317, %reduce_sum3A_318 [0] : vector<64x512xf32> to vector<512xf32>
    %swap3A_320 = arith.constant 90 : index
    %swap3A_321 = arith.constant 0 : index
    %swap3A_322 = vector.load %arg14[%swap3A_320, %swap3A_321] : memref<416x512xf32, #tpu.memory_space<vmem>>, vector<1x512xf32>
    %swap3A_323 = vector.shape_cast %swap3A_322 : vector<1x512xf32> to vector<512xf32>
    %swap3A_324 = vector.shape_cast %reduce_sum3A_319 : vector<512xf32> to vector<1x512xf32>
    tpu.vector_store %arg14[%swap3A_320, %swap3A_321], %swap3A_324 {strides = array<i32>} : memref<416x512xf32, #tpu.memory_space<vmem>>, vector<1x512xf32>,
    %get3A_325 = arith.constant 128 : index
    %get3A_326 = arith.constant 0 : index
    %get3A_327 = vector.load %arg2[%get3A_325, %get3A_326] : memref<1664x512xf32, #tpu.memory_space<vmem>>, vector<64x512xf32>
    %mul3A_328 = arith.mulf %get3A_313, %get3A_327 : vector<64x512xf32>
    %reduce_sum3A_329 = arith.constant dense<0.000000e+00> : vector<512xf32>
    %reduce_sum3A_330 = vector.multi_reduction <add>, %mul3A_328, %reduce_sum3A_329 [0] : vector<64x512xf32> to vector<512xf32>
    %swap3A_331 = arith.constant 91 : index
    %swap3A_332 = arith.constant 0 : index
    %swap3A_333 = vector.load %arg14[%swap3A_331, %swap3A_332] : memref<416x512xf32, #tpu.memory_space<vmem>>, vector<1x512xf32>
    %swap3A_334 = vector.shape_cast %swap3A_333 : vector<1x512xf32> to vector<512xf32>
    %swap3A_335 = vector.shape_cast %reduce_sum3A_330 : vector<512xf32> to vector<1x512xf32>
    tpu.vector_store %arg14[%swap3A_331, %swap3A_332], %swap3A_335 {strides = array<i32>} : memref<416x512xf32, #tpu.memory_space<vmem>>, vector<1x512xf32>,
    %get3A_336 = arith.constant 192 : index
    %get3A_337 = arith.constant 0 : index
    %get3A_338 = vector.load %arg2[%get3A_336, %get3A_337] : memref<1664x512xf32, #tpu.memory_space<vmem>>, vector<64x512xf32>
    %mul3A_339 = arith.mulf %get3A_313, %get3A_338 : vector<64x512xf32>
    %reduce_sum3A_340 = arith.constant dense<0.000000e+00> : vector<512xf32>
    %reduce_sum3A_341 = vector.multi_reduction <add>, %mul3A_339, %reduce_sum3A_340 [0] : vector<64x512xf32> to vector<512xf32>
    %swap3A_342 = arith.constant 92 : index
    %swap3A_343 = arith.constant 0 : index
    %swap3A_344 = vector.load %arg14[%swap3A_342, %swap3A_343] : memref<416x512xf32, #tpu.memory_space<vmem>>, vector<1x512xf32>
    %swap3A_345 = vector.shape_cast %swap3A_344 : vector<1x512xf32> to vector<512xf32>
    %swap3A_346 = vector.shape_cast %reduce_sum3A_341 : vector<512xf32> to vector<1x512xf32>
    tpu.vector_store %arg14[%swap3A_342, %swap3A_343], %swap3A_346 {strides = array<i32>} : memref<416x512xf32, #tpu.memory_space<vmem>>, vector<1x512xf32>,
    %get3A_347 = arith.constant 256 : index
    %get3A_348 = arith.constant 0 : index
    %get3A_349 = vector.load %arg2[%get3A_347, %get3A_348] : memref<1664x512xf32, #tpu.memory_space<vmem>>, vector<64x512xf32>
    %mul3A_350 = arith.mulf %get3A_313, %get3A_349 : vector<64x512xf32>
    %reduce_sum3A_351 = arith.constant dense<0.000000e+00> : vector<512xf32>
    %reduce_sum3A_352 = vector.multi_reduction <add>, %mul3A_350, %reduce_sum3A_351 [0] : vector<64x512xf32> to vector<512xf32>
    %swap3A_353 = arith.constant 93 : index
    %swap3A_354 = arith.constant 0 : index
    %swap3A_355 = vector.load %arg14[%swap3A_353, %swap3A_354] : memref<416x512xf32, #tpu.memory_space<vmem>>, vector<1x512xf32>
    %swap3A_356 = vector.shape_cast %swap3A_355 : vector<1x512xf32> to vector<512xf32>
    %swap3A_357 = vector.shape_cast %reduce_sum3A_352 : vector<512xf32> to vector<1x512xf32>
    tpu.vector_store %arg14[%swap3A_353, %swap3A_354], %swap3A_357 {strides = array<i32>} : memref<416x512xf32, #tpu.memory_space<vmem>>, vector<1x512xf32>,
    %get3A_358 = arith.constant 320 : index
    %get3A_359 = arith.constant 0 : index
    %get3A_360 = vector.load %arg2[%get3A_358, %get3A_359] : memref<1664x512xf32, #tpu.memory_space<vmem>>, vector<64x512xf32>
    %mul3A_361 = arith.mulf %get3A_313, %get3A_360 : vector<64x512xf32>
    %reduce_sum3A_362 = arith.constant dense<0.000000e+00> : vector<512xf32>
    %reduce_sum3A_363 = vector.multi_reduction <add>, %mul3A_361, %reduce_sum3A_362 [0] : vector<64x512xf32> to vector<512xf32>
    %swap3A_364 = arith.constant 94 : index
    %swap3A_365 = arith.constant 0 : index
    %swap3A_366 = vector.load %arg14[%swap3A_364, %swap3A_365] : memref<416x512xf32, #tpu.memory_space<vmem>>, vector<1x512xf32>
    %swap3A_367 = vector.shape_cast %swap3A_366 : vector<1x512xf32> to vector<512xf32>
    %swap3A_368 = vector.shape_cast %reduce_sum3A_363 : vector<512xf32> to vector<1x512xf32>
    tpu.vector_store %arg14[%swap3A_364, %swap3A_365], %swap3A_368 {strides = array<i32>} : memref<416x512xf32, #tpu.memory_space<vmem>>, vector<1x512xf32>,
    %get3A_369 = arith.constant 384 : index
    %get3A_370 = arith.constant 0 : index
    %get3A_371 = vector.load %arg2[%get3A_369, %get3A_370] : memref<1664x512xf32, #tpu.memory_space<vmem>>, vector<64x512xf32>
    %mul3A_372 = arith.mulf %get3A_313, %get3A_371 : vector<64x512xf32>
    %reduce_sum3A_373 = arith.constant dense<0.000000e+00> : vector<512xf32>
    %reduce_sum3A_374 = vector.multi_reduction <add>, %mul3A_372, %reduce_sum3A_373 [0] : vector<64x512xf32> to vector<512xf32>
    %swap3A_375 = arith.constant 95 : index
    %swap3A_376 = arith.constant 0 : index
    %swap3A_377 = vector.load %arg14[%swap3A_375, %swap3A_376] : memref<416x512xf32, #tpu.memory_space<vmem>>, vector<1x512xf32>
    %swap3A_378 = vector.shape_cast %swap3A_377 : vector<1x512xf32> to vector<512xf32>
    %swap3A_379 = vector.shape_cast %reduce_sum3A_374 : vector<512xf32> to vector<1x512xf32>
    tpu.vector_store %arg14[%swap3A_375, %swap3A_376], %swap3A_379 {strides = array<i32>} : memref<416x512xf32, #tpu.memory_space<vmem>>, vector<1x512xf32>,
    %get3A_380 = arith.constant 448 : index
    %get3A_381 = arith.constant 0 : index
    %get3A_382 = vector.load %arg2[%get3A_380, %get3A_381] : memref<1664x512xf32, #tpu.memory_space<vmem>>, vector<64x512xf32>
    %mul3A_383 = arith.mulf %get3A_313, %get3A_382 : vector<64x512xf32>
    %reduce_sum3A_384 = arith.constant dense<0.000000e+00> : vector<512xf32>
    %reduce_sum3A_385 = vector.multi_reduction <add>, %mul3A_383, %reduce_sum3A_384 [0] : vector<64x512xf32> to vector<512xf32>
    %swap3A_386 = arith.constant 96 : index
    %swap3A_387 = arith.constant 0 : index
    %swap3A_388 = vector.load %arg14[%swap3A_386, %swap3A_387] : memref<416x512xf32, #tpu.memory_space<vmem>>, vector<1x512xf32>
    %swap3A_389 = vector.shape_cast %swap3A_388 : vector<1x512xf32> to vector<512xf32>
    %swap3A_390 = vector.shape_cast %reduce_sum3A_385 : vector<512xf32> to vector<1x512xf32>
    tpu.vector_store %arg14[%swap3A_386, %swap3A_387], %swap3A_390 {strides = array<i32>} : memref<416x512xf32, #tpu.memory_space<vmem>>, vector<1x512xf32>,
    %get3A_391 = arith.constant 512 : index
    %get3A_392 = arith.constant 0 : index
    %get3A_393 = vector.load %arg2[%get3A_391, %get3A_392] : memref<1664x512xf32, #tpu.memory_space<vmem>>, vector<64x512xf32>
    %mul3A_394 = arith.mulf %get3A_313, %get3A_393 : vector<64x512xf32>
    %reduce_sum3A_395 = arith.constant dense<0.000000e+00> : vector<512xf32>
    %reduce_sum3A_396 = vector.multi_reduction <add>, %mul3A_394, %reduce_sum3A_395 [0] : vector<64x512xf32> to vector<512xf32>
    %swap3A_397 = arith.constant 97 : index
    %swap3A_398 = arith.constant 0 : index
    %swap3A_399 = vector.load %arg14[%swap3A_397, %swap3A_398] : memref<416x512xf32, #tpu.memory_space<vmem>>, vector<1x512xf32>
    %swap3A_400 = vector.shape_cast %swap3A_399 : vector<1x512xf32> to vector<512xf32>
    %swap3A_401 = vector.shape_cast %reduce_sum3A_396 : vector<512xf32> to vector<1x512xf32>
    tpu.vector_store %arg14[%swap3A_397, %swap3A_398], %swap3A_401 {strides = array<i32>} : memref<416x512xf32, #tpu.memory_space<vmem>>, vector<1x512xf32>,
    %get3A_402 = arith.constant 576 : index
    %get3A_403 = arith.constant 0 : index
    %get3A_404 = vector.load %arg2[%get3A_402, %get3A_403] : memref<1664x512xf32, #tpu.memory_space<vmem>>, vector<64x512xf32>
    %mul3A_405 = arith.mulf %get3A_313, %get3A_404 : vector<64x512xf32>
    %reduce_sum3A_406 = arith.constant dense<0.000000e+00> : vector<512xf32>
    %reduce_sum3A_407 = vector.multi_reduction <add>, %mul3A_405, %reduce_sum3A_406 [0] : vector<64x512xf32> to vector<512xf32>
    %swap3A_408 = arith.constant 98 : index
    %swap3A_409 = arith.constant 0 : index
    %swap3A_410 = vector.load %arg14[%swap3A_408, %swap3A_409] : memref<416x512xf32, #tpu.memory_space<vmem>>, vector<1x512xf32>
    %swap3A_411 = vector.shape_cast %swap3A_410 : vector<1x512xf32> to vector<512xf32>
    %swap3A_412 = vector.shape_cast %reduce_sum3A_407 : vector<512xf32> to vector<1x512xf32>
    tpu.vector_store %arg14[%swap3A_408, %swap3A_409], %swap3A_412 {strides = array<i32>} : memref<416x512xf32, #tpu.memory_space<vmem>>, vector<1x512xf32>,
    %get3A_413 = arith.constant 640 : index
    %get3A_414 = arith.constant 0 : index
    %get3A_415 = vector.load %arg2[%get3A_413, %get3A_414] : memref<1664x512xf32, #tpu.memory_space<vmem>>, vector<64x512xf32>
    %mul3A_416 = arith.mulf %get3A_313, %get3A_415 : vector<64x512xf32>
    %reduce_sum3A_417 = arith.constant dense<0.000000e+00> : vector<512xf32>
    %reduce_sum3A_418 = vector.multi_reduction <add>, %mul3A_416, %reduce_sum3A_417 [0] : vector<64x512xf32> to vector<512xf32>
    %swap3A_419 = arith.constant 99 : index
    %swap3A_420 = arith.constant 0 : index
    %swap3A_421 = vector.load %arg14[%swap3A_419, %swap3A_420] : memref<416x512xf32, #tpu.memory_space<vmem>>, vector<1x512xf32>
    %swap3A_422 = vector.shape_cast %swap3A_421 : vector<1x512xf32> to vector<512xf32>
    %swap3A_423 = vector.shape_cast %reduce_sum3A_418 : vector<512xf32> to vector<1x512xf32>
    tpu.vector_store %arg14[%swap3A_419, %swap3A_420], %swap3A_423 {strides = array<i32>} : memref<416x512xf32, #tpu.memory_space<vmem>>, vector<1x512xf32>,
    %get3A_424 = arith.constant 704 : index
    %get3A_425 = arith.constant 0 : index
    %get3A_426 = vector.load %arg2[%get3A_424, %get3A_425] : memref<1664x512xf32, #tpu.memory_space<vmem>>, vector<64x512xf32>
    %mul3A_427 = arith.mulf %get3A_313, %get3A_426 : vector<64x512xf32>
    %reduce_sum3A_428 = arith.constant dense<0.000000e+00> : vector<512xf32>
    %reduce_sum3A_429 = vector.multi_reduction <add>, %mul3A_427, %reduce_sum3A_428 [0] : vector<64x512xf32> to vector<512xf32>
    %swap3A_430 = arith.constant 100 : index
    %swap3A_431 = arith.constant 0 : index
    %swap3A_432 = vector.load %arg14[%swap3A_430, %swap3A_431] : memref<416x512xf32, #tpu.memory_space<vmem>>, vector<1x512xf32>
    %swap3A_433 = vector.shape_cast %swap3A_432 : vector<1x512xf32> to vector<512xf32>
    %swap3A_434 = vector.shape_cast %reduce_sum3A_429 : vector<512xf32> to vector<1x512xf32>
    tpu.vector_store %arg14[%swap3A_430, %swap3A_431], %swap3A_434 {strides = array<i32>} : memref<416x512xf32, #tpu.memory_space<vmem>>, vector<1x512xf32>,
    %get3A_435 = arith.constant 768 : index
    %get3A_436 = arith.constant 0 : index
    %get3A_437 = vector.load %arg2[%get3A_435, %get3A_436] : memref<1664x512xf32, #tpu.memory_space<vmem>>, vector<64x512xf32>
    %mul3A_438 = arith.mulf %get3A_313, %get3A_437 : vector<64x512xf32>
    %reduce_sum3A_439 = arith.constant dense<0.000000e+00> : vector<512xf32>
    %reduce_sum3A_440 = vector.multi_reduction <add>, %mul3A_438, %reduce_sum3A_439 [0] : vector<64x512xf32> to vector<512xf32>
    %swap3A_441 = arith.constant 101 : index
    %swap3A_442 = arith.constant 0 : index
    %swap3A_443 = vector.load %arg14[%swap3A_441, %swap3A_442] : memref<416x512xf32, #tpu.memory_space<vmem>>, vector<1x512xf32>
    %swap3A_444 = vector.shape_cast %swap3A_443 : vector<1x512xf32> to vector<512xf32>
    %swap3A_445 = vector.shape_cast %reduce_sum3A_440 : vector<512xf32> to vector<1x512xf32>
    tpu.vector_store %arg14[%swap3A_441, %swap3A_442], %swap3A_445 {strides = array<i32>} : memref<416x512xf32, #tpu.memory_space<vmem>>, vector<1x512xf32>,
    %get3A_446 = arith.constant 832 : index
    %get3A_447 = arith.constant 0 : index
    %get3A_448 = vector.load %arg2[%get3A_446, %get3A_447] : memref<1664x512xf32, #tpu.memory_space<vmem>>, vector<64x512xf32>
    %mul3A_449 = arith.mulf %get3A_313, %get3A_448 : vector<64x512xf32>
    %reduce_sum3A_450 = arith.constant dense<0.000000e+00> : vector<512xf32>
    %reduce_sum3A_451 = vector.multi_reduction <add>, %mul3A_449, %reduce_sum3A_450 [0] : vector<64x512xf32> to vector<512xf32>
    %swap3A_452 = arith.constant 102 : index
    %swap3A_453 = arith.constant 0 : index
    %swap3A_454 = vector.load %arg14[%swap3A_452, %swap3A_453] : memref<416x512xf32, #tpu.memory_space<vmem>>, vector<1x512xf32>
    %swap3A_455 = vector.shape_cast %swap3A_454 : vector<1x512xf32> to vector<512xf32>
    %swap3A_456 = vector.shape_cast %reduce_sum3A_451 : vector<512xf32> to vector<1x512xf32>
    tpu.vector_store %arg14[%swap3A_452, %swap3A_453], %swap3A_456 {strides = array<i32>} : memref<416x512xf32, #tpu.memory_space<vmem>>, vector<1x512xf32>,
    %get3A_457 = arith.constant 896 : index
    %get3A_458 = arith.constant 0 : index
    %get3A_459 = vector.load %arg2[%get3A_457, %get3A_458] : memref<1664x512xf32, #tpu.memory_space<vmem>>, vector<64x512xf32>
    %mul3A_460 = arith.mulf %get3A_313, %get3A_459 : vector<64x512xf32>
    %reduce_sum3A_461 = arith.constant dense<0.000000e+00> : vector<512xf32>
    %reduce_sum3A_462 = vector.multi_reduction <add>, %mul3A_460, %reduce_sum3A_461 [0] : vector<64x512xf32> to vector<512xf32>
    %swap3A_463 = arith.constant 103 : index
    %swap3A_464 = arith.constant 0 : index
    %swap3A_465 = vector.load %arg14[%swap3A_463, %swap3A_464] : memref<416x512xf32, #tpu.memory_space<vmem>>, vector<1x512xf32>
    %swap3A_466 = vector.shape_cast %swap3A_465 : vector<1x512xf32> to vector<512xf32>
    %swap3A_467 = vector.shape_cast %reduce_sum3A_462 : vector<512xf32> to vector<1x512xf32>
    tpu.vector_store %arg14[%swap3A_463, %swap3A_464], %swap3A_467 {strides = array<i32>} : memref<416x512xf32, #tpu.memory_space<vmem>>, vector<1x512xf32>,
    %get3A_468 = arith.constant 960 : index
    %get3A_469 = arith.constant 0 : index
    %get3A_470 = vector.load %arg2[%get3A_468, %get3A_469] : memref<1664x512xf32, #tpu.memory_space<vmem>>, vector<64x512xf32>
    %mul3A_471 = arith.mulf %get3A_313, %get3A_470 : vector<64x512xf32>
    %reduce_sum3A_472 = arith.constant dense<0.000000e+00> : vector<512xf32>
    %reduce_sum3A_473 = vector.multi_reduction <add>, %mul3A_471, %reduce_sum3A_472 [0] : vector<64x512xf32> to vector<512xf32>
    %swap3A_474 = arith.constant 104 : index
    %swap3A_475 = arith.constant 0 : index
    %swap3A_476 = vector.load %arg14[%swap3A_474, %swap3A_475] : memref<416x512xf32, #tpu.memory_space<vmem>>, vector<1x512xf32>
    %swap3A_477 = vector.shape_cast %swap3A_476 : vector<1x512xf32> to vector<512xf32>
    %swap3A_478 = vector.shape_cast %reduce_sum3A_473 : vector<512xf32> to vector<1x512xf32>
    tpu.vector_store %arg14[%swap3A_474, %swap3A_475], %swap3A_478 {strides = array<i32>} : memref<416x512xf32, #tpu.memory_space<vmem>>, vector<1x512xf32>,
    %get3A_479 = arith.constant 1024 : index
    %get3A_480 = arith.constant 0 : index
    %get3A_481 = vector.load %arg2[%get3A_479, %get3A_480] : memref<1664x512xf32, #tpu.memory_space<vmem>>, vector<64x512xf32>
    %mul3A_482 = arith.mulf %get3A_313, %get3A_481 : vector<64x512xf32>
    %reduce_sum3A_483 = arith.constant dense<0.000000e+00> : vector<512xf32>
    %reduce_sum3A_484 = vector.multi_reduction <add>, %mul3A_482, %reduce_sum3A_483 [0] : vector<64x512xf32> to vector<512xf32>
    %swap3A_485 = arith.constant 105 : index
    %swap3A_486 = arith.constant 0 : index
    %swap3A_487 = vector.load %arg14[%swap3A_485, %swap3A_486] : memref<416x512xf32, #tpu.memory_space<vmem>>, vector<1x512xf32>
    %swap3A_488 = vector.shape_cast %swap3A_487 : vector<1x512xf32> to vector<512xf32>
    %swap3A_489 = vector.shape_cast %reduce_sum3A_484 : vector<512xf32> to vector<1x512xf32>
    tpu.vector_store %arg14[%swap3A_485, %swap3A_486], %swap3A_489 {strides = array<i32>} : memref<416x512xf32, #tpu.memory_space<vmem>>, vector<1x512xf32>,
    %get3A_490 = arith.constant 1088 : index
    %get3A_491 = arith.constant 0 : index
    %get3A_492 = vector.load %arg2[%get3A_490, %get3A_491] : memref<1664x512xf32, #tpu.memory_space<vmem>>, vector<64x512xf32>
    %mul3A_493 = arith.mulf %get3A_313, %get3A_492 : vector<64x512xf32>
    %reduce_sum3A_494 = arith.constant dense<0.000000e+00> : vector<512xf32>
    %reduce_sum3A_495 = vector.multi_reduction <add>, %mul3A_493, %reduce_sum3A_494 [0] : vector<64x512xf32> to vector<512xf32>
    %swap3A_496 = arith.constant 106 : index
    %swap3A_497 = arith.constant 0 : index
    %swap3A_498 = vector.load %arg14[%swap3A_496, %swap3A_497] : memref<416x512xf32, #tpu.memory_space<vmem>>, vector<1x512xf32>
    %swap3A_499 = vector.shape_cast %swap3A_498 : vector<1x512xf32> to vector<512xf32>
    %swap3A_500 = vector.shape_cast %reduce_sum3A_495 : vector<512xf32> to vector<1x512xf32>
    tpu.vector_store %arg14[%swap3A_496, %swap3A_497], %swap3A_500 {strides = array<i32>} : memref<416x512xf32, #tpu.memory_space<vmem>>, vector<1x512xf32>,
    %get3A_501 = arith.constant 1152 : index
    %get3A_502 = arith.constant 0 : index
    %get3A_503 = vector.load %arg2[%get3A_501, %get3A_502] : memref<1664x512xf32, #tpu.memory_space<vmem>>, vector<64x512xf32>
    %mul3A_504 = arith.mulf %get3A_313, %get3A_503 : vector<64x512xf32>
    %reduce_sum3A_505 = arith.constant dense<0.000000e+00> : vector<512xf32>
    %reduce_sum3A_506 = vector.multi_reduction <add>, %mul3A_504, %reduce_sum3A_505 [0] : vector<64x512xf32> to vector<512xf32>
    %swap3A_507 = arith.constant 107 : index
    %swap3A_508 = arith.constant 0 : index
    %swap3A_509 = vector.load %arg14[%swap3A_507, %swap3A_508] : memref<416x512xf32, #tpu.memory_space<vmem>>, vector<1x512xf32>
    %swap3A_510 = vector.shape_cast %swap3A_509 : vector<1x512xf32> to vector<512xf32>
    %swap3A_511 = vector.shape_cast %reduce_sum3A_506 : vector<512xf32> to vector<1x512xf32>
    tpu.vector_store %arg14[%swap3A_507, %swap3A_508], %swap3A_511 {strides = array<i32>} : memref<416x512xf32, #tpu.memory_space<vmem>>, vector<1x512xf32>,
    %get3A_512 = arith.constant 1216 : index
    %get3A_513 = arith.constant 0 : index
    %get3A_514 = vector.load %arg2[%get3A_512, %get3A_513] : memref<1664x512xf32, #tpu.memory_space<vmem>>, vector<64x512xf32>
    %mul3A_515 = arith.mulf %get3A_313, %get3A_514 : vector<64x512xf32>
    %reduce_sum3A_516 = arith.constant dense<0.000000e+00> : vector<512xf32>
    %reduce_sum3A_517 = vector.multi_reduction <add>, %mul3A_515, %reduce_sum3A_516 [0] : vector<64x512xf32> to vector<512xf32>
    %swap3A_518 = arith.constant 108 : index
    %swap3A_519 = arith.constant 0 : index
    %swap3A_520 = vector.load %arg14[%swap3A_518, %swap3A_519] : memref<416x512xf32, #tpu.memory_space<vmem>>, vector<1x512xf32>
    %swap3A_521 = vector.shape_cast %swap3A_520 : vector<1x512xf32> to vector<512xf32>
    %swap3A_522 = vector.shape_cast %reduce_sum3A_517 : vector<512xf32> to vector<1x512xf32>
    tpu.vector_store %arg14[%swap3A_518, %swap3A_519], %swap3A_522 {strides = array<i32>} : memref<416x512xf32, #tpu.memory_space<vmem>>, vector<1x512xf32>,
    %get3A_523 = arith.constant 1280 : index
    %get3A_524 = arith.constant 0 : index
    %get3A_525 = vector.load %arg2[%get3A_523, %get3A_524] : memref<1664x512xf32, #tpu.memory_space<vmem>>, vector<64x512xf32>
    %mul3A_526 = arith.mulf %get3A_313, %get3A_525 : vector<64x512xf32>
    %reduce_sum3A_527 = arith.constant dense<0.000000e+00> : vector<512xf32>
    %reduce_sum3A_528 = vector.multi_reduction <add>, %mul3A_526, %reduce_sum3A_527 [0] : vector<64x512xf32> to vector<512xf32>
    %swap3A_529 = arith.constant 109 : index
    %swap3A_530 = arith.constant 0 : index
    %swap3A_531 = vector.load %arg14[%swap3A_529, %swap3A_530] : memref<416x512xf32, #tpu.memory_space<vmem>>, vector<1x512xf32>
    %swap3A_532 = vector.shape_cast %swap3A_531 : vector<1x512xf32> to vector<512xf32>
    %swap3A_533 = vector.shape_cast %reduce_sum3A_528 : vector<512xf32> to vector<1x512xf32>
    tpu.vector_store %arg14[%swap3A_529, %swap3A_530], %swap3A_533 {strides = array<i32>} : memref<416x512xf32, #tpu.memory_space<vmem>>, vector<1x512xf32>,
    %get3A_534 = arith.constant 1344 : index
    %get3A_535 = arith.constant 0 : index
    %get3A_536 = vector.load %arg2[%get3A_534, %get3A_535] : memref<1664x512xf32, #tpu.memory_space<vmem>>, vector<64x512xf32>
    %mul3A_537 = arith.mulf %get3A_313, %get3A_536 : vector<64x512xf32>
    %reduce_sum3A_538 = arith.constant dense<0.000000e+00> : vector<512xf32>
    %reduce_sum3A_539 = vector.multi_reduction <add>, %mul3A_537, %reduce_sum3A_538 [0] : vector<64x512xf32> to vector<512xf32>
    %swap3A_540 = arith.constant 110 : index
    %swap3A_541 = arith.constant 0 : index
    %swap3A_542 = vector.load %arg14[%swap3A_540, %swap3A_541] : memref<416x512xf32, #tpu.memory_space<vmem>>, vector<1x512xf32>
    %swap3A_543 = vector.shape_cast %swap3A_542 : vector<1x512xf32> to vector<512xf32>
    %swap3A_544 = vector.shape_cast %reduce_sum3A_539 : vector<512xf32> to vector<1x512xf32>
    tpu.vector_store %arg14[%swap3A_540, %swap3A_541], %swap3A_544 {strides = array<i32>} : memref<416x512xf32, #tpu.memory_space<vmem>>, vector<1x512xf32>,
    %get3A_545 = arith.constant 1408 : index
    %get3A_546 = arith.constant 0 : index
    %get3A_547 = vector.load %arg2[%get3A_545, %get3A_546] : memref<1664x512xf32, #tpu.memory_space<vmem>>, vector<64x512xf32>
    %mul3A_548 = arith.mulf %get3A_313, %get3A_547 : vector<64x512xf32>
    %reduce_sum3A_549 = arith.constant dense<0.000000e+00> : vector<512xf32>
    %reduce_sum3A_550 = vector.multi_reduction <add>, %mul3A_548, %reduce_sum3A_549 [0] : vector<64x512xf32> to vector<512xf32>
    %swap3A_551 = arith.constant 111 : index
    %swap3A_552 = arith.constant 0 : index
    %swap3A_553 = vector.load %arg14[%swap3A_551, %swap3A_552] : memref<416x512xf32, #tpu.memory_space<vmem>>, vector<1x512xf32>
    %swap3A_554 = vector.shape_cast %swap3A_553 : vector<1x512xf32> to vector<512xf32>
    %swap3A_555 = vector.shape_cast %reduce_sum3A_550 : vector<512xf32> to vector<1x512xf32>
    tpu.vector_store %arg14[%swap3A_551, %swap3A_552], %swap3A_555 {strides = array<i32>} : memref<416x512xf32, #tpu.memory_space<vmem>>, vector<1x512xf32>,
    %get3A_556 = arith.constant 1472 : index
    %get3A_557 = arith.constant 0 : index
    %get3A_558 = vector.load %arg2[%get3A_556, %get3A_557] : memref<1664x512xf32, #tpu.memory_space<vmem>>, vector<64x512xf32>
    %mul3A_559 = arith.mulf %get3A_313, %get3A_558 : vector<64x512xf32>
    %reduce_sum3A_560 = arith.constant dense<0.000000e+00> : vector<512xf32>
    %reduce_sum3A_561 = vector.multi_reduction <add>, %mul3A_559, %reduce_sum3A_560 [0] : vector<64x512xf32> to vector<512xf32>
    %swap3A_562 = arith.constant 112 : index
    %swap3A_563 = arith.constant 0 : index
    %swap3A_564 = vector.load %arg14[%swap3A_562, %swap3A_563] : memref<416x512xf32, #tpu.memory_space<vmem>>, vector<1x512xf32>
    %swap3A_565 = vector.shape_cast %swap3A_564 : vector<1x512xf32> to vector<512xf32>
    %swap3A_566 = vector.shape_cast %reduce_sum3A_561 : vector<512xf32> to vector<1x512xf32>
    tpu.vector_store %arg14[%swap3A_562, %swap3A_563], %swap3A_566 {strides = array<i32>} : memref<416x512xf32, #tpu.memory_space<vmem>>, vector<1x512xf32>,
    %get3A_567 = arith.constant 1536 : index
    %get3A_568 = arith.constant 0 : index
    %get3A_569 = vector.load %arg2[%get3A_567, %get3A_568] : memref<1664x512xf32, #tpu.memory_space<vmem>>, vector<64x512xf32>
    %mul3A_570 = arith.mulf %get3A_313, %get3A_569 : vector<64x512xf32>
    %reduce_sum3A_571 = arith.constant dense<0.000000e+00> : vector<512xf32>
    %reduce_sum3A_572 = vector.multi_reduction <add>, %mul3A_570, %reduce_sum3A_571 [0] : vector<64x512xf32> to vector<512xf32>
    %swap3A_573 = arith.constant 113 : index
    %swap3A_574 = arith.constant 0 : index
    %swap3A_575 = vector.load %arg14[%swap3A_573, %swap3A_574] : memref<416x512xf32, #tpu.memory_space<vmem>>, vector<1x512xf32>
    %swap3A_576 = vector.shape_cast %swap3A_575 : vector<1x512xf32> to vector<512xf32>
    %swap3A_577 = vector.shape_cast %reduce_sum3A_572 : vector<512xf32> to vector<1x512xf32>
    tpu.vector_store %arg14[%swap3A_573, %swap3A_574], %swap3A_577 {strides = array<i32>} : memref<416x512xf32, #tpu.memory_space<vmem>>, vector<1x512xf32>,
    %get3A_578 = arith.constant 1600 : index
    %get3A_579 = arith.constant 0 : index
    %get3A_580 = vector.load %arg2[%get3A_578, %get3A_579] : memref<1664x512xf32, #tpu.memory_space<vmem>>, vector<64x512xf32>
    %mul3A_581 = arith.mulf %get3A_313, %get3A_580 : vector<64x512xf32>
    %reduce_sum3A_582 = arith.constant dense<0.000000e+00> : vector<512xf32>
    %reduce_sum3A_583 = vector.multi_reduction <add>, %mul3A_581, %reduce_sum3A_582 [0] : vector<64x512xf32> to vector<512xf32>
    %swap3A_584 = arith.constant 114 : index
    %swap3A_585 = arith.constant 0 : index
    %swap3A_586 = vector.load %arg14[%swap3A_584, %swap3A_585] : memref<416x512xf32, #tpu.memory_space<vmem>>, vector<1x512xf32>
    %swap3A_587 = vector.shape_cast %swap3A_586 : vector<1x512xf32> to vector<512xf32>
    %swap3A_588 = vector.shape_cast %reduce_sum3A_583 : vector<512xf32> to vector<1x512xf32>
    tpu.vector_store %arg14[%swap3A_584, %swap3A_585], %swap3A_588 {strides = array<i32>} : memref<416x512xf32, #tpu.memory_space<vmem>>, vector<1x512xf32>,
    %get3A_589 = arith.constant 64 : index
    %get3A_590 = arith.constant 0 : index
    %get3A_591 = vector.load %arg2[%get3A_589, %get3A_590] : memref<1664x512xf32, #tpu.memory_space<vmem>>, vector<64x512xf32>
    %get3A_592 = arith.constant 128 : index
    %get3A_593 = arith.constant 0 : index
    %get3A_594 = vector.load %arg2[%get3A_592, %get3A_593] : memref<1664x512xf32, #tpu.memory_space<vmem>>, vector<64x512xf32>
    %mul3A_595 = arith.mulf %get3A_591, %get3A_594 : vector<64x512xf32>
    %reduce_sum3A_596 = arith.constant dense<0.000000e+00> : vector<512xf32>
    %reduce_sum3A_597 = vector.multi_reduction <add>, %mul3A_595, %reduce_sum3A_596 [0] : vector<64x512xf32> to vector<512xf32>
    %swap3A_598 = arith.constant 115 : index
    %swap3A_599 = arith.constant 0 : index
    %swap3A_600 = vector.load %arg14[%swap3A_598, %swap3A_599] : memref<416x512xf32, #tpu.memory_space<vmem>>, vector<1x512xf32>
    %swap3A_601 = vector.shape_cast %swap3A_600 : vector<1x512xf32> to vector<512xf32>
    %swap3A_602 = vector.shape_cast %reduce_sum3A_597 : vector<512xf32> to vector<1x512xf32>
    tpu.vector_store %arg14[%swap3A_598, %swap3A_599], %swap3A_602 {strides = array<i32>} : memref<416x512xf32, #tpu.memory_space<vmem>>, vector<1x512xf32>,
    %get3A_603 = arith.constant 192 : index
    %get3A_604 = arith.constant 0 : index
    %get3A_605 = vector.load %arg2[%get3A_603, %get3A_604] : memref<1664x512xf32, #tpu.memory_space<vmem>>, vector<64x512xf32>
    %mul3A_606 = arith.mulf %get3A_591, %get3A_605 : vector<64x512xf32>
    %reduce_sum3A_607 = arith.constant dense<0.000000e+00> : vector<512xf32>
    %reduce_sum3A_608 = vector.multi_reduction <add>, %mul3A_606, %reduce_sum3A_607 [0] : vector<64x512xf32> to vector<512xf32>
    %swap3A_609 = arith.constant 116 : index
    %swap3A_610 = arith.constant 0 : index
    %swap3A_611 = vector.load %arg14[%swap3A_609, %swap3A_610] : memref<416x512xf32, #tpu.memory_space<vmem>>, vector<1x512xf32>
    %swap3A_612 = vector.shape_cast %swap3A_611 : vector<1x512xf32> to vector<512xf32>
    %swap3A_613 = vector.shape_cast %reduce_sum3A_608 : vector<512xf32> to vector<1x512xf32>
    tpu.vector_store %arg14[%swap3A_609, %swap3A_610], %swap3A_613 {strides = array<i32>} : memref<416x512xf32, #tpu.memory_space<vmem>>, vector<1x512xf32>,
    %get3A_614 = arith.constant 256 : index
    %get3A_615 = arith.constant 0 : index
    %get3A_616 = vector.load %arg2[%get3A_614, %get3A_615] : memref<1664x512xf32, #tpu.memory_space<vmem>>, vector<64x512xf32>
    %mul3A_617 = arith.mulf %get3A_591, %get3A_616 : vector<64x512xf32>
    %reduce_sum3A_618 = arith.constant dense<0.000000e+00> : vector<512xf32>
    %reduce_sum3A_619 = vector.multi_reduction <add>, %mul3A_617, %reduce_sum3A_618 [0] : vector<64x512xf32> to vector<512xf32>
    %swap3A_620 = arith.constant 117 : index
    %swap3A_621 = arith.constant 0 : index
    %swap3A_622 = vector.load %arg14[%swap3A_620, %swap3A_621] : memref<416x512xf32, #tpu.memory_space<vmem>>, vector<1x512xf32>
    %swap3A_623 = vector.shape_cast %swap3A_622 : vector<1x512xf32> to vector<512xf32>
    %swap3A_624 = vector.shape_cast %reduce_sum3A_619 : vector<512xf32> to vector<1x512xf32>
    tpu.vector_store %arg14[%swap3A_620, %swap3A_621], %swap3A_624 {strides = array<i32>} : memref<416x512xf32, #tpu.memory_space<vmem>>, vector<1x512xf32>,
    %get3A_625 = arith.constant 320 : index
    %get3A_626 = arith.constant 0 : index
    %get3A_627 = vector.load %arg2[%get3A_625, %get3A_626] : memref<1664x512xf32, #tpu.memory_space<vmem>>, vector<64x512xf32>
    %mul3A_628 = arith.mulf %get3A_591, %get3A_627 : vector<64x512xf32>
    %reduce_sum3A_629 = arith.constant dense<0.000000e+00> : vector<512xf32>
    %reduce_sum3A_630 = vector.multi_reduction <add>, %mul3A_628, %reduce_sum3A_629 [0] : vector<64x512xf32> to vector<512xf32>
    %swap3A_631 = arith.constant 118 : index
    %swap3A_632 = arith.constant 0 : index
    %swap3A_633 = vector.load %arg14[%swap3A_631, %swap3A_632] : memref<416x512xf32, #tpu.memory_space<vmem>>, vector<1x512xf32>
    %swap3A_634 = vector.shape_cast %swap3A_633 : vector<1x512xf32> to vector<512xf32>
    %swap3A_635 = vector.shape_cast %reduce_sum3A_630 : vector<512xf32> to vector<1x512xf32>
    tpu.vector_store %arg14[%swap3A_631, %swap3A_632], %swap3A_635 {strides = array<i32>} : memref<416x512xf32, #tpu.memory_space<vmem>>, vector<1x512xf32>,
    %get3A_636 = arith.constant 384 : index
    %get3A_637 = arith.constant 0 : index
    %get3A_638 = vector.load %arg2[%get3A_636, %get3A_637] : memref<1664x512xf32, #tpu.memory_space<vmem>>, vector<64x512xf32>
    %mul3A_639 = arith.mulf %get3A_591, %get3A_638 : vector<64x512xf32>
    %reduce_sum3A_640 = arith.constant dense<0.000000e+00> : vector<512xf32>
    %reduce_sum3A_641 = vector.multi_reduction <add>, %mul3A_639, %reduce_sum3A_640 [0] : vector<64x512xf32> to vector<512xf32>
    %swap3A_642 = arith.constant 119 : index
    %swap3A_643 = arith.constant 0 : index
    %swap3A_644 = vector.load %arg14[%swap3A_642, %swap3A_643] : memref<416x512xf32, #tpu.memory_space<vmem>>, vector<1x512xf32>
    %swap3A_645 = vector.shape_cast %swap3A_644 : vector<1x512xf32> to vector<512xf32>
    %swap3A_646 = vector.shape_cast %reduce_sum3A_641 : vector<512xf32> to vector<1x512xf32>
    tpu.vector_store %arg14[%swap3A_642, %swap3A_643], %swap3A_646 {strides = array<i32>} : memref<416x512xf32, #tpu.memory_space<vmem>>, vector<1x512xf32>,
    %get3A_647 = arith.constant 448 : index
    %get3A_648 = arith.constant 0 : index
    %get3A_649 = vector.load %arg2[%get3A_647, %get3A_648] : memref<1664x512xf32, #tpu.memory_space<vmem>>, vector<64x512xf32>
    %mul3A_650 = arith.mulf %get3A_591, %get3A_649 : vector<64x512xf32>
    %reduce_sum3A_651 = arith.constant dense<0.000000e+00> : vector<512xf32>
    %reduce_sum3A_652 = vector.multi_reduction <add>, %mul3A_650, %reduce_sum3A_651 [0] : vector<64x512xf32> to vector<512xf32>
    %swap3A_653 = arith.constant 120 : index
    %swap3A_654 = arith.constant 0 : index
    %swap3A_655 = vector.load %arg14[%swap3A_653, %swap3A_654] : memref<416x512xf32, #tpu.memory_space<vmem>>, vector<1x512xf32>
    %swap3A_656 = vector.shape_cast %swap3A_655 : vector<1x512xf32> to vector<512xf32>
    %swap3A_657 = vector.shape_cast %reduce_sum3A_652 : vector<512xf32> to vector<1x512xf32>
    tpu.vector_store %arg14[%swap3A_653, %swap3A_654], %swap3A_657 {strides = array<i32>} : memref<416x512xf32, #tpu.memory_space<vmem>>, vector<1x512xf32>,
    %get3A_658 = arith.constant 512 : index
    %get3A_659 = arith.constant 0 : index
    %get3A_660 = vector.load %arg2[%get3A_658, %get3A_659] : memref<1664x512xf32, #tpu.memory_space<vmem>>, vector<64x512xf32>
    %mul3A_661 = arith.mulf %get3A_591, %get3A_660 : vector<64x512xf32>
    %reduce_sum3A_662 = arith.constant dense<0.000000e+00> : vector<512xf32>
    %reduce_sum3A_663 = vector.multi_reduction <add>, %mul3A_661, %reduce_sum3A_662 [0] : vector<64x512xf32> to vector<512xf32>
    %swap3A_664 = arith.constant 121 : index
    %swap3A_665 = arith.constant 0 : index
    %swap3A_666 = vector.load %arg14[%swap3A_664, %swap3A_665] : memref<416x512xf32, #tpu.memory_space<vmem>>, vector<1x512xf32>
    %swap3A_667 = vector.shape_cast %swap3A_666 : vector<1x512xf32> to vector<512xf32>
    %swap3A_668 = vector.shape_cast %reduce_sum3A_663 : vector<512xf32> to vector<1x512xf32>
    tpu.vector_store %arg14[%swap3A_664, %swap3A_665], %swap3A_668 {strides = array<i32>} : memref<416x512xf32, #tpu.memory_space<vmem>>, vector<1x512xf32>,
    %get3A_669 = arith.constant 576 : index
    %get3A_670 = arith.constant 0 : index
    %get3A_671 = vector.load %arg2[%get3A_669, %get3A_670] : memref<1664x512xf32, #tpu.memory_space<vmem>>, vector<64x512xf32>
    %mul3A_672 = arith.mulf %get3A_591, %get3A_671 : vector<64x512xf32>
    %reduce_sum3A_673 = arith.constant dense<0.000000e+00> : vector<512xf32>
    %reduce_sum3A_674 = vector.multi_reduction <add>, %mul3A_672, %reduce_sum3A_673 [0] : vector<64x512xf32> to vector<512xf32>
    %swap3A_675 = arith.constant 122 : index
    %swap3A_676 = arith.constant 0 : index
    %swap3A_677 = vector.load %arg14[%swap3A_675, %swap3A_676] : memref<416x512xf32, #tpu.memory_space<vmem>>, vector<1x512xf32>
    %swap3A_678 = vector.shape_cast %swap3A_677 : vector<1x512xf32> to vector<512xf32>
    %swap3A_679 = vector.shape_cast %reduce_sum3A_674 : vector<512xf32> to vector<1x512xf32>
    tpu.vector_store %arg14[%swap3A_675, %swap3A_676], %swap3A_679 {strides = array<i32>} : memref<416x512xf32, #tpu.memory_space<vmem>>, vector<1x512xf32>,
    %get3A_680 = arith.constant 640 : index
    %get3A_681 = arith.constant 0 : index
    %get3A_682 = vector.load %arg2[%get3A_680, %get3A_681] : memref<1664x512xf32, #tpu.memory_space<vmem>>, vector<64x512xf32>
    %mul3A_683 = arith.mulf %get3A_591, %get3A_682 : vector<64x512xf32>
    %reduce_sum3A_684 = arith.constant dense<0.000000e+00> : vector<512xf32>
    %reduce_sum3A_685 = vector.multi_reduction <add>, %mul3A_683, %reduce_sum3A_684 [0] : vector<64x512xf32> to vector<512xf32>
    %swap3A_686 = arith.constant 123 : index
    %swap3A_687 = arith.constant 0 : index
    %swap3A_688 = vector.load %arg14[%swap3A_686, %swap3A_687] : memref<416x512xf32, #tpu.memory_space<vmem>>, vector<1x512xf32>
    %swap3A_689 = vector.shape_cast %swap3A_688 : vector<1x512xf32> to vector<512xf32>
    %swap3A_690 = vector.shape_cast %reduce_sum3A_685 : vector<512xf32> to vector<1x512xf32>
    tpu.vector_store %arg14[%swap3A_686, %swap3A_687], %swap3A_690 {strides = array<i32>} : memref<416x512xf32, #tpu.memory_space<vmem>>, vector<1x512xf32>,
    %get3A_691 = arith.constant 704 : index
    %get3A_692 = arith.constant 0 : index
    %get3A_693 = vector.load %arg2[%get3A_691, %get3A_692] : memref<1664x512xf32, #tpu.memory_space<vmem>>, vector<64x512xf32>
    %mul3A_694 = arith.mulf %get3A_591, %get3A_693 : vector<64x512xf32>
    %reduce_sum3A_695 = arith.constant dense<0.000000e+00> : vector<512xf32>
    %reduce_sum3A_696 = vector.multi_reduction <add>, %mul3A_694, %reduce_sum3A_695 [0] : vector<64x512xf32> to vector<512xf32>
    %swap3A_697 = arith.constant 124 : index
    %swap3A_698 = arith.constant 0 : index
    %swap3A_699 = vector.load %arg14[%swap3A_697, %swap3A_698] : memref<416x512xf32, #tpu.memory_space<vmem>>, vector<1x512xf32>
    %swap3A_700 = vector.shape_cast %swap3A_699 : vector<1x512xf32> to vector<512xf32>
    %swap3A_701 = vector.shape_cast %reduce_sum3A_696 : vector<512xf32> to vector<1x512xf32>
    tpu.vector_store %arg14[%swap3A_697, %swap3A_698], %swap3A_701 {strides = array<i32>} : memref<416x512xf32, #tpu.memory_space<vmem>>, vector<1x512xf32>,
    %get3A_702 = arith.constant 768 : index
    %get3A_703 = arith.constant 0 : index
    %get3A_704 = vector.load %arg2[%get3A_702, %get3A_703] : memref<1664x512xf32, #tpu.memory_space<vmem>>, vector<64x512xf32>
    %mul3A_705 = arith.mulf %get3A_591, %get3A_704 : vector<64x512xf32>
    %reduce_sum3A_706 = arith.constant dense<0.000000e+00> : vector<512xf32>
    %reduce_sum3A_707 = vector.multi_reduction <add>, %mul3A_705, %reduce_sum3A_706 [0] : vector<64x512xf32> to vector<512xf32>
    %swap3A_708 = arith.constant 125 : index
    %swap3A_709 = arith.constant 0 : index
    %swap3A_710 = vector.load %arg14[%swap3A_708, %swap3A_709] : memref<416x512xf32, #tpu.memory_space<vmem>>, vector<1x512xf32>
    %swap3A_711 = vector.shape_cast %swap3A_710 : vector<1x512xf32> to vector<512xf32>
    %swap3A_712 = vector.shape_cast %reduce_sum3A_707 : vector<512xf32> to vector<1x512xf32>
    tpu.vector_store %arg14[%swap3A_708, %swap3A_709], %swap3A_712 {strides = array<i32>} : memref<416x512xf32, #tpu.memory_space<vmem>>, vector<1x512xf32>,
    %get3A_713 = arith.constant 832 : index
    %get3A_714 = arith.constant 0 : index
    %get3A_715 = vector.load %arg2[%get3A_713, %get3A_714] : memref<1664x512xf32, #tpu.memory_space<vmem>>, vector<64x512xf32>
    %mul3A_716 = arith.mulf %get3A_591, %get3A_715 : vector<64x512xf32>
    %reduce_sum3A_717 = arith.constant dense<0.000000e+00> : vector<512xf32>
    %reduce_sum3A_718 = vector.multi_reduction <add>, %mul3A_716, %reduce_sum3A_717 [0] : vector<64x512xf32> to vector<512xf32>
    %swap3A_719 = arith.constant 126 : index
    %swap3A_720 = arith.constant 0 : index
    %swap3A_721 = vector.load %arg14[%swap3A_719, %swap3A_720] : memref<416x512xf32, #tpu.memory_space<vmem>>, vector<1x512xf32>
    %swap3A_722 = vector.shape_cast %swap3A_721 : vector<1x512xf32> to vector<512xf32>
    %swap3A_723 = vector.shape_cast %reduce_sum3A_718 : vector<512xf32> to vector<1x512xf32>
    tpu.vector_store %arg14[%swap3A_719, %swap3A_720], %swap3A_723 {strides = array<i32>} : memref<416x512xf32, #tpu.memory_space<vmem>>, vector<1x512xf32>,
    %get3A_724 = arith.constant 896 : index
    %get3A_725 = arith.constant 0 : index
    %get3A_726 = vector.load %arg2[%get3A_724, %get3A_725] : memref<1664x512xf32, #tpu.memory_space<vmem>>, vector<64x512xf32>
    %mul3A_727 = arith.mulf %get3A_591, %get3A_726 : vector<64x512xf32>
    %reduce_sum3A_728 = arith.constant dense<0.000000e+00> : vector<512xf32>
    %reduce_sum3A_729 = vector.multi_reduction <add>, %mul3A_727, %reduce_sum3A_728 [0] : vector<64x512xf32> to vector<512xf32>
    %swap3A_730 = arith.constant 127 : index
    %swap3A_731 = arith.constant 0 : index
    %swap3A_732 = vector.load %arg14[%swap3A_730, %swap3A_731] : memref<416x512xf32, #tpu.memory_space<vmem>>, vector<1x512xf32>
    %swap3A_733 = vector.shape_cast %swap3A_732 : vector<1x512xf32> to vector<512xf32>
    %swap3A_734 = vector.shape_cast %reduce_sum3A_729 : vector<512xf32> to vector<1x512xf32>
    tpu.vector_store %arg14[%swap3A_730, %swap3A_731], %swap3A_734 {strides = array<i32>} : memref<416x512xf32, #tpu.memory_space<vmem>>, vector<1x512xf32>,
    %get3A_735 = arith.constant 960 : index
    %get3A_736 = arith.constant 0 : index
    %get3A_737 = vector.load %arg2[%get3A_735, %get3A_736] : memref<1664x512xf32, #tpu.memory_space<vmem>>, vector<64x512xf32>
    %mul3A_738 = arith.mulf %get3A_591, %get3A_737 : vector<64x512xf32>
    %reduce_sum3A_739 = arith.constant dense<0.000000e+00> : vector<512xf32>
    %reduce_sum3A_740 = vector.multi_reduction <add>, %mul3A_738, %reduce_sum3A_739 [0] : vector<64x512xf32> to vector<512xf32>
    %swap3A_741 = arith.constant 128 : index
    %swap3A_742 = arith.constant 0 : index
    %swap3A_743 = vector.load %arg14[%swap3A_741, %swap3A_742] : memref<416x512xf32, #tpu.memory_space<vmem>>, vector<1x512xf32>
    %swap3A_744 = vector.shape_cast %swap3A_743 : vector<1x512xf32> to vector<512xf32>
    %swap3A_745 = vector.shape_cast %reduce_sum3A_740 : vector<512xf32> to vector<1x512xf32>
    tpu.vector_store %arg14[%swap3A_741, %swap3A_742], %swap3A_745 {strides = array<i32>} : memref<416x512xf32, #tpu.memory_space<vmem>>, vector<1x512xf32>,
    %get3A_746 = arith.constant 1024 : index
    %get3A_747 = arith.constant 0 : index
    %get3A_748 = vector.load %arg2[%get3A_746, %get3A_747] : memref<1664x512xf32, #tpu.memory_space<vmem>>, vector<64x512xf32>
    %mul3A_749 = arith.mulf %get3A_591, %get3A_748 : vector<64x512xf32>
    %reduce_sum3A_750 = arith.constant dense<0.000000e+00> : vector<512xf32>
    %reduce_sum3A_751 = vector.multi_reduction <add>, %mul3A_749, %reduce_sum3A_750 [0] : vector<64x512xf32> to vector<512xf32>
    %swap3A_752 = arith.constant 129 : index
    %swap3A_753 = arith.constant 0 : index
    %swap3A_754 = vector.load %arg14[%swap3A_752, %swap3A_753] : memref<416x512xf32, #tpu.memory_space<vmem>>, vector<1x512xf32>
    %swap3A_755 = vector.shape_cast %swap3A_754 : vector<1x512xf32> to vector<512xf32>
    %swap3A_756 = vector.shape_cast %reduce_sum3A_751 : vector<512xf32> to vector<1x512xf32>
    tpu.vector_store %arg14[%swap3A_752, %swap3A_753], %swap3A_756 {strides = array<i32>} : memref<416x512xf32, #tpu.memory_space<vmem>>, vector<1x512xf32>,
    %get3A_757 = arith.constant 1088 : index
    %get3A_758 = arith.constant 0 : index
    %get3A_759 = vector.load %arg2[%get3A_757, %get3A_758] : memref<1664x512xf32, #tpu.memory_space<vmem>>, vector<64x512xf32>
    %mul3A_760 = arith.mulf %get3A_591, %get3A_759 : vector<64x512xf32>
    %reduce_sum3A_761 = arith.constant dense<0.000000e+00> : vector<512xf32>
    %reduce_sum3A_762 = vector.multi_reduction <add>, %mul3A_760, %reduce_sum3A_761 [0] : vector<64x512xf32> to vector<512xf32>
    %swap3A_763 = arith.constant 130 : index
    %swap3A_764 = arith.constant 0 : index
    %swap3A_765 = vector.load %arg14[%swap3A_763, %swap3A_764] : memref<416x512xf32, #tpu.memory_space<vmem>>, vector<1x512xf32>
    %swap3A_766 = vector.shape_cast %swap3A_765 : vector<1x512xf32> to vector<512xf32>
    %swap3A_767 = vector.shape_cast %reduce_sum3A_762 : vector<512xf32> to vector<1x512xf32>
    tpu.vector_store %arg14[%swap3A_763, %swap3A_764], %swap3A_767 {strides = array<i32>} : memref<416x512xf32, #tpu.memory_space<vmem>>, vector<1x512xf32>,
    %get3A_768 = arith.constant 1152 : index
    %get3A_769 = arith.constant 0 : index
    %get3A_770 = vector.load %arg2[%get3A_768, %get3A_769] : memref<1664x512xf32, #tpu.memory_space<vmem>>, vector<64x512xf32>
    %mul3A_771 = arith.mulf %get3A_591, %get3A_770 : vector<64x512xf32>
    %reduce_sum3A_772 = arith.constant dense<0.000000e+00> : vector<512xf32>
    %reduce_sum3A_773 = vector.multi_reduction <add>, %mul3A_771, %reduce_sum3A_772 [0] : vector<64x512xf32> to vector<512xf32>
    %swap3A_774 = arith.constant 131 : index
    %swap3A_775 = arith.constant 0 : index
    %swap3A_776 = vector.load %arg14[%swap3A_774, %swap3A_775] : memref<416x512xf32, #tpu.memory_space<vmem>>, vector<1x512xf32>
    %swap3A_777 = vector.shape_cast %swap3A_776 : vector<1x512xf32> to vector<512xf32>
    %swap3A_778 = vector.shape_cast %reduce_sum3A_773 : vector<512xf32> to vector<1x512xf32>
    tpu.vector_store %arg14[%swap3A_774, %swap3A_775], %swap3A_778 {strides = array<i32>} : memref<416x512xf32, #tpu.memory_space<vmem>>, vector<1x512xf32>,
    %get3A_779 = arith.constant 1216 : index
    %get3A_780 = arith.constant 0 : index
    %get3A_781 = vector.load %arg2[%get3A_779, %get3A_780] : memref<1664x512xf32, #tpu.memory_space<vmem>>, vector<64x512xf32>
    %mul3A_782 = arith.mulf %get3A_591, %get3A_781 : vector<64x512xf32>
    %reduce_sum3A_783 = arith.constant dense<0.000000e+00> : vector<512xf32>
    %reduce_sum3A_784 = vector.multi_reduction <add>, %mul3A_782, %reduce_sum3A_783 [0] : vector<64x512xf32> to vector<512xf32>
    %swap3A_785 = arith.constant 132 : index
    %swap3A_786 = arith.constant 0 : index
    %swap3A_787 = vector.load %arg14[%swap3A_785, %swap3A_786] : memref<416x512xf32, #tpu.memory_space<vmem>>, vector<1x512xf32>
    %swap3A_788 = vector.shape_cast %swap3A_787 : vector<1x512xf32> to vector<512xf32>
    %swap3A_789 = vector.shape_cast %reduce_sum3A_784 : vector<512xf32> to vector<1x512xf32>
    tpu.vector_store %arg14[%swap3A_785, %swap3A_786], %swap3A_789 {strides = array<i32>} : memref<416x512xf32, #tpu.memory_space<vmem>>, vector<1x512xf32>,
    %get3A_790 = arith.constant 1280 : index
    %get3A_791 = arith.constant 0 : index
    %get3A_792 = vector.load %arg2[%get3A_790, %get3A_791] : memref<1664x512xf32, #tpu.memory_space<vmem>>, vector<64x512xf32>
    %mul3A_793 = arith.mulf %get3A_591, %get3A_792 : vector<64x512xf32>
    %reduce_sum3A_794 = arith.constant dense<0.000000e+00> : vector<512xf32>
    %reduce_sum3A_795 = vector.multi_reduction <add>, %mul3A_793, %reduce_sum3A_794 [0] : vector<64x512xf32> to vector<512xf32>
    %swap3A_796 = arith.constant 133 : index
    %swap3A_797 = arith.constant 0 : index
    %swap3A_798 = vector.load %arg14[%swap3A_796, %swap3A_797] : memref<416x512xf32, #tpu.memory_space<vmem>>, vector<1x512xf32>
    %swap3A_799 = vector.shape_cast %swap3A_798 : vector<1x512xf32> to vector<512xf32>
    %swap3A_800 = vector.shape_cast %reduce_sum3A_795 : vector<512xf32> to vector<1x512xf32>
    tpu.vector_store %arg14[%swap3A_796, %swap3A_797], %swap3A_800 {strides = array<i32>} : memref<416x512xf32, #tpu.memory_space<vmem>>, vector<1x512xf32>,
    %get3A_801 = arith.constant 1344 : index
    %get3A_802 = arith.constant 0 : index
    %get3A_803 = vector.load %arg2[%get3A_801, %get3A_802] : memref<1664x512xf32, #tpu.memory_space<vmem>>, vector<64x512xf32>
    %mul3A_804 = arith.mulf %get3A_591, %get3A_803 : vector<64x512xf32>
    %reduce_sum3A_805 = arith.constant dense<0.000000e+00> : vector<512xf32>
    %reduce_sum3A_806 = vector.multi_reduction <add>, %mul3A_804, %reduce_sum3A_805 [0] : vector<64x512xf32> to vector<512xf32>
    %swap3A_807 = arith.constant 134 : index
    %swap3A_808 = arith.constant 0 : index
    %swap3A_809 = vector.load %arg14[%swap3A_807, %swap3A_808] : memref<416x512xf32, #tpu.memory_space<vmem>>, vector<1x512xf32>
    %swap3A_810 = vector.shape_cast %swap3A_809 : vector<1x512xf32> to vector<512xf32>
    %swap3A_811 = vector.shape_cast %reduce_sum3A_806 : vector<512xf32> to vector<1x512xf32>
    tpu.vector_store %arg14[%swap3A_807, %swap3A_808], %swap3A_811 {strides = array<i32>} : memref<416x512xf32, #tpu.memory_space<vmem>>, vector<1x512xf32>,
    %get3A_812 = arith.constant 1408 : index
    %get3A_813 = arith.constant 0 : index
    %get3A_814 = vector.load %arg2[%get3A_812, %get3A_813] : memref<1664x512xf32, #tpu.memory_space<vmem>>, vector<64x512xf32>
    %mul3A_815 = arith.mulf %get3A_591, %get3A_814 : vector<64x512xf32>
    %reduce_sum3A_816 = arith.constant dense<0.000000e+00> : vector<512xf32>
    %reduce_sum3A_817 = vector.multi_reduction <add>, %mul3A_815, %reduce_sum3A_816 [0] : vector<64x512xf32> to vector<512xf32>
    %swap3A_818 = arith.constant 135 : index
    %swap3A_819 = arith.constant 0 : index
    %swap3A_820 = vector.load %arg14[%swap3A_818, %swap3A_819] : memref<416x512xf32, #tpu.memory_space<vmem>>, vector<1x512xf32>
    %swap3A_821 = vector.shape_cast %swap3A_820 : vector<1x512xf32> to vector<512xf32>
    %swap3A_822 = vector.shape_cast %reduce_sum3A_817 : vector<512xf32> to vector<1x512xf32>
    tpu.vector_store %arg14[%swap3A_818, %swap3A_819], %swap3A_822 {strides = array<i32>} : memref<416x512xf32, #tpu.memory_space<vmem>>, vector<1x512xf32>,
    %get3A_823 = arith.constant 1472 : index
    %get3A_824 = arith.constant 0 : index
    %get3A_825 = vector.load %arg2[%get3A_823, %get3A_824] : memref<1664x512xf32, #tpu.memory_space<vmem>>, vector<64x512xf32>
    %mul3A_826 = arith.mulf %get3A_591, %get3A_825 : vector<64x512xf32>
    %reduce_sum3A_827 = arith.constant dense<0.000000e+00> : vector<512xf32>
    %reduce_sum3A_828 = vector.multi_reduction <add>, %mul3A_826, %reduce_sum3A_827 [0] : vector<64x512xf32> to vector<512xf32>
    %swap3A_829 = arith.constant 136 : index
    %swap3A_830 = arith.constant 0 : index
    %swap3A_831 = vector.load %arg14[%swap3A_829, %swap3A_830] : memref<416x512xf32, #tpu.memory_space<vmem>>, vector<1x512xf32>
    %swap3A_832 = vector.shape_cast %swap3A_831 : vector<1x512xf32> to vector<512xf32>
    %swap3A_833 = vector.shape_cast %reduce_sum3A_828 : vector<512xf32> to vector<1x512xf32>
    tpu.vector_store %arg14[%swap3A_829, %swap3A_830], %swap3A_833 {strides = array<i32>} : memref<416x512xf32, #tpu.memory_space<vmem>>, vector<1x512xf32>,
    %get3A_834 = arith.constant 1536 : index
    %get3A_835 = arith.constant 0 : index
    %get3A_836 = vector.load %arg2[%get3A_834, %get3A_835] : memref<1664x512xf32, #tpu.memory_space<vmem>>, vector<64x512xf32>
    %mul3A_837 = arith.mulf %get3A_591, %get3A_836 : vector<64x512xf32>
    %reduce_sum3A_838 = arith.constant dense<0.000000e+00> : vector<512xf32>
    %reduce_sum3A_839 = vector.multi_reduction <add>, %mul3A_837, %reduce_sum3A_838 [0] : vector<64x512xf32> to vector<512xf32>
    %swap3A_840 = arith.constant 137 : index
    %swap3A_841 = arith.constant 0 : index
    %swap3A_842 = vector.load %arg14[%swap3A_840, %swap3A_841] : memref<416x512xf32, #tpu.memory_space<vmem>>, vector<1x512xf32>
    %swap3A_843 = vector.shape_cast %swap3A_842 : vector<1x512xf32> to vector<512xf32>
    %swap3A_844 = vector.shape_cast %reduce_sum3A_839 : vector<512xf32> to vector<1x512xf32>
    tpu.vector_store %arg14[%swap3A_840, %swap3A_841], %swap3A_844 {strides = array<i32>} : memref<416x512xf32, #tpu.memory_space<vmem>>, vector<1x512xf32>,
    %get3A_845 = arith.constant 1600 : index
    %get3A_846 = arith.constant 0 : index
    %get3A_847 = vector.load %arg2[%get3A_845, %get3A_846] : memref<1664x512xf32, #tpu.memory_space<vmem>>, vector<64x512xf32>
    %mul3A_848 = arith.mulf %get3A_591, %get3A_847 : vector<64x512xf32>
    %reduce_sum3A_849 = arith.constant dense<0.000000e+00> : vector<512xf32>
    %reduce_sum3A_850 = vector.multi_reduction <add>, %mul3A_848, %reduce_sum3A_849 [0] : vector<64x512xf32> to vector<512xf32>
    %swap3A_851 = arith.constant 138 : index
    %swap3A_852 = arith.constant 0 : index
    %swap3A_853 = vector.load %arg14[%swap3A_851, %swap3A_852] : memref<416x512xf32, #tpu.memory_space<vmem>>, vector<1x512xf32>
    %swap3A_854 = vector.shape_cast %swap3A_853 : vector<1x512xf32> to vector<512xf32>
    %swap3A_855 = vector.shape_cast %reduce_sum3A_850 : vector<512xf32> to vector<1x512xf32>
    tpu.vector_store %arg14[%swap3A_851, %swap3A_852], %swap3A_855 {strides = array<i32>} : memref<416x512xf32, #tpu.memory_space<vmem>>, vector<1x512xf32>,
    %get3A_856 = arith.constant 128 : index
    %get3A_857 = arith.constant 0 : index
    %get3A_858 = vector.load %arg2[%get3A_856, %get3A_857] : memref<1664x512xf32, #tpu.memory_space<vmem>>, vector<64x512xf32>
    %get3A_859 = arith.constant 192 : index
    %get3A_860 = arith.constant 0 : index
    %get3A_861 = vector.load %arg2[%get3A_859, %get3A_860] : memref<1664x512xf32, #tpu.memory_space<vmem>>, vector<64x512xf32>
    %mul3A_862 = arith.mulf %get3A_858, %get3A_861 : vector<64x512xf32>
    %reduce_sum3A_863 = arith.constant dense<0.000000e+00> : vector<512xf32>
    %reduce_sum3A_864 = vector.multi_reduction <add>, %mul3A_862, %reduce_sum3A_863 [0] : vector<64x512xf32> to vector<512xf32>
    %swap3A_865 = arith.constant 139 : index
    %swap3A_866 = arith.constant 0 : index
    %swap3A_867 = vector.load %arg14[%swap3A_865, %swap3A_866] : memref<416x512xf32, #tpu.memory_space<vmem>>, vector<1x512xf32>
    %swap3A_868 = vector.shape_cast %swap3A_867 : vector<1x512xf32> to vector<512xf32>
    %swap3A_869 = vector.shape_cast %reduce_sum3A_864 : vector<512xf32> to vector<1x512xf32>
    tpu.vector_store %arg14[%swap3A_865, %swap3A_866], %swap3A_869 {strides = array<i32>} : memref<416x512xf32, #tpu.memory_space<vmem>>, vector<1x512xf32>,
    %get3A_870 = arith.constant 256 : index
    %get3A_871 = arith.constant 0 : index
    %get3A_872 = vector.load %arg2[%get3A_870, %get3A_871] : memref<1664x512xf32, #tpu.memory_space<vmem>>, vector<64x512xf32>
    %mul3A_873 = arith.mulf %get3A_858, %get3A_872 : vector<64x512xf32>
    %reduce_sum3A_874 = arith.constant dense<0.000000e+00> : vector<512xf32>
    %reduce_sum3A_875 = vector.multi_reduction <add>, %mul3A_873, %reduce_sum3A_874 [0] : vector<64x512xf32> to vector<512xf32>
    %swap3A_876 = arith.constant 140 : index
    %swap3A_877 = arith.constant 0 : index
    %swap3A_878 = vector.load %arg14[%swap3A_876, %swap3A_877] : memref<416x512xf32, #tpu.memory_space<vmem>>, vector<1x512xf32>
    %swap3A_879 = vector.shape_cast %swap3A_878 : vector<1x512xf32> to vector<512xf32>
    %swap3A_880 = vector.shape_cast %reduce_sum3A_875 : vector<512xf32> to vector<1x512xf32>
    tpu.vector_store %arg14[%swap3A_876, %swap3A_877], %swap3A_880 {strides = array<i32>} : memref<416x512xf32, #tpu.memory_space<vmem>>, vector<1x512xf32>,
    %get3A_881 = arith.constant 320 : index
    %get3A_882 = arith.constant 0 : index
    %get3A_883 = vector.load %arg2[%get3A_881, %get3A_882] : memref<1664x512xf32, #tpu.memory_space<vmem>>, vector<64x512xf32>
    %mul3A_884 = arith.mulf %get3A_858, %get3A_883 : vector<64x512xf32>
    %reduce_sum3A_885 = arith.constant dense<0.000000e+00> : vector<512xf32>
    %reduce_sum3A_886 = vector.multi_reduction <add>, %mul3A_884, %reduce_sum3A_885 [0] : vector<64x512xf32> to vector<512xf32>
    %swap3A_887 = arith.constant 141 : index
    %swap3A_888 = arith.constant 0 : index
    %swap3A_889 = vector.load %arg14[%swap3A_887, %swap3A_888] : memref<416x512xf32, #tpu.memory_space<vmem>>, vector<1x512xf32>
    %swap3A_890 = vector.shape_cast %swap3A_889 : vector<1x512xf32> to vector<512xf32>
    %swap3A_891 = vector.shape_cast %reduce_sum3A_886 : vector<512xf32> to vector<1x512xf32>
    tpu.vector_store %arg14[%swap3A_887, %swap3A_888], %swap3A_891 {strides = array<i32>} : memref<416x512xf32, #tpu.memory_space<vmem>>, vector<1x512xf32>,
    %get3A_892 = arith.constant 384 : index
    %get3A_893 = arith.constant 0 : index
    %get3A_894 = vector.load %arg2[%get3A_892, %get3A_893] : memref<1664x512xf32, #tpu.memory_space<vmem>>, vector<64x512xf32>
    %mul3A_895 = arith.mulf %get3A_858, %get3A_894 : vector<64x512xf32>
    %reduce_sum3A_896 = arith.constant dense<0.000000e+00> : vector<512xf32>
    %reduce_sum3A_897 = vector.multi_reduction <add>, %mul3A_895, %reduce_sum3A_896 [0] : vector<64x512xf32> to vector<512xf32>
    %swap3A_898 = arith.constant 142 : index
    %swap3A_899 = arith.constant 0 : index
    %swap3A_900 = vector.load %arg14[%swap3A_898, %swap3A_899] : memref<416x512xf32, #tpu.memory_space<vmem>>, vector<1x512xf32>
    %swap3A_901 = vector.shape_cast %swap3A_900 : vector<1x512xf32> to vector<512xf32>
    %swap3A_902 = vector.shape_cast %reduce_sum3A_897 : vector<512xf32> to vector<1x512xf32>
    tpu.vector_store %arg14[%swap3A_898, %swap3A_899], %swap3A_902 {strides = array<i32>} : memref<416x512xf32, #tpu.memory_space<vmem>>, vector<1x512xf32>,
    %get3A_903 = arith.constant 448 : index
    %get3A_904 = arith.constant 0 : index
    %get3A_905 = vector.load %arg2[%get3A_903, %get3A_904] : memref<1664x512xf32, #tpu.memory_space<vmem>>, vector<64x512xf32>
    %mul3A_906 = arith.mulf %get3A_858, %get3A_905 : vector<64x512xf32>
    %reduce_sum3A_907 = arith.constant dense<0.000000e+00> : vector<512xf32>
    %reduce_sum3A_908 = vector.multi_reduction <add>, %mul3A_906, %reduce_sum3A_907 [0] : vector<64x512xf32> to vector<512xf32>
    %swap3A_909 = arith.constant 143 : index
    %swap3A_910 = arith.constant 0 : index
    %swap3A_911 = vector.load %arg14[%swap3A_909, %swap3A_910] : memref<416x512xf32, #tpu.memory_space<vmem>>, vector<1x512xf32>
    %swap3A_912 = vector.shape_cast %swap3A_911 : vector<1x512xf32> to vector<512xf32>
    %swap3A_913 = vector.shape_cast %reduce_sum3A_908 : vector<512xf32> to vector<1x512xf32>
    tpu.vector_store %arg14[%swap3A_909, %swap3A_910], %swap3A_913 {strides = array<i32>} : memref<416x512xf32, #tpu.memory_space<vmem>>, vector<1x512xf32>,
    %get3A_914 = arith.constant 512 : index
    %get3A_915 = arith.constant 0 : index
    %get3A_916 = vector.load %arg2[%get3A_914, %get3A_915] : memref<1664x512xf32, #tpu.memory_space<vmem>>, vector<64x512xf32>
    %mul3A_917 = arith.mulf %get3A_858, %get3A_916 : vector<64x512xf32>
    %reduce_sum3A_918 = arith.constant dense<0.000000e+00> : vector<512xf32>
    %reduce_sum3A_919 = vector.multi_reduction <add>, %mul3A_917, %reduce_sum3A_918 [0] : vector<64x512xf32> to vector<512xf32>
    %swap3A_920 = arith.constant 144 : index
    %swap3A_921 = arith.constant 0 : index
    %swap3A_922 = vector.load %arg14[%swap3A_920, %swap3A_921] : memref<416x512xf32, #tpu.memory_space<vmem>>, vector<1x512xf32>
    %swap3A_923 = vector.shape_cast %swap3A_922 : vector<1x512xf32> to vector<512xf32>
    %swap3A_924 = vector.shape_cast %reduce_sum3A_919 : vector<512xf32> to vector<1x512xf32>
    tpu.vector_store %arg14[%swap3A_920, %swap3A_921], %swap3A_924 {strides = array<i32>} : memref<416x512xf32, #tpu.memory_space<vmem>>, vector<1x512xf32>,
    %get3A_925 = arith.constant 576 : index
    %get3A_926 = arith.constant 0 : index
    %get3A_927 = vector.load %arg2[%get3A_925, %get3A_926] : memref<1664x512xf32, #tpu.memory_space<vmem>>, vector<64x512xf32>
    %mul3A_928 = arith.mulf %get3A_858, %get3A_927 : vector<64x512xf32>
    %reduce_sum3A_929 = arith.constant dense<0.000000e+00> : vector<512xf32>
    %reduce_sum3A_930 = vector.multi_reduction <add>, %mul3A_928, %reduce_sum3A_929 [0] : vector<64x512xf32> to vector<512xf32>
    %swap3A_931 = arith.constant 145 : index
    %swap3A_932 = arith.constant 0 : index
    %swap3A_933 = vector.load %arg14[%swap3A_931, %swap3A_932] : memref<416x512xf32, #tpu.memory_space<vmem>>, vector<1x512xf32>
    %swap3A_934 = vector.shape_cast %swap3A_933 : vector<1x512xf32> to vector<512xf32>
    %swap3A_935 = vector.shape_cast %reduce_sum3A_930 : vector<512xf32> to vector<1x512xf32>
    tpu.vector_store %arg14[%swap3A_931, %swap3A_932], %swap3A_935 {strides = array<i32>} : memref<416x512xf32, #tpu.memory_space<vmem>>, vector<1x512xf32>,
    %get3A_936 = arith.constant 640 : index
    %get3A_937 = arith.constant 0 : index
    %get3A_938 = vector.load %arg2[%get3A_936, %get3A_937] : memref<1664x512xf32, #tpu.memory_space<vmem>>, vector<64x512xf32>
    %mul3A_939 = arith.mulf %get3A_858, %get3A_938 : vector<64x512xf32>
    %reduce_sum3A_940 = arith.constant dense<0.000000e+00> : vector<512xf32>
    %reduce_sum3A_941 = vector.multi_reduction <add>, %mul3A_939, %reduce_sum3A_940 [0] : vector<64x512xf32> to vector<512xf32>
    %swap3A_942 = arith.constant 146 : index
    %swap3A_943 = arith.constant 0 : index
    %swap3A_944 = vector.load %arg14[%swap3A_942, %swap3A_943] : memref<416x512xf32, #tpu.memory_space<vmem>>, vector<1x512xf32>
    %swap3A_945 = vector.shape_cast %swap3A_944 : vector<1x512xf32> to vector<512xf32>
    %swap3A_946 = vector.shape_cast %reduce_sum3A_941 : vector<512xf32> to vector<1x512xf32>
    tpu.vector_store %arg14[%swap3A_942, %swap3A_943], %swap3A_946 {strides = array<i32>} : memref<416x512xf32, #tpu.memory_space<vmem>>, vector<1x512xf32>,
    %get3A_947 = arith.constant 704 : index
    %get3A_948 = arith.constant 0 : index
    %get3A_949 = vector.load %arg2[%get3A_947, %get3A_948] : memref<1664x512xf32, #tpu.memory_space<vmem>>, vector<64x512xf32>
    %mul3A_950 = arith.mulf %get3A_858, %get3A_949 : vector<64x512xf32>
    %reduce_sum3A_951 = arith.constant dense<0.000000e+00> : vector<512xf32>
    %reduce_sum3A_952 = vector.multi_reduction <add>, %mul3A_950, %reduce_sum3A_951 [0] : vector<64x512xf32> to vector<512xf32>
    %swap3A_953 = arith.constant 147 : index
    %swap3A_954 = arith.constant 0 : index
    %swap3A_955 = vector.load %arg14[%swap3A_953, %swap3A_954] : memref<416x512xf32, #tpu.memory_space<vmem>>, vector<1x512xf32>
    %swap3A_956 = vector.shape_cast %swap3A_955 : vector<1x512xf32> to vector<512xf32>
    %swap3A_957 = vector.shape_cast %reduce_sum3A_952 : vector<512xf32> to vector<1x512xf32>
    tpu.vector_store %arg14[%swap3A_953, %swap3A_954], %swap3A_957 {strides = array<i32>} : memref<416x512xf32, #tpu.memory_space<vmem>>, vector<1x512xf32>,
    %get3A_958 = arith.constant 768 : index
    %get3A_959 = arith.constant 0 : index
    %get3A_960 = vector.load %arg2[%get3A_958, %get3A_959] : memref<1664x512xf32, #tpu.memory_space<vmem>>, vector<64x512xf32>
    %mul3A_961 = arith.mulf %get3A_858, %get3A_960 : vector<64x512xf32>
    %reduce_sum3A_962 = arith.constant dense<0.000000e+00> : vector<512xf32>
    %reduce_sum3A_963 = vector.multi_reduction <add>, %mul3A_961, %reduce_sum3A_962 [0] : vector<64x512xf32> to vector<512xf32>
    %swap3A_964 = arith.constant 148 : index
    %swap3A_965 = arith.constant 0 : index
    %swap3A_966 = vector.load %arg14[%swap3A_964, %swap3A_965] : memref<416x512xf32, #tpu.memory_space<vmem>>, vector<1x512xf32>
    %swap3A_967 = vector.shape_cast %swap3A_966 : vector<1x512xf32> to vector<512xf32>
    %swap3A_968 = vector.shape_cast %reduce_sum3A_963 : vector<512xf32> to vector<1x512xf32>
    tpu.vector_store %arg14[%swap3A_964, %swap3A_965], %swap3A_968 {strides = array<i32>} : memref<416x512xf32, #tpu.memory_space<vmem>>, vector<1x512xf32>,
    %get3A_969 = arith.constant 832 : index
    %get3A_970 = arith.constant 0 : index
    %get3A_971 = vector.load %arg2[%get3A_969, %get3A_970] : memref<1664x512xf32, #tpu.memory_space<vmem>>, vector<64x512xf32>
    %mul3A_972 = arith.mulf %get3A_858, %get3A_971 : vector<64x512xf32>
    %reduce_sum3A_973 = arith.constant dense<0.000000e+00> : vector<512xf32>
    %reduce_sum3A_974 = vector.multi_reduction <add>, %mul3A_972, %reduce_sum3A_973 [0] : vector<64x512xf32> to vector<512xf32>
    %swap3A_975 = arith.constant 149 : index
    %swap3A_976 = arith.constant 0 : index
    %swap3A_977 = vector.load %arg14[%swap3A_975, %swap3A_976] : memref<416x512xf32, #tpu.memory_space<vmem>>, vector<1x512xf32>
    %swap3A_978 = vector.shape_cast %swap3A_977 : vector<1x512xf32> to vector<512xf32>
    %swap3A_979 = vector.shape_cast %reduce_sum3A_974 : vector<512xf32> to vector<1x512xf32>
    tpu.vector_store %arg14[%swap3A_975, %swap3A_976], %swap3A_979 {strides = array<i32>} : memref<416x512xf32, #tpu.memory_space<vmem>>, vector<1x512xf32>,
    %get3A_980 = arith.constant 896 : index
    %get3A_981 = arith.constant 0 : index
    %get3A_982 = vector.load %arg2[%get3A_980, %get3A_981] : memref<1664x512xf32, #tpu.memory_space<vmem>>, vector<64x512xf32>
    %mul3A_983 = arith.mulf %get3A_858, %get3A_982 : vector<64x512xf32>
    %reduce_sum3A_984 = arith.constant dense<0.000000e+00> : vector<512xf32>
    %reduce_sum3A_985 = vector.multi_reduction <add>, %mul3A_983, %reduce_sum3A_984 [0] : vector<64x512xf32> to vector<512xf32>
    %swap3A_986 = arith.constant 150 : index
    %swap3A_987 = arith.constant 0 : index
    %swap3A_988 = vector.load %arg14[%swap3A_986, %swap3A_987] : memref<416x512xf32, #tpu.memory_space<vmem>>, vector<1x512xf32>
    %swap3A_989 = vector.shape_cast %swap3A_988 : vector<1x512xf32> to vector<512xf32>
    %swap3A_990 = vector.shape_cast %reduce_sum3A_985 : vector<512xf32> to vector<1x512xf32>
    tpu.vector_store %arg14[%swap3A_986, %swap3A_987], %swap3A_990 {strides = array<i32>} : memref<416x512xf32, #tpu.memory_space<vmem>>, vector<1x512xf32>,
    %get3A_991 = arith.constant 960 : index
    %get3A_992 = arith.constant 0 : index
    %get3A_993 = vector.load %arg2[%get3A_991, %get3A_992] : memref<1664x512xf32, #tpu.memory_space<vmem>>, vector<64x512xf32>
    %mul3A_994 = arith.mulf %get3A_858, %get3A_993 : vector<64x512xf32>
    %reduce_sum3A_995 = arith.constant dense<0.000000e+00> : vector<512xf32>
    %reduce_sum3A_996 = vector.multi_reduction <add>, %mul3A_994, %reduce_sum3A_995 [0] : vector<64x512xf32> to vector<512xf32>
    %swap3A_997 = arith.constant 151 : index
    %swap3A_998 = arith.constant 0 : index
    %swap3A_999 = vector.load %arg14[%swap3A_997, %swap3A_998] : memref<416x512xf32, #tpu.memory_space<vmem>>, vector<1x512xf32>
    %swap3A_1000 = vector.shape_cast %swap3A_999 : vector<1x512xf32> to vector<512xf32>
    %swap3A_1001 = vector.shape_cast %reduce_sum3A_996 : vector<512xf32> to vector<1x512xf32>
    tpu.vector_store %arg14[%swap3A_997, %swap3A_998], %swap3A_1001 {strides = array<i32>} : memref<416x512xf32, #tpu.memory_space<vmem>>, vector<1x512xf32>,
    %get3A_1002 = arith.constant 1024 : index
    %get3A_1003 = arith.constant 0 : index
    %get3A_1004 = vector.load %arg2[%get3A_1002, %get3A_1003] : memref<1664x512xf32, #tpu.memory_space<vmem>>, vector<64x512xf32>
    %mul3A_1005 = arith.mulf %get3A_858, %get3A_1004 : vector<64x512xf32>
    %reduce_sum3A_1006 = arith.constant dense<0.000000e+00> : vector<512xf32>
    %reduce_sum3A_1007 = vector.multi_reduction <add>, %mul3A_1005, %reduce_sum3A_1006 [0] : vector<64x512xf32> to vector<512xf32>
    %swap3A_1008 = arith.constant 152 : index
    %swap3A_1009 = arith.constant 0 : index
    %swap3A_1010 = vector.load %arg14[%swap3A_1008, %swap3A_1009] : memref<416x512xf32, #tpu.memory_space<vmem>>, vector<1x512xf32>
    %swap3A_1011 = vector.shape_cast %swap3A_1010 : vector<1x512xf32> to vector<512xf32>
    %swap3A_1012 = vector.shape_cast %reduce_sum3A_1007 : vector<512xf32> to vector<1x512xf32>
    tpu.vector_store %arg14[%swap3A_1008, %swap3A_1009], %swap3A_1012 {strides = array<i32>} : memref<416x512xf32, #tpu.memory_space<vmem>>, vector<1x512xf32>,
    %get3A_1013 = arith.constant 1088 : index
    %get3A_1014 = arith.constant 0 : index
    %get3A_1015 = vector.load %arg2[%get3A_1013, %get3A_1014] : memref<1664x512xf32, #tpu.memory_space<vmem>>, vector<64x512xf32>
    %mul3A_1016 = arith.mulf %get3A_858, %get3A_1015 : vector<64x512xf32>
    %reduce_sum3A_1017 = arith.constant dense<0.000000e+00> : vector<512xf32>
    %reduce_sum3A_1018 = vector.multi_reduction <add>, %mul3A_1016, %reduce_sum3A_1017 [0] : vector<64x512xf32> to vector<512xf32>
    %swap3A_1019 = arith.constant 153 : index
    %swap3A_1020 = arith.constant 0 : index
    %swap3A_1021 = vector.load %arg14[%swap3A_1019, %swap3A_1020] : memref<416x512xf32, #tpu.memory_space<vmem>>, vector<1x512xf32>
    %swap3A_1022 = vector.shape_cast %swap3A_1021 : vector<1x512xf32> to vector<512xf32>
    %swap3A_1023 = vector.shape_cast %reduce_sum3A_1018 : vector<512xf32> to vector<1x512xf32>
    tpu.vector_store %arg14[%swap3A_1019, %swap3A_1020], %swap3A_1023 {strides = array<i32>} : memref<416x512xf32, #tpu.memory_space<vmem>>, vector<1x512xf32>,
    %get3A_1024 = arith.constant 1152 : index
    %get3A_1025 = arith.constant 0 : index
    %get3A_1026 = vector.load %arg2[%get3A_1024, %get3A_1025] : memref<1664x512xf32, #tpu.memory_space<vmem>>, vector<64x512xf32>
    %mul3A_1027 = arith.mulf %get3A_858, %get3A_1026 : vector<64x512xf32>
    %reduce_sum3A_1028 = arith.constant dense<0.000000e+00> : vector<512xf32>
    %reduce_sum3A_1029 = vector.multi_reduction <add>, %mul3A_1027, %reduce_sum3A_1028 [0] : vector<64x512xf32> to vector<512xf32>
    %swap3A_1030 = arith.constant 154 : index
    %swap3A_1031 = arith.constant 0 : index
    %swap3A_1032 = vector.load %arg14[%swap3A_1030, %swap3A_1031] : memref<416x512xf32, #tpu.memory_space<vmem>>, vector<1x512xf32>
    %swap3A_1033 = vector.shape_cast %swap3A_1032 : vector<1x512xf32> to vector<512xf32>
    %swap3A_1034 = vector.shape_cast %reduce_sum3A_1029 : vector<512xf32> to vector<1x512xf32>
    tpu.vector_store %arg14[%swap3A_1030, %swap3A_1031], %swap3A_1034 {strides = array<i32>} : memref<416x512xf32, #tpu.memory_space<vmem>>, vector<1x512xf32>,
    %get3A_1035 = arith.constant 1216 : index
    %get3A_1036 = arith.constant 0 : index
    %get3A_1037 = vector.load %arg2[%get3A_1035, %get3A_1036] : memref<1664x512xf32, #tpu.memory_space<vmem>>, vector<64x512xf32>
    %mul3A_1038 = arith.mulf %get3A_858, %get3A_1037 : vector<64x512xf32>
    %reduce_sum3A_1039 = arith.constant dense<0.000000e+00> : vector<512xf32>
    %reduce_sum3A_1040 = vector.multi_reduction <add>, %mul3A_1038, %reduce_sum3A_1039 [0] : vector<64x512xf32> to vector<512xf32>
    %swap3A_1041 = arith.constant 155 : index
    %swap3A_1042 = arith.constant 0 : index
    %swap3A_1043 = vector.load %arg14[%swap3A_1041, %swap3A_1042] : memref<416x512xf32, #tpu.memory_space<vmem>>, vector<1x512xf32>
    %swap3A_1044 = vector.shape_cast %swap3A_1043 : vector<1x512xf32> to vector<512xf32>
    %swap3A_1045 = vector.shape_cast %reduce_sum3A_1040 : vector<512xf32> to vector<1x512xf32>
    tpu.vector_store %arg14[%swap3A_1041, %swap3A_1042], %swap3A_1045 {strides = array<i32>} : memref<416x512xf32, #tpu.memory_space<vmem>>, vector<1x512xf32>,
    %get3A_1046 = arith.constant 1280 : index
    %get3A_1047 = arith.constant 0 : index
    %get3A_1048 = vector.load %arg2[%get3A_1046, %get3A_1047] : memref<1664x512xf32, #tpu.memory_space<vmem>>, vector<64x512xf32>
    %mul3A_1049 = arith.mulf %get3A_858, %get3A_1048 : vector<64x512xf32>
    %reduce_sum3A_1050 = arith.constant dense<0.000000e+00> : vector<512xf32>
    %reduce_sum3A_1051 = vector.multi_reduction <add>, %mul3A_1049, %reduce_sum3A_1050 [0] : vector<64x512xf32> to vector<512xf32>
    %swap3A_1052 = arith.constant 156 : index
    %swap3A_1053 = arith.constant 0 : index
    %swap3A_1054 = vector.load %arg14[%swap3A_1052, %swap3A_1053] : memref<416x512xf32, #tpu.memory_space<vmem>>, vector<1x512xf32>
    %swap3A_1055 = vector.shape_cast %swap3A_1054 : vector<1x512xf32> to vector<512xf32>
    %swap3A_1056 = vector.shape_cast %reduce_sum3A_1051 : vector<512xf32> to vector<1x512xf32>
    tpu.vector_store %arg14[%swap3A_1052, %swap3A_1053], %swap3A_1056 {strides = array<i32>} : memref<416x512xf32, #tpu.memory_space<vmem>>, vector<1x512xf32>,
    %get3A_1057 = arith.constant 1344 : index
    %get3A_1058 = arith.constant 0 : index
    %get3A_1059 = vector.load %arg2[%get3A_1057, %get3A_1058] : memref<1664x512xf32, #tpu.memory_space<vmem>>, vector<64x512xf32>
    %mul3A_1060 = arith.mulf %get3A_858, %get3A_1059 : vector<64x512xf32>
    %reduce_sum3A_1061 = arith.constant dense<0.000000e+00> : vector<512xf32>
    %reduce_sum3A_1062 = vector.multi_reduction <add>, %mul3A_1060, %reduce_sum3A_1061 [0] : vector<64x512xf32> to vector<512xf32>
    %swap3A_1063 = arith.constant 157 : index
    %swap3A_1064 = arith.constant 0 : index
    %swap3A_1065 = vector.load %arg14[%swap3A_1063, %swap3A_1064] : memref<416x512xf32, #tpu.memory_space<vmem>>, vector<1x512xf32>
    %swap3A_1066 = vector.shape_cast %swap3A_1065 : vector<1x512xf32> to vector<512xf32>
    %swap3A_1067 = vector.shape_cast %reduce_sum3A_1062 : vector<512xf32> to vector<1x512xf32>
    tpu.vector_store %arg14[%swap3A_1063, %swap3A_1064], %swap3A_1067 {strides = array<i32>} : memref<416x512xf32, #tpu.memory_space<vmem>>, vector<1x512xf32>,
    %get3A_1068 = arith.constant 1408 : index
    %get3A_1069 = arith.constant 0 : index
    %get3A_1070 = vector.load %arg2[%get3A_1068, %get3A_1069] : memref<1664x512xf32, #tpu.memory_space<vmem>>, vector<64x512xf32>
    %mul3A_1071 = arith.mulf %get3A_858, %get3A_1070 : vector<64x512xf32>
    %reduce_sum3A_1072 = arith.constant dense<0.000000e+00> : vector<512xf32>
    %reduce_sum3A_1073 = vector.multi_reduction <add>, %mul3A_1071, %reduce_sum3A_1072 [0] : vector<64x512xf32> to vector<512xf32>
    %swap3A_1074 = arith.constant 158 : index
    %swap3A_1075 = arith.constant 0 : index
    %swap3A_1076 = vector.load %arg14[%swap3A_1074, %swap3A_1075] : memref<416x512xf32, #tpu.memory_space<vmem>>, vector<1x512xf32>
    %swap3A_1077 = vector.shape_cast %swap3A_1076 : vector<1x512xf32> to vector<512xf32>
    %swap3A_1078 = vector.shape_cast %reduce_sum3A_1073 : vector<512xf32> to vector<1x512xf32>
    tpu.vector_store %arg14[%swap3A_1074, %swap3A_1075], %swap3A_1078 {strides = array<i32>} : memref<416x512xf32, #tpu.memory_space<vmem>>, vector<1x512xf32>,
    %get3A_1079 = arith.constant 1472 : index
    %get3A_1080 = arith.constant 0 : index
    %get3A_1081 = vector.load %arg2[%get3A_1079, %get3A_1080] : memref<1664x512xf32, #tpu.memory_space<vmem>>, vector<64x512xf32>
    %mul3A_1082 = arith.mulf %get3A_858, %get3A_1081 : vector<64x512xf32>
    %reduce_sum3A_1083 = arith.constant dense<0.000000e+00> : vector<512xf32>
    %reduce_sum3A_1084 = vector.multi_reduction <add>, %mul3A_1082, %reduce_sum3A_1083 [0] : vector<64x512xf32> to vector<512xf32>
    %swap3A_1085 = arith.constant 159 : index
    %swap3A_1086 = arith.constant 0 : index
    %swap3A_1087 = vector.load %arg14[%swap3A_1085, %swap3A_1086] : memref<416x512xf32, #tpu.memory_space<vmem>>, vector<1x512xf32>
    %swap3A_1088 = vector.shape_cast %swap3A_1087 : vector<1x512xf32> to vector<512xf32>
    %swap3A_1089 = vector.shape_cast %reduce_sum3A_1084 : vector<512xf32> to vector<1x512xf32>
    tpu.vector_store %arg14[%swap3A_1085, %swap3A_1086], %swap3A_1089 {strides = array<i32>} : memref<416x512xf32, #tpu.memory_space<vmem>>, vector<1x512xf32>,
    %get3A_1090 = arith.constant 1536 : index
    %get3A_1091 = arith.constant 0 : index
    %get3A_1092 = vector.load %arg2[%get3A_1090, %get3A_1091] : memref<1664x512xf32, #tpu.memory_space<vmem>>, vector<64x512xf32>
    %mul3A_1093 = arith.mulf %get3A_858, %get3A_1092 : vector<64x512xf32>
    %reduce_sum3A_1094 = arith.constant dense<0.000000e+00> : vector<512xf32>
    %reduce_sum3A_1095 = vector.multi_reduction <add>, %mul3A_1093, %reduce_sum3A_1094 [0] : vector<64x512xf32> to vector<512xf32>
    %swap3A_1096 = arith.constant 160 : index
    %swap3A_1097 = arith.constant 0 : index
    %swap3A_1098 = vector.load %arg14[%swap3A_1096, %swap3A_1097] : memref<416x512xf32, #tpu.memory_space<vmem>>, vector<1x512xf32>
    %swap3A_1099 = vector.shape_cast %swap3A_1098 : vector<1x512xf32> to vector<512xf32>
    %swap3A_1100 = vector.shape_cast %reduce_sum3A_1095 : vector<512xf32> to vector<1x512xf32>
    tpu.vector_store %arg14[%swap3A_1096, %swap3A_1097], %swap3A_1100 {strides = array<i32>} : memref<416x512xf32, #tpu.memory_space<vmem>>, vector<1x512xf32>,
    %get3A_1101 = arith.constant 1600 : index
    %get3A_1102 = arith.constant 0 : index
    %get3A_1103 = vector.load %arg2[%get3A_1101, %get3A_1102] : memref<1664x512xf32, #tpu.memory_space<vmem>>, vector<64x512xf32>
    %mul3A_1104 = arith.mulf %get3A_858, %get3A_1103 : vector<64x512xf32>
    %reduce_sum3A_1105 = arith.constant dense<0.000000e+00> : vector<512xf32>
    %reduce_sum3A_1106 = vector.multi_reduction <add>, %mul3A_1104, %reduce_sum3A_1105 [0] : vector<64x512xf32> to vector<512xf32>
    %swap3A_1107 = arith.constant 161 : index
    %swap3A_1108 = arith.constant 0 : index
    %swap3A_1109 = vector.load %arg14[%swap3A_1107, %swap3A_1108] : memref<416x512xf32, #tpu.memory_space<vmem>>, vector<1x512xf32>
    %swap3A_1110 = vector.shape_cast %swap3A_1109 : vector<1x512xf32> to vector<512xf32>
    %swap3A_1111 = vector.shape_cast %reduce_sum3A_1106 : vector<512xf32> to vector<1x512xf32>
    tpu.vector_store %arg14[%swap3A_1107, %swap3A_1108], %swap3A_1111 {strides = array<i32>} : memref<416x512xf32, #tpu.memory_space<vmem>>, vector<1x512xf32>,
    %get3A_1112 = arith.constant 192 : index
    %get3A_1113 = arith.constant 0 : index
    %get3A_1114 = vector.load %arg2[%get3A_1112, %get3A_1113] : memref<1664x512xf32, #tpu.memory_space<vmem>>, vector<64x512xf32>
    %get3A_1115 = arith.constant 256 : index
    %get3A_1116 = arith.constant 0 : index
    %get3A_1117 = vector.load %arg2[%get3A_1115, %get3A_1116] : memref<1664x512xf32, #tpu.memory_space<vmem>>, vector<64x512xf32>
    %mul3A_1118 = arith.mulf %get3A_1114, %get3A_1117 : vector<64x512xf32>
    %reduce_sum3A_1119 = arith.constant dense<0.000000e+00> : vector<512xf32>
    %reduce_sum3A_1120 = vector.multi_reduction <add>, %mul3A_1118, %reduce_sum3A_1119 [0] : vector<64x512xf32> to vector<512xf32>
    %swap3A_1121 = arith.constant 162 : index
    %swap3A_1122 = arith.constant 0 : index
    %swap3A_1123 = vector.load %arg14[%swap3A_1121, %swap3A_1122] : memref<416x512xf32, #tpu.memory_space<vmem>>, vector<1x512xf32>
    %swap3A_1124 = vector.shape_cast %swap3A_1123 : vector<1x512xf32> to vector<512xf32>
    %swap3A_1125 = vector.shape_cast %reduce_sum3A_1120 : vector<512xf32> to vector<1x512xf32>
    tpu.vector_store %arg14[%swap3A_1121, %swap3A_1122], %swap3A_1125 {strides = array<i32>} : memref<416x512xf32, #tpu.memory_space<vmem>>, vector<1x512xf32>,
    %get3A_1126 = arith.constant 320 : index
    %get3A_1127 = arith.constant 0 : index
    %get3A_1128 = vector.load %arg2[%get3A_1126, %get3A_1127] : memref<1664x512xf32, #tpu.memory_space<vmem>>, vector<64x512xf32>
    %mul3A_1129 = arith.mulf %get3A_1114, %get3A_1128 : vector<64x512xf32>
    %reduce_sum3A_1130 = arith.constant dense<0.000000e+00> : vector<512xf32>
    %reduce_sum3A_1131 = vector.multi_reduction <add>, %mul3A_1129, %reduce_sum3A_1130 [0] : vector<64x512xf32> to vector<512xf32>
    %swap3A_1132 = arith.constant 163 : index
    %swap3A_1133 = arith.constant 0 : index
    %swap3A_1134 = vector.load %arg14[%swap3A_1132, %swap3A_1133] : memref<416x512xf32, #tpu.memory_space<vmem>>, vector<1x512xf32>
    %swap3A_1135 = vector.shape_cast %swap3A_1134 : vector<1x512xf32> to vector<512xf32>
    %swap3A_1136 = vector.shape_cast %reduce_sum3A_1131 : vector<512xf32> to vector<1x512xf32>
    tpu.vector_store %arg14[%swap3A_1132, %swap3A_1133], %swap3A_1136 {strides = array<i32>} : memref<416x512xf32, #tpu.memory_space<vmem>>, vector<1x512xf32>,
    %get3A_1137 = arith.constant 384 : index
    %get3A_1138 = arith.constant 0 : index
    %get3A_1139 = vector.load %arg2[%get3A_1137, %get3A_1138] : memref<1664x512xf32, #tpu.memory_space<vmem>>, vector<64x512xf32>
    %mul3A_1140 = arith.mulf %get3A_1114, %get3A_1139 : vector<64x512xf32>
    %reduce_sum3A_1141 = arith.constant dense<0.000000e+00> : vector<512xf32>
    %reduce_sum3A_1142 = vector.multi_reduction <add>, %mul3A_1140, %reduce_sum3A_1141 [0] : vector<64x512xf32> to vector<512xf32>
    %swap3A_1143 = arith.constant 164 : index
    %swap3A_1144 = arith.constant 0 : index
    %swap3A_1145 = vector.load %arg14[%swap3A_1143, %swap3A_1144] : memref<416x512xf32, #tpu.memory_space<vmem>>, vector<1x512xf32>
    %swap3A_1146 = vector.shape_cast %swap3A_1145 : vector<1x512xf32> to vector<512xf32>
    %swap3A_1147 = vector.shape_cast %reduce_sum3A_1142 : vector<512xf32> to vector<1x512xf32>
    tpu.vector_store %arg14[%swap3A_1143, %swap3A_1144], %swap3A_1147 {strides = array<i32>} : memref<416x512xf32, #tpu.memory_space<vmem>>, vector<1x512xf32>,
    %get3A_1148 = arith.constant 448 : index
    %get3A_1149 = arith.constant 0 : index
    %get3A_1150 = vector.load %arg2[%get3A_1148, %get3A_1149] : memref<1664x512xf32, #tpu.memory_space<vmem>>, vector<64x512xf32>
    %mul3A_1151 = arith.mulf %get3A_1114, %get3A_1150 : vector<64x512xf32>
    %reduce_sum3A_1152 = arith.constant dense<0.000000e+00> : vector<512xf32>
    %reduce_sum3A_1153 = vector.multi_reduction <add>, %mul3A_1151, %reduce_sum3A_1152 [0] : vector<64x512xf32> to vector<512xf32>
    %swap3A_1154 = arith.constant 165 : index
    %swap3A_1155 = arith.constant 0 : index
    %swap3A_1156 = vector.load %arg14[%swap3A_1154, %swap3A_1155] : memref<416x512xf32, #tpu.memory_space<vmem>>, vector<1x512xf32>
    %swap3A_1157 = vector.shape_cast %swap3A_1156 : vector<1x512xf32> to vector<512xf32>
    %swap3A_1158 = vector.shape_cast %reduce_sum3A_1153 : vector<512xf32> to vector<1x512xf32>
    tpu.vector_store %arg14[%swap3A_1154, %swap3A_1155], %swap3A_1158 {strides = array<i32>} : memref<416x512xf32, #tpu.memory_space<vmem>>, vector<1x512xf32>,
    %get3A_1159 = arith.constant 512 : index
    %get3A_1160 = arith.constant 0 : index
    %get3A_1161 = vector.load %arg2[%get3A_1159, %get3A_1160] : memref<1664x512xf32, #tpu.memory_space<vmem>>, vector<64x512xf32>
    %mul3A_1162 = arith.mulf %get3A_1114, %get3A_1161 : vector<64x512xf32>
    %reduce_sum3A_1163 = arith.constant dense<0.000000e+00> : vector<512xf32>
    %reduce_sum3A_1164 = vector.multi_reduction <add>, %mul3A_1162, %reduce_sum3A_1163 [0] : vector<64x512xf32> to vector<512xf32>
    %swap3A_1165 = arith.constant 166 : index
    %swap3A_1166 = arith.constant 0 : index
    %swap3A_1167 = vector.load %arg14[%swap3A_1165, %swap3A_1166] : memref<416x512xf32, #tpu.memory_space<vmem>>, vector<1x512xf32>
    %swap3A_1168 = vector.shape_cast %swap3A_1167 : vector<1x512xf32> to vector<512xf32>
    %swap3A_1169 = vector.shape_cast %reduce_sum3A_1164 : vector<512xf32> to vector<1x512xf32>
    tpu.vector_store %arg14[%swap3A_1165, %swap3A_1166], %swap3A_1169 {strides = array<i32>} : memref<416x512xf32, #tpu.memory_space<vmem>>, vector<1x512xf32>,
    %get3A_1170 = arith.constant 576 : index
    %get3A_1171 = arith.constant 0 : index
    %get3A_1172 = vector.load %arg2[%get3A_1170, %get3A_1171] : memref<1664x512xf32, #tpu.memory_space<vmem>>, vector<64x512xf32>
    %mul3A_1173 = arith.mulf %get3A_1114, %get3A_1172 : vector<64x512xf32>
    %reduce_sum3A_1174 = arith.constant dense<0.000000e+00> : vector<512xf32>
    %reduce_sum3A_1175 = vector.multi_reduction <add>, %mul3A_1173, %reduce_sum3A_1174 [0] : vector<64x512xf32> to vector<512xf32>
    %swap3A_1176 = arith.constant 167 : index
    %swap3A_1177 = arith.constant 0 : index
    %swap3A_1178 = vector.load %arg14[%swap3A_1176, %swap3A_1177] : memref<416x512xf32, #tpu.memory_space<vmem>>, vector<1x512xf32>
    %swap3A_1179 = vector.shape_cast %swap3A_1178 : vector<1x512xf32> to vector<512xf32>
    %swap3A_1180 = vector.shape_cast %reduce_sum3A_1175 : vector<512xf32> to vector<1x512xf32>
    tpu.vector_store %arg14[%swap3A_1176, %swap3A_1177], %swap3A_1180 {strides = array<i32>} : memref<416x512xf32, #tpu.memory_space<vmem>>, vector<1x512xf32>,
    %get3A_1181 = arith.constant 640 : index
    %get3A_1182 = arith.constant 0 : index
    %get3A_1183 = vector.load %arg2[%get3A_1181, %get3A_1182] : memref<1664x512xf32, #tpu.memory_space<vmem>>, vector<64x512xf32>
    %mul3A_1184 = arith.mulf %get3A_1114, %get3A_1183 : vector<64x512xf32>
    %reduce_sum3A_1185 = arith.constant dense<0.000000e+00> : vector<512xf32>
    %reduce_sum3A_1186 = vector.multi_reduction <add>, %mul3A_1184, %reduce_sum3A_1185 [0] : vector<64x512xf32> to vector<512xf32>
    %swap3A_1187 = arith.constant 168 : index
    %swap3A_1188 = arith.constant 0 : index
    %swap3A_1189 = vector.load %arg14[%swap3A_1187, %swap3A_1188] : memref<416x512xf32, #tpu.memory_space<vmem>>, vector<1x512xf32>
    %swap3A_1190 = vector.shape_cast %swap3A_1189 : vector<1x512xf32> to vector<512xf32>
    %swap3A_1191 = vector.shape_cast %reduce_sum3A_1186 : vector<512xf32> to vector<1x512xf32>
    tpu.vector_store %arg14[%swap3A_1187, %swap3A_1188], %swap3A_1191 {strides = array<i32>} : memref<416x512xf32, #tpu.memory_space<vmem>>, vector<1x512xf32>,
    %get3A_1192 = arith.constant 704 : index
    %get3A_1193 = arith.constant 0 : index
    %get3A_1194 = vector.load %arg2[%get3A_1192, %get3A_1193] : memref<1664x512xf32, #tpu.memory_space<vmem>>, vector<64x512xf32>
    %mul3A_1195 = arith.mulf %get3A_1114, %get3A_1194 : vector<64x512xf32>
    %reduce_sum3A_1196 = arith.constant dense<0.000000e+00> : vector<512xf32>
    %reduce_sum3A_1197 = vector.multi_reduction <add>, %mul3A_1195, %reduce_sum3A_1196 [0] : vector<64x512xf32> to vector<512xf32>
    %swap3A_1198 = arith.constant 169 : index
    %swap3A_1199 = arith.constant 0 : index
    %swap3A_1200 = vector.load %arg14[%swap3A_1198, %swap3A_1199] : memref<416x512xf32, #tpu.memory_space<vmem>>, vector<1x512xf32>
    %swap3A_1201 = vector.shape_cast %swap3A_1200 : vector<1x512xf32> to vector<512xf32>
    %swap3A_1202 = vector.shape_cast %reduce_sum3A_1197 : vector<512xf32> to vector<1x512xf32>
    tpu.vector_store %arg14[%swap3A_1198, %swap3A_1199], %swap3A_1202 {strides = array<i32>} : memref<416x512xf32, #tpu.memory_space<vmem>>, vector<1x512xf32>,
    %get3A_1203 = arith.constant 768 : index
    %get3A_1204 = arith.constant 0 : index
    %get3A_1205 = vector.load %arg2[%get3A_1203, %get3A_1204] : memref<1664x512xf32, #tpu.memory_space<vmem>>, vector<64x512xf32>
    %mul3A_1206 = arith.mulf %get3A_1114, %get3A_1205 : vector<64x512xf32>
    %reduce_sum3A_1207 = arith.constant dense<0.000000e+00> : vector<512xf32>
    %reduce_sum3A_1208 = vector.multi_reduction <add>, %mul3A_1206, %reduce_sum3A_1207 [0] : vector<64x512xf32> to vector<512xf32>
    %swap3A_1209 = arith.constant 170 : index
    %swap3A_1210 = arith.constant 0 : index
    %swap3A_1211 = vector.load %arg14[%swap3A_1209, %swap3A_1210] : memref<416x512xf32, #tpu.memory_space<vmem>>, vector<1x512xf32>
    %swap3A_1212 = vector.shape_cast %swap3A_1211 : vector<1x512xf32> to vector<512xf32>
    %swap3A_1213 = vector.shape_cast %reduce_sum3A_1208 : vector<512xf32> to vector<1x512xf32>
    tpu.vector_store %arg14[%swap3A_1209, %swap3A_1210], %swap3A_1213 {strides = array<i32>} : memref<416x512xf32, #tpu.memory_space<vmem>>, vector<1x512xf32>,
    %get3A_1214 = arith.constant 832 : index
    %get3A_1215 = arith.constant 0 : index
    %get3A_1216 = vector.load %arg2[%get3A_1214, %get3A_1215] : memref<1664x512xf32, #tpu.memory_space<vmem>>, vector<64x512xf32>
    %mul3A_1217 = arith.mulf %get3A_1114, %get3A_1216 : vector<64x512xf32>
    %reduce_sum3A_1218 = arith.constant dense<0.000000e+00> : vector<512xf32>
    %reduce_sum3A_1219 = vector.multi_reduction <add>, %mul3A_1217, %reduce_sum3A_1218 [0] : vector<64x512xf32> to vector<512xf32>
    %swap3A_1220 = arith.constant 171 : index
    %swap3A_1221 = arith.constant 0 : index
    %swap3A_1222 = vector.load %arg14[%swap3A_1220, %swap3A_1221] : memref<416x512xf32, #tpu.memory_space<vmem>>, vector<1x512xf32>
    %swap3A_1223 = vector.shape_cast %swap3A_1222 : vector<1x512xf32> to vector<512xf32>
    %swap3A_1224 = vector.shape_cast %reduce_sum3A_1219 : vector<512xf32> to vector<1x512xf32>
    tpu.vector_store %arg14[%swap3A_1220, %swap3A_1221], %swap3A_1224 {strides = array<i32>} : memref<416x512xf32, #tpu.memory_space<vmem>>, vector<1x512xf32>,
    %get3A_1225 = arith.constant 896 : index
    %get3A_1226 = arith.constant 0 : index
    %get3A_1227 = vector.load %arg2[%get3A_1225, %get3A_1226] : memref<1664x512xf32, #tpu.memory_space<vmem>>, vector<64x512xf32>
    %mul3A_1228 = arith.mulf %get3A_1114, %get3A_1227 : vector<64x512xf32>
    %reduce_sum3A_1229 = arith.constant dense<0.000000e+00> : vector<512xf32>
    %reduce_sum3A_1230 = vector.multi_reduction <add>, %mul3A_1228, %reduce_sum3A_1229 [0] : vector<64x512xf32> to vector<512xf32>
    %swap3A_1231 = arith.constant 172 : index
    %swap3A_1232 = arith.constant 0 : index
    %swap3A_1233 = vector.load %arg14[%swap3A_1231, %swap3A_1232] : memref<416x512xf32, #tpu.memory_space<vmem>>, vector<1x512xf32>
    %swap3A_1234 = vector.shape_cast %swap3A_1233 : vector<1x512xf32> to vector<512xf32>
    %swap3A_1235 = vector.shape_cast %reduce_sum3A_1230 : vector<512xf32> to vector<1x512xf32>
    tpu.vector_store %arg14[%swap3A_1231, %swap3A_1232], %swap3A_1235 {strides = array<i32>} : memref<416x512xf32, #tpu.memory_space<vmem>>, vector<1x512xf32>,
    %get3A_1236 = arith.constant 960 : index
    %get3A_1237 = arith.constant 0 : index
    %get3A_1238 = vector.load %arg2[%get3A_1236, %get3A_1237] : memref<1664x512xf32, #tpu.memory_space<vmem>>, vector<64x512xf32>
    %mul3A_1239 = arith.mulf %get3A_1114, %get3A_1238 : vector<64x512xf32>
    %reduce_sum3A_1240 = arith.constant dense<0.000000e+00> : vector<512xf32>
    %reduce_sum3A_1241 = vector.multi_reduction <add>, %mul3A_1239, %reduce_sum3A_1240 [0] : vector<64x512xf32> to vector<512xf32>
    %swap3A_1242 = arith.constant 173 : index
    %swap3A_1243 = arith.constant 0 : index
    %swap3A_1244 = vector.load %arg14[%swap3A_1242, %swap3A_1243] : memref<416x512xf32, #tpu.memory_space<vmem>>, vector<1x512xf32>
    %swap3A_1245 = vector.shape_cast %swap3A_1244 : vector<1x512xf32> to vector<512xf32>
    %swap3A_1246 = vector.shape_cast %reduce_sum3A_1241 : vector<512xf32> to vector<1x512xf32>
    tpu.vector_store %arg14[%swap3A_1242, %swap3A_1243], %swap3A_1246 {strides = array<i32>} : memref<416x512xf32, #tpu.memory_space<vmem>>, vector<1x512xf32>,
    %get3A_1247 = arith.constant 1024 : index
    %get3A_1248 = arith.constant 0 : index
    %get3A_1249 = vector.load %arg2[%get3A_1247, %get3A_1248] : memref<1664x512xf32, #tpu.memory_space<vmem>>, vector<64x512xf32>
    %mul3A_1250 = arith.mulf %get3A_1114, %get3A_1249 : vector<64x512xf32>
    %reduce_sum3A_1251 = arith.constant dense<0.000000e+00> : vector<512xf32>
    %reduce_sum3A_1252 = vector.multi_reduction <add>, %mul3A_1250, %reduce_sum3A_1251 [0] : vector<64x512xf32> to vector<512xf32>
    %swap3A_1253 = arith.constant 174 : index
    %swap3A_1254 = arith.constant 0 : index
    %swap3A_1255 = vector.load %arg14[%swap3A_1253, %swap3A_1254] : memref<416x512xf32, #tpu.memory_space<vmem>>, vector<1x512xf32>
    %swap3A_1256 = vector.shape_cast %swap3A_1255 : vector<1x512xf32> to vector<512xf32>
    %swap3A_1257 = vector.shape_cast %reduce_sum3A_1252 : vector<512xf32> to vector<1x512xf32>
    tpu.vector_store %arg14[%swap3A_1253, %swap3A_1254], %swap3A_1257 {strides = array<i32>} : memref<416x512xf32, #tpu.memory_space<vmem>>, vector<1x512xf32>,
    %get3A_1258 = arith.constant 1088 : index
    %get3A_1259 = arith.constant 0 : index
    %get3A_1260 = vector.load %arg2[%get3A_1258, %get3A_1259] : memref<1664x512xf32, #tpu.memory_space<vmem>>, vector<64x512xf32>
    %mul3A_1261 = arith.mulf %get3A_1114, %get3A_1260 : vector<64x512xf32>
    %reduce_sum3A_1262 = arith.constant dense<0.000000e+00> : vector<512xf32>
    %reduce_sum3A_1263 = vector.multi_reduction <add>, %mul3A_1261, %reduce_sum3A_1262 [0] : vector<64x512xf32> to vector<512xf32>
    %swap3A_1264 = arith.constant 175 : index
    %swap3A_1265 = arith.constant 0 : index
    %swap3A_1266 = vector.load %arg14[%swap3A_1264, %swap3A_1265] : memref<416x512xf32, #tpu.memory_space<vmem>>, vector<1x512xf32>
    %swap3A_1267 = vector.shape_cast %swap3A_1266 : vector<1x512xf32> to vector<512xf32>
    %swap3A_1268 = vector.shape_cast %reduce_sum3A_1263 : vector<512xf32> to vector<1x512xf32>
    tpu.vector_store %arg14[%swap3A_1264, %swap3A_1265], %swap3A_1268 {strides = array<i32>} : memref<416x512xf32, #tpu.memory_space<vmem>>, vector<1x512xf32>,
    %get3A_1269 = arith.constant 1152 : index
    %get3A_1270 = arith.constant 0 : index
    %get3A_1271 = vector.load %arg2[%get3A_1269, %get3A_1270] : memref<1664x512xf32, #tpu.memory_space<vmem>>, vector<64x512xf32>
    %mul3A_1272 = arith.mulf %get3A_1114, %get3A_1271 : vector<64x512xf32>
    %reduce_sum3A_1273 = arith.constant dense<0.000000e+00> : vector<512xf32>
    %reduce_sum3A_1274 = vector.multi_reduction <add>, %mul3A_1272, %reduce_sum3A_1273 [0] : vector<64x512xf32> to vector<512xf32>
    %swap3A_1275 = arith.constant 176 : index
    %swap3A_1276 = arith.constant 0 : index
    %swap3A_1277 = vector.load %arg14[%swap3A_1275, %swap3A_1276] : memref<416x512xf32, #tpu.memory_space<vmem>>, vector<1x512xf32>
    %swap3A_1278 = vector.shape_cast %swap3A_1277 : vector<1x512xf32> to vector<512xf32>
    %swap3A_1279 = vector.shape_cast %reduce_sum3A_1274 : vector<512xf32> to vector<1x512xf32>
    tpu.vector_store %arg14[%swap3A_1275, %swap3A_1276], %swap3A_1279 {strides = array<i32>} : memref<416x512xf32, #tpu.memory_space<vmem>>, vector<1x512xf32>,
    %get3A_1280 = arith.constant 1216 : index
    %get3A_1281 = arith.constant 0 : index
    %get3A_1282 = vector.load %arg2[%get3A_1280, %get3A_1281] : memref<1664x512xf32, #tpu.memory_space<vmem>>, vector<64x512xf32>
    %mul3A_1283 = arith.mulf %get3A_1114, %get3A_1282 : vector<64x512xf32>
    %reduce_sum3A_1284 = arith.constant dense<0.000000e+00> : vector<512xf32>
    %reduce_sum3A_1285 = vector.multi_reduction <add>, %mul3A_1283, %reduce_sum3A_1284 [0] : vector<64x512xf32> to vector<512xf32>
    %swap3A_1286 = arith.constant 177 : index
    %swap3A_1287 = arith.constant 0 : index
    %swap3A_1288 = vector.load %arg14[%swap3A_1286, %swap3A_1287] : memref<416x512xf32, #tpu.memory_space<vmem>>, vector<1x512xf32>
    %swap3A_1289 = vector.shape_cast %swap3A_1288 : vector<1x512xf32> to vector<512xf32>
    %swap3A_1290 = vector.shape_cast %reduce_sum3A_1285 : vector<512xf32> to vector<1x512xf32>
    tpu.vector_store %arg14[%swap3A_1286, %swap3A_1287], %swap3A_1290 {strides = array<i32>} : memref<416x512xf32, #tpu.memory_space<vmem>>, vector<1x512xf32>,
    %get3A_1291 = arith.constant 1280 : index
    %get3A_1292 = arith.constant 0 : index
    %get3A_1293 = vector.load %arg2[%get3A_1291, %get3A_1292] : memref<1664x512xf32, #tpu.memory_space<vmem>>, vector<64x512xf32>
    %mul3A_1294 = arith.mulf %get3A_1114, %get3A_1293 : vector<64x512xf32>
    %reduce_sum3A_1295 = arith.constant dense<0.000000e+00> : vector<512xf32>
    %reduce_sum3A_1296 = vector.multi_reduction <add>, %mul3A_1294, %reduce_sum3A_1295 [0] : vector<64x512xf32> to vector<512xf32>
    %swap3A_1297 = arith.constant 178 : index
    %swap3A_1298 = arith.constant 0 : index
    %swap3A_1299 = vector.load %arg14[%swap3A_1297, %swap3A_1298] : memref<416x512xf32, #tpu.memory_space<vmem>>, vector<1x512xf32>
    %swap3A_1300 = vector.shape_cast %swap3A_1299 : vector<1x512xf32> to vector<512xf32>
    %swap3A_1301 = vector.shape_cast %reduce_sum3A_1296 : vector<512xf32> to vector<1x512xf32>
    tpu.vector_store %arg14[%swap3A_1297, %swap3A_1298], %swap3A_1301 {strides = array<i32>} : memref<416x512xf32, #tpu.memory_space<vmem>>, vector<1x512xf32>,
    %get3A_1302 = arith.constant 1344 : index
    %get3A_1303 = arith.constant 0 : index
    %get3A_1304 = vector.load %arg2[%get3A_1302, %get3A_1303] : memref<1664x512xf32, #tpu.memory_space<vmem>>, vector<64x512xf32>
    %mul3A_1305 = arith.mulf %get3A_1114, %get3A_1304 : vector<64x512xf32>
    %reduce_sum3A_1306 = arith.constant dense<0.000000e+00> : vector<512xf32>
    %reduce_sum3A_1307 = vector.multi_reduction <add>, %mul3A_1305, %reduce_sum3A_1306 [0] : vector<64x512xf32> to vector<512xf32>
    %swap3A_1308 = arith.constant 179 : index
    %swap3A_1309 = arith.constant 0 : index
    %swap3A_1310 = vector.load %arg14[%swap3A_1308, %swap3A_1309] : memref<416x512xf32, #tpu.memory_space<vmem>>, vector<1x512xf32>
    %swap3A_1311 = vector.shape_cast %swap3A_1310 : vector<1x512xf32> to vector<512xf32>
    %swap3A_1312 = vector.shape_cast %reduce_sum3A_1307 : vector<512xf32> to vector<1x512xf32>
    tpu.vector_store %arg14[%swap3A_1308, %swap3A_1309], %swap3A_1312 {strides = array<i32>} : memref<416x512xf32, #tpu.memory_space<vmem>>, vector<1x512xf32>,
    %get3A_1313 = arith.constant 1408 : index
    %get3A_1314 = arith.constant 0 : index
    %get3A_1315 = vector.load %arg2[%get3A_1313, %get3A_1314] : memref<1664x512xf32, #tpu.memory_space<vmem>>, vector<64x512xf32>
    %mul3A_1316 = arith.mulf %get3A_1114, %get3A_1315 : vector<64x512xf32>
    %reduce_sum3A_1317 = arith.constant dense<0.000000e+00> : vector<512xf32>
    %reduce_sum3A_1318 = vector.multi_reduction <add>, %mul3A_1316, %reduce_sum3A_1317 [0] : vector<64x512xf32> to vector<512xf32>
    %swap3A_1319 = arith.constant 180 : index
    %swap3A_1320 = arith.constant 0 : index
    %swap3A_1321 = vector.load %arg14[%swap3A_1319, %swap3A_1320] : memref<416x512xf32, #tpu.memory_space<vmem>>, vector<1x512xf32>
    %swap3A_1322 = vector.shape_cast %swap3A_1321 : vector<1x512xf32> to vector<512xf32>
    %swap3A_1323 = vector.shape_cast %reduce_sum3A_1318 : vector<512xf32> to vector<1x512xf32>
    tpu.vector_store %arg14[%swap3A_1319, %swap3A_1320], %swap3A_1323 {strides = array<i32>} : memref<416x512xf32, #tpu.memory_space<vmem>>, vector<1x512xf32>,
    %get3A_1324 = arith.constant 1472 : index
    %get3A_1325 = arith.constant 0 : index
    %get3A_1326 = vector.load %arg2[%get3A_1324, %get3A_1325] : memref<1664x512xf32, #tpu.memory_space<vmem>>, vector<64x512xf32>
    %mul3A_1327 = arith.mulf %get3A_1114, %get3A_1326 : vector<64x512xf32>
    %reduce_sum3A_1328 = arith.constant dense<0.000000e+00> : vector<512xf32>
    %reduce_sum3A_1329 = vector.multi_reduction <add>, %mul3A_1327, %reduce_sum3A_1328 [0] : vector<64x512xf32> to vector<512xf32>
    %swap3A_1330 = arith.constant 181 : index
    %swap3A_1331 = arith.constant 0 : index
    %swap3A_1332 = vector.load %arg14[%swap3A_1330, %swap3A_1331] : memref<416x512xf32, #tpu.memory_space<vmem>>, vector<1x512xf32>
    %swap3A_1333 = vector.shape_cast %swap3A_1332 : vector<1x512xf32> to vector<512xf32>
    %swap3A_1334 = vector.shape_cast %reduce_sum3A_1329 : vector<512xf32> to vector<1x512xf32>
    tpu.vector_store %arg14[%swap3A_1330, %swap3A_1331], %swap3A_1334 {strides = array<i32>} : memref<416x512xf32, #tpu.memory_space<vmem>>, vector<1x512xf32>,
    %get3A_1335 = arith.constant 1536 : index
    %get3A_1336 = arith.constant 0 : index
    %get3A_1337 = vector.load %arg2[%get3A_1335, %get3A_1336] : memref<1664x512xf32, #tpu.memory_space<vmem>>, vector<64x512xf32>
    %mul3A_1338 = arith.mulf %get3A_1114, %get3A_1337 : vector<64x512xf32>
    %reduce_sum3A_1339 = arith.constant dense<0.000000e+00> : vector<512xf32>
    %reduce_sum3A_1340 = vector.multi_reduction <add>, %mul3A_1338, %reduce_sum3A_1339 [0] : vector<64x512xf32> to vector<512xf32>
    %swap3A_1341 = arith.constant 182 : index
    %swap3A_1342 = arith.constant 0 : index
    %swap3A_1343 = vector.load %arg14[%swap3A_1341, %swap3A_1342] : memref<416x512xf32, #tpu.memory_space<vmem>>, vector<1x512xf32>
    %swap3A_1344 = vector.shape_cast %swap3A_1343 : vector<1x512xf32> to vector<512xf32>
    %swap3A_1345 = vector.shape_cast %reduce_sum3A_1340 : vector<512xf32> to vector<1x512xf32>
    tpu.vector_store %arg14[%swap3A_1341, %swap3A_1342], %swap3A_1345 {strides = array<i32>} : memref<416x512xf32, #tpu.memory_space<vmem>>, vector<1x512xf32>,
    %get3A_1346 = arith.constant 1600 : index
    %get3A_1347 = arith.constant 0 : index
    %get3A_1348 = vector.load %arg2[%get3A_1346, %get3A_1347] : memref<1664x512xf32, #tpu.memory_space<vmem>>, vector<64x512xf32>
    %mul3A_1349 = arith.mulf %get3A_1114, %get3A_1348 : vector<64x512xf32>
    %reduce_sum3A_1350 = arith.constant dense<0.000000e+00> : vector<512xf32>
    %reduce_sum3A_1351 = vector.multi_reduction <add>, %mul3A_1349, %reduce_sum3A_1350 [0] : vector<64x512xf32> to vector<512xf32>
    %swap3A_1352 = arith.constant 183 : index
    %swap3A_1353 = arith.constant 0 : index
    %swap3A_1354 = vector.load %arg14[%swap3A_1352, %swap3A_1353] : memref<416x512xf32, #tpu.memory_space<vmem>>, vector<1x512xf32>
    %swap3A_1355 = vector.shape_cast %swap3A_1354 : vector<1x512xf32> to vector<512xf32>
    %swap3A_1356 = vector.shape_cast %reduce_sum3A_1351 : vector<512xf32> to vector<1x512xf32>
    tpu.vector_store %arg14[%swap3A_1352, %swap3A_1353], %swap3A_1356 {strides = array<i32>} : memref<416x512xf32, #tpu.memory_space<vmem>>, vector<1x512xf32>,
    %get3A_1357 = arith.constant 256 : index
    %get3A_1358 = arith.constant 0 : index
    %get3A_1359 = vector.load %arg2[%get3A_1357, %get3A_1358] : memref<1664x512xf32, #tpu.memory_space<vmem>>, vector<64x512xf32>
    %get3A_1360 = arith.constant 320 : index
    %get3A_1361 = arith.constant 0 : index
    %get3A_1362 = vector.load %arg2[%get3A_1360, %get3A_1361] : memref<1664x512xf32, #tpu.memory_space<vmem>>, vector<64x512xf32>
    %mul3A_1363 = arith.mulf %get3A_1359, %get3A_1362 : vector<64x512xf32>
    %reduce_sum3A_1364 = arith.constant dense<0.000000e+00> : vector<512xf32>
    %reduce_sum3A_1365 = vector.multi_reduction <add>, %mul3A_1363, %reduce_sum3A_1364 [0] : vector<64x512xf32> to vector<512xf32>
    %swap3A_1366 = arith.constant 184 : index
    %swap3A_1367 = arith.constant 0 : index
    %swap3A_1368 = vector.load %arg14[%swap3A_1366, %swap3A_1367] : memref<416x512xf32, #tpu.memory_space<vmem>>, vector<1x512xf32>
    %swap3A_1369 = vector.shape_cast %swap3A_1368 : vector<1x512xf32> to vector<512xf32>
    %swap3A_1370 = vector.shape_cast %reduce_sum3A_1365 : vector<512xf32> to vector<1x512xf32>
    tpu.vector_store %arg14[%swap3A_1366, %swap3A_1367], %swap3A_1370 {strides = array<i32>} : memref<416x512xf32, #tpu.memory_space<vmem>>, vector<1x512xf32>,
    %get3A_1371 = arith.constant 384 : index
    %get3A_1372 = arith.constant 0 : index
    %get3A_1373 = vector.load %arg2[%get3A_1371, %get3A_1372] : memref<1664x512xf32, #tpu.memory_space<vmem>>, vector<64x512xf32>
    %mul3A_1374 = arith.mulf %get3A_1359, %get3A_1373 : vector<64x512xf32>
    %reduce_sum3A_1375 = arith.constant dense<0.000000e+00> : vector<512xf32>
    %reduce_sum3A_1376 = vector.multi_reduction <add>, %mul3A_1374, %reduce_sum3A_1375 [0] : vector<64x512xf32> to vector<512xf32>
    %swap3A_1377 = arith.constant 185 : index
    %swap3A_1378 = arith.constant 0 : index
    %swap3A_1379 = vector.load %arg14[%swap3A_1377, %swap3A_1378] : memref<416x512xf32, #tpu.memory_space<vmem>>, vector<1x512xf32>
    %swap3A_1380 = vector.shape_cast %swap3A_1379 : vector<1x512xf32> to vector<512xf32>
    %swap3A_1381 = vector.shape_cast %reduce_sum3A_1376 : vector<512xf32> to vector<1x512xf32>
    tpu.vector_store %arg14[%swap3A_1377, %swap3A_1378], %swap3A_1381 {strides = array<i32>} : memref<416x512xf32, #tpu.memory_space<vmem>>, vector<1x512xf32>,
    %get3A_1382 = arith.constant 448 : index
    %get3A_1383 = arith.constant 0 : index
    %get3A_1384 = vector.load %arg2[%get3A_1382, %get3A_1383] : memref<1664x512xf32, #tpu.memory_space<vmem>>, vector<64x512xf32>
    %mul3A_1385 = arith.mulf %get3A_1359, %get3A_1384 : vector<64x512xf32>
    %reduce_sum3A_1386 = arith.constant dense<0.000000e+00> : vector<512xf32>
    %reduce_sum3A_1387 = vector.multi_reduction <add>, %mul3A_1385, %reduce_sum3A_1386 [0] : vector<64x512xf32> to vector<512xf32>
    %swap3A_1388 = arith.constant 186 : index
    %swap3A_1389 = arith.constant 0 : index
    %swap3A_1390 = vector.load %arg14[%swap3A_1388, %swap3A_1389] : memref<416x512xf32, #tpu.memory_space<vmem>>, vector<1x512xf32>
    %swap3A_1391 = vector.shape_cast %swap3A_1390 : vector<1x512xf32> to vector<512xf32>
    %swap3A_1392 = vector.shape_cast %reduce_sum3A_1387 : vector<512xf32> to vector<1x512xf32>
    tpu.vector_store %arg14[%swap3A_1388, %swap3A_1389], %swap3A_1392 {strides = array<i32>} : memref<416x512xf32, #tpu.memory_space<vmem>>, vector<1x512xf32>,
    %get3A_1393 = arith.constant 512 : index
    %get3A_1394 = arith.constant 0 : index
    %get3A_1395 = vector.load %arg2[%get3A_1393, %get3A_1394] : memref<1664x512xf32, #tpu.memory_space<vmem>>, vector<64x512xf32>
    %mul3A_1396 = arith.mulf %get3A_1359, %get3A_1395 : vector<64x512xf32>
    %reduce_sum3A_1397 = arith.constant dense<0.000000e+00> : vector<512xf32>
    %reduce_sum3A_1398 = vector.multi_reduction <add>, %mul3A_1396, %reduce_sum3A_1397 [0] : vector<64x512xf32> to vector<512xf32>
    %swap3A_1399 = arith.constant 187 : index
    %swap3A_1400 = arith.constant 0 : index
    %swap3A_1401 = vector.load %arg14[%swap3A_1399, %swap3A_1400] : memref<416x512xf32, #tpu.memory_space<vmem>>, vector<1x512xf32>
    %swap3A_1402 = vector.shape_cast %swap3A_1401 : vector<1x512xf32> to vector<512xf32>
    %swap3A_1403 = vector.shape_cast %reduce_sum3A_1398 : vector<512xf32> to vector<1x512xf32>
    tpu.vector_store %arg14[%swap3A_1399, %swap3A_1400], %swap3A_1403 {strides = array<i32>} : memref<416x512xf32, #tpu.memory_space<vmem>>, vector<1x512xf32>,
    %get3A_1404 = arith.constant 576 : index
    %get3A_1405 = arith.constant 0 : index
    %get3A_1406 = vector.load %arg2[%get3A_1404, %get3A_1405] : memref<1664x512xf32, #tpu.memory_space<vmem>>, vector<64x512xf32>
    %mul3A_1407 = arith.mulf %get3A_1359, %get3A_1406 : vector<64x512xf32>
    %reduce_sum3A_1408 = arith.constant dense<0.000000e+00> : vector<512xf32>
    %reduce_sum3A_1409 = vector.multi_reduction <add>, %mul3A_1407, %reduce_sum3A_1408 [0] : vector<64x512xf32> to vector<512xf32>
    %swap3A_1410 = arith.constant 188 : index
    %swap3A_1411 = arith.constant 0 : index
    %swap3A_1412 = vector.load %arg14[%swap3A_1410, %swap3A_1411] : memref<416x512xf32, #tpu.memory_space<vmem>>, vector<1x512xf32>
    %swap3A_1413 = vector.shape_cast %swap3A_1412 : vector<1x512xf32> to vector<512xf32>
    %swap3A_1414 = vector.shape_cast %reduce_sum3A_1409 : vector<512xf32> to vector<1x512xf32>
    tpu.vector_store %arg14[%swap3A_1410, %swap3A_1411], %swap3A_1414 {strides = array<i32>} : memref<416x512xf32, #tpu.memory_space<vmem>>, vector<1x512xf32>,
    %get3A_1415 = arith.constant 640 : index
    %get3A_1416 = arith.constant 0 : index
    %get3A_1417 = vector.load %arg2[%get3A_1415, %get3A_1416] : memref<1664x512xf32, #tpu.memory_space<vmem>>, vector<64x512xf32>
    %mul3A_1418 = arith.mulf %get3A_1359, %get3A_1417 : vector<64x512xf32>
    %reduce_sum3A_1419 = arith.constant dense<0.000000e+00> : vector<512xf32>
    %reduce_sum3A_1420 = vector.multi_reduction <add>, %mul3A_1418, %reduce_sum3A_1419 [0] : vector<64x512xf32> to vector<512xf32>
    %swap3A_1421 = arith.constant 189 : index
    %swap3A_1422 = arith.constant 0 : index
    %swap3A_1423 = vector.load %arg14[%swap3A_1421, %swap3A_1422] : memref<416x512xf32, #tpu.memory_space<vmem>>, vector<1x512xf32>
    %swap3A_1424 = vector.shape_cast %swap3A_1423 : vector<1x512xf32> to vector<512xf32>
    %swap3A_1425 = vector.shape_cast %reduce_sum3A_1420 : vector<512xf32> to vector<1x512xf32>
    tpu.vector_store %arg14[%swap3A_1421, %swap3A_1422], %swap3A_1425 {strides = array<i32>} : memref<416x512xf32, #tpu.memory_space<vmem>>, vector<1x512xf32>,
    %get3A_1426 = arith.constant 704 : index
    %get3A_1427 = arith.constant 0 : index
    %get3A_1428 = vector.load %arg2[%get3A_1426, %get3A_1427] : memref<1664x512xf32, #tpu.memory_space<vmem>>, vector<64x512xf32>
    %mul3A_1429 = arith.mulf %get3A_1359, %get3A_1428 : vector<64x512xf32>
    %reduce_sum3A_1430 = arith.constant dense<0.000000e+00> : vector<512xf32>
    %reduce_sum3A_1431 = vector.multi_reduction <add>, %mul3A_1429, %reduce_sum3A_1430 [0] : vector<64x512xf32> to vector<512xf32>
    %swap3A_1432 = arith.constant 190 : index
    %swap3A_1433 = arith.constant 0 : index
    %swap3A_1434 = vector.load %arg14[%swap3A_1432, %swap3A_1433] : memref<416x512xf32, #tpu.memory_space<vmem>>, vector<1x512xf32>
    %swap3A_1435 = vector.shape_cast %swap3A_1434 : vector<1x512xf32> to vector<512xf32>
    %swap3A_1436 = vector.shape_cast %reduce_sum3A_1431 : vector<512xf32> to vector<1x512xf32>
    tpu.vector_store %arg14[%swap3A_1432, %swap3A_1433], %swap3A_1436 {strides = array<i32>} : memref<416x512xf32, #tpu.memory_space<vmem>>, vector<1x512xf32>,
    %get3A_1437 = arith.constant 768 : index
    %get3A_1438 = arith.constant 0 : index
    %get3A_1439 = vector.load %arg2[%get3A_1437, %get3A_1438] : memref<1664x512xf32, #tpu.memory_space<vmem>>, vector<64x512xf32>
    %mul3A_1440 = arith.mulf %get3A_1359, %get3A_1439 : vector<64x512xf32>
    %reduce_sum3A_1441 = arith.constant dense<0.000000e+00> : vector<512xf32>
    %reduce_sum3A_1442 = vector.multi_reduction <add>, %mul3A_1440, %reduce_sum3A_1441 [0] : vector<64x512xf32> to vector<512xf32>
    %swap3A_1443 = arith.constant 191 : index
    %swap3A_1444 = arith.constant 0 : index
    %swap3A_1445 = vector.load %arg14[%swap3A_1443, %swap3A_1444] : memref<416x512xf32, #tpu.memory_space<vmem>>, vector<1x512xf32>
    %swap3A_1446 = vector.shape_cast %swap3A_1445 : vector<1x512xf32> to vector<512xf32>
    %swap3A_1447 = vector.shape_cast %reduce_sum3A_1442 : vector<512xf32> to vector<1x512xf32>
    tpu.vector_store %arg14[%swap3A_1443, %swap3A_1444], %swap3A_1447 {strides = array<i32>} : memref<416x512xf32, #tpu.memory_space<vmem>>, vector<1x512xf32>,
    %get3A_1448 = arith.constant 832 : index
    %get3A_1449 = arith.constant 0 : index
    %get3A_1450 = vector.load %arg2[%get3A_1448, %get3A_1449] : memref<1664x512xf32, #tpu.memory_space<vmem>>, vector<64x512xf32>
    %mul3A_1451 = arith.mulf %get3A_1359, %get3A_1450 : vector<64x512xf32>
    %reduce_sum3A_1452 = arith.constant dense<0.000000e+00> : vector<512xf32>
    %reduce_sum3A_1453 = vector.multi_reduction <add>, %mul3A_1451, %reduce_sum3A_1452 [0] : vector<64x512xf32> to vector<512xf32>
    %swap3A_1454 = arith.constant 192 : index
    %swap3A_1455 = arith.constant 0 : index
    %swap3A_1456 = vector.load %arg14[%swap3A_1454, %swap3A_1455] : memref<416x512xf32, #tpu.memory_space<vmem>>, vector<1x512xf32>
    %swap3A_1457 = vector.shape_cast %swap3A_1456 : vector<1x512xf32> to vector<512xf32>
    %swap3A_1458 = vector.shape_cast %reduce_sum3A_1453 : vector<512xf32> to vector<1x512xf32>
    tpu.vector_store %arg14[%swap3A_1454, %swap3A_1455], %swap3A_1458 {strides = array<i32>} : memref<416x512xf32, #tpu.memory_space<vmem>>, vector<1x512xf32>,
    %get3A_1459 = arith.constant 896 : index
    %get3A_1460 = arith.constant 0 : index
    %get3A_1461 = vector.load %arg2[%get3A_1459, %get3A_1460] : memref<1664x512xf32, #tpu.memory_space<vmem>>, vector<64x512xf32>
    %mul3A_1462 = arith.mulf %get3A_1359, %get3A_1461 : vector<64x512xf32>
    %reduce_sum3A_1463 = arith.constant dense<0.000000e+00> : vector<512xf32>
    %reduce_sum3A_1464 = vector.multi_reduction <add>, %mul3A_1462, %reduce_sum3A_1463 [0] : vector<64x512xf32> to vector<512xf32>
    %swap3A_1465 = arith.constant 193 : index
    %swap3A_1466 = arith.constant 0 : index
    %swap3A_1467 = vector.load %arg14[%swap3A_1465, %swap3A_1466] : memref<416x512xf32, #tpu.memory_space<vmem>>, vector<1x512xf32>
    %swap3A_1468 = vector.shape_cast %swap3A_1467 : vector<1x512xf32> to vector<512xf32>
    %swap3A_1469 = vector.shape_cast %reduce_sum3A_1464 : vector<512xf32> to vector<1x512xf32>
    tpu.vector_store %arg14[%swap3A_1465, %swap3A_1466], %swap3A_1469 {strides = array<i32>} : memref<416x512xf32, #tpu.memory_space<vmem>>, vector<1x512xf32>,
    %get3A_1470 = arith.constant 960 : index
    %get3A_1471 = arith.constant 0 : index
    %get3A_1472 = vector.load %arg2[%get3A_1470, %get3A_1471] : memref<1664x512xf32, #tpu.memory_space<vmem>>, vector<64x512xf32>
    %mul3A_1473 = arith.mulf %get3A_1359, %get3A_1472 : vector<64x512xf32>
    %reduce_sum3A_1474 = arith.constant dense<0.000000e+00> : vector<512xf32>
    %reduce_sum3A_1475 = vector.multi_reduction <add>, %mul3A_1473, %reduce_sum3A_1474 [0] : vector<64x512xf32> to vector<512xf32>
    %swap3A_1476 = arith.constant 194 : index
    %swap3A_1477 = arith.constant 0 : index
    %swap3A_1478 = vector.load %arg14[%swap3A_1476, %swap3A_1477] : memref<416x512xf32, #tpu.memory_space<vmem>>, vector<1x512xf32>
    %swap3A_1479 = vector.shape_cast %swap3A_1478 : vector<1x512xf32> to vector<512xf32>
    %swap3A_1480 = vector.shape_cast %reduce_sum3A_1475 : vector<512xf32> to vector<1x512xf32>
    tpu.vector_store %arg14[%swap3A_1476, %swap3A_1477], %swap3A_1480 {strides = array<i32>} : memref<416x512xf32, #tpu.memory_space<vmem>>, vector<1x512xf32>,
    %get3A_1481 = arith.constant 1024 : index
    %get3A_1482 = arith.constant 0 : index
    %get3A_1483 = vector.load %arg2[%get3A_1481, %get3A_1482] : memref<1664x512xf32, #tpu.memory_space<vmem>>, vector<64x512xf32>
    %mul3A_1484 = arith.mulf %get3A_1359, %get3A_1483 : vector<64x512xf32>
    %reduce_sum3A_1485 = arith.constant dense<0.000000e+00> : vector<512xf32>
    %reduce_sum3A_1486 = vector.multi_reduction <add>, %mul3A_1484, %reduce_sum3A_1485 [0] : vector<64x512xf32> to vector<512xf32>
    %swap3A_1487 = arith.constant 195 : index
    %swap3A_1488 = arith.constant 0 : index
    %swap3A_1489 = vector.load %arg14[%swap3A_1487, %swap3A_1488] : memref<416x512xf32, #tpu.memory_space<vmem>>, vector<1x512xf32>
    %swap3A_1490 = vector.shape_cast %swap3A_1489 : vector<1x512xf32> to vector<512xf32>
    %swap3A_1491 = vector.shape_cast %reduce_sum3A_1486 : vector<512xf32> to vector<1x512xf32>
    tpu.vector_store %arg14[%swap3A_1487, %swap3A_1488], %swap3A_1491 {strides = array<i32>} : memref<416x512xf32, #tpu.memory_space<vmem>>, vector<1x512xf32>,
    %get3A_1492 = arith.constant 1088 : index
    %get3A_1493 = arith.constant 0 : index
    %get3A_1494 = vector.load %arg2[%get3A_1492, %get3A_1493] : memref<1664x512xf32, #tpu.memory_space<vmem>>, vector<64x512xf32>
    %mul3A_1495 = arith.mulf %get3A_1359, %get3A_1494 : vector<64x512xf32>
    %reduce_sum3A_1496 = arith.constant dense<0.000000e+00> : vector<512xf32>
    %reduce_sum3A_1497 = vector.multi_reduction <add>, %mul3A_1495, %reduce_sum3A_1496 [0] : vector<64x512xf32> to vector<512xf32>
    %swap3A_1498 = arith.constant 196 : index
    %swap3A_1499 = arith.constant 0 : index
    %swap3A_1500 = vector.load %arg14[%swap3A_1498, %swap3A_1499] : memref<416x512xf32, #tpu.memory_space<vmem>>, vector<1x512xf32>
    %swap3A_1501 = vector.shape_cast %swap3A_1500 : vector<1x512xf32> to vector<512xf32>
    %swap3A_1502 = vector.shape_cast %reduce_sum3A_1497 : vector<512xf32> to vector<1x512xf32>
    tpu.vector_store %arg14[%swap3A_1498, %swap3A_1499], %swap3A_1502 {strides = array<i32>} : memref<416x512xf32, #tpu.memory_space<vmem>>, vector<1x512xf32>,
    %get3A_1503 = arith.constant 1152 : index
    %get3A_1504 = arith.constant 0 : index
    %get3A_1505 = vector.load %arg2[%get3A_1503, %get3A_1504] : memref<1664x512xf32, #tpu.memory_space<vmem>>, vector<64x512xf32>
    %mul3A_1506 = arith.mulf %get3A_1359, %get3A_1505 : vector<64x512xf32>
    %reduce_sum3A_1507 = arith.constant dense<0.000000e+00> : vector<512xf32>
    %reduce_sum3A_1508 = vector.multi_reduction <add>, %mul3A_1506, %reduce_sum3A_1507 [0] : vector<64x512xf32> to vector<512xf32>
    %swap3A_1509 = arith.constant 197 : index
    %swap3A_1510 = arith.constant 0 : index
    %swap3A_1511 = vector.load %arg14[%swap3A_1509, %swap3A_1510] : memref<416x512xf32, #tpu.memory_space<vmem>>, vector<1x512xf32>
    %swap3A_1512 = vector.shape_cast %swap3A_1511 : vector<1x512xf32> to vector<512xf32>
    %swap3A_1513 = vector.shape_cast %reduce_sum3A_1508 : vector<512xf32> to vector<1x512xf32>
    tpu.vector_store %arg14[%swap3A_1509, %swap3A_1510], %swap3A_1513 {strides = array<i32>} : memref<416x512xf32, #tpu.memory_space<vmem>>, vector<1x512xf32>,
    %get3A_1514 = arith.constant 1216 : index
    %get3A_1515 = arith.constant 0 : index
    %get3A_1516 = vector.load %arg2[%get3A_1514, %get3A_1515] : memref<1664x512xf32, #tpu.memory_space<vmem>>, vector<64x512xf32>
    %mul3A_1517 = arith.mulf %get3A_1359, %get3A_1516 : vector<64x512xf32>
    %reduce_sum3A_1518 = arith.constant dense<0.000000e+00> : vector<512xf32>
    %reduce_sum3A_1519 = vector.multi_reduction <add>, %mul3A_1517, %reduce_sum3A_1518 [0] : vector<64x512xf32> to vector<512xf32>
    %swap3A_1520 = arith.constant 198 : index
    %swap3A_1521 = arith.constant 0 : index
    %swap3A_1522 = vector.load %arg14[%swap3A_1520, %swap3A_1521] : memref<416x512xf32, #tpu.memory_space<vmem>>, vector<1x512xf32>
    %swap3A_1523 = vector.shape_cast %swap3A_1522 : vector<1x512xf32> to vector<512xf32>
    %swap3A_1524 = vector.shape_cast %reduce_sum3A_1519 : vector<512xf32> to vector<1x512xf32>
    tpu.vector_store %arg14[%swap3A_1520, %swap3A_1521], %swap3A_1524 {strides = array<i32>} : memref<416x512xf32, #tpu.memory_space<vmem>>, vector<1x512xf32>,
    %get3A_1525 = arith.constant 1280 : index
    %get3A_1526 = arith.constant 0 : index
    %get3A_1527 = vector.load %arg2[%get3A_1525, %get3A_1526] : memref<1664x512xf32, #tpu.memory_space<vmem>>, vector<64x512xf32>
    %mul3A_1528 = arith.mulf %get3A_1359, %get3A_1527 : vector<64x512xf32>
    %reduce_sum3A_1529 = arith.constant dense<0.000000e+00> : vector<512xf32>
    %reduce_sum3A_1530 = vector.multi_reduction <add>, %mul3A_1528, %reduce_sum3A_1529 [0] : vector<64x512xf32> to vector<512xf32>
    %swap3A_1531 = arith.constant 199 : index
    %swap3A_1532 = arith.constant 0 : index
    %swap3A_1533 = vector.load %arg14[%swap3A_1531, %swap3A_1532] : memref<416x512xf32, #tpu.memory_space<vmem>>, vector<1x512xf32>
    %swap3A_1534 = vector.shape_cast %swap3A_1533 : vector<1x512xf32> to vector<512xf32>
    %swap3A_1535 = vector.shape_cast %reduce_sum3A_1530 : vector<512xf32> to vector<1x512xf32>
    tpu.vector_store %arg14[%swap3A_1531, %swap3A_1532], %swap3A_1535 {strides = array<i32>} : memref<416x512xf32, #tpu.memory_space<vmem>>, vector<1x512xf32>,
    %get3A_1536 = arith.constant 1344 : index
    %get3A_1537 = arith.constant 0 : index
    %get3A_1538 = vector.load %arg2[%get3A_1536, %get3A_1537] : memref<1664x512xf32, #tpu.memory_space<vmem>>, vector<64x512xf32>
    %mul3A_1539 = arith.mulf %get3A_1359, %get3A_1538 : vector<64x512xf32>
    %reduce_sum3A_1540 = arith.constant dense<0.000000e+00> : vector<512xf32>
    %reduce_sum3A_1541 = vector.multi_reduction <add>, %mul3A_1539, %reduce_sum3A_1540 [0] : vector<64x512xf32> to vector<512xf32>
    %swap3A_1542 = arith.constant 200 : index
    %swap3A_1543 = arith.constant 0 : index
    %swap3A_1544 = vector.load %arg14[%swap3A_1542, %swap3A_1543] : memref<416x512xf32, #tpu.memory_space<vmem>>, vector<1x512xf32>
    %swap3A_1545 = vector.shape_cast %swap3A_1544 : vector<1x512xf32> to vector<512xf32>
    %swap3A_1546 = vector.shape_cast %reduce_sum3A_1541 : vector<512xf32> to vector<1x512xf32>
    tpu.vector_store %arg14[%swap3A_1542, %swap3A_1543], %swap3A_1546 {strides = array<i32>} : memref<416x512xf32, #tpu.memory_space<vmem>>, vector<1x512xf32>,
    %get3A_1547 = arith.constant 1408 : index
    %get3A_1548 = arith.constant 0 : index
    %get3A_1549 = vector.load %arg2[%get3A_1547, %get3A_1548] : memref<1664x512xf32, #tpu.memory_space<vmem>>, vector<64x512xf32>
    %mul3A_1550 = arith.mulf %get3A_1359, %get3A_1549 : vector<64x512xf32>
    %reduce_sum3A_1551 = arith.constant dense<0.000000e+00> : vector<512xf32>
    %reduce_sum3A_1552 = vector.multi_reduction <add>, %mul3A_1550, %reduce_sum3A_1551 [0] : vector<64x512xf32> to vector<512xf32>
    %swap3A_1553 = arith.constant 201 : index
    %swap3A_1554 = arith.constant 0 : index
    %swap3A_1555 = vector.load %arg14[%swap3A_1553, %swap3A_1554] : memref<416x512xf32, #tpu.memory_space<vmem>>, vector<1x512xf32>
    %swap3A_1556 = vector.shape_cast %swap3A_1555 : vector<1x512xf32> to vector<512xf32>
    %swap3A_1557 = vector.shape_cast %reduce_sum3A_1552 : vector<512xf32> to vector<1x512xf32>
    tpu.vector_store %arg14[%swap3A_1553, %swap3A_1554], %swap3A_1557 {strides = array<i32>} : memref<416x512xf32, #tpu.memory_space<vmem>>, vector<1x512xf32>,
    %get3A_1558 = arith.constant 1472 : index
    %get3A_1559 = arith.constant 0 : index
    %get3A_1560 = vector.load %arg2[%get3A_1558, %get3A_1559] : memref<1664x512xf32, #tpu.memory_space<vmem>>, vector<64x512xf32>
    %mul3A_1561 = arith.mulf %get3A_1359, %get3A_1560 : vector<64x512xf32>
    %reduce_sum3A_1562 = arith.constant dense<0.000000e+00> : vector<512xf32>
    %reduce_sum3A_1563 = vector.multi_reduction <add>, %mul3A_1561, %reduce_sum3A_1562 [0] : vector<64x512xf32> to vector<512xf32>
    %swap3A_1564 = arith.constant 202 : index
    %swap3A_1565 = arith.constant 0 : index
    %swap3A_1566 = vector.load %arg14[%swap3A_1564, %swap3A_1565] : memref<416x512xf32, #tpu.memory_space<vmem>>, vector<1x512xf32>
    %swap3A_1567 = vector.shape_cast %swap3A_1566 : vector<1x512xf32> to vector<512xf32>
    %swap3A_1568 = vector.shape_cast %reduce_sum3A_1563 : vector<512xf32> to vector<1x512xf32>
    tpu.vector_store %arg14[%swap3A_1564, %swap3A_1565], %swap3A_1568 {strides = array<i32>} : memref<416x512xf32, #tpu.memory_space<vmem>>, vector<1x512xf32>,
    %get3A_1569 = arith.constant 1536 : index
    %get3A_1570 = arith.constant 0 : index
    %get3A_1571 = vector.load %arg2[%get3A_1569, %get3A_1570] : memref<1664x512xf32, #tpu.memory_space<vmem>>, vector<64x512xf32>
    %mul3A_1572 = arith.mulf %get3A_1359, %get3A_1571 : vector<64x512xf32>
    %reduce_sum3A_1573 = arith.constant dense<0.000000e+00> : vector<512xf32>
    %reduce_sum3A_1574 = vector.multi_reduction <add>, %mul3A_1572, %reduce_sum3A_1573 [0] : vector<64x512xf32> to vector<512xf32>
    %swap3A_1575 = arith.constant 203 : index
    %swap3A_1576 = arith.constant 0 : index
    %swap3A_1577 = vector.load %arg14[%swap3A_1575, %swap3A_1576] : memref<416x512xf32, #tpu.memory_space<vmem>>, vector<1x512xf32>
    %swap3A_1578 = vector.shape_cast %swap3A_1577 : vector<1x512xf32> to vector<512xf32>
    %swap3A_1579 = vector.shape_cast %reduce_sum3A_1574 : vector<512xf32> to vector<1x512xf32>
    tpu.vector_store %arg14[%swap3A_1575, %swap3A_1576], %swap3A_1579 {strides = array<i32>} : memref<416x512xf32, #tpu.memory_space<vmem>>, vector<1x512xf32>,
    %get3A_1580 = arith.constant 1600 : index
    %get3A_1581 = arith.constant 0 : index
    %get3A_1582 = vector.load %arg2[%get3A_1580, %get3A_1581] : memref<1664x512xf32, #tpu.memory_space<vmem>>, vector<64x512xf32>
    %mul3A_1583 = arith.mulf %get3A_1359, %get3A_1582 : vector<64x512xf32>
    %reduce_sum3A_1584 = arith.constant dense<0.000000e+00> : vector<512xf32>
    %reduce_sum3A_1585 = vector.multi_reduction <add>, %mul3A_1583, %reduce_sum3A_1584 [0] : vector<64x512xf32> to vector<512xf32>
    %swap3A_1586 = arith.constant 204 : index
    %swap3A_1587 = arith.constant 0 : index
    %swap3A_1588 = vector.load %arg14[%swap3A_1586, %swap3A_1587] : memref<416x512xf32, #tpu.memory_space<vmem>>, vector<1x512xf32>
    %swap3A_1589 = vector.shape_cast %swap3A_1588 : vector<1x512xf32> to vector<512xf32>
    %swap3A_1590 = vector.shape_cast %reduce_sum3A_1585 : vector<512xf32> to vector<1x512xf32>
    tpu.vector_store %arg14[%swap3A_1586, %swap3A_1587], %swap3A_1590 {strides = array<i32>} : memref<416x512xf32, #tpu.memory_space<vmem>>, vector<1x512xf32>,
    %get3A_1591 = arith.constant 320 : index
    %get3A_1592 = arith.constant 0 : index
    %get3A_1593 = vector.load %arg2[%get3A_1591, %get3A_1592] : memref<1664x512xf32, #tpu.memory_space<vmem>>, vector<64x512xf32>
    %get3A_1594 = arith.constant 384 : index
    %get3A_1595 = arith.constant 0 : index
    %get3A_1596 = vector.load %arg2[%get3A_1594, %get3A_1595] : memref<1664x512xf32, #tpu.memory_space<vmem>>, vector<64x512xf32>
    %mul3A_1597 = arith.mulf %get3A_1593, %get3A_1596 : vector<64x512xf32>
    %reduce_sum3A_1598 = arith.constant dense<0.000000e+00> : vector<512xf32>
    %reduce_sum3A_1599 = vector.multi_reduction <add>, %mul3A_1597, %reduce_sum3A_1598 [0] : vector<64x512xf32> to vector<512xf32>
    %swap3A_1600 = arith.constant 205 : index
    %swap3A_1601 = arith.constant 0 : index
    %swap3A_1602 = vector.load %arg14[%swap3A_1600, %swap3A_1601] : memref<416x512xf32, #tpu.memory_space<vmem>>, vector<1x512xf32>
    %swap3A_1603 = vector.shape_cast %swap3A_1602 : vector<1x512xf32> to vector<512xf32>
    %swap3A_1604 = vector.shape_cast %reduce_sum3A_1599 : vector<512xf32> to vector<1x512xf32>
    tpu.vector_store %arg14[%swap3A_1600, %swap3A_1601], %swap3A_1604 {strides = array<i32>} : memref<416x512xf32, #tpu.memory_space<vmem>>, vector<1x512xf32>,
    %get3A_1605 = arith.constant 448 : index
    %get3A_1606 = arith.constant 0 : index
    %get3A_1607 = vector.load %arg2[%get3A_1605, %get3A_1606] : memref<1664x512xf32, #tpu.memory_space<vmem>>, vector<64x512xf32>
    %mul3A_1608 = arith.mulf %get3A_1593, %get3A_1607 : vector<64x512xf32>
    %reduce_sum3A_1609 = arith.constant dense<0.000000e+00> : vector<512xf32>
    %reduce_sum3A_1610 = vector.multi_reduction <add>, %mul3A_1608, %reduce_sum3A_1609 [0] : vector<64x512xf32> to vector<512xf32>
    %swap3A_1611 = arith.constant 206 : index
    %swap3A_1612 = arith.constant 0 : index
    %swap3A_1613 = vector.load %arg14[%swap3A_1611, %swap3A_1612] : memref<416x512xf32, #tpu.memory_space<vmem>>, vector<1x512xf32>
    %swap3A_1614 = vector.shape_cast %swap3A_1613 : vector<1x512xf32> to vector<512xf32>
    %swap3A_1615 = vector.shape_cast %reduce_sum3A_1610 : vector<512xf32> to vector<1x512xf32>
    tpu.vector_store %arg14[%swap3A_1611, %swap3A_1612], %swap3A_1615 {strides = array<i32>} : memref<416x512xf32, #tpu.memory_space<vmem>>, vector<1x512xf32>,
    %get3A_1616 = arith.constant 512 : index
    %get3A_1617 = arith.constant 0 : index
    %get3A_1618 = vector.load %arg2[%get3A_1616, %get3A_1617] : memref<1664x512xf32, #tpu.memory_space<vmem>>, vector<64x512xf32>
    %mul3A_1619 = arith.mulf %get3A_1593, %get3A_1618 : vector<64x512xf32>
    %reduce_sum3A_1620 = arith.constant dense<0.000000e+00> : vector<512xf32>
    %reduce_sum3A_1621 = vector.multi_reduction <add>, %mul3A_1619, %reduce_sum3A_1620 [0] : vector<64x512xf32> to vector<512xf32>
    %swap3A_1622 = arith.constant 207 : index
    %swap3A_1623 = arith.constant 0 : index
    %swap3A_1624 = vector.load %arg14[%swap3A_1622, %swap3A_1623] : memref<416x512xf32, #tpu.memory_space<vmem>>, vector<1x512xf32>
    %swap3A_1625 = vector.shape_cast %swap3A_1624 : vector<1x512xf32> to vector<512xf32>
    %swap3A_1626 = vector.shape_cast %reduce_sum3A_1621 : vector<512xf32> to vector<1x512xf32>
    tpu.vector_store %arg14[%swap3A_1622, %swap3A_1623], %swap3A_1626 {strides = array<i32>} : memref<416x512xf32, #tpu.memory_space<vmem>>, vector<1x512xf32>,
    %get3A_1627 = arith.constant 576 : index
    %get3A_1628 = arith.constant 0 : index
    %get3A_1629 = vector.load %arg2[%get3A_1627, %get3A_1628] : memref<1664x512xf32, #tpu.memory_space<vmem>>, vector<64x512xf32>
    %mul3A_1630 = arith.mulf %get3A_1593, %get3A_1629 : vector<64x512xf32>
    %reduce_sum3A_1631 = arith.constant dense<0.000000e+00> : vector<512xf32>
    %reduce_sum3A_1632 = vector.multi_reduction <add>, %mul3A_1630, %reduce_sum3A_1631 [0] : vector<64x512xf32> to vector<512xf32>
    %swap3A_1633 = arith.constant 208 : index
    %swap3A_1634 = arith.constant 0 : index
    %swap3A_1635 = vector.load %arg14[%swap3A_1633, %swap3A_1634] : memref<416x512xf32, #tpu.memory_space<vmem>>, vector<1x512xf32>
    %swap3A_1636 = vector.shape_cast %swap3A_1635 : vector<1x512xf32> to vector<512xf32>
    %swap3A_1637 = vector.shape_cast %reduce_sum3A_1632 : vector<512xf32> to vector<1x512xf32>
    tpu.vector_store %arg14[%swap3A_1633, %swap3A_1634], %swap3A_1637 {strides = array<i32>} : memref<416x512xf32, #tpu.memory_space<vmem>>, vector<1x512xf32>,
    %get3A_1638 = arith.constant 640 : index
    %get3A_1639 = arith.constant 0 : index
    %get3A_1640 = vector.load %arg2[%get3A_1638, %get3A_1639] : memref<1664x512xf32, #tpu.memory_space<vmem>>, vector<64x512xf32>
    %mul3A_1641 = arith.mulf %get3A_1593, %get3A_1640 : vector<64x512xf32>
    %reduce_sum3A_1642 = arith.constant dense<0.000000e+00> : vector<512xf32>
    %reduce_sum3A_1643 = vector.multi_reduction <add>, %mul3A_1641, %reduce_sum3A_1642 [0] : vector<64x512xf32> to vector<512xf32>
    %swap3A_1644 = arith.constant 209 : index
    %swap3A_1645 = arith.constant 0 : index
    %swap3A_1646 = vector.load %arg14[%swap3A_1644, %swap3A_1645] : memref<416x512xf32, #tpu.memory_space<vmem>>, vector<1x512xf32>
    %swap3A_1647 = vector.shape_cast %swap3A_1646 : vector<1x512xf32> to vector<512xf32>
    %swap3A_1648 = vector.shape_cast %reduce_sum3A_1643 : vector<512xf32> to vector<1x512xf32>
    tpu.vector_store %arg14[%swap3A_1644, %swap3A_1645], %swap3A_1648 {strides = array<i32>} : memref<416x512xf32, #tpu.memory_space<vmem>>, vector<1x512xf32>,
    %get3A_1649 = arith.constant 704 : index
    %get3A_1650 = arith.constant 0 : index
    %get3A_1651 = vector.load %arg2[%get3A_1649, %get3A_1650] : memref<1664x512xf32, #tpu.memory_space<vmem>>, vector<64x512xf32>
    %mul3A_1652 = arith.mulf %get3A_1593, %get3A_1651 : vector<64x512xf32>
    %reduce_sum3A_1653 = arith.constant dense<0.000000e+00> : vector<512xf32>
    %reduce_sum3A_1654 = vector.multi_reduction <add>, %mul3A_1652, %reduce_sum3A_1653 [0] : vector<64x512xf32> to vector<512xf32>
    %swap3A_1655 = arith.constant 210 : index
    %swap3A_1656 = arith.constant 0 : index
    %swap3A_1657 = vector.load %arg14[%swap3A_1655, %swap3A_1656] : memref<416x512xf32, #tpu.memory_space<vmem>>, vector<1x512xf32>
    %swap3A_1658 = vector.shape_cast %swap3A_1657 : vector<1x512xf32> to vector<512xf32>
    %swap3A_1659 = vector.shape_cast %reduce_sum3A_1654 : vector<512xf32> to vector<1x512xf32>
    tpu.vector_store %arg14[%swap3A_1655, %swap3A_1656], %swap3A_1659 {strides = array<i32>} : memref<416x512xf32, #tpu.memory_space<vmem>>, vector<1x512xf32>,
    %get3A_1660 = arith.constant 768 : index
    %get3A_1661 = arith.constant 0 : index
    %get3A_1662 = vector.load %arg2[%get3A_1660, %get3A_1661] : memref<1664x512xf32, #tpu.memory_space<vmem>>, vector<64x512xf32>
    %mul3A_1663 = arith.mulf %get3A_1593, %get3A_1662 : vector<64x512xf32>
    %reduce_sum3A_1664 = arith.constant dense<0.000000e+00> : vector<512xf32>
    %reduce_sum3A_1665 = vector.multi_reduction <add>, %mul3A_1663, %reduce_sum3A_1664 [0] : vector<64x512xf32> to vector<512xf32>
    %swap3A_1666 = arith.constant 211 : index
    %swap3A_1667 = arith.constant 0 : index
    %swap3A_1668 = vector.load %arg14[%swap3A_1666, %swap3A_1667] : memref<416x512xf32, #tpu.memory_space<vmem>>, vector<1x512xf32>
    %swap3A_1669 = vector.shape_cast %swap3A_1668 : vector<1x512xf32> to vector<512xf32>
    %swap3A_1670 = vector.shape_cast %reduce_sum3A_1665 : vector<512xf32> to vector<1x512xf32>
    tpu.vector_store %arg14[%swap3A_1666, %swap3A_1667], %swap3A_1670 {strides = array<i32>} : memref<416x512xf32, #tpu.memory_space<vmem>>, vector<1x512xf32>,
    %get3A_1671 = arith.constant 832 : index
    %get3A_1672 = arith.constant 0 : index
    %get3A_1673 = vector.load %arg2[%get3A_1671, %get3A_1672] : memref<1664x512xf32, #tpu.memory_space<vmem>>, vector<64x512xf32>
    %mul3A_1674 = arith.mulf %get3A_1593, %get3A_1673 : vector<64x512xf32>
    %reduce_sum3A_1675 = arith.constant dense<0.000000e+00> : vector<512xf32>
    %reduce_sum3A_1676 = vector.multi_reduction <add>, %mul3A_1674, %reduce_sum3A_1675 [0] : vector<64x512xf32> to vector<512xf32>
    %swap3A_1677 = arith.constant 212 : index
    %swap3A_1678 = arith.constant 0 : index
    %swap3A_1679 = vector.load %arg14[%swap3A_1677, %swap3A_1678] : memref<416x512xf32, #tpu.memory_space<vmem>>, vector<1x512xf32>
    %swap3A_1680 = vector.shape_cast %swap3A_1679 : vector<1x512xf32> to vector<512xf32>
    %swap3A_1681 = vector.shape_cast %reduce_sum3A_1676 : vector<512xf32> to vector<1x512xf32>
    tpu.vector_store %arg14[%swap3A_1677, %swap3A_1678], %swap3A_1681 {strides = array<i32>} : memref<416x512xf32, #tpu.memory_space<vmem>>, vector<1x512xf32>,
    %get3A_1682 = arith.constant 896 : index
    %get3A_1683 = arith.constant 0 : index
    %get3A_1684 = vector.load %arg2[%get3A_1682, %get3A_1683] : memref<1664x512xf32, #tpu.memory_space<vmem>>, vector<64x512xf32>
    %mul3A_1685 = arith.mulf %get3A_1593, %get3A_1684 : vector<64x512xf32>
    %reduce_sum3A_1686 = arith.constant dense<0.000000e+00> : vector<512xf32>
    %reduce_sum3A_1687 = vector.multi_reduction <add>, %mul3A_1685, %reduce_sum3A_1686 [0] : vector<64x512xf32> to vector<512xf32>
    %swap3A_1688 = arith.constant 213 : index
    %swap3A_1689 = arith.constant 0 : index
    %swap3A_1690 = vector.load %arg14[%swap3A_1688, %swap3A_1689] : memref<416x512xf32, #tpu.memory_space<vmem>>, vector<1x512xf32>
    %swap3A_1691 = vector.shape_cast %swap3A_1690 : vector<1x512xf32> to vector<512xf32>
    %swap3A_1692 = vector.shape_cast %reduce_sum3A_1687 : vector<512xf32> to vector<1x512xf32>
    tpu.vector_store %arg14[%swap3A_1688, %swap3A_1689], %swap3A_1692 {strides = array<i32>} : memref<416x512xf32, #tpu.memory_space<vmem>>, vector<1x512xf32>,
    %get3A_1693 = arith.constant 960 : index
    %get3A_1694 = arith.constant 0 : index
    %get3A_1695 = vector.load %arg2[%get3A_1693, %get3A_1694] : memref<1664x512xf32, #tpu.memory_space<vmem>>, vector<64x512xf32>
    %mul3A_1696 = arith.mulf %get3A_1593, %get3A_1695 : vector<64x512xf32>
    %reduce_sum3A_1697 = arith.constant dense<0.000000e+00> : vector<512xf32>
    %reduce_sum3A_1698 = vector.multi_reduction <add>, %mul3A_1696, %reduce_sum3A_1697 [0] : vector<64x512xf32> to vector<512xf32>
    %swap3A_1699 = arith.constant 214 : index
    %swap3A_1700 = arith.constant 0 : index
    %swap3A_1701 = vector.load %arg14[%swap3A_1699, %swap3A_1700] : memref<416x512xf32, #tpu.memory_space<vmem>>, vector<1x512xf32>
    %swap3A_1702 = vector.shape_cast %swap3A_1701 : vector<1x512xf32> to vector<512xf32>
    %swap3A_1703 = vector.shape_cast %reduce_sum3A_1698 : vector<512xf32> to vector<1x512xf32>
    tpu.vector_store %arg14[%swap3A_1699, %swap3A_1700], %swap3A_1703 {strides = array<i32>} : memref<416x512xf32, #tpu.memory_space<vmem>>, vector<1x512xf32>,
    %get3A_1704 = arith.constant 1024 : index
    %get3A_1705 = arith.constant 0 : index
    %get3A_1706 = vector.load %arg2[%get3A_1704, %get3A_1705] : memref<1664x512xf32, #tpu.memory_space<vmem>>, vector<64x512xf32>
    %mul3A_1707 = arith.mulf %get3A_1593, %get3A_1706 : vector<64x512xf32>
    %reduce_sum3A_1708 = arith.constant dense<0.000000e+00> : vector<512xf32>
    %reduce_sum3A_1709 = vector.multi_reduction <add>, %mul3A_1707, %reduce_sum3A_1708 [0] : vector<64x512xf32> to vector<512xf32>
    %swap3A_1710 = arith.constant 215 : index
    %swap3A_1711 = arith.constant 0 : index
    %swap3A_1712 = vector.load %arg14[%swap3A_1710, %swap3A_1711] : memref<416x512xf32, #tpu.memory_space<vmem>>, vector<1x512xf32>
    %swap3A_1713 = vector.shape_cast %swap3A_1712 : vector<1x512xf32> to vector<512xf32>
    %swap3A_1714 = vector.shape_cast %reduce_sum3A_1709 : vector<512xf32> to vector<1x512xf32>
    tpu.vector_store %arg14[%swap3A_1710, %swap3A_1711], %swap3A_1714 {strides = array<i32>} : memref<416x512xf32, #tpu.memory_space<vmem>>, vector<1x512xf32>,
    %get3A_1715 = arith.constant 1088 : index
    %get3A_1716 = arith.constant 0 : index
    %get3A_1717 = vector.load %arg2[%get3A_1715, %get3A_1716] : memref<1664x512xf32, #tpu.memory_space<vmem>>, vector<64x512xf32>
    %mul3A_1718 = arith.mulf %get3A_1593, %get3A_1717 : vector<64x512xf32>
    %reduce_sum3A_1719 = arith.constant dense<0.000000e+00> : vector<512xf32>
    %reduce_sum3A_1720 = vector.multi_reduction <add>, %mul3A_1718, %reduce_sum3A_1719 [0] : vector<64x512xf32> to vector<512xf32>
    %swap3A_1721 = arith.constant 216 : index
    %swap3A_1722 = arith.constant 0 : index
    %swap3A_1723 = vector.load %arg14[%swap3A_1721, %swap3A_1722] : memref<416x512xf32, #tpu.memory_space<vmem>>, vector<1x512xf32>
    %swap3A_1724 = vector.shape_cast %swap3A_1723 : vector<1x512xf32> to vector<512xf32>
    %swap3A_1725 = vector.shape_cast %reduce_sum3A_1720 : vector<512xf32> to vector<1x512xf32>
    tpu.vector_store %arg14[%swap3A_1721, %swap3A_1722], %swap3A_1725 {strides = array<i32>} : memref<416x512xf32, #tpu.memory_space<vmem>>, vector<1x512xf32>,
    %get3A_1726 = arith.constant 1152 : index
    %get3A_1727 = arith.constant 0 : index
    %get3A_1728 = vector.load %arg2[%get3A_1726, %get3A_1727] : memref<1664x512xf32, #tpu.memory_space<vmem>>, vector<64x512xf32>
    %mul3A_1729 = arith.mulf %get3A_1593, %get3A_1728 : vector<64x512xf32>
    %reduce_sum3A_1730 = arith.constant dense<0.000000e+00> : vector<512xf32>
    %reduce_sum3A_1731 = vector.multi_reduction <add>, %mul3A_1729, %reduce_sum3A_1730 [0] : vector<64x512xf32> to vector<512xf32>
    %swap3A_1732 = arith.constant 217 : index
    %swap3A_1733 = arith.constant 0 : index
    %swap3A_1734 = vector.load %arg14[%swap3A_1732, %swap3A_1733] : memref<416x512xf32, #tpu.memory_space<vmem>>, vector<1x512xf32>
    %swap3A_1735 = vector.shape_cast %swap3A_1734 : vector<1x512xf32> to vector<512xf32>
    %swap3A_1736 = vector.shape_cast %reduce_sum3A_1731 : vector<512xf32> to vector<1x512xf32>
    tpu.vector_store %arg14[%swap3A_1732, %swap3A_1733], %swap3A_1736 {strides = array<i32>} : memref<416x512xf32, #tpu.memory_space<vmem>>, vector<1x512xf32>,
    %get3A_1737 = arith.constant 1216 : index
    %get3A_1738 = arith.constant 0 : index
    %get3A_1739 = vector.load %arg2[%get3A_1737, %get3A_1738] : memref<1664x512xf32, #tpu.memory_space<vmem>>, vector<64x512xf32>
    %mul3A_1740 = arith.mulf %get3A_1593, %get3A_1739 : vector<64x512xf32>
    %reduce_sum3A_1741 = arith.constant dense<0.000000e+00> : vector<512xf32>
    %reduce_sum3A_1742 = vector.multi_reduction <add>, %mul3A_1740, %reduce_sum3A_1741 [0] : vector<64x512xf32> to vector<512xf32>
    %swap3A_1743 = arith.constant 218 : index
    %swap3A_1744 = arith.constant 0 : index
    %swap3A_1745 = vector.load %arg14[%swap3A_1743, %swap3A_1744] : memref<416x512xf32, #tpu.memory_space<vmem>>, vector<1x512xf32>
    %swap3A_1746 = vector.shape_cast %swap3A_1745 : vector<1x512xf32> to vector<512xf32>
    %swap3A_1747 = vector.shape_cast %reduce_sum3A_1742 : vector<512xf32> to vector<1x512xf32>
    tpu.vector_store %arg14[%swap3A_1743, %swap3A_1744], %swap3A_1747 {strides = array<i32>} : memref<416x512xf32, #tpu.memory_space<vmem>>, vector<1x512xf32>,
    %get3A_1748 = arith.constant 1280 : index
    %get3A_1749 = arith.constant 0 : index
    %get3A_1750 = vector.load %arg2[%get3A_1748, %get3A_1749] : memref<1664x512xf32, #tpu.memory_space<vmem>>, vector<64x512xf32>
    %mul3A_1751 = arith.mulf %get3A_1593, %get3A_1750 : vector<64x512xf32>
    %reduce_sum3A_1752 = arith.constant dense<0.000000e+00> : vector<512xf32>
    %reduce_sum3A_1753 = vector.multi_reduction <add>, %mul3A_1751, %reduce_sum3A_1752 [0] : vector<64x512xf32> to vector<512xf32>
    %swap3A_1754 = arith.constant 219 : index
    %swap3A_1755 = arith.constant 0 : index
    %swap3A_1756 = vector.load %arg14[%swap3A_1754, %swap3A_1755] : memref<416x512xf32, #tpu.memory_space<vmem>>, vector<1x512xf32>
    %swap3A_1757 = vector.shape_cast %swap3A_1756 : vector<1x512xf32> to vector<512xf32>
    %swap3A_1758 = vector.shape_cast %reduce_sum3A_1753 : vector<512xf32> to vector<1x512xf32>
    tpu.vector_store %arg14[%swap3A_1754, %swap3A_1755], %swap3A_1758 {strides = array<i32>} : memref<416x512xf32, #tpu.memory_space<vmem>>, vector<1x512xf32>,
    %get3A_1759 = arith.constant 1344 : index
    %get3A_1760 = arith.constant 0 : index
    %get3A_1761 = vector.load %arg2[%get3A_1759, %get3A_1760] : memref<1664x512xf32, #tpu.memory_space<vmem>>, vector<64x512xf32>
    %mul3A_1762 = arith.mulf %get3A_1593, %get3A_1761 : vector<64x512xf32>
    %reduce_sum3A_1763 = arith.constant dense<0.000000e+00> : vector<512xf32>
    %reduce_sum3A_1764 = vector.multi_reduction <add>, %mul3A_1762, %reduce_sum3A_1763 [0] : vector<64x512xf32> to vector<512xf32>
    %swap3A_1765 = arith.constant 220 : index
    %swap3A_1766 = arith.constant 0 : index
    %swap3A_1767 = vector.load %arg14[%swap3A_1765, %swap3A_1766] : memref<416x512xf32, #tpu.memory_space<vmem>>, vector<1x512xf32>
    %swap3A_1768 = vector.shape_cast %swap3A_1767 : vector<1x512xf32> to vector<512xf32>
    %swap3A_1769 = vector.shape_cast %reduce_sum3A_1764 : vector<512xf32> to vector<1x512xf32>
    tpu.vector_store %arg14[%swap3A_1765, %swap3A_1766], %swap3A_1769 {strides = array<i32>} : memref<416x512xf32, #tpu.memory_space<vmem>>, vector<1x512xf32>,
    %get3A_1770 = arith.constant 1408 : index
    %get3A_1771 = arith.constant 0 : index
    %get3A_1772 = vector.load %arg2[%get3A_1770, %get3A_1771] : memref<1664x512xf32, #tpu.memory_space<vmem>>, vector<64x512xf32>
    %mul3A_1773 = arith.mulf %get3A_1593, %get3A_1772 : vector<64x512xf32>
    %reduce_sum3A_1774 = arith.constant dense<0.000000e+00> : vector<512xf32>
    %reduce_sum3A_1775 = vector.multi_reduction <add>, %mul3A_1773, %reduce_sum3A_1774 [0] : vector<64x512xf32> to vector<512xf32>
    %swap3A_1776 = arith.constant 221 : index
    %swap3A_1777 = arith.constant 0 : index
    %swap3A_1778 = vector.load %arg14[%swap3A_1776, %swap3A_1777] : memref<416x512xf32, #tpu.memory_space<vmem>>, vector<1x512xf32>
    %swap3A_1779 = vector.shape_cast %swap3A_1778 : vector<1x512xf32> to vector<512xf32>
    %swap3A_1780 = vector.shape_cast %reduce_sum3A_1775 : vector<512xf32> to vector<1x512xf32>
    tpu.vector_store %arg14[%swap3A_1776, %swap3A_1777], %swap3A_1780 {strides = array<i32>} : memref<416x512xf32, #tpu.memory_space<vmem>>, vector<1x512xf32>,
    %get3A_1781 = arith.constant 1472 : index
    %get3A_1782 = arith.constant 0 : index
    %get3A_1783 = vector.load %arg2[%get3A_1781, %get3A_1782] : memref<1664x512xf32, #tpu.memory_space<vmem>>, vector<64x512xf32>
    %mul3A_1784 = arith.mulf %get3A_1593, %get3A_1783 : vector<64x512xf32>
    %reduce_sum3A_1785 = arith.constant dense<0.000000e+00> : vector<512xf32>
    %reduce_sum3A_1786 = vector.multi_reduction <add>, %mul3A_1784, %reduce_sum3A_1785 [0] : vector<64x512xf32> to vector<512xf32>
    %swap3A_1787 = arith.constant 222 : index
    %swap3A_1788 = arith.constant 0 : index
    %swap3A_1789 = vector.load %arg14[%swap3A_1787, %swap3A_1788] : memref<416x512xf32, #tpu.memory_space<vmem>>, vector<1x512xf32>
    %swap3A_1790 = vector.shape_cast %swap3A_1789 : vector<1x512xf32> to vector<512xf32>
    %swap3A_1791 = vector.shape_cast %reduce_sum3A_1786 : vector<512xf32> to vector<1x512xf32>
    tpu.vector_store %arg14[%swap3A_1787, %swap3A_1788], %swap3A_1791 {strides = array<i32>} : memref<416x512xf32, #tpu.memory_space<vmem>>, vector<1x512xf32>,
    %get3A_1792 = arith.constant 1536 : index
    %get3A_1793 = arith.constant 0 : index
    %get3A_1794 = vector.load %arg2[%get3A_1792, %get3A_1793] : memref<1664x512xf32, #tpu.memory_space<vmem>>, vector<64x512xf32>
    %mul3A_1795 = arith.mulf %get3A_1593, %get3A_1794 : vector<64x512xf32>
    %reduce_sum3A_1796 = arith.constant dense<0.000000e+00> : vector<512xf32>
    %reduce_sum3A_1797 = vector.multi_reduction <add>, %mul3A_1795, %reduce_sum3A_1796 [0] : vector<64x512xf32> to vector<512xf32>
    %swap3A_1798 = arith.constant 223 : index
    %swap3A_1799 = arith.constant 0 : index
    %swap3A_1800 = vector.load %arg14[%swap3A_1798, %swap3A_1799] : memref<416x512xf32, #tpu.memory_space<vmem>>, vector<1x512xf32>
    %swap3A_1801 = vector.shape_cast %swap3A_1800 : vector<1x512xf32> to vector<512xf32>
    %swap3A_1802 = vector.shape_cast %reduce_sum3A_1797 : vector<512xf32> to vector<1x512xf32>
    tpu.vector_store %arg14[%swap3A_1798, %swap3A_1799], %swap3A_1802 {strides = array<i32>} : memref<416x512xf32, #tpu.memory_space<vmem>>, vector<1x512xf32>,
    %get3A_1803 = arith.constant 1600 : index
    %get3A_1804 = arith.constant 0 : index
    %get3A_1805 = vector.load %arg2[%get3A_1803, %get3A_1804] : memref<1664x512xf32, #tpu.memory_space<vmem>>, vector<64x512xf32>
    %mul3A_1806 = arith.mulf %get3A_1593, %get3A_1805 : vector<64x512xf32>
    %reduce_sum3A_1807 = arith.constant dense<0.000000e+00> : vector<512xf32>
    %reduce_sum3A_1808 = vector.multi_reduction <add>, %mul3A_1806, %reduce_sum3A_1807 [0] : vector<64x512xf32> to vector<512xf32>
    %swap3A_1809 = arith.constant 224 : index
    %swap3A_1810 = arith.constant 0 : index
    %swap3A_1811 = vector.load %arg14[%swap3A_1809, %swap3A_1810] : memref<416x512xf32, #tpu.memory_space<vmem>>, vector<1x512xf32>
    %swap3A_1812 = vector.shape_cast %swap3A_1811 : vector<1x512xf32> to vector<512xf32>
    %swap3A_1813 = vector.shape_cast %reduce_sum3A_1808 : vector<512xf32> to vector<1x512xf32>
    tpu.vector_store %arg14[%swap3A_1809, %swap3A_1810], %swap3A_1813 {strides = array<i32>} : memref<416x512xf32, #tpu.memory_space<vmem>>, vector<1x512xf32>,
    %get3A_1814 = arith.constant 384 : index
    %get3A_1815 = arith.constant 0 : index
    %get3A_1816 = vector.load %arg2[%get3A_1814, %get3A_1815] : memref<1664x512xf32, #tpu.memory_space<vmem>>, vector<64x512xf32>
    %get3A_1817 = arith.constant 448 : index
    %get3A_1818 = arith.constant 0 : index
    %get3A_1819 = vector.load %arg2[%get3A_1817, %get3A_1818] : memref<1664x512xf32, #tpu.memory_space<vmem>>, vector<64x512xf32>
    %mul3A_1820 = arith.mulf %get3A_1816, %get3A_1819 : vector<64x512xf32>
    %reduce_sum3A_1821 = arith.constant dense<0.000000e+00> : vector<512xf32>
    %reduce_sum3A_1822 = vector.multi_reduction <add>, %mul3A_1820, %reduce_sum3A_1821 [0] : vector<64x512xf32> to vector<512xf32>
    %swap3A_1823 = arith.constant 225 : index
    %swap3A_1824 = arith.constant 0 : index
    %swap3A_1825 = vector.load %arg14[%swap3A_1823, %swap3A_1824] : memref<416x512xf32, #tpu.memory_space<vmem>>, vector<1x512xf32>
    %swap3A_1826 = vector.shape_cast %swap3A_1825 : vector<1x512xf32> to vector<512xf32>
    %swap3A_1827 = vector.shape_cast %reduce_sum3A_1822 : vector<512xf32> to vector<1x512xf32>
    tpu.vector_store %arg14[%swap3A_1823, %swap3A_1824], %swap3A_1827 {strides = array<i32>} : memref<416x512xf32, #tpu.memory_space<vmem>>, vector<1x512xf32>,
    %get3A_1828 = arith.constant 512 : index
    %get3A_1829 = arith.constant 0 : index
    %get3A_1830 = vector.load %arg2[%get3A_1828, %get3A_1829] : memref<1664x512xf32, #tpu.memory_space<vmem>>, vector<64x512xf32>
    %mul3A_1831 = arith.mulf %get3A_1816, %get3A_1830 : vector<64x512xf32>
    %reduce_sum3A_1832 = arith.constant dense<0.000000e+00> : vector<512xf32>
    %reduce_sum3A_1833 = vector.multi_reduction <add>, %mul3A_1831, %reduce_sum3A_1832 [0] : vector<64x512xf32> to vector<512xf32>
    %swap3A_1834 = arith.constant 226 : index
    %swap3A_1835 = arith.constant 0 : index
    %swap3A_1836 = vector.load %arg14[%swap3A_1834, %swap3A_1835] : memref<416x512xf32, #tpu.memory_space<vmem>>, vector<1x512xf32>
    %swap3A_1837 = vector.shape_cast %swap3A_1836 : vector<1x512xf32> to vector<512xf32>
    %swap3A_1838 = vector.shape_cast %reduce_sum3A_1833 : vector<512xf32> to vector<1x512xf32>
    tpu.vector_store %arg14[%swap3A_1834, %swap3A_1835], %swap3A_1838 {strides = array<i32>} : memref<416x512xf32, #tpu.memory_space<vmem>>, vector<1x512xf32>,
    %get3A_1839 = arith.constant 576 : index
    %get3A_1840 = arith.constant 0 : index
    %get3A_1841 = vector.load %arg2[%get3A_1839, %get3A_1840] : memref<1664x512xf32, #tpu.memory_space<vmem>>, vector<64x512xf32>
    %mul3A_1842 = arith.mulf %get3A_1816, %get3A_1841 : vector<64x512xf32>
    %reduce_sum3A_1843 = arith.constant dense<0.000000e+00> : vector<512xf32>
    %reduce_sum3A_1844 = vector.multi_reduction <add>, %mul3A_1842, %reduce_sum3A_1843 [0] : vector<64x512xf32> to vector<512xf32>
    %swap3A_1845 = arith.constant 227 : index
    %swap3A_1846 = arith.constant 0 : index
    %swap3A_1847 = vector.load %arg14[%swap3A_1845, %swap3A_1846] : memref<416x512xf32, #tpu.memory_space<vmem>>, vector<1x512xf32>
    %swap3A_1848 = vector.shape_cast %swap3A_1847 : vector<1x512xf32> to vector<512xf32>
    %swap3A_1849 = vector.shape_cast %reduce_sum3A_1844 : vector<512xf32> to vector<1x512xf32>
    tpu.vector_store %arg14[%swap3A_1845, %swap3A_1846], %swap3A_1849 {strides = array<i32>} : memref<416x512xf32, #tpu.memory_space<vmem>>, vector<1x512xf32>,
    %get3A_1850 = arith.constant 640 : index
    %get3A_1851 = arith.constant 0 : index
    %get3A_1852 = vector.load %arg2[%get3A_1850, %get3A_1851] : memref<1664x512xf32, #tpu.memory_space<vmem>>, vector<64x512xf32>
    %mul3A_1853 = arith.mulf %get3A_1816, %get3A_1852 : vector<64x512xf32>
    %reduce_sum3A_1854 = arith.constant dense<0.000000e+00> : vector<512xf32>
    %reduce_sum3A_1855 = vector.multi_reduction <add>, %mul3A_1853, %reduce_sum3A_1854 [0] : vector<64x512xf32> to vector<512xf32>
    %swap3A_1856 = arith.constant 228 : index
    %swap3A_1857 = arith.constant 0 : index
    %swap3A_1858 = vector.load %arg14[%swap3A_1856, %swap3A_1857] : memref<416x512xf32, #tpu.memory_space<vmem>>, vector<1x512xf32>
    %swap3A_1859 = vector.shape_cast %swap3A_1858 : vector<1x512xf32> to vector<512xf32>
    %swap3A_1860 = vector.shape_cast %reduce_sum3A_1855 : vector<512xf32> to vector<1x512xf32>
    tpu.vector_store %arg14[%swap3A_1856, %swap3A_1857], %swap3A_1860 {strides = array<i32>} : memref<416x512xf32, #tpu.memory_space<vmem>>, vector<1x512xf32>,
    %get3A_1861 = arith.constant 704 : index
    %get3A_1862 = arith.constant 0 : index
    %get3A_1863 = vector.load %arg2[%get3A_1861, %get3A_1862] : memref<1664x512xf32, #tpu.memory_space<vmem>>, vector<64x512xf32>
    %mul3A_1864 = arith.mulf %get3A_1816, %get3A_1863 : vector<64x512xf32>
    %reduce_sum3A_1865 = arith.constant dense<0.000000e+00> : vector<512xf32>
    %reduce_sum3A_1866 = vector.multi_reduction <add>, %mul3A_1864, %reduce_sum3A_1865 [0] : vector<64x512xf32> to vector<512xf32>
    %swap3A_1867 = arith.constant 229 : index
    %swap3A_1868 = arith.constant 0 : index
    %swap3A_1869 = vector.load %arg14[%swap3A_1867, %swap3A_1868] : memref<416x512xf32, #tpu.memory_space<vmem>>, vector<1x512xf32>
    %swap3A_1870 = vector.shape_cast %swap3A_1869 : vector<1x512xf32> to vector<512xf32>
    %swap3A_1871 = vector.shape_cast %reduce_sum3A_1866 : vector<512xf32> to vector<1x512xf32>
    tpu.vector_store %arg14[%swap3A_1867, %swap3A_1868], %swap3A_1871 {strides = array<i32>} : memref<416x512xf32, #tpu.memory_space<vmem>>, vector<1x512xf32>,
    %get3A_1872 = arith.constant 768 : index
    %get3A_1873 = arith.constant 0 : index
    %get3A_1874 = vector.load %arg2[%get3A_1872, %get3A_1873] : memref<1664x512xf32, #tpu.memory_space<vmem>>, vector<64x512xf32>
    %mul3A_1875 = arith.mulf %get3A_1816, %get3A_1874 : vector<64x512xf32>
    %reduce_sum3A_1876 = arith.constant dense<0.000000e+00> : vector<512xf32>
    %reduce_sum3A_1877 = vector.multi_reduction <add>, %mul3A_1875, %reduce_sum3A_1876 [0] : vector<64x512xf32> to vector<512xf32>
    %swap3A_1878 = arith.constant 230 : index
    %swap3A_1879 = arith.constant 0 : index
    %swap3A_1880 = vector.load %arg14[%swap3A_1878, %swap3A_1879] : memref<416x512xf32, #tpu.memory_space<vmem>>, vector<1x512xf32>
    %swap3A_1881 = vector.shape_cast %swap3A_1880 : vector<1x512xf32> to vector<512xf32>
    %swap3A_1882 = vector.shape_cast %reduce_sum3A_1877 : vector<512xf32> to vector<1x512xf32>
    tpu.vector_store %arg14[%swap3A_1878, %swap3A_1879], %swap3A_1882 {strides = array<i32>} : memref<416x512xf32, #tpu.memory_space<vmem>>, vector<1x512xf32>,
    %get3A_1883 = arith.constant 832 : index
    %get3A_1884 = arith.constant 0 : index
    %get3A_1885 = vector.load %arg2[%get3A_1883, %get3A_1884] : memref<1664x512xf32, #tpu.memory_space<vmem>>, vector<64x512xf32>
    %mul3A_1886 = arith.mulf %get3A_1816, %get3A_1885 : vector<64x512xf32>
    %reduce_sum3A_1887 = arith.constant dense<0.000000e+00> : vector<512xf32>
    %reduce_sum3A_1888 = vector.multi_reduction <add>, %mul3A_1886, %reduce_sum3A_1887 [0] : vector<64x512xf32> to vector<512xf32>
    %swap3A_1889 = arith.constant 231 : index
    %swap3A_1890 = arith.constant 0 : index
    %swap3A_1891 = vector.load %arg14[%swap3A_1889, %swap3A_1890] : memref<416x512xf32, #tpu.memory_space<vmem>>, vector<1x512xf32>
    %swap3A_1892 = vector.shape_cast %swap3A_1891 : vector<1x512xf32> to vector<512xf32>
    %swap3A_1893 = vector.shape_cast %reduce_sum3A_1888 : vector<512xf32> to vector<1x512xf32>
    tpu.vector_store %arg14[%swap3A_1889, %swap3A_1890], %swap3A_1893 {strides = array<i32>} : memref<416x512xf32, #tpu.memory_space<vmem>>, vector<1x512xf32>,
    %get3A_1894 = arith.constant 896 : index
    %get3A_1895 = arith.constant 0 : index
    %get3A_1896 = vector.load %arg2[%get3A_1894, %get3A_1895] : memref<1664x512xf32, #tpu.memory_space<vmem>>, vector<64x512xf32>
    %mul3A_1897 = arith.mulf %get3A_1816, %get3A_1896 : vector<64x512xf32>
    %reduce_sum3A_1898 = arith.constant dense<0.000000e+00> : vector<512xf32>
    %reduce_sum3A_1899 = vector.multi_reduction <add>, %mul3A_1897, %reduce_sum3A_1898 [0] : vector<64x512xf32> to vector<512xf32>
    %swap3A_1900 = arith.constant 232 : index
    %swap3A_1901 = arith.constant 0 : index
    %swap3A_1902 = vector.load %arg14[%swap3A_1900, %swap3A_1901] : memref<416x512xf32, #tpu.memory_space<vmem>>, vector<1x512xf32>
    %swap3A_1903 = vector.shape_cast %swap3A_1902 : vector<1x512xf32> to vector<512xf32>
    %swap3A_1904 = vector.shape_cast %reduce_sum3A_1899 : vector<512xf32> to vector<1x512xf32>
    tpu.vector_store %arg14[%swap3A_1900, %swap3A_1901], %swap3A_1904 {strides = array<i32>} : memref<416x512xf32, #tpu.memory_space<vmem>>, vector<1x512xf32>,
    %get3A_1905 = arith.constant 960 : index
    %get3A_1906 = arith.constant 0 : index
    %get3A_1907 = vector.load %arg2[%get3A_1905, %get3A_1906] : memref<1664x512xf32, #tpu.memory_space<vmem>>, vector<64x512xf32>
    %mul3A_1908 = arith.mulf %get3A_1816, %get3A_1907 : vector<64x512xf32>
    %reduce_sum3A_1909 = arith.constant dense<0.000000e+00> : vector<512xf32>
    %reduce_sum3A_1910 = vector.multi_reduction <add>, %mul3A_1908, %reduce_sum3A_1909 [0] : vector<64x512xf32> to vector<512xf32>
    %swap3A_1911 = arith.constant 233 : index
    %swap3A_1912 = arith.constant 0 : index
    %swap3A_1913 = vector.load %arg14[%swap3A_1911, %swap3A_1912] : memref<416x512xf32, #tpu.memory_space<vmem>>, vector<1x512xf32>
    %swap3A_1914 = vector.shape_cast %swap3A_1913 : vector<1x512xf32> to vector<512xf32>
    %swap3A_1915 = vector.shape_cast %reduce_sum3A_1910 : vector<512xf32> to vector<1x512xf32>
    tpu.vector_store %arg14[%swap3A_1911, %swap3A_1912], %swap3A_1915 {strides = array<i32>} : memref<416x512xf32, #tpu.memory_space<vmem>>, vector<1x512xf32>,
    %get3A_1916 = arith.constant 1024 : index
    %get3A_1917 = arith.constant 0 : index
    %get3A_1918 = vector.load %arg2[%get3A_1916, %get3A_1917] : memref<1664x512xf32, #tpu.memory_space<vmem>>, vector<64x512xf32>
    %mul3A_1919 = arith.mulf %get3A_1816, %get3A_1918 : vector<64x512xf32>
    %reduce_sum3A_1920 = arith.constant dense<0.000000e+00> : vector<512xf32>
    %reduce_sum3A_1921 = vector.multi_reduction <add>, %mul3A_1919, %reduce_sum3A_1920 [0] : vector<64x512xf32> to vector<512xf32>
    %swap3A_1922 = arith.constant 234 : index
    %swap3A_1923 = arith.constant 0 : index
    %swap3A_1924 = vector.load %arg14[%swap3A_1922, %swap3A_1923] : memref<416x512xf32, #tpu.memory_space<vmem>>, vector<1x512xf32>
    %swap3A_1925 = vector.shape_cast %swap3A_1924 : vector<1x512xf32> to vector<512xf32>
    %swap3A_1926 = vector.shape_cast %reduce_sum3A_1921 : vector<512xf32> to vector<1x512xf32>
    tpu.vector_store %arg14[%swap3A_1922, %swap3A_1923], %swap3A_1926 {strides = array<i32>} : memref<416x512xf32, #tpu.memory_space<vmem>>, vector<1x512xf32>,
    %get3A_1927 = arith.constant 1088 : index
    %get3A_1928 = arith.constant 0 : index
    %get3A_1929 = vector.load %arg2[%get3A_1927, %get3A_1928] : memref<1664x512xf32, #tpu.memory_space<vmem>>, vector<64x512xf32>
    %mul3A_1930 = arith.mulf %get3A_1816, %get3A_1929 : vector<64x512xf32>
    %reduce_sum3A_1931 = arith.constant dense<0.000000e+00> : vector<512xf32>
    %reduce_sum3A_1932 = vector.multi_reduction <add>, %mul3A_1930, %reduce_sum3A_1931 [0] : vector<64x512xf32> to vector<512xf32>
    %swap3A_1933 = arith.constant 235 : index
    %swap3A_1934 = arith.constant 0 : index
    %swap3A_1935 = vector.load %arg14[%swap3A_1933, %swap3A_1934] : memref<416x512xf32, #tpu.memory_space<vmem>>, vector<1x512xf32>
    %swap3A_1936 = vector.shape_cast %swap3A_1935 : vector<1x512xf32> to vector<512xf32>
    %swap3A_1937 = vector.shape_cast %reduce_sum3A_1932 : vector<512xf32> to vector<1x512xf32>
    tpu.vector_store %arg14[%swap3A_1933, %swap3A_1934], %swap3A_1937 {strides = array<i32>} : memref<416x512xf32, #tpu.memory_space<vmem>>, vector<1x512xf32>,
    %get3A_1938 = arith.constant 1152 : index
    %get3A_1939 = arith.constant 0 : index
    %get3A_1940 = vector.load %arg2[%get3A_1938, %get3A_1939] : memref<1664x512xf32, #tpu.memory_space<vmem>>, vector<64x512xf32>
    %mul3A_1941 = arith.mulf %get3A_1816, %get3A_1940 : vector<64x512xf32>
    %reduce_sum3A_1942 = arith.constant dense<0.000000e+00> : vector<512xf32>
    %reduce_sum3A_1943 = vector.multi_reduction <add>, %mul3A_1941, %reduce_sum3A_1942 [0] : vector<64x512xf32> to vector<512xf32>
    %swap3A_1944 = arith.constant 236 : index
    %swap3A_1945 = arith.constant 0 : index
    %swap3A_1946 = vector.load %arg14[%swap3A_1944, %swap3A_1945] : memref<416x512xf32, #tpu.memory_space<vmem>>, vector<1x512xf32>
    %swap3A_1947 = vector.shape_cast %swap3A_1946 : vector<1x512xf32> to vector<512xf32>
    %swap3A_1948 = vector.shape_cast %reduce_sum3A_1943 : vector<512xf32> to vector<1x512xf32>
    tpu.vector_store %arg14[%swap3A_1944, %swap3A_1945], %swap3A_1948 {strides = array<i32>} : memref<416x512xf32, #tpu.memory_space<vmem>>, vector<1x512xf32>,
    %get3A_1949 = arith.constant 1216 : index
    %get3A_1950 = arith.constant 0 : index
    %get3A_1951 = vector.load %arg2[%get3A_1949, %get3A_1950] : memref<1664x512xf32, #tpu.memory_space<vmem>>, vector<64x512xf32>
    %mul3A_1952 = arith.mulf %get3A_1816, %get3A_1951 : vector<64x512xf32>
    %reduce_sum3A_1953 = arith.constant dense<0.000000e+00> : vector<512xf32>
    %reduce_sum3A_1954 = vector.multi_reduction <add>, %mul3A_1952, %reduce_sum3A_1953 [0] : vector<64x512xf32> to vector<512xf32>
    %swap3A_1955 = arith.constant 237 : index
    %swap3A_1956 = arith.constant 0 : index
    %swap3A_1957 = vector.load %arg14[%swap3A_1955, %swap3A_1956] : memref<416x512xf32, #tpu.memory_space<vmem>>, vector<1x512xf32>
    %swap3A_1958 = vector.shape_cast %swap3A_1957 : vector<1x512xf32> to vector<512xf32>
    %swap3A_1959 = vector.shape_cast %reduce_sum3A_1954 : vector<512xf32> to vector<1x512xf32>
    tpu.vector_store %arg14[%swap3A_1955, %swap3A_1956], %swap3A_1959 {strides = array<i32>} : memref<416x512xf32, #tpu.memory_space<vmem>>, vector<1x512xf32>,
    %get3A_1960 = arith.constant 1280 : index
    %get3A_1961 = arith.constant 0 : index
    %get3A_1962 = vector.load %arg2[%get3A_1960, %get3A_1961] : memref<1664x512xf32, #tpu.memory_space<vmem>>, vector<64x512xf32>
    %mul3A_1963 = arith.mulf %get3A_1816, %get3A_1962 : vector<64x512xf32>
    %reduce_sum3A_1964 = arith.constant dense<0.000000e+00> : vector<512xf32>
    %reduce_sum3A_1965 = vector.multi_reduction <add>, %mul3A_1963, %reduce_sum3A_1964 [0] : vector<64x512xf32> to vector<512xf32>
    %swap3A_1966 = arith.constant 238 : index
    %swap3A_1967 = arith.constant 0 : index
    %swap3A_1968 = vector.load %arg14[%swap3A_1966, %swap3A_1967] : memref<416x512xf32, #tpu.memory_space<vmem>>, vector<1x512xf32>
    %swap3A_1969 = vector.shape_cast %swap3A_1968 : vector<1x512xf32> to vector<512xf32>
    %swap3A_1970 = vector.shape_cast %reduce_sum3A_1965 : vector<512xf32> to vector<1x512xf32>
    tpu.vector_store %arg14[%swap3A_1966, %swap3A_1967], %swap3A_1970 {strides = array<i32>} : memref<416x512xf32, #tpu.memory_space<vmem>>, vector<1x512xf32>,
    %get3A_1971 = arith.constant 1344 : index
    %get3A_1972 = arith.constant 0 : index
    %get3A_1973 = vector.load %arg2[%get3A_1971, %get3A_1972] : memref<1664x512xf32, #tpu.memory_space<vmem>>, vector<64x512xf32>
    %mul3A_1974 = arith.mulf %get3A_1816, %get3A_1973 : vector<64x512xf32>
    %reduce_sum3A_1975 = arith.constant dense<0.000000e+00> : vector<512xf32>
    %reduce_sum3A_1976 = vector.multi_reduction <add>, %mul3A_1974, %reduce_sum3A_1975 [0] : vector<64x512xf32> to vector<512xf32>
    %swap3A_1977 = arith.constant 239 : index
    %swap3A_1978 = arith.constant 0 : index
    %swap3A_1979 = vector.load %arg14[%swap3A_1977, %swap3A_1978] : memref<416x512xf32, #tpu.memory_space<vmem>>, vector<1x512xf32>
    %swap3A_1980 = vector.shape_cast %swap3A_1979 : vector<1x512xf32> to vector<512xf32>
    %swap3A_1981 = vector.shape_cast %reduce_sum3A_1976 : vector<512xf32> to vector<1x512xf32>
    tpu.vector_store %arg14[%swap3A_1977, %swap3A_1978], %swap3A_1981 {strides = array<i32>} : memref<416x512xf32, #tpu.memory_space<vmem>>, vector<1x512xf32>,
    %get3A_1982 = arith.constant 1408 : index
    %get3A_1983 = arith.constant 0 : index
    %get3A_1984 = vector.load %arg2[%get3A_1982, %get3A_1983] : memref<1664x512xf32, #tpu.memory_space<vmem>>, vector<64x512xf32>
    %mul3A_1985 = arith.mulf %get3A_1816, %get3A_1984 : vector<64x512xf32>
    %reduce_sum3A_1986 = arith.constant dense<0.000000e+00> : vector<512xf32>
    %reduce_sum3A_1987 = vector.multi_reduction <add>, %mul3A_1985, %reduce_sum3A_1986 [0] : vector<64x512xf32> to vector<512xf32>
    %swap3A_1988 = arith.constant 240 : index
    %swap3A_1989 = arith.constant 0 : index
    %swap3A_1990 = vector.load %arg14[%swap3A_1988, %swap3A_1989] : memref<416x512xf32, #tpu.memory_space<vmem>>, vector<1x512xf32>
    %swap3A_1991 = vector.shape_cast %swap3A_1990 : vector<1x512xf32> to vector<512xf32>
    %swap3A_1992 = vector.shape_cast %reduce_sum3A_1987 : vector<512xf32> to vector<1x512xf32>
    tpu.vector_store %arg14[%swap3A_1988, %swap3A_1989], %swap3A_1992 {strides = array<i32>} : memref<416x512xf32, #tpu.memory_space<vmem>>, vector<1x512xf32>,
    %get3A_1993 = arith.constant 1472 : index
    %get3A_1994 = arith.constant 0 : index
    %get3A_1995 = vector.load %arg2[%get3A_1993, %get3A_1994] : memref<1664x512xf32, #tpu.memory_space<vmem>>, vector<64x512xf32>
    %mul3A_1996 = arith.mulf %get3A_1816, %get3A_1995 : vector<64x512xf32>
    %reduce_sum3A_1997 = arith.constant dense<0.000000e+00> : vector<512xf32>
    %reduce_sum3A_1998 = vector.multi_reduction <add>, %mul3A_1996, %reduce_sum3A_1997 [0] : vector<64x512xf32> to vector<512xf32>
    %swap3A_1999 = arith.constant 241 : index
    %swap3A_2000 = arith.constant 0 : index
    %swap3A_2001 = vector.load %arg14[%swap3A_1999, %swap3A_2000] : memref<416x512xf32, #tpu.memory_space<vmem>>, vector<1x512xf32>
    %swap3A_2002 = vector.shape_cast %swap3A_2001 : vector<1x512xf32> to vector<512xf32>
    %swap3A_2003 = vector.shape_cast %reduce_sum3A_1998 : vector<512xf32> to vector<1x512xf32>
    tpu.vector_store %arg14[%swap3A_1999, %swap3A_2000], %swap3A_2003 {strides = array<i32>} : memref<416x512xf32, #tpu.memory_space<vmem>>, vector<1x512xf32>,
    %get3A_2004 = arith.constant 1536 : index
    %get3A_2005 = arith.constant 0 : index
    %get3A_2006 = vector.load %arg2[%get3A_2004, %get3A_2005] : memref<1664x512xf32, #tpu.memory_space<vmem>>, vector<64x512xf32>
    %mul3A_2007 = arith.mulf %get3A_1816, %get3A_2006 : vector<64x512xf32>
    %reduce_sum3A_2008 = arith.constant dense<0.000000e+00> : vector<512xf32>
    %reduce_sum3A_2009 = vector.multi_reduction <add>, %mul3A_2007, %reduce_sum3A_2008 [0] : vector<64x512xf32> to vector<512xf32>
    %swap3A_2010 = arith.constant 242 : index
    %swap3A_2011 = arith.constant 0 : index
    %swap3A_2012 = vector.load %arg14[%swap3A_2010, %swap3A_2011] : memref<416x512xf32, #tpu.memory_space<vmem>>, vector<1x512xf32>
    %swap3A_2013 = vector.shape_cast %swap3A_2012 : vector<1x512xf32> to vector<512xf32>
    %swap3A_2014 = vector.shape_cast %reduce_sum3A_2009 : vector<512xf32> to vector<1x512xf32>
    tpu.vector_store %arg14[%swap3A_2010, %swap3A_2011], %swap3A_2014 {strides = array<i32>} : memref<416x512xf32, #tpu.memory_space<vmem>>, vector<1x512xf32>,
    %get3A_2015 = arith.constant 1600 : index
    %get3A_2016 = arith.constant 0 : index
    %get3A_2017 = vector.load %arg2[%get3A_2015, %get3A_2016] : memref<1664x512xf32, #tpu.memory_space<vmem>>, vector<64x512xf32>
    %mul3A_2018 = arith.mulf %get3A_1816, %get3A_2017 : vector<64x512xf32>
    %reduce_sum3A_2019 = arith.constant dense<0.000000e+00> : vector<512xf32>
    %reduce_sum3A_2020 = vector.multi_reduction <add>, %mul3A_2018, %reduce_sum3A_2019 [0] : vector<64x512xf32> to vector<512xf32>
    %swap3A_2021 = arith.constant 243 : index
    %swap3A_2022 = arith.constant 0 : index
    %swap3A_2023 = vector.load %arg14[%swap3A_2021, %swap3A_2022] : memref<416x512xf32, #tpu.memory_space<vmem>>, vector<1x512xf32>
    %swap3A_2024 = vector.shape_cast %swap3A_2023 : vector<1x512xf32> to vector<512xf32>
    %swap3A_2025 = vector.shape_cast %reduce_sum3A_2020 : vector<512xf32> to vector<1x512xf32>
    tpu.vector_store %arg14[%swap3A_2021, %swap3A_2022], %swap3A_2025 {strides = array<i32>} : memref<416x512xf32, #tpu.memory_space<vmem>>, vector<1x512xf32>,
    %get3A_2026 = arith.constant 448 : index
    %get3A_2027 = arith.constant 0 : index
    %get3A_2028 = vector.load %arg2[%get3A_2026, %get3A_2027] : memref<1664x512xf32, #tpu.memory_space<vmem>>, vector<64x512xf32>
    %get3A_2029 = arith.constant 512 : index
    %get3A_2030 = arith.constant 0 : index
    %get3A_2031 = vector.load %arg2[%get3A_2029, %get3A_2030] : memref<1664x512xf32, #tpu.memory_space<vmem>>, vector<64x512xf32>
    %mul3A_2032 = arith.mulf %get3A_2028, %get3A_2031 : vector<64x512xf32>
    %reduce_sum3A_2033 = arith.constant dense<0.000000e+00> : vector<512xf32>
    %reduce_sum3A_2034 = vector.multi_reduction <add>, %mul3A_2032, %reduce_sum3A_2033 [0] : vector<64x512xf32> to vector<512xf32>
    %swap3A_2035 = arith.constant 244 : index
    %swap3A_2036 = arith.constant 0 : index
    %swap3A_2037 = vector.load %arg14[%swap3A_2035, %swap3A_2036] : memref<416x512xf32, #tpu.memory_space<vmem>>, vector<1x512xf32>
    %swap3A_2038 = vector.shape_cast %swap3A_2037 : vector<1x512xf32> to vector<512xf32>
    %swap3A_2039 = vector.shape_cast %reduce_sum3A_2034 : vector<512xf32> to vector<1x512xf32>
    tpu.vector_store %arg14[%swap3A_2035, %swap3A_2036], %swap3A_2039 {strides = array<i32>} : memref<416x512xf32, #tpu.memory_space<vmem>>, vector<1x512xf32>,
    %get3A_2040 = arith.constant 576 : index
    %get3A_2041 = arith.constant 0 : index
    %get3A_2042 = vector.load %arg2[%get3A_2040, %get3A_2041] : memref<1664x512xf32, #tpu.memory_space<vmem>>, vector<64x512xf32>
    %mul3A_2043 = arith.mulf %get3A_2028, %get3A_2042 : vector<64x512xf32>
    %reduce_sum3A_2044 = arith.constant dense<0.000000e+00> : vector<512xf32>
    %reduce_sum3A_2045 = vector.multi_reduction <add>, %mul3A_2043, %reduce_sum3A_2044 [0] : vector<64x512xf32> to vector<512xf32>
    %swap3A_2046 = arith.constant 245 : index
    %swap3A_2047 = arith.constant 0 : index
    %swap3A_2048 = vector.load %arg14[%swap3A_2046, %swap3A_2047] : memref<416x512xf32, #tpu.memory_space<vmem>>, vector<1x512xf32>
    %swap3A_2049 = vector.shape_cast %swap3A_2048 : vector<1x512xf32> to vector<512xf32>
    %swap3A_2050 = vector.shape_cast %reduce_sum3A_2045 : vector<512xf32> to vector<1x512xf32>
    tpu.vector_store %arg14[%swap3A_2046, %swap3A_2047], %swap3A_2050 {strides = array<i32>} : memref<416x512xf32, #tpu.memory_space<vmem>>, vector<1x512xf32>,
    %get3A_2051 = arith.constant 640 : index
    %get3A_2052 = arith.constant 0 : index
    %get3A_2053 = vector.load %arg2[%get3A_2051, %get3A_2052] : memref<1664x512xf32, #tpu.memory_space<vmem>>, vector<64x512xf32>
    %mul3A_2054 = arith.mulf %get3A_2028, %get3A_2053 : vector<64x512xf32>
    %reduce_sum3A_2055 = arith.constant dense<0.000000e+00> : vector<512xf32>
    %reduce_sum3A_2056 = vector.multi_reduction <add>, %mul3A_2054, %reduce_sum3A_2055 [0] : vector<64x512xf32> to vector<512xf32>
    %swap3A_2057 = arith.constant 246 : index
    %swap3A_2058 = arith.constant 0 : index
    %swap3A_2059 = vector.load %arg14[%swap3A_2057, %swap3A_2058] : memref<416x512xf32, #tpu.memory_space<vmem>>, vector<1x512xf32>
    %swap3A_2060 = vector.shape_cast %swap3A_2059 : vector<1x512xf32> to vector<512xf32>
    %swap3A_2061 = vector.shape_cast %reduce_sum3A_2056 : vector<512xf32> to vector<1x512xf32>
    tpu.vector_store %arg14[%swap3A_2057, %swap3A_2058], %swap3A_2061 {strides = array<i32>} : memref<416x512xf32, #tpu.memory_space<vmem>>, vector<1x512xf32>,
    %get3A_2062 = arith.constant 704 : index
    %get3A_2063 = arith.constant 0 : index
    %get3A_2064 = vector.load %arg2[%get3A_2062, %get3A_2063] : memref<1664x512xf32, #tpu.memory_space<vmem>>, vector<64x512xf32>
    %mul3A_2065 = arith.mulf %get3A_2028, %get3A_2064 : vector<64x512xf32>
    %reduce_sum3A_2066 = arith.constant dense<0.000000e+00> : vector<512xf32>
    %reduce_sum3A_2067 = vector.multi_reduction <add>, %mul3A_2065, %reduce_sum3A_2066 [0] : vector<64x512xf32> to vector<512xf32>
    %swap3A_2068 = arith.constant 247 : index
    %swap3A_2069 = arith.constant 0 : index
    %swap3A_2070 = vector.load %arg14[%swap3A_2068, %swap3A_2069] : memref<416x512xf32, #tpu.memory_space<vmem>>, vector<1x512xf32>
    %swap3A_2071 = vector.shape_cast %swap3A_2070 : vector<1x512xf32> to vector<512xf32>
    %swap3A_2072 = vector.shape_cast %reduce_sum3A_2067 : vector<512xf32> to vector<1x512xf32>
    tpu.vector_store %arg14[%swap3A_2068, %swap3A_2069], %swap3A_2072 {strides = array<i32>} : memref<416x512xf32, #tpu.memory_space<vmem>>, vector<1x512xf32>,
    %get3A_2073 = arith.constant 768 : index
    %get3A_2074 = arith.constant 0 : index
    %get3A_2075 = vector.load %arg2[%get3A_2073, %get3A_2074] : memref<1664x512xf32, #tpu.memory_space<vmem>>, vector<64x512xf32>
    %mul3A_2076 = arith.mulf %get3A_2028, %get3A_2075 : vector<64x512xf32>
    %reduce_sum3A_2077 = arith.constant dense<0.000000e+00> : vector<512xf32>
    %reduce_sum3A_2078 = vector.multi_reduction <add>, %mul3A_2076, %reduce_sum3A_2077 [0] : vector<64x512xf32> to vector<512xf32>
    %swap3A_2079 = arith.constant 248 : index
    %swap3A_2080 = arith.constant 0 : index
    %swap3A_2081 = vector.load %arg14[%swap3A_2079, %swap3A_2080] : memref<416x512xf32, #tpu.memory_space<vmem>>, vector<1x512xf32>
    %swap3A_2082 = vector.shape_cast %swap3A_2081 : vector<1x512xf32> to vector<512xf32>
    %swap3A_2083 = vector.shape_cast %reduce_sum3A_2078 : vector<512xf32> to vector<1x512xf32>
    tpu.vector_store %arg14[%swap3A_2079, %swap3A_2080], %swap3A_2083 {strides = array<i32>} : memref<416x512xf32, #tpu.memory_space<vmem>>, vector<1x512xf32>,
    %get3A_2084 = arith.constant 832 : index
    %get3A_2085 = arith.constant 0 : index
    %get3A_2086 = vector.load %arg2[%get3A_2084, %get3A_2085] : memref<1664x512xf32, #tpu.memory_space<vmem>>, vector<64x512xf32>
    %mul3A_2087 = arith.mulf %get3A_2028, %get3A_2086 : vector<64x512xf32>
    %reduce_sum3A_2088 = arith.constant dense<0.000000e+00> : vector<512xf32>
    %reduce_sum3A_2089 = vector.multi_reduction <add>, %mul3A_2087, %reduce_sum3A_2088 [0] : vector<64x512xf32> to vector<512xf32>
    %swap3A_2090 = arith.constant 249 : index
    %swap3A_2091 = arith.constant 0 : index
    %swap3A_2092 = vector.load %arg14[%swap3A_2090, %swap3A_2091] : memref<416x512xf32, #tpu.memory_space<vmem>>, vector<1x512xf32>
    %swap3A_2093 = vector.shape_cast %swap3A_2092 : vector<1x512xf32> to vector<512xf32>
    %swap3A_2094 = vector.shape_cast %reduce_sum3A_2089 : vector<512xf32> to vector<1x512xf32>
    tpu.vector_store %arg14[%swap3A_2090, %swap3A_2091], %swap3A_2094 {strides = array<i32>} : memref<416x512xf32, #tpu.memory_space<vmem>>, vector<1x512xf32>,
    %get3A_2095 = arith.constant 896 : index
    %get3A_2096 = arith.constant 0 : index
    %get3A_2097 = vector.load %arg2[%get3A_2095, %get3A_2096] : memref<1664x512xf32, #tpu.memory_space<vmem>>, vector<64x512xf32>
    %mul3A_2098 = arith.mulf %get3A_2028, %get3A_2097 : vector<64x512xf32>
    %reduce_sum3A_2099 = arith.constant dense<0.000000e+00> : vector<512xf32>
    %reduce_sum3A_2100 = vector.multi_reduction <add>, %mul3A_2098, %reduce_sum3A_2099 [0] : vector<64x512xf32> to vector<512xf32>
    %swap3A_2101 = arith.constant 250 : index
    %swap3A_2102 = arith.constant 0 : index
    %swap3A_2103 = vector.load %arg14[%swap3A_2101, %swap3A_2102] : memref<416x512xf32, #tpu.memory_space<vmem>>, vector<1x512xf32>
    %swap3A_2104 = vector.shape_cast %swap3A_2103 : vector<1x512xf32> to vector<512xf32>
    %swap3A_2105 = vector.shape_cast %reduce_sum3A_2100 : vector<512xf32> to vector<1x512xf32>
    tpu.vector_store %arg14[%swap3A_2101, %swap3A_2102], %swap3A_2105 {strides = array<i32>} : memref<416x512xf32, #tpu.memory_space<vmem>>, vector<1x512xf32>,
    %get3A_2106 = arith.constant 960 : index
    %get3A_2107 = arith.constant 0 : index
    %get3A_2108 = vector.load %arg2[%get3A_2106, %get3A_2107] : memref<1664x512xf32, #tpu.memory_space<vmem>>, vector<64x512xf32>
    %mul3A_2109 = arith.mulf %get3A_2028, %get3A_2108 : vector<64x512xf32>
    %reduce_sum3A_2110 = arith.constant dense<0.000000e+00> : vector<512xf32>
    %reduce_sum3A_2111 = vector.multi_reduction <add>, %mul3A_2109, %reduce_sum3A_2110 [0] : vector<64x512xf32> to vector<512xf32>
    %swap3A_2112 = arith.constant 251 : index
    %swap3A_2113 = arith.constant 0 : index
    %swap3A_2114 = vector.load %arg14[%swap3A_2112, %swap3A_2113] : memref<416x512xf32, #tpu.memory_space<vmem>>, vector<1x512xf32>
    %swap3A_2115 = vector.shape_cast %swap3A_2114 : vector<1x512xf32> to vector<512xf32>
    %swap3A_2116 = vector.shape_cast %reduce_sum3A_2111 : vector<512xf32> to vector<1x512xf32>
    tpu.vector_store %arg14[%swap3A_2112, %swap3A_2113], %swap3A_2116 {strides = array<i32>} : memref<416x512xf32, #tpu.memory_space<vmem>>, vector<1x512xf32>,
    %get3A_2117 = arith.constant 1024 : index
    %get3A_2118 = arith.constant 0 : index
    %get3A_2119 = vector.load %arg2[%get3A_2117, %get3A_2118] : memref<1664x512xf32, #tpu.memory_space<vmem>>, vector<64x512xf32>
    %mul3A_2120 = arith.mulf %get3A_2028, %get3A_2119 : vector<64x512xf32>
    %reduce_sum3A_2121 = arith.constant dense<0.000000e+00> : vector<512xf32>
    %reduce_sum3A_2122 = vector.multi_reduction <add>, %mul3A_2120, %reduce_sum3A_2121 [0] : vector<64x512xf32> to vector<512xf32>
    %swap3A_2123 = arith.constant 252 : index
    %swap3A_2124 = arith.constant 0 : index
    %swap3A_2125 = vector.load %arg14[%swap3A_2123, %swap3A_2124] : memref<416x512xf32, #tpu.memory_space<vmem>>, vector<1x512xf32>
    %swap3A_2126 = vector.shape_cast %swap3A_2125 : vector<1x512xf32> to vector<512xf32>
    %swap3A_2127 = vector.shape_cast %reduce_sum3A_2122 : vector<512xf32> to vector<1x512xf32>
    tpu.vector_store %arg14[%swap3A_2123, %swap3A_2124], %swap3A_2127 {strides = array<i32>} : memref<416x512xf32, #tpu.memory_space<vmem>>, vector<1x512xf32>,
    %get3A_2128 = arith.constant 1088 : index
    %get3A_2129 = arith.constant 0 : index
    %get3A_2130 = vector.load %arg2[%get3A_2128, %get3A_2129] : memref<1664x512xf32, #tpu.memory_space<vmem>>, vector<64x512xf32>
    %mul3A_2131 = arith.mulf %get3A_2028, %get3A_2130 : vector<64x512xf32>
    %reduce_sum3A_2132 = arith.constant dense<0.000000e+00> : vector<512xf32>
    %reduce_sum3A_2133 = vector.multi_reduction <add>, %mul3A_2131, %reduce_sum3A_2132 [0] : vector<64x512xf32> to vector<512xf32>
    %swap3A_2134 = arith.constant 253 : index
    %swap3A_2135 = arith.constant 0 : index
    %swap3A_2136 = vector.load %arg14[%swap3A_2134, %swap3A_2135] : memref<416x512xf32, #tpu.memory_space<vmem>>, vector<1x512xf32>
    %swap3A_2137 = vector.shape_cast %swap3A_2136 : vector<1x512xf32> to vector<512xf32>
    %swap3A_2138 = vector.shape_cast %reduce_sum3A_2133 : vector<512xf32> to vector<1x512xf32>
    tpu.vector_store %arg14[%swap3A_2134, %swap3A_2135], %swap3A_2138 {strides = array<i32>} : memref<416x512xf32, #tpu.memory_space<vmem>>, vector<1x512xf32>,
    %get3A_2139 = arith.constant 1152 : index
    %get3A_2140 = arith.constant 0 : index
    %get3A_2141 = vector.load %arg2[%get3A_2139, %get3A_2140] : memref<1664x512xf32, #tpu.memory_space<vmem>>, vector<64x512xf32>
    %mul3A_2142 = arith.mulf %get3A_2028, %get3A_2141 : vector<64x512xf32>
    %reduce_sum3A_2143 = arith.constant dense<0.000000e+00> : vector<512xf32>
    %reduce_sum3A_2144 = vector.multi_reduction <add>, %mul3A_2142, %reduce_sum3A_2143 [0] : vector<64x512xf32> to vector<512xf32>
    %swap3A_2145 = arith.constant 254 : index
    %swap3A_2146 = arith.constant 0 : index
    %swap3A_2147 = vector.load %arg14[%swap3A_2145, %swap3A_2146] : memref<416x512xf32, #tpu.memory_space<vmem>>, vector<1x512xf32>
    %swap3A_2148 = vector.shape_cast %swap3A_2147 : vector<1x512xf32> to vector<512xf32>
    %swap3A_2149 = vector.shape_cast %reduce_sum3A_2144 : vector<512xf32> to vector<1x512xf32>
    tpu.vector_store %arg14[%swap3A_2145, %swap3A_2146], %swap3A_2149 {strides = array<i32>} : memref<416x512xf32, #tpu.memory_space<vmem>>, vector<1x512xf32>,
    %get3A_2150 = arith.constant 1216 : index
    %get3A_2151 = arith.constant 0 : index
    %get3A_2152 = vector.load %arg2[%get3A_2150, %get3A_2151] : memref<1664x512xf32, #tpu.memory_space<vmem>>, vector<64x512xf32>
    %mul3A_2153 = arith.mulf %get3A_2028, %get3A_2152 : vector<64x512xf32>
    %reduce_sum3A_2154 = arith.constant dense<0.000000e+00> : vector<512xf32>
    %reduce_sum3A_2155 = vector.multi_reduction <add>, %mul3A_2153, %reduce_sum3A_2154 [0] : vector<64x512xf32> to vector<512xf32>
    %swap3A_2156 = arith.constant 255 : index
    %swap3A_2157 = arith.constant 0 : index
    %swap3A_2158 = vector.load %arg14[%swap3A_2156, %swap3A_2157] : memref<416x512xf32, #tpu.memory_space<vmem>>, vector<1x512xf32>
    %swap3A_2159 = vector.shape_cast %swap3A_2158 : vector<1x512xf32> to vector<512xf32>
    %swap3A_2160 = vector.shape_cast %reduce_sum3A_2155 : vector<512xf32> to vector<1x512xf32>
    tpu.vector_store %arg14[%swap3A_2156, %swap3A_2157], %swap3A_2160 {strides = array<i32>} : memref<416x512xf32, #tpu.memory_space<vmem>>, vector<1x512xf32>,
    %get3A_2161 = arith.constant 1280 : index
    %get3A_2162 = arith.constant 0 : index
    %get3A_2163 = vector.load %arg2[%get3A_2161, %get3A_2162] : memref<1664x512xf32, #tpu.memory_space<vmem>>, vector<64x512xf32>
    %mul3A_2164 = arith.mulf %get3A_2028, %get3A_2163 : vector<64x512xf32>
    %reduce_sum3A_2165 = arith.constant dense<0.000000e+00> : vector<512xf32>
    %reduce_sum3A_2166 = vector.multi_reduction <add>, %mul3A_2164, %reduce_sum3A_2165 [0] : vector<64x512xf32> to vector<512xf32>
    %swap3A_2167 = arith.constant 256 : index
    %swap3A_2168 = arith.constant 0 : index
    %swap3A_2169 = vector.load %arg14[%swap3A_2167, %swap3A_2168] : memref<416x512xf32, #tpu.memory_space<vmem>>, vector<1x512xf32>
    %swap3A_2170 = vector.shape_cast %swap3A_2169 : vector<1x512xf32> to vector<512xf32>
    %swap3A_2171 = vector.shape_cast %reduce_sum3A_2166 : vector<512xf32> to vector<1x512xf32>
    tpu.vector_store %arg14[%swap3A_2167, %swap3A_2168], %swap3A_2171 {strides = array<i32>} : memref<416x512xf32, #tpu.memory_space<vmem>>, vector<1x512xf32>,
    %get3A_2172 = arith.constant 1344 : index
    %get3A_2173 = arith.constant 0 : index
    %get3A_2174 = vector.load %arg2[%get3A_2172, %get3A_2173] : memref<1664x512xf32, #tpu.memory_space<vmem>>, vector<64x512xf32>
    %mul3A_2175 = arith.mulf %get3A_2028, %get3A_2174 : vector<64x512xf32>
    %reduce_sum3A_2176 = arith.constant dense<0.000000e+00> : vector<512xf32>
    %reduce_sum3A_2177 = vector.multi_reduction <add>, %mul3A_2175, %reduce_sum3A_2176 [0] : vector<64x512xf32> to vector<512xf32>
    %swap3A_2178 = arith.constant 257 : index
    %swap3A_2179 = arith.constant 0 : index
    %swap3A_2180 = vector.load %arg14[%swap3A_2178, %swap3A_2179] : memref<416x512xf32, #tpu.memory_space<vmem>>, vector<1x512xf32>
    %swap3A_2181 = vector.shape_cast %swap3A_2180 : vector<1x512xf32> to vector<512xf32>
    %swap3A_2182 = vector.shape_cast %reduce_sum3A_2177 : vector<512xf32> to vector<1x512xf32>
    tpu.vector_store %arg14[%swap3A_2178, %swap3A_2179], %swap3A_2182 {strides = array<i32>} : memref<416x512xf32, #tpu.memory_space<vmem>>, vector<1x512xf32>,
    %get3A_2183 = arith.constant 1408 : index
    %get3A_2184 = arith.constant 0 : index
    %get3A_2185 = vector.load %arg2[%get3A_2183, %get3A_2184] : memref<1664x512xf32, #tpu.memory_space<vmem>>, vector<64x512xf32>
    %mul3A_2186 = arith.mulf %get3A_2028, %get3A_2185 : vector<64x512xf32>
    %reduce_sum3A_2187 = arith.constant dense<0.000000e+00> : vector<512xf32>
    %reduce_sum3A_2188 = vector.multi_reduction <add>, %mul3A_2186, %reduce_sum3A_2187 [0] : vector<64x512xf32> to vector<512xf32>
    %swap3A_2189 = arith.constant 258 : index
    %swap3A_2190 = arith.constant 0 : index
    %swap3A_2191 = vector.load %arg14[%swap3A_2189, %swap3A_2190] : memref<416x512xf32, #tpu.memory_space<vmem>>, vector<1x512xf32>
    %swap3A_2192 = vector.shape_cast %swap3A_2191 : vector<1x512xf32> to vector<512xf32>
    %swap3A_2193 = vector.shape_cast %reduce_sum3A_2188 : vector<512xf32> to vector<1x512xf32>
    tpu.vector_store %arg14[%swap3A_2189, %swap3A_2190], %swap3A_2193 {strides = array<i32>} : memref<416x512xf32, #tpu.memory_space<vmem>>, vector<1x512xf32>,
    %get3A_2194 = arith.constant 1472 : index
    %get3A_2195 = arith.constant 0 : index
    %get3A_2196 = vector.load %arg2[%get3A_2194, %get3A_2195] : memref<1664x512xf32, #tpu.memory_space<vmem>>, vector<64x512xf32>
    %mul3A_2197 = arith.mulf %get3A_2028, %get3A_2196 : vector<64x512xf32>
    %reduce_sum3A_2198 = arith.constant dense<0.000000e+00> : vector<512xf32>
    %reduce_sum3A_2199 = vector.multi_reduction <add>, %mul3A_2197, %reduce_sum3A_2198 [0] : vector<64x512xf32> to vector<512xf32>
    %swap3A_2200 = arith.constant 259 : index
    %swap3A_2201 = arith.constant 0 : index
    %swap3A_2202 = vector.load %arg14[%swap3A_2200, %swap3A_2201] : memref<416x512xf32, #tpu.memory_space<vmem>>, vector<1x512xf32>
    %swap3A_2203 = vector.shape_cast %swap3A_2202 : vector<1x512xf32> to vector<512xf32>
    %swap3A_2204 = vector.shape_cast %reduce_sum3A_2199 : vector<512xf32> to vector<1x512xf32>
    tpu.vector_store %arg14[%swap3A_2200, %swap3A_2201], %swap3A_2204 {strides = array<i32>} : memref<416x512xf32, #tpu.memory_space<vmem>>, vector<1x512xf32>,
    %get3A_2205 = arith.constant 1536 : index
    %get3A_2206 = arith.constant 0 : index
    %get3A_2207 = vector.load %arg2[%get3A_2205, %get3A_2206] : memref<1664x512xf32, #tpu.memory_space<vmem>>, vector<64x512xf32>
    %mul3A_2208 = arith.mulf %get3A_2028, %get3A_2207 : vector<64x512xf32>
    %reduce_sum3A_2209 = arith.constant dense<0.000000e+00> : vector<512xf32>
    %reduce_sum3A_2210 = vector.multi_reduction <add>, %mul3A_2208, %reduce_sum3A_2209 [0] : vector<64x512xf32> to vector<512xf32>
    %swap3A_2211 = arith.constant 260 : index
    %swap3A_2212 = arith.constant 0 : index
    %swap3A_2213 = vector.load %arg14[%swap3A_2211, %swap3A_2212] : memref<416x512xf32, #tpu.memory_space<vmem>>, vector<1x512xf32>
    %swap3A_2214 = vector.shape_cast %swap3A_2213 : vector<1x512xf32> to vector<512xf32>
    %swap3A_2215 = vector.shape_cast %reduce_sum3A_2210 : vector<512xf32> to vector<1x512xf32>
    tpu.vector_store %arg14[%swap3A_2211, %swap3A_2212], %swap3A_2215 {strides = array<i32>} : memref<416x512xf32, #tpu.memory_space<vmem>>, vector<1x512xf32>,
    %get3A_2216 = arith.constant 1600 : index
    %get3A_2217 = arith.constant 0 : index
    %get3A_2218 = vector.load %arg2[%get3A_2216, %get3A_2217] : memref<1664x512xf32, #tpu.memory_space<vmem>>, vector<64x512xf32>
    %mul3A_2219 = arith.mulf %get3A_2028, %get3A_2218 : vector<64x512xf32>
    %reduce_sum3A_2220 = arith.constant dense<0.000000e+00> : vector<512xf32>
    %reduce_sum3A_2221 = vector.multi_reduction <add>, %mul3A_2219, %reduce_sum3A_2220 [0] : vector<64x512xf32> to vector<512xf32>
    %swap3A_2222 = arith.constant 261 : index
    %swap3A_2223 = arith.constant 0 : index
    %swap3A_2224 = vector.load %arg14[%swap3A_2222, %swap3A_2223] : memref<416x512xf32, #tpu.memory_space<vmem>>, vector<1x512xf32>
    %swap3A_2225 = vector.shape_cast %swap3A_2224 : vector<1x512xf32> to vector<512xf32>
    %swap3A_2226 = vector.shape_cast %reduce_sum3A_2221 : vector<512xf32> to vector<1x512xf32>
    tpu.vector_store %arg14[%swap3A_2222, %swap3A_2223], %swap3A_2226 {strides = array<i32>} : memref<416x512xf32, #tpu.memory_space<vmem>>, vector<1x512xf32>,
    %get3A_2227 = arith.constant 512 : index
    %get3A_2228 = arith.constant 0 : index
    %get3A_2229 = vector.load %arg2[%get3A_2227, %get3A_2228] : memref<1664x512xf32, #tpu.memory_space<vmem>>, vector<64x512xf32>
    %get3A_2230 = arith.constant 576 : index
    %get3A_2231 = arith.constant 0 : index
    %get3A_2232 = vector.load %arg2[%get3A_2230, %get3A_2231] : memref<1664x512xf32, #tpu.memory_space<vmem>>, vector<64x512xf32>
    %mul3A_2233 = arith.mulf %get3A_2229, %get3A_2232 : vector<64x512xf32>
    %reduce_sum3A_2234 = arith.constant dense<0.000000e+00> : vector<512xf32>
    %reduce_sum3A_2235 = vector.multi_reduction <add>, %mul3A_2233, %reduce_sum3A_2234 [0] : vector<64x512xf32> to vector<512xf32>
    %swap3A_2236 = arith.constant 262 : index
    %swap3A_2237 = arith.constant 0 : index
    %swap3A_2238 = vector.load %arg14[%swap3A_2236, %swap3A_2237] : memref<416x512xf32, #tpu.memory_space<vmem>>, vector<1x512xf32>
    %swap3A_2239 = vector.shape_cast %swap3A_2238 : vector<1x512xf32> to vector<512xf32>
    %swap3A_2240 = vector.shape_cast %reduce_sum3A_2235 : vector<512xf32> to vector<1x512xf32>
    tpu.vector_store %arg14[%swap3A_2236, %swap3A_2237], %swap3A_2240 {strides = array<i32>} : memref<416x512xf32, #tpu.memory_space<vmem>>, vector<1x512xf32>,
    %get3A_2241 = arith.constant 640 : index
    %get3A_2242 = arith.constant 0 : index
    %get3A_2243 = vector.load %arg2[%get3A_2241, %get3A_2242] : memref<1664x512xf32, #tpu.memory_space<vmem>>, vector<64x512xf32>
    %mul3A_2244 = arith.mulf %get3A_2229, %get3A_2243 : vector<64x512xf32>
    %reduce_sum3A_2245 = arith.constant dense<0.000000e+00> : vector<512xf32>
    %reduce_sum3A_2246 = vector.multi_reduction <add>, %mul3A_2244, %reduce_sum3A_2245 [0] : vector<64x512xf32> to vector<512xf32>
    %swap3A_2247 = arith.constant 263 : index
    %swap3A_2248 = arith.constant 0 : index
    %swap3A_2249 = vector.load %arg14[%swap3A_2247, %swap3A_2248] : memref<416x512xf32, #tpu.memory_space<vmem>>, vector<1x512xf32>
    %swap3A_2250 = vector.shape_cast %swap3A_2249 : vector<1x512xf32> to vector<512xf32>
    %swap3A_2251 = vector.shape_cast %reduce_sum3A_2246 : vector<512xf32> to vector<1x512xf32>
    tpu.vector_store %arg14[%swap3A_2247, %swap3A_2248], %swap3A_2251 {strides = array<i32>} : memref<416x512xf32, #tpu.memory_space<vmem>>, vector<1x512xf32>,
    %get3A_2252 = arith.constant 704 : index
    %get3A_2253 = arith.constant 0 : index
    %get3A_2254 = vector.load %arg2[%get3A_2252, %get3A_2253] : memref<1664x512xf32, #tpu.memory_space<vmem>>, vector<64x512xf32>
    %mul3A_2255 = arith.mulf %get3A_2229, %get3A_2254 : vector<64x512xf32>
    %reduce_sum3A_2256 = arith.constant dense<0.000000e+00> : vector<512xf32>
    %reduce_sum3A_2257 = vector.multi_reduction <add>, %mul3A_2255, %reduce_sum3A_2256 [0] : vector<64x512xf32> to vector<512xf32>
    %swap3A_2258 = arith.constant 264 : index
    %swap3A_2259 = arith.constant 0 : index
    %swap3A_2260 = vector.load %arg14[%swap3A_2258, %swap3A_2259] : memref<416x512xf32, #tpu.memory_space<vmem>>, vector<1x512xf32>
    %swap3A_2261 = vector.shape_cast %swap3A_2260 : vector<1x512xf32> to vector<512xf32>
    %swap3A_2262 = vector.shape_cast %reduce_sum3A_2257 : vector<512xf32> to vector<1x512xf32>
    tpu.vector_store %arg14[%swap3A_2258, %swap3A_2259], %swap3A_2262 {strides = array<i32>} : memref<416x512xf32, #tpu.memory_space<vmem>>, vector<1x512xf32>,
    %get3A_2263 = arith.constant 768 : index
    %get3A_2264 = arith.constant 0 : index
    %get3A_2265 = vector.load %arg2[%get3A_2263, %get3A_2264] : memref<1664x512xf32, #tpu.memory_space<vmem>>, vector<64x512xf32>
    %mul3A_2266 = arith.mulf %get3A_2229, %get3A_2265 : vector<64x512xf32>
    %reduce_sum3A_2267 = arith.constant dense<0.000000e+00> : vector<512xf32>
    %reduce_sum3A_2268 = vector.multi_reduction <add>, %mul3A_2266, %reduce_sum3A_2267 [0] : vector<64x512xf32> to vector<512xf32>
    %swap3A_2269 = arith.constant 265 : index
    %swap3A_2270 = arith.constant 0 : index
    %swap3A_2271 = vector.load %arg14[%swap3A_2269, %swap3A_2270] : memref<416x512xf32, #tpu.memory_space<vmem>>, vector<1x512xf32>
    %swap3A_2272 = vector.shape_cast %swap3A_2271 : vector<1x512xf32> to vector<512xf32>
    %swap3A_2273 = vector.shape_cast %reduce_sum3A_2268 : vector<512xf32> to vector<1x512xf32>
    tpu.vector_store %arg14[%swap3A_2269, %swap3A_2270], %swap3A_2273 {strides = array<i32>} : memref<416x512xf32, #tpu.memory_space<vmem>>, vector<1x512xf32>,
    %get3A_2274 = arith.constant 832 : index
    %get3A_2275 = arith.constant 0 : index
    %get3A_2276 = vector.load %arg2[%get3A_2274, %get3A_2275] : memref<1664x512xf32, #tpu.memory_space<vmem>>, vector<64x512xf32>
    %mul3A_2277 = arith.mulf %get3A_2229, %get3A_2276 : vector<64x512xf32>
    %reduce_sum3A_2278 = arith.constant dense<0.000000e+00> : vector<512xf32>
    %reduce_sum3A_2279 = vector.multi_reduction <add>, %mul3A_2277, %reduce_sum3A_2278 [0] : vector<64x512xf32> to vector<512xf32>
    %swap3A_2280 = arith.constant 266 : index
    %swap3A_2281 = arith.constant 0 : index
    %swap3A_2282 = vector.load %arg14[%swap3A_2280, %swap3A_2281] : memref<416x512xf32, #tpu.memory_space<vmem>>, vector<1x512xf32>
    %swap3A_2283 = vector.shape_cast %swap3A_2282 : vector<1x512xf32> to vector<512xf32>
    %swap3A_2284 = vector.shape_cast %reduce_sum3A_2279 : vector<512xf32> to vector<1x512xf32>
    tpu.vector_store %arg14[%swap3A_2280, %swap3A_2281], %swap3A_2284 {strides = array<i32>} : memref<416x512xf32, #tpu.memory_space<vmem>>, vector<1x512xf32>,
    %get3A_2285 = arith.constant 896 : index
    %get3A_2286 = arith.constant 0 : index
    %get3A_2287 = vector.load %arg2[%get3A_2285, %get3A_2286] : memref<1664x512xf32, #tpu.memory_space<vmem>>, vector<64x512xf32>
    %mul3A_2288 = arith.mulf %get3A_2229, %get3A_2287 : vector<64x512xf32>
    %reduce_sum3A_2289 = arith.constant dense<0.000000e+00> : vector<512xf32>
    %reduce_sum3A_2290 = vector.multi_reduction <add>, %mul3A_2288, %reduce_sum3A_2289 [0] : vector<64x512xf32> to vector<512xf32>
    %swap3A_2291 = arith.constant 267 : index
    %swap3A_2292 = arith.constant 0 : index
    %swap3A_2293 = vector.load %arg14[%swap3A_2291, %swap3A_2292] : memref<416x512xf32, #tpu.memory_space<vmem>>, vector<1x512xf32>
    %swap3A_2294 = vector.shape_cast %swap3A_2293 : vector<1x512xf32> to vector<512xf32>
    %swap3A_2295 = vector.shape_cast %reduce_sum3A_2290 : vector<512xf32> to vector<1x512xf32>
    tpu.vector_store %arg14[%swap3A_2291, %swap3A_2292], %swap3A_2295 {strides = array<i32>} : memref<416x512xf32, #tpu.memory_space<vmem>>, vector<1x512xf32>,
    %get3A_2296 = arith.constant 960 : index
    %get3A_2297 = arith.constant 0 : index
    %get3A_2298 = vector.load %arg2[%get3A_2296, %get3A_2297] : memref<1664x512xf32, #tpu.memory_space<vmem>>, vector<64x512xf32>
    %mul3A_2299 = arith.mulf %get3A_2229, %get3A_2298 : vector<64x512xf32>
    %reduce_sum3A_2300 = arith.constant dense<0.000000e+00> : vector<512xf32>
    %reduce_sum3A_2301 = vector.multi_reduction <add>, %mul3A_2299, %reduce_sum3A_2300 [0] : vector<64x512xf32> to vector<512xf32>
    %swap3A_2302 = arith.constant 268 : index
    %swap3A_2303 = arith.constant 0 : index
    %swap3A_2304 = vector.load %arg14[%swap3A_2302, %swap3A_2303] : memref<416x512xf32, #tpu.memory_space<vmem>>, vector<1x512xf32>
    %swap3A_2305 = vector.shape_cast %swap3A_2304 : vector<1x512xf32> to vector<512xf32>
    %swap3A_2306 = vector.shape_cast %reduce_sum3A_2301 : vector<512xf32> to vector<1x512xf32>
    tpu.vector_store %arg14[%swap3A_2302, %swap3A_2303], %swap3A_2306 {strides = array<i32>} : memref<416x512xf32, #tpu.memory_space<vmem>>, vector<1x512xf32>,
    %get3A_2307 = arith.constant 1024 : index
    %get3A_2308 = arith.constant 0 : index
    %get3A_2309 = vector.load %arg2[%get3A_2307, %get3A_2308] : memref<1664x512xf32, #tpu.memory_space<vmem>>, vector<64x512xf32>
    %mul3A_2310 = arith.mulf %get3A_2229, %get3A_2309 : vector<64x512xf32>
    %reduce_sum3A_2311 = arith.constant dense<0.000000e+00> : vector<512xf32>
    %reduce_sum3A_2312 = vector.multi_reduction <add>, %mul3A_2310, %reduce_sum3A_2311 [0] : vector<64x512xf32> to vector<512xf32>
    %swap3A_2313 = arith.constant 269 : index
    %swap3A_2314 = arith.constant 0 : index
    %swap3A_2315 = vector.load %arg14[%swap3A_2313, %swap3A_2314] : memref<416x512xf32, #tpu.memory_space<vmem>>, vector<1x512xf32>
    %swap3A_2316 = vector.shape_cast %swap3A_2315 : vector<1x512xf32> to vector<512xf32>
    %swap3A_2317 = vector.shape_cast %reduce_sum3A_2312 : vector<512xf32> to vector<1x512xf32>
    tpu.vector_store %arg14[%swap3A_2313, %swap3A_2314], %swap3A_2317 {strides = array<i32>} : memref<416x512xf32, #tpu.memory_space<vmem>>, vector<1x512xf32>,
    %get3A_2318 = arith.constant 1088 : index
    %get3A_2319 = arith.constant 0 : index
    %get3A_2320 = vector.load %arg2[%get3A_2318, %get3A_2319] : memref<1664x512xf32, #tpu.memory_space<vmem>>, vector<64x512xf32>
    %mul3A_2321 = arith.mulf %get3A_2229, %get3A_2320 : vector<64x512xf32>
    %reduce_sum3A_2322 = arith.constant dense<0.000000e+00> : vector<512xf32>
    %reduce_sum3A_2323 = vector.multi_reduction <add>, %mul3A_2321, %reduce_sum3A_2322 [0] : vector<64x512xf32> to vector<512xf32>
    %swap3A_2324 = arith.constant 270 : index
    %swap3A_2325 = arith.constant 0 : index
    %swap3A_2326 = vector.load %arg14[%swap3A_2324, %swap3A_2325] : memref<416x512xf32, #tpu.memory_space<vmem>>, vector<1x512xf32>
    %swap3A_2327 = vector.shape_cast %swap3A_2326 : vector<1x512xf32> to vector<512xf32>
    %swap3A_2328 = vector.shape_cast %reduce_sum3A_2323 : vector<512xf32> to vector<1x512xf32>
    tpu.vector_store %arg14[%swap3A_2324, %swap3A_2325], %swap3A_2328 {strides = array<i32>} : memref<416x512xf32, #tpu.memory_space<vmem>>, vector<1x512xf32>,
    %get3A_2329 = arith.constant 1152 : index
    %get3A_2330 = arith.constant 0 : index
    %get3A_2331 = vector.load %arg2[%get3A_2329, %get3A_2330] : memref<1664x512xf32, #tpu.memory_space<vmem>>, vector<64x512xf32>
    %mul3A_2332 = arith.mulf %get3A_2229, %get3A_2331 : vector<64x512xf32>
    %reduce_sum3A_2333 = arith.constant dense<0.000000e+00> : vector<512xf32>
    %reduce_sum3A_2334 = vector.multi_reduction <add>, %mul3A_2332, %reduce_sum3A_2333 [0] : vector<64x512xf32> to vector<512xf32>
    %swap3A_2335 = arith.constant 271 : index
    %swap3A_2336 = arith.constant 0 : index
    %swap3A_2337 = vector.load %arg14[%swap3A_2335, %swap3A_2336] : memref<416x512xf32, #tpu.memory_space<vmem>>, vector<1x512xf32>
    %swap3A_2338 = vector.shape_cast %swap3A_2337 : vector<1x512xf32> to vector<512xf32>
    %swap3A_2339 = vector.shape_cast %reduce_sum3A_2334 : vector<512xf32> to vector<1x512xf32>
    tpu.vector_store %arg14[%swap3A_2335, %swap3A_2336], %swap3A_2339 {strides = array<i32>} : memref<416x512xf32, #tpu.memory_space<vmem>>, vector<1x512xf32>,
    %get3A_2340 = arith.constant 1216 : index
    %get3A_2341 = arith.constant 0 : index
    %get3A_2342 = vector.load %arg2[%get3A_2340, %get3A_2341] : memref<1664x512xf32, #tpu.memory_space<vmem>>, vector<64x512xf32>
    %mul3A_2343 = arith.mulf %get3A_2229, %get3A_2342 : vector<64x512xf32>
    %reduce_sum3A_2344 = arith.constant dense<0.000000e+00> : vector<512xf32>
    %reduce_sum3A_2345 = vector.multi_reduction <add>, %mul3A_2343, %reduce_sum3A_2344 [0] : vector<64x512xf32> to vector<512xf32>
    %swap3A_2346 = arith.constant 272 : index
    %swap3A_2347 = arith.constant 0 : index
    %swap3A_2348 = vector.load %arg14[%swap3A_2346, %swap3A_2347] : memref<416x512xf32, #tpu.memory_space<vmem>>, vector<1x512xf32>
    %swap3A_2349 = vector.shape_cast %swap3A_2348 : vector<1x512xf32> to vector<512xf32>
    %swap3A_2350 = vector.shape_cast %reduce_sum3A_2345 : vector<512xf32> to vector<1x512xf32>
    tpu.vector_store %arg14[%swap3A_2346, %swap3A_2347], %swap3A_2350 {strides = array<i32>} : memref<416x512xf32, #tpu.memory_space<vmem>>, vector<1x512xf32>,
    %get3A_2351 = arith.constant 1280 : index
    %get3A_2352 = arith.constant 0 : index
    %get3A_2353 = vector.load %arg2[%get3A_2351, %get3A_2352] : memref<1664x512xf32, #tpu.memory_space<vmem>>, vector<64x512xf32>
    %mul3A_2354 = arith.mulf %get3A_2229, %get3A_2353 : vector<64x512xf32>
    %reduce_sum3A_2355 = arith.constant dense<0.000000e+00> : vector<512xf32>
    %reduce_sum3A_2356 = vector.multi_reduction <add>, %mul3A_2354, %reduce_sum3A_2355 [0] : vector<64x512xf32> to vector<512xf32>
    %swap3A_2357 = arith.constant 273 : index
    %swap3A_2358 = arith.constant 0 : index
    %swap3A_2359 = vector.load %arg14[%swap3A_2357, %swap3A_2358] : memref<416x512xf32, #tpu.memory_space<vmem>>, vector<1x512xf32>
    %swap3A_2360 = vector.shape_cast %swap3A_2359 : vector<1x512xf32> to vector<512xf32>
    %swap3A_2361 = vector.shape_cast %reduce_sum3A_2356 : vector<512xf32> to vector<1x512xf32>
    tpu.vector_store %arg14[%swap3A_2357, %swap3A_2358], %swap3A_2361 {strides = array<i32>} : memref<416x512xf32, #tpu.memory_space<vmem>>, vector<1x512xf32>,
    %get3A_2362 = arith.constant 1344 : index
    %get3A_2363 = arith.constant 0 : index
    %get3A_2364 = vector.load %arg2[%get3A_2362, %get3A_2363] : memref<1664x512xf32, #tpu.memory_space<vmem>>, vector<64x512xf32>
    %mul3A_2365 = arith.mulf %get3A_2229, %get3A_2364 : vector<64x512xf32>
    %reduce_sum3A_2366 = arith.constant dense<0.000000e+00> : vector<512xf32>
    %reduce_sum3A_2367 = vector.multi_reduction <add>, %mul3A_2365, %reduce_sum3A_2366 [0] : vector<64x512xf32> to vector<512xf32>
    %swap3A_2368 = arith.constant 274 : index
    %swap3A_2369 = arith.constant 0 : index
    %swap3A_2370 = vector.load %arg14[%swap3A_2368, %swap3A_2369] : memref<416x512xf32, #tpu.memory_space<vmem>>, vector<1x512xf32>
    %swap3A_2371 = vector.shape_cast %swap3A_2370 : vector<1x512xf32> to vector<512xf32>
    %swap3A_2372 = vector.shape_cast %reduce_sum3A_2367 : vector<512xf32> to vector<1x512xf32>
    tpu.vector_store %arg14[%swap3A_2368, %swap3A_2369], %swap3A_2372 {strides = array<i32>} : memref<416x512xf32, #tpu.memory_space<vmem>>, vector<1x512xf32>,
    %get3A_2373 = arith.constant 1408 : index
    %get3A_2374 = arith.constant 0 : index
    %get3A_2375 = vector.load %arg2[%get3A_2373, %get3A_2374] : memref<1664x512xf32, #tpu.memory_space<vmem>>, vector<64x512xf32>
    %mul3A_2376 = arith.mulf %get3A_2229, %get3A_2375 : vector<64x512xf32>
    %reduce_sum3A_2377 = arith.constant dense<0.000000e+00> : vector<512xf32>
    %reduce_sum3A_2378 = vector.multi_reduction <add>, %mul3A_2376, %reduce_sum3A_2377 [0] : vector<64x512xf32> to vector<512xf32>
    %swap3A_2379 = arith.constant 275 : index
    %swap3A_2380 = arith.constant 0 : index
    %swap3A_2381 = vector.load %arg14[%swap3A_2379, %swap3A_2380] : memref<416x512xf32, #tpu.memory_space<vmem>>, vector<1x512xf32>
    %swap3A_2382 = vector.shape_cast %swap3A_2381 : vector<1x512xf32> to vector<512xf32>
    %swap3A_2383 = vector.shape_cast %reduce_sum3A_2378 : vector<512xf32> to vector<1x512xf32>
    tpu.vector_store %arg14[%swap3A_2379, %swap3A_2380], %swap3A_2383 {strides = array<i32>} : memref<416x512xf32, #tpu.memory_space<vmem>>, vector<1x512xf32>,
    %get3A_2384 = arith.constant 1472 : index
    %get3A_2385 = arith.constant 0 : index
    %get3A_2386 = vector.load %arg2[%get3A_2384, %get3A_2385] : memref<1664x512xf32, #tpu.memory_space<vmem>>, vector<64x512xf32>
    %mul3A_2387 = arith.mulf %get3A_2229, %get3A_2386 : vector<64x512xf32>
    %reduce_sum3A_2388 = arith.constant dense<0.000000e+00> : vector<512xf32>
    %reduce_sum3A_2389 = vector.multi_reduction <add>, %mul3A_2387, %reduce_sum3A_2388 [0] : vector<64x512xf32> to vector<512xf32>
    %swap3A_2390 = arith.constant 276 : index
    %swap3A_2391 = arith.constant 0 : index
    %swap3A_2392 = vector.load %arg14[%swap3A_2390, %swap3A_2391] : memref<416x512xf32, #tpu.memory_space<vmem>>, vector<1x512xf32>
    %swap3A_2393 = vector.shape_cast %swap3A_2392 : vector<1x512xf32> to vector<512xf32>
    %swap3A_2394 = vector.shape_cast %reduce_sum3A_2389 : vector<512xf32> to vector<1x512xf32>
    tpu.vector_store %arg14[%swap3A_2390, %swap3A_2391], %swap3A_2394 {strides = array<i32>} : memref<416x512xf32, #tpu.memory_space<vmem>>, vector<1x512xf32>,
    %get3A_2395 = arith.constant 1536 : index
    %get3A_2396 = arith.constant 0 : index
    %get3A_2397 = vector.load %arg2[%get3A_2395, %get3A_2396] : memref<1664x512xf32, #tpu.memory_space<vmem>>, vector<64x512xf32>
    %mul3A_2398 = arith.mulf %get3A_2229, %get3A_2397 : vector<64x512xf32>
    %reduce_sum3A_2399 = arith.constant dense<0.000000e+00> : vector<512xf32>
    %reduce_sum3A_2400 = vector.multi_reduction <add>, %mul3A_2398, %reduce_sum3A_2399 [0] : vector<64x512xf32> to vector<512xf32>
    %swap3A_2401 = arith.constant 277 : index
    %swap3A_2402 = arith.constant 0 : index
    %swap3A_2403 = vector.load %arg14[%swap3A_2401, %swap3A_2402] : memref<416x512xf32, #tpu.memory_space<vmem>>, vector<1x512xf32>
    %swap3A_2404 = vector.shape_cast %swap3A_2403 : vector<1x512xf32> to vector<512xf32>
    %swap3A_2405 = vector.shape_cast %reduce_sum3A_2400 : vector<512xf32> to vector<1x512xf32>
    tpu.vector_store %arg14[%swap3A_2401, %swap3A_2402], %swap3A_2405 {strides = array<i32>} : memref<416x512xf32, #tpu.memory_space<vmem>>, vector<1x512xf32>,
    %get3A_2406 = arith.constant 1600 : index
    %get3A_2407 = arith.constant 0 : index
    %get3A_2408 = vector.load %arg2[%get3A_2406, %get3A_2407] : memref<1664x512xf32, #tpu.memory_space<vmem>>, vector<64x512xf32>
    %mul3A_2409 = arith.mulf %get3A_2229, %get3A_2408 : vector<64x512xf32>
    %reduce_sum3A_2410 = arith.constant dense<0.000000e+00> : vector<512xf32>
    %reduce_sum3A_2411 = vector.multi_reduction <add>, %mul3A_2409, %reduce_sum3A_2410 [0] : vector<64x512xf32> to vector<512xf32>
    %swap3A_2412 = arith.constant 278 : index
    %swap3A_2413 = arith.constant 0 : index
    %swap3A_2414 = vector.load %arg14[%swap3A_2412, %swap3A_2413] : memref<416x512xf32, #tpu.memory_space<vmem>>, vector<1x512xf32>
    %swap3A_2415 = vector.shape_cast %swap3A_2414 : vector<1x512xf32> to vector<512xf32>
    %swap3A_2416 = vector.shape_cast %reduce_sum3A_2411 : vector<512xf32> to vector<1x512xf32>
    tpu.vector_store %arg14[%swap3A_2412, %swap3A_2413], %swap3A_2416 {strides = array<i32>} : memref<416x512xf32, #tpu.memory_space<vmem>>, vector<1x512xf32>,
    %get3A_2417 = arith.constant 576 : index
    %get3A_2418 = arith.constant 0 : index
    %get3A_2419 = vector.load %arg2[%get3A_2417, %get3A_2418] : memref<1664x512xf32, #tpu.memory_space<vmem>>, vector<64x512xf32>
    %get3A_2420 = arith.constant 640 : index
    %get3A_2421 = arith.constant 0 : index
    %get3A_2422 = vector.load %arg2[%get3A_2420, %get3A_2421] : memref<1664x512xf32, #tpu.memory_space<vmem>>, vector<64x512xf32>
    %mul3A_2423 = arith.mulf %get3A_2419, %get3A_2422 : vector<64x512xf32>
    %reduce_sum3A_2424 = arith.constant dense<0.000000e+00> : vector<512xf32>
    %reduce_sum3A_2425 = vector.multi_reduction <add>, %mul3A_2423, %reduce_sum3A_2424 [0] : vector<64x512xf32> to vector<512xf32>
    %swap3A_2426 = arith.constant 279 : index
    %swap3A_2427 = arith.constant 0 : index
    %swap3A_2428 = vector.load %arg14[%swap3A_2426, %swap3A_2427] : memref<416x512xf32, #tpu.memory_space<vmem>>, vector<1x512xf32>
    %swap3A_2429 = vector.shape_cast %swap3A_2428 : vector<1x512xf32> to vector<512xf32>
    %swap3A_2430 = vector.shape_cast %reduce_sum3A_2425 : vector<512xf32> to vector<1x512xf32>
    tpu.vector_store %arg14[%swap3A_2426, %swap3A_2427], %swap3A_2430 {strides = array<i32>} : memref<416x512xf32, #tpu.memory_space<vmem>>, vector<1x512xf32>,
    %get3A_2431 = arith.constant 704 : index
    %get3A_2432 = arith.constant 0 : index
    %get3A_2433 = vector.load %arg2[%get3A_2431, %get3A_2432] : memref<1664x512xf32, #tpu.memory_space<vmem>>, vector<64x512xf32>
    %mul3A_2434 = arith.mulf %get3A_2419, %get3A_2433 : vector<64x512xf32>
    %reduce_sum3A_2435 = arith.constant dense<0.000000e+00> : vector<512xf32>
    %reduce_sum3A_2436 = vector.multi_reduction <add>, %mul3A_2434, %reduce_sum3A_2435 [0] : vector<64x512xf32> to vector<512xf32>
    %swap3A_2437 = arith.constant 280 : index
    %swap3A_2438 = arith.constant 0 : index
    %swap3A_2439 = vector.load %arg14[%swap3A_2437, %swap3A_2438] : memref<416x512xf32, #tpu.memory_space<vmem>>, vector<1x512xf32>
    %swap3A_2440 = vector.shape_cast %swap3A_2439 : vector<1x512xf32> to vector<512xf32>
    %swap3A_2441 = vector.shape_cast %reduce_sum3A_2436 : vector<512xf32> to vector<1x512xf32>
    tpu.vector_store %arg14[%swap3A_2437, %swap3A_2438], %swap3A_2441 {strides = array<i32>} : memref<416x512xf32, #tpu.memory_space<vmem>>, vector<1x512xf32>,
    %get3A_2442 = arith.constant 768 : index
    %get3A_2443 = arith.constant 0 : index
    %get3A_2444 = vector.load %arg2[%get3A_2442, %get3A_2443] : memref<1664x512xf32, #tpu.memory_space<vmem>>, vector<64x512xf32>
    %mul3A_2445 = arith.mulf %get3A_2419, %get3A_2444 : vector<64x512xf32>
    %reduce_sum3A_2446 = arith.constant dense<0.000000e+00> : vector<512xf32>
    %reduce_sum3A_2447 = vector.multi_reduction <add>, %mul3A_2445, %reduce_sum3A_2446 [0] : vector<64x512xf32> to vector<512xf32>
    %swap3A_2448 = arith.constant 281 : index
    %swap3A_2449 = arith.constant 0 : index
    %swap3A_2450 = vector.load %arg14[%swap3A_2448, %swap3A_2449] : memref<416x512xf32, #tpu.memory_space<vmem>>, vector<1x512xf32>
    %swap3A_2451 = vector.shape_cast %swap3A_2450 : vector<1x512xf32> to vector<512xf32>
    %swap3A_2452 = vector.shape_cast %reduce_sum3A_2447 : vector<512xf32> to vector<1x512xf32>
    tpu.vector_store %arg14[%swap3A_2448, %swap3A_2449], %swap3A_2452 {strides = array<i32>} : memref<416x512xf32, #tpu.memory_space<vmem>>, vector<1x512xf32>,
    %get3A_2453 = arith.constant 832 : index
    %get3A_2454 = arith.constant 0 : index
    %get3A_2455 = vector.load %arg2[%get3A_2453, %get3A_2454] : memref<1664x512xf32, #tpu.memory_space<vmem>>, vector<64x512xf32>
    %mul3A_2456 = arith.mulf %get3A_2419, %get3A_2455 : vector<64x512xf32>
    %reduce_sum3A_2457 = arith.constant dense<0.000000e+00> : vector<512xf32>
    %reduce_sum3A_2458 = vector.multi_reduction <add>, %mul3A_2456, %reduce_sum3A_2457 [0] : vector<64x512xf32> to vector<512xf32>
    %swap3A_2459 = arith.constant 282 : index
    %swap3A_2460 = arith.constant 0 : index
    %swap3A_2461 = vector.load %arg14[%swap3A_2459, %swap3A_2460] : memref<416x512xf32, #tpu.memory_space<vmem>>, vector<1x512xf32>
    %swap3A_2462 = vector.shape_cast %swap3A_2461 : vector<1x512xf32> to vector<512xf32>
    %swap3A_2463 = vector.shape_cast %reduce_sum3A_2458 : vector<512xf32> to vector<1x512xf32>
    tpu.vector_store %arg14[%swap3A_2459, %swap3A_2460], %swap3A_2463 {strides = array<i32>} : memref<416x512xf32, #tpu.memory_space<vmem>>, vector<1x512xf32>,
    %get3A_2464 = arith.constant 896 : index
    %get3A_2465 = arith.constant 0 : index
    %get3A_2466 = vector.load %arg2[%get3A_2464, %get3A_2465] : memref<1664x512xf32, #tpu.memory_space<vmem>>, vector<64x512xf32>
    %mul3A_2467 = arith.mulf %get3A_2419, %get3A_2466 : vector<64x512xf32>
    %reduce_sum3A_2468 = arith.constant dense<0.000000e+00> : vector<512xf32>
    %reduce_sum3A_2469 = vector.multi_reduction <add>, %mul3A_2467, %reduce_sum3A_2468 [0] : vector<64x512xf32> to vector<512xf32>
    %swap3A_2470 = arith.constant 283 : index
    %swap3A_2471 = arith.constant 0 : index
    %swap3A_2472 = vector.load %arg14[%swap3A_2470, %swap3A_2471] : memref<416x512xf32, #tpu.memory_space<vmem>>, vector<1x512xf32>
    %swap3A_2473 = vector.shape_cast %swap3A_2472 : vector<1x512xf32> to vector<512xf32>
    %swap3A_2474 = vector.shape_cast %reduce_sum3A_2469 : vector<512xf32> to vector<1x512xf32>
    tpu.vector_store %arg14[%swap3A_2470, %swap3A_2471], %swap3A_2474 {strides = array<i32>} : memref<416x512xf32, #tpu.memory_space<vmem>>, vector<1x512xf32>,
    %get3A_2475 = arith.constant 960 : index
    %get3A_2476 = arith.constant 0 : index
    %get3A_2477 = vector.load %arg2[%get3A_2475, %get3A_2476] : memref<1664x512xf32, #tpu.memory_space<vmem>>, vector<64x512xf32>
    %mul3A_2478 = arith.mulf %get3A_2419, %get3A_2477 : vector<64x512xf32>
    %reduce_sum3A_2479 = arith.constant dense<0.000000e+00> : vector<512xf32>
    %reduce_sum3A_2480 = vector.multi_reduction <add>, %mul3A_2478, %reduce_sum3A_2479 [0] : vector<64x512xf32> to vector<512xf32>
    %swap3A_2481 = arith.constant 284 : index
    %swap3A_2482 = arith.constant 0 : index
    %swap3A_2483 = vector.load %arg14[%swap3A_2481, %swap3A_2482] : memref<416x512xf32, #tpu.memory_space<vmem>>, vector<1x512xf32>
    %swap3A_2484 = vector.shape_cast %swap3A_2483 : vector<1x512xf32> to vector<512xf32>
    %swap3A_2485 = vector.shape_cast %reduce_sum3A_2480 : vector<512xf32> to vector<1x512xf32>
    tpu.vector_store %arg14[%swap3A_2481, %swap3A_2482], %swap3A_2485 {strides = array<i32>} : memref<416x512xf32, #tpu.memory_space<vmem>>, vector<1x512xf32>,
    %get3A_2486 = arith.constant 1024 : index
    %get3A_2487 = arith.constant 0 : index
    %get3A_2488 = vector.load %arg2[%get3A_2486, %get3A_2487] : memref<1664x512xf32, #tpu.memory_space<vmem>>, vector<64x512xf32>
    %mul3A_2489 = arith.mulf %get3A_2419, %get3A_2488 : vector<64x512xf32>
    %reduce_sum3A_2490 = arith.constant dense<0.000000e+00> : vector<512xf32>
    %reduce_sum3A_2491 = vector.multi_reduction <add>, %mul3A_2489, %reduce_sum3A_2490 [0] : vector<64x512xf32> to vector<512xf32>
    %swap3A_2492 = arith.constant 285 : index
    %swap3A_2493 = arith.constant 0 : index
    %swap3A_2494 = vector.load %arg14[%swap3A_2492, %swap3A_2493] : memref<416x512xf32, #tpu.memory_space<vmem>>, vector<1x512xf32>
    %swap3A_2495 = vector.shape_cast %swap3A_2494 : vector<1x512xf32> to vector<512xf32>
    %swap3A_2496 = vector.shape_cast %reduce_sum3A_2491 : vector<512xf32> to vector<1x512xf32>
    tpu.vector_store %arg14[%swap3A_2492, %swap3A_2493], %swap3A_2496 {strides = array<i32>} : memref<416x512xf32, #tpu.memory_space<vmem>>, vector<1x512xf32>,
    %get3A_2497 = arith.constant 1088 : index
    %get3A_2498 = arith.constant 0 : index
    %get3A_2499 = vector.load %arg2[%get3A_2497, %get3A_2498] : memref<1664x512xf32, #tpu.memory_space<vmem>>, vector<64x512xf32>
    %mul3A_2500 = arith.mulf %get3A_2419, %get3A_2499 : vector<64x512xf32>
    %reduce_sum3A_2501 = arith.constant dense<0.000000e+00> : vector<512xf32>
    %reduce_sum3A_2502 = vector.multi_reduction <add>, %mul3A_2500, %reduce_sum3A_2501 [0] : vector<64x512xf32> to vector<512xf32>
    %swap3A_2503 = arith.constant 286 : index
    %swap3A_2504 = arith.constant 0 : index
    %swap3A_2505 = vector.load %arg14[%swap3A_2503, %swap3A_2504] : memref<416x512xf32, #tpu.memory_space<vmem>>, vector<1x512xf32>
    %swap3A_2506 = vector.shape_cast %swap3A_2505 : vector<1x512xf32> to vector<512xf32>
    %swap3A_2507 = vector.shape_cast %reduce_sum3A_2502 : vector<512xf32> to vector<1x512xf32>
    tpu.vector_store %arg14[%swap3A_2503, %swap3A_2504], %swap3A_2507 {strides = array<i32>} : memref<416x512xf32, #tpu.memory_space<vmem>>, vector<1x512xf32>,
    %get3A_2508 = arith.constant 1152 : index
    %get3A_2509 = arith.constant 0 : index
    %get3A_2510 = vector.load %arg2[%get3A_2508, %get3A_2509] : memref<1664x512xf32, #tpu.memory_space<vmem>>, vector<64x512xf32>
    %mul3A_2511 = arith.mulf %get3A_2419, %get3A_2510 : vector<64x512xf32>
    %reduce_sum3A_2512 = arith.constant dense<0.000000e+00> : vector<512xf32>
    %reduce_sum3A_2513 = vector.multi_reduction <add>, %mul3A_2511, %reduce_sum3A_2512 [0] : vector<64x512xf32> to vector<512xf32>
    %swap3A_2514 = arith.constant 287 : index
    %swap3A_2515 = arith.constant 0 : index
    %swap3A_2516 = vector.load %arg14[%swap3A_2514, %swap3A_2515] : memref<416x512xf32, #tpu.memory_space<vmem>>, vector<1x512xf32>
    %swap3A_2517 = vector.shape_cast %swap3A_2516 : vector<1x512xf32> to vector<512xf32>
    %swap3A_2518 = vector.shape_cast %reduce_sum3A_2513 : vector<512xf32> to vector<1x512xf32>
    tpu.vector_store %arg14[%swap3A_2514, %swap3A_2515], %swap3A_2518 {strides = array<i32>} : memref<416x512xf32, #tpu.memory_space<vmem>>, vector<1x512xf32>,
    %get3A_2519 = arith.constant 1216 : index
    %get3A_2520 = arith.constant 0 : index
    %get3A_2521 = vector.load %arg2[%get3A_2519, %get3A_2520] : memref<1664x512xf32, #tpu.memory_space<vmem>>, vector<64x512xf32>
    %mul3A_2522 = arith.mulf %get3A_2419, %get3A_2521 : vector<64x512xf32>
    %reduce_sum3A_2523 = arith.constant dense<0.000000e+00> : vector<512xf32>
    %reduce_sum3A_2524 = vector.multi_reduction <add>, %mul3A_2522, %reduce_sum3A_2523 [0] : vector<64x512xf32> to vector<512xf32>
    %swap3A_2525 = arith.constant 288 : index
    %swap3A_2526 = arith.constant 0 : index
    %swap3A_2527 = vector.load %arg14[%swap3A_2525, %swap3A_2526] : memref<416x512xf32, #tpu.memory_space<vmem>>, vector<1x512xf32>
    %swap3A_2528 = vector.shape_cast %swap3A_2527 : vector<1x512xf32> to vector<512xf32>
    %swap3A_2529 = vector.shape_cast %reduce_sum3A_2524 : vector<512xf32> to vector<1x512xf32>
    tpu.vector_store %arg14[%swap3A_2525, %swap3A_2526], %swap3A_2529 {strides = array<i32>} : memref<416x512xf32, #tpu.memory_space<vmem>>, vector<1x512xf32>,
    %get3A_2530 = arith.constant 1280 : index
    %get3A_2531 = arith.constant 0 : index
    %get3A_2532 = vector.load %arg2[%get3A_2530, %get3A_2531] : memref<1664x512xf32, #tpu.memory_space<vmem>>, vector<64x512xf32>
    %mul3A_2533 = arith.mulf %get3A_2419, %get3A_2532 : vector<64x512xf32>
    %reduce_sum3A_2534 = arith.constant dense<0.000000e+00> : vector<512xf32>
    %reduce_sum3A_2535 = vector.multi_reduction <add>, %mul3A_2533, %reduce_sum3A_2534 [0] : vector<64x512xf32> to vector<512xf32>
    %swap3A_2536 = arith.constant 289 : index
    %swap3A_2537 = arith.constant 0 : index
    %swap3A_2538 = vector.load %arg14[%swap3A_2536, %swap3A_2537] : memref<416x512xf32, #tpu.memory_space<vmem>>, vector<1x512xf32>
    %swap3A_2539 = vector.shape_cast %swap3A_2538 : vector<1x512xf32> to vector<512xf32>
    %swap3A_2540 = vector.shape_cast %reduce_sum3A_2535 : vector<512xf32> to vector<1x512xf32>
    tpu.vector_store %arg14[%swap3A_2536, %swap3A_2537], %swap3A_2540 {strides = array<i32>} : memref<416x512xf32, #tpu.memory_space<vmem>>, vector<1x512xf32>,
    %get3A_2541 = arith.constant 1344 : index
    %get3A_2542 = arith.constant 0 : index
    %get3A_2543 = vector.load %arg2[%get3A_2541, %get3A_2542] : memref<1664x512xf32, #tpu.memory_space<vmem>>, vector<64x512xf32>
    %mul3A_2544 = arith.mulf %get3A_2419, %get3A_2543 : vector<64x512xf32>
    %reduce_sum3A_2545 = arith.constant dense<0.000000e+00> : vector<512xf32>
    %reduce_sum3A_2546 = vector.multi_reduction <add>, %mul3A_2544, %reduce_sum3A_2545 [0] : vector<64x512xf32> to vector<512xf32>
    %swap3A_2547 = arith.constant 290 : index
    %swap3A_2548 = arith.constant 0 : index
    %swap3A_2549 = vector.load %arg14[%swap3A_2547, %swap3A_2548] : memref<416x512xf32, #tpu.memory_space<vmem>>, vector<1x512xf32>
    %swap3A_2550 = vector.shape_cast %swap3A_2549 : vector<1x512xf32> to vector<512xf32>
    %swap3A_2551 = vector.shape_cast %reduce_sum3A_2546 : vector<512xf32> to vector<1x512xf32>
    tpu.vector_store %arg14[%swap3A_2547, %swap3A_2548], %swap3A_2551 {strides = array<i32>} : memref<416x512xf32, #tpu.memory_space<vmem>>, vector<1x512xf32>,
    %get3A_2552 = arith.constant 1408 : index
    %get3A_2553 = arith.constant 0 : index
    %get3A_2554 = vector.load %arg2[%get3A_2552, %get3A_2553] : memref<1664x512xf32, #tpu.memory_space<vmem>>, vector<64x512xf32>
    %mul3A_2555 = arith.mulf %get3A_2419, %get3A_2554 : vector<64x512xf32>
    %reduce_sum3A_2556 = arith.constant dense<0.000000e+00> : vector<512xf32>
    %reduce_sum3A_2557 = vector.multi_reduction <add>, %mul3A_2555, %reduce_sum3A_2556 [0] : vector<64x512xf32> to vector<512xf32>
    %swap3A_2558 = arith.constant 291 : index
    %swap3A_2559 = arith.constant 0 : index
    %swap3A_2560 = vector.load %arg14[%swap3A_2558, %swap3A_2559] : memref<416x512xf32, #tpu.memory_space<vmem>>, vector<1x512xf32>
    %swap3A_2561 = vector.shape_cast %swap3A_2560 : vector<1x512xf32> to vector<512xf32>
    %swap3A_2562 = vector.shape_cast %reduce_sum3A_2557 : vector<512xf32> to vector<1x512xf32>
    tpu.vector_store %arg14[%swap3A_2558, %swap3A_2559], %swap3A_2562 {strides = array<i32>} : memref<416x512xf32, #tpu.memory_space<vmem>>, vector<1x512xf32>,
    %get3A_2563 = arith.constant 1472 : index
    %get3A_2564 = arith.constant 0 : index
    %get3A_2565 = vector.load %arg2[%get3A_2563, %get3A_2564] : memref<1664x512xf32, #tpu.memory_space<vmem>>, vector<64x512xf32>
    %mul3A_2566 = arith.mulf %get3A_2419, %get3A_2565 : vector<64x512xf32>
    %reduce_sum3A_2567 = arith.constant dense<0.000000e+00> : vector<512xf32>
    %reduce_sum3A_2568 = vector.multi_reduction <add>, %mul3A_2566, %reduce_sum3A_2567 [0] : vector<64x512xf32> to vector<512xf32>
    %swap3A_2569 = arith.constant 292 : index
    %swap3A_2570 = arith.constant 0 : index
    %swap3A_2571 = vector.load %arg14[%swap3A_2569, %swap3A_2570] : memref<416x512xf32, #tpu.memory_space<vmem>>, vector<1x512xf32>
    %swap3A_2572 = vector.shape_cast %swap3A_2571 : vector<1x512xf32> to vector<512xf32>
    %swap3A_2573 = vector.shape_cast %reduce_sum3A_2568 : vector<512xf32> to vector<1x512xf32>
    tpu.vector_store %arg14[%swap3A_2569, %swap3A_2570], %swap3A_2573 {strides = array<i32>} : memref<416x512xf32, #tpu.memory_space<vmem>>, vector<1x512xf32>,
    %get3A_2574 = arith.constant 1536 : index
    %get3A_2575 = arith.constant 0 : index
    %get3A_2576 = vector.load %arg2[%get3A_2574, %get3A_2575] : memref<1664x512xf32, #tpu.memory_space<vmem>>, vector<64x512xf32>
    %mul3A_2577 = arith.mulf %get3A_2419, %get3A_2576 : vector<64x512xf32>
    %reduce_sum3A_2578 = arith.constant dense<0.000000e+00> : vector<512xf32>
    %reduce_sum3A_2579 = vector.multi_reduction <add>, %mul3A_2577, %reduce_sum3A_2578 [0] : vector<64x512xf32> to vector<512xf32>
    %swap3A_2580 = arith.constant 293 : index
    %swap3A_2581 = arith.constant 0 : index
    %swap3A_2582 = vector.load %arg14[%swap3A_2580, %swap3A_2581] : memref<416x512xf32, #tpu.memory_space<vmem>>, vector<1x512xf32>
    %swap3A_2583 = vector.shape_cast %swap3A_2582 : vector<1x512xf32> to vector<512xf32>
    %swap3A_2584 = vector.shape_cast %reduce_sum3A_2579 : vector<512xf32> to vector<1x512xf32>
    tpu.vector_store %arg14[%swap3A_2580, %swap3A_2581], %swap3A_2584 {strides = array<i32>} : memref<416x512xf32, #tpu.memory_space<vmem>>, vector<1x512xf32>,
    %get3A_2585 = arith.constant 1600 : index
    %get3A_2586 = arith.constant 0 : index
    %get3A_2587 = vector.load %arg2[%get3A_2585, %get3A_2586] : memref<1664x512xf32, #tpu.memory_space<vmem>>, vector<64x512xf32>
    %mul3A_2588 = arith.mulf %get3A_2419, %get3A_2587 : vector<64x512xf32>
    %reduce_sum3A_2589 = arith.constant dense<0.000000e+00> : vector<512xf32>
    %reduce_sum3A_2590 = vector.multi_reduction <add>, %mul3A_2588, %reduce_sum3A_2589 [0] : vector<64x512xf32> to vector<512xf32>
    %swap3A_2591 = arith.constant 294 : index
    %swap3A_2592 = arith.constant 0 : index
    %swap3A_2593 = vector.load %arg14[%swap3A_2591, %swap3A_2592] : memref<416x512xf32, #tpu.memory_space<vmem>>, vector<1x512xf32>
    %swap3A_2594 = vector.shape_cast %swap3A_2593 : vector<1x512xf32> to vector<512xf32>
    %swap3A_2595 = vector.shape_cast %reduce_sum3A_2590 : vector<512xf32> to vector<1x512xf32>
    tpu.vector_store %arg14[%swap3A_2591, %swap3A_2592], %swap3A_2595 {strides = array<i32>} : memref<416x512xf32, #tpu.memory_space<vmem>>, vector<1x512xf32>,
    %get3A_2596 = arith.constant 640 : index
    %get3A_2597 = arith.constant 0 : index
    %get3A_2598 = vector.load %arg2[%get3A_2596, %get3A_2597] : memref<1664x512xf32, #tpu.memory_space<vmem>>, vector<64x512xf32>
    %get3A_2599 = arith.constant 704 : index
    %get3A_2600 = arith.constant 0 : index
    %get3A_2601 = vector.load %arg2[%get3A_2599, %get3A_2600] : memref<1664x512xf32, #tpu.memory_space<vmem>>, vector<64x512xf32>
    %mul3A_2602 = arith.mulf %get3A_2598, %get3A_2601 : vector<64x512xf32>
    %reduce_sum3A_2603 = arith.constant dense<0.000000e+00> : vector<512xf32>
    %reduce_sum3A_2604 = vector.multi_reduction <add>, %mul3A_2602, %reduce_sum3A_2603 [0] : vector<64x512xf32> to vector<512xf32>
    %swap3A_2605 = arith.constant 295 : index
    %swap3A_2606 = arith.constant 0 : index
    %swap3A_2607 = vector.load %arg14[%swap3A_2605, %swap3A_2606] : memref<416x512xf32, #tpu.memory_space<vmem>>, vector<1x512xf32>
    %swap3A_2608 = vector.shape_cast %swap3A_2607 : vector<1x512xf32> to vector<512xf32>
    %swap3A_2609 = vector.shape_cast %reduce_sum3A_2604 : vector<512xf32> to vector<1x512xf32>
    tpu.vector_store %arg14[%swap3A_2605, %swap3A_2606], %swap3A_2609 {strides = array<i32>} : memref<416x512xf32, #tpu.memory_space<vmem>>, vector<1x512xf32>,
    %get3A_2610 = arith.constant 768 : index
    %get3A_2611 = arith.constant 0 : index
    %get3A_2612 = vector.load %arg2[%get3A_2610, %get3A_2611] : memref<1664x512xf32, #tpu.memory_space<vmem>>, vector<64x512xf32>
    %mul3A_2613 = arith.mulf %get3A_2598, %get3A_2612 : vector<64x512xf32>
    %reduce_sum3A_2614 = arith.constant dense<0.000000e+00> : vector<512xf32>
    %reduce_sum3A_2615 = vector.multi_reduction <add>, %mul3A_2613, %reduce_sum3A_2614 [0] : vector<64x512xf32> to vector<512xf32>
    %swap3A_2616 = arith.constant 296 : index
    %swap3A_2617 = arith.constant 0 : index
    %swap3A_2618 = vector.load %arg14[%swap3A_2616, %swap3A_2617] : memref<416x512xf32, #tpu.memory_space<vmem>>, vector<1x512xf32>
    %swap3A_2619 = vector.shape_cast %swap3A_2618 : vector<1x512xf32> to vector<512xf32>
    %swap3A_2620 = vector.shape_cast %reduce_sum3A_2615 : vector<512xf32> to vector<1x512xf32>
    tpu.vector_store %arg14[%swap3A_2616, %swap3A_2617], %swap3A_2620 {strides = array<i32>} : memref<416x512xf32, #tpu.memory_space<vmem>>, vector<1x512xf32>,
    %get3A_2621 = arith.constant 832 : index
    %get3A_2622 = arith.constant 0 : index
    %get3A_2623 = vector.load %arg2[%get3A_2621, %get3A_2622] : memref<1664x512xf32, #tpu.memory_space<vmem>>, vector<64x512xf32>
    %mul3A_2624 = arith.mulf %get3A_2598, %get3A_2623 : vector<64x512xf32>
    %reduce_sum3A_2625 = arith.constant dense<0.000000e+00> : vector<512xf32>
    %reduce_sum3A_2626 = vector.multi_reduction <add>, %mul3A_2624, %reduce_sum3A_2625 [0] : vector<64x512xf32> to vector<512xf32>
    %swap3A_2627 = arith.constant 297 : index
    %swap3A_2628 = arith.constant 0 : index
    %swap3A_2629 = vector.load %arg14[%swap3A_2627, %swap3A_2628] : memref<416x512xf32, #tpu.memory_space<vmem>>, vector<1x512xf32>
    %swap3A_2630 = vector.shape_cast %swap3A_2629 : vector<1x512xf32> to vector<512xf32>
    %swap3A_2631 = vector.shape_cast %reduce_sum3A_2626 : vector<512xf32> to vector<1x512xf32>
    tpu.vector_store %arg14[%swap3A_2627, %swap3A_2628], %swap3A_2631 {strides = array<i32>} : memref<416x512xf32, #tpu.memory_space<vmem>>, vector<1x512xf32>,
    %get3A_2632 = arith.constant 896 : index
    %get3A_2633 = arith.constant 0 : index
    %get3A_2634 = vector.load %arg2[%get3A_2632, %get3A_2633] : memref<1664x512xf32, #tpu.memory_space<vmem>>, vector<64x512xf32>
    %mul3A_2635 = arith.mulf %get3A_2598, %get3A_2634 : vector<64x512xf32>
    %reduce_sum3A_2636 = arith.constant dense<0.000000e+00> : vector<512xf32>
    %reduce_sum3A_2637 = vector.multi_reduction <add>, %mul3A_2635, %reduce_sum3A_2636 [0] : vector<64x512xf32> to vector<512xf32>
    %swap3A_2638 = arith.constant 298 : index
    %swap3A_2639 = arith.constant 0 : index
    %swap3A_2640 = vector.load %arg14[%swap3A_2638, %swap3A_2639] : memref<416x512xf32, #tpu.memory_space<vmem>>, vector<1x512xf32>
    %swap3A_2641 = vector.shape_cast %swap3A_2640 : vector<1x512xf32> to vector<512xf32>
    %swap3A_2642 = vector.shape_cast %reduce_sum3A_2637 : vector<512xf32> to vector<1x512xf32>
    tpu.vector_store %arg14[%swap3A_2638, %swap3A_2639], %swap3A_2642 {strides = array<i32>} : memref<416x512xf32, #tpu.memory_space<vmem>>, vector<1x512xf32>,
    %get3A_2643 = arith.constant 960 : index
    %get3A_2644 = arith.constant 0 : index
    %get3A_2645 = vector.load %arg2[%get3A_2643, %get3A_2644] : memref<1664x512xf32, #tpu.memory_space<vmem>>, vector<64x512xf32>
    %mul3A_2646 = arith.mulf %get3A_2598, %get3A_2645 : vector<64x512xf32>
    %reduce_sum3A_2647 = arith.constant dense<0.000000e+00> : vector<512xf32>
    %reduce_sum3A_2648 = vector.multi_reduction <add>, %mul3A_2646, %reduce_sum3A_2647 [0] : vector<64x512xf32> to vector<512xf32>
    %swap3A_2649 = arith.constant 299 : index
    %swap3A_2650 = arith.constant 0 : index
    %swap3A_2651 = vector.load %arg14[%swap3A_2649, %swap3A_2650] : memref<416x512xf32, #tpu.memory_space<vmem>>, vector<1x512xf32>
    %swap3A_2652 = vector.shape_cast %swap3A_2651 : vector<1x512xf32> to vector<512xf32>
    %swap3A_2653 = vector.shape_cast %reduce_sum3A_2648 : vector<512xf32> to vector<1x512xf32>
    tpu.vector_store %arg14[%swap3A_2649, %swap3A_2650], %swap3A_2653 {strides = array<i32>} : memref<416x512xf32, #tpu.memory_space<vmem>>, vector<1x512xf32>,
    %get3A_2654 = arith.constant 1024 : index
    %get3A_2655 = arith.constant 0 : index
    %get3A_2656 = vector.load %arg2[%get3A_2654, %get3A_2655] : memref<1664x512xf32, #tpu.memory_space<vmem>>, vector<64x512xf32>
    %mul3A_2657 = arith.mulf %get3A_2598, %get3A_2656 : vector<64x512xf32>
    %reduce_sum3A_2658 = arith.constant dense<0.000000e+00> : vector<512xf32>
    %reduce_sum3A_2659 = vector.multi_reduction <add>, %mul3A_2657, %reduce_sum3A_2658 [0] : vector<64x512xf32> to vector<512xf32>
    %swap3A_2660 = arith.constant 300 : index
    %swap3A_2661 = arith.constant 0 : index
    %swap3A_2662 = vector.load %arg14[%swap3A_2660, %swap3A_2661] : memref<416x512xf32, #tpu.memory_space<vmem>>, vector<1x512xf32>
    %swap3A_2663 = vector.shape_cast %swap3A_2662 : vector<1x512xf32> to vector<512xf32>
    %swap3A_2664 = vector.shape_cast %reduce_sum3A_2659 : vector<512xf32> to vector<1x512xf32>
    tpu.vector_store %arg14[%swap3A_2660, %swap3A_2661], %swap3A_2664 {strides = array<i32>} : memref<416x512xf32, #tpu.memory_space<vmem>>, vector<1x512xf32>,
    %get3A_2665 = arith.constant 1088 : index
    %get3A_2666 = arith.constant 0 : index
    %get3A_2667 = vector.load %arg2[%get3A_2665, %get3A_2666] : memref<1664x512xf32, #tpu.memory_space<vmem>>, vector<64x512xf32>
    %mul3A_2668 = arith.mulf %get3A_2598, %get3A_2667 : vector<64x512xf32>
    %reduce_sum3A_2669 = arith.constant dense<0.000000e+00> : vector<512xf32>
    %reduce_sum3A_2670 = vector.multi_reduction <add>, %mul3A_2668, %reduce_sum3A_2669 [0] : vector<64x512xf32> to vector<512xf32>
    %swap3A_2671 = arith.constant 301 : index
    %swap3A_2672 = arith.constant 0 : index
    %swap3A_2673 = vector.load %arg14[%swap3A_2671, %swap3A_2672] : memref<416x512xf32, #tpu.memory_space<vmem>>, vector<1x512xf32>
    %swap3A_2674 = vector.shape_cast %swap3A_2673 : vector<1x512xf32> to vector<512xf32>
    %swap3A_2675 = vector.shape_cast %reduce_sum3A_2670 : vector<512xf32> to vector<1x512xf32>
    tpu.vector_store %arg14[%swap3A_2671, %swap3A_2672], %swap3A_2675 {strides = array<i32>} : memref<416x512xf32, #tpu.memory_space<vmem>>, vector<1x512xf32>,
    %get3A_2676 = arith.constant 1152 : index
    %get3A_2677 = arith.constant 0 : index
    %get3A_2678 = vector.load %arg2[%get3A_2676, %get3A_2677] : memref<1664x512xf32, #tpu.memory_space<vmem>>, vector<64x512xf32>
    %mul3A_2679 = arith.mulf %get3A_2598, %get3A_2678 : vector<64x512xf32>
    %reduce_sum3A_2680 = arith.constant dense<0.000000e+00> : vector<512xf32>
    %reduce_sum3A_2681 = vector.multi_reduction <add>, %mul3A_2679, %reduce_sum3A_2680 [0] : vector<64x512xf32> to vector<512xf32>
    %swap3A_2682 = arith.constant 302 : index
    %swap3A_2683 = arith.constant 0 : index
    %swap3A_2684 = vector.load %arg14[%swap3A_2682, %swap3A_2683] : memref<416x512xf32, #tpu.memory_space<vmem>>, vector<1x512xf32>
    %swap3A_2685 = vector.shape_cast %swap3A_2684 : vector<1x512xf32> to vector<512xf32>
    %swap3A_2686 = vector.shape_cast %reduce_sum3A_2681 : vector<512xf32> to vector<1x512xf32>
    tpu.vector_store %arg14[%swap3A_2682, %swap3A_2683], %swap3A_2686 {strides = array<i32>} : memref<416x512xf32, #tpu.memory_space<vmem>>, vector<1x512xf32>,
    %get3A_2687 = arith.constant 1216 : index
    %get3A_2688 = arith.constant 0 : index
    %get3A_2689 = vector.load %arg2[%get3A_2687, %get3A_2688] : memref<1664x512xf32, #tpu.memory_space<vmem>>, vector<64x512xf32>
    %mul3A_2690 = arith.mulf %get3A_2598, %get3A_2689 : vector<64x512xf32>
    %reduce_sum3A_2691 = arith.constant dense<0.000000e+00> : vector<512xf32>
    %reduce_sum3A_2692 = vector.multi_reduction <add>, %mul3A_2690, %reduce_sum3A_2691 [0] : vector<64x512xf32> to vector<512xf32>
    %swap3A_2693 = arith.constant 303 : index
    %swap3A_2694 = arith.constant 0 : index
    %swap3A_2695 = vector.load %arg14[%swap3A_2693, %swap3A_2694] : memref<416x512xf32, #tpu.memory_space<vmem>>, vector<1x512xf32>
    %swap3A_2696 = vector.shape_cast %swap3A_2695 : vector<1x512xf32> to vector<512xf32>
    %swap3A_2697 = vector.shape_cast %reduce_sum3A_2692 : vector<512xf32> to vector<1x512xf32>
    tpu.vector_store %arg14[%swap3A_2693, %swap3A_2694], %swap3A_2697 {strides = array<i32>} : memref<416x512xf32, #tpu.memory_space<vmem>>, vector<1x512xf32>,
    %get3A_2698 = arith.constant 1280 : index
    %get3A_2699 = arith.constant 0 : index
    %get3A_2700 = vector.load %arg2[%get3A_2698, %get3A_2699] : memref<1664x512xf32, #tpu.memory_space<vmem>>, vector<64x512xf32>
    %mul3A_2701 = arith.mulf %get3A_2598, %get3A_2700 : vector<64x512xf32>
    %reduce_sum3A_2702 = arith.constant dense<0.000000e+00> : vector<512xf32>
    %reduce_sum3A_2703 = vector.multi_reduction <add>, %mul3A_2701, %reduce_sum3A_2702 [0] : vector<64x512xf32> to vector<512xf32>
    %swap3A_2704 = arith.constant 304 : index
    %swap3A_2705 = arith.constant 0 : index
    %swap3A_2706 = vector.load %arg14[%swap3A_2704, %swap3A_2705] : memref<416x512xf32, #tpu.memory_space<vmem>>, vector<1x512xf32>
    %swap3A_2707 = vector.shape_cast %swap3A_2706 : vector<1x512xf32> to vector<512xf32>
    %swap3A_2708 = vector.shape_cast %reduce_sum3A_2703 : vector<512xf32> to vector<1x512xf32>
    tpu.vector_store %arg14[%swap3A_2704, %swap3A_2705], %swap3A_2708 {strides = array<i32>} : memref<416x512xf32, #tpu.memory_space<vmem>>, vector<1x512xf32>,
    %get3A_2709 = arith.constant 1344 : index
    %get3A_2710 = arith.constant 0 : index
    %get3A_2711 = vector.load %arg2[%get3A_2709, %get3A_2710] : memref<1664x512xf32, #tpu.memory_space<vmem>>, vector<64x512xf32>
    %mul3A_2712 = arith.mulf %get3A_2598, %get3A_2711 : vector<64x512xf32>
    %reduce_sum3A_2713 = arith.constant dense<0.000000e+00> : vector<512xf32>
    %reduce_sum3A_2714 = vector.multi_reduction <add>, %mul3A_2712, %reduce_sum3A_2713 [0] : vector<64x512xf32> to vector<512xf32>
    %swap3A_2715 = arith.constant 305 : index
    %swap3A_2716 = arith.constant 0 : index
    %swap3A_2717 = vector.load %arg14[%swap3A_2715, %swap3A_2716] : memref<416x512xf32, #tpu.memory_space<vmem>>, vector<1x512xf32>
    %swap3A_2718 = vector.shape_cast %swap3A_2717 : vector<1x512xf32> to vector<512xf32>
    %swap3A_2719 = vector.shape_cast %reduce_sum3A_2714 : vector<512xf32> to vector<1x512xf32>
    tpu.vector_store %arg14[%swap3A_2715, %swap3A_2716], %swap3A_2719 {strides = array<i32>} : memref<416x512xf32, #tpu.memory_space<vmem>>, vector<1x512xf32>,
    %get3A_2720 = arith.constant 1408 : index
    %get3A_2721 = arith.constant 0 : index
    %get3A_2722 = vector.load %arg2[%get3A_2720, %get3A_2721] : memref<1664x512xf32, #tpu.memory_space<vmem>>, vector<64x512xf32>
    %mul3A_2723 = arith.mulf %get3A_2598, %get3A_2722 : vector<64x512xf32>
    %reduce_sum3A_2724 = arith.constant dense<0.000000e+00> : vector<512xf32>
    %reduce_sum3A_2725 = vector.multi_reduction <add>, %mul3A_2723, %reduce_sum3A_2724 [0] : vector<64x512xf32> to vector<512xf32>
    %swap3A_2726 = arith.constant 306 : index
    %swap3A_2727 = arith.constant 0 : index
    %swap3A_2728 = vector.load %arg14[%swap3A_2726, %swap3A_2727] : memref<416x512xf32, #tpu.memory_space<vmem>>, vector<1x512xf32>
    %swap3A_2729 = vector.shape_cast %swap3A_2728 : vector<1x512xf32> to vector<512xf32>
    %swap3A_2730 = vector.shape_cast %reduce_sum3A_2725 : vector<512xf32> to vector<1x512xf32>
    tpu.vector_store %arg14[%swap3A_2726, %swap3A_2727], %swap3A_2730 {strides = array<i32>} : memref<416x512xf32, #tpu.memory_space<vmem>>, vector<1x512xf32>,
    %get3A_2731 = arith.constant 1472 : index
    %get3A_2732 = arith.constant 0 : index
    %get3A_2733 = vector.load %arg2[%get3A_2731, %get3A_2732] : memref<1664x512xf32, #tpu.memory_space<vmem>>, vector<64x512xf32>
    %mul3A_2734 = arith.mulf %get3A_2598, %get3A_2733 : vector<64x512xf32>
    %reduce_sum3A_2735 = arith.constant dense<0.000000e+00> : vector<512xf32>
    %reduce_sum3A_2736 = vector.multi_reduction <add>, %mul3A_2734, %reduce_sum3A_2735 [0] : vector<64x512xf32> to vector<512xf32>
    %swap3A_2737 = arith.constant 307 : index
    %swap3A_2738 = arith.constant 0 : index
    %swap3A_2739 = vector.load %arg14[%swap3A_2737, %swap3A_2738] : memref<416x512xf32, #tpu.memory_space<vmem>>, vector<1x512xf32>
    %swap3A_2740 = vector.shape_cast %swap3A_2739 : vector<1x512xf32> to vector<512xf32>
    %swap3A_2741 = vector.shape_cast %reduce_sum3A_2736 : vector<512xf32> to vector<1x512xf32>
    tpu.vector_store %arg14[%swap3A_2737, %swap3A_2738], %swap3A_2741 {strides = array<i32>} : memref<416x512xf32, #tpu.memory_space<vmem>>, vector<1x512xf32>,
    %get3A_2742 = arith.constant 1536 : index
    %get3A_2743 = arith.constant 0 : index
    %get3A_2744 = vector.load %arg2[%get3A_2742, %get3A_2743] : memref<1664x512xf32, #tpu.memory_space<vmem>>, vector<64x512xf32>
    %mul3A_2745 = arith.mulf %get3A_2598, %get3A_2744 : vector<64x512xf32>
    %reduce_sum3A_2746 = arith.constant dense<0.000000e+00> : vector<512xf32>
    %reduce_sum3A_2747 = vector.multi_reduction <add>, %mul3A_2745, %reduce_sum3A_2746 [0] : vector<64x512xf32> to vector<512xf32>
    %swap3A_2748 = arith.constant 308 : index
    %swap3A_2749 = arith.constant 0 : index
    %swap3A_2750 = vector.load %arg14[%swap3A_2748, %swap3A_2749] : memref<416x512xf32, #tpu.memory_space<vmem>>, vector<1x512xf32>
    %swap3A_2751 = vector.shape_cast %swap3A_2750 : vector<1x512xf32> to vector<512xf32>
    %swap3A_2752 = vector.shape_cast %reduce_sum3A_2747 : vector<512xf32> to vector<1x512xf32>
    tpu.vector_store %arg14[%swap3A_2748, %swap3A_2749], %swap3A_2752 {strides = array<i32>} : memref<416x512xf32, #tpu.memory_space<vmem>>, vector<1x512xf32>,
    %get3A_2753 = arith.constant 1600 : index
    %get3A_2754 = arith.constant 0 : index
    %get3A_2755 = vector.load %arg2[%get3A_2753, %get3A_2754] : memref<1664x512xf32, #tpu.memory_space<vmem>>, vector<64x512xf32>
    %mul3A_2756 = arith.mulf %get3A_2598, %get3A_2755 : vector<64x512xf32>
    %reduce_sum3A_2757 = arith.constant dense<0.000000e+00> : vector<512xf32>
    %reduce_sum3A_2758 = vector.multi_reduction <add>, %mul3A_2756, %reduce_sum3A_2757 [0] : vector<64x512xf32> to vector<512xf32>
    %swap3A_2759 = arith.constant 309 : index
    %swap3A_2760 = arith.constant 0 : index
    %swap3A_2761 = vector.load %arg14[%swap3A_2759, %swap3A_2760] : memref<416x512xf32, #tpu.memory_space<vmem>>, vector<1x512xf32>
    %swap3A_2762 = vector.shape_cast %swap3A_2761 : vector<1x512xf32> to vector<512xf32>
    %swap3A_2763 = vector.shape_cast %reduce_sum3A_2758 : vector<512xf32> to vector<1x512xf32>
    tpu.vector_store %arg14[%swap3A_2759, %swap3A_2760], %swap3A_2763 {strides = array<i32>} : memref<416x512xf32, #tpu.memory_space<vmem>>, vector<1x512xf32>,
    %get3A_2764 = arith.constant 704 : index
    %get3A_2765 = arith.constant 0 : index
    %get3A_2766 = vector.load %arg2[%get3A_2764, %get3A_2765] : memref<1664x512xf32, #tpu.memory_space<vmem>>, vector<64x512xf32>
    %get3A_2767 = arith.constant 768 : index
    %get3A_2768 = arith.constant 0 : index
    %get3A_2769 = vector.load %arg2[%get3A_2767, %get3A_2768] : memref<1664x512xf32, #tpu.memory_space<vmem>>, vector<64x512xf32>
    %mul3A_2770 = arith.mulf %get3A_2766, %get3A_2769 : vector<64x512xf32>
    %reduce_sum3A_2771 = arith.constant dense<0.000000e+00> : vector<512xf32>
    %reduce_sum3A_2772 = vector.multi_reduction <add>, %mul3A_2770, %reduce_sum3A_2771 [0] : vector<64x512xf32> to vector<512xf32>
    %swap3A_2773 = arith.constant 310 : index
    %swap3A_2774 = arith.constant 0 : index
    %swap3A_2775 = vector.load %arg14[%swap3A_2773, %swap3A_2774] : memref<416x512xf32, #tpu.memory_space<vmem>>, vector<1x512xf32>
    %swap3A_2776 = vector.shape_cast %swap3A_2775 : vector<1x512xf32> to vector<512xf32>
    %swap3A_2777 = vector.shape_cast %reduce_sum3A_2772 : vector<512xf32> to vector<1x512xf32>
    tpu.vector_store %arg14[%swap3A_2773, %swap3A_2774], %swap3A_2777 {strides = array<i32>} : memref<416x512xf32, #tpu.memory_space<vmem>>, vector<1x512xf32>,
    %get3A_2778 = arith.constant 832 : index
    %get3A_2779 = arith.constant 0 : index
    %get3A_2780 = vector.load %arg2[%get3A_2778, %get3A_2779] : memref<1664x512xf32, #tpu.memory_space<vmem>>, vector<64x512xf32>
    %mul3A_2781 = arith.mulf %get3A_2766, %get3A_2780 : vector<64x512xf32>
    %reduce_sum3A_2782 = arith.constant dense<0.000000e+00> : vector<512xf32>
    %reduce_sum3A_2783 = vector.multi_reduction <add>, %mul3A_2781, %reduce_sum3A_2782 [0] : vector<64x512xf32> to vector<512xf32>
    %swap3A_2784 = arith.constant 311 : index
    %swap3A_2785 = arith.constant 0 : index
    %swap3A_2786 = vector.load %arg14[%swap3A_2784, %swap3A_2785] : memref<416x512xf32, #tpu.memory_space<vmem>>, vector<1x512xf32>
    %swap3A_2787 = vector.shape_cast %swap3A_2786 : vector<1x512xf32> to vector<512xf32>
    %swap3A_2788 = vector.shape_cast %reduce_sum3A_2783 : vector<512xf32> to vector<1x512xf32>
    tpu.vector_store %arg14[%swap3A_2784, %swap3A_2785], %swap3A_2788 {strides = array<i32>} : memref<416x512xf32, #tpu.memory_space<vmem>>, vector<1x512xf32>,
    %get3A_2789 = arith.constant 896 : index
    %get3A_2790 = arith.constant 0 : index
    %get3A_2791 = vector.load %arg2[%get3A_2789, %get3A_2790] : memref<1664x512xf32, #tpu.memory_space<vmem>>, vector<64x512xf32>
    %mul3A_2792 = arith.mulf %get3A_2766, %get3A_2791 : vector<64x512xf32>
    %reduce_sum3A_2793 = arith.constant dense<0.000000e+00> : vector<512xf32>
    %reduce_sum3A_2794 = vector.multi_reduction <add>, %mul3A_2792, %reduce_sum3A_2793 [0] : vector<64x512xf32> to vector<512xf32>
    %swap3A_2795 = arith.constant 312 : index
    %swap3A_2796 = arith.constant 0 : index
    %swap3A_2797 = vector.load %arg14[%swap3A_2795, %swap3A_2796] : memref<416x512xf32, #tpu.memory_space<vmem>>, vector<1x512xf32>
    %swap3A_2798 = vector.shape_cast %swap3A_2797 : vector<1x512xf32> to vector<512xf32>
    %swap3A_2799 = vector.shape_cast %reduce_sum3A_2794 : vector<512xf32> to vector<1x512xf32>
    tpu.vector_store %arg14[%swap3A_2795, %swap3A_2796], %swap3A_2799 {strides = array<i32>} : memref<416x512xf32, #tpu.memory_space<vmem>>, vector<1x512xf32>,
    %get3A_2800 = arith.constant 960 : index
    %get3A_2801 = arith.constant 0 : index
    %get3A_2802 = vector.load %arg2[%get3A_2800, %get3A_2801] : memref<1664x512xf32, #tpu.memory_space<vmem>>, vector<64x512xf32>
    %mul3A_2803 = arith.mulf %get3A_2766, %get3A_2802 : vector<64x512xf32>
    %reduce_sum3A_2804 = arith.constant dense<0.000000e+00> : vector<512xf32>
    %reduce_sum3A_2805 = vector.multi_reduction <add>, %mul3A_2803, %reduce_sum3A_2804 [0] : vector<64x512xf32> to vector<512xf32>
    %swap3A_2806 = arith.constant 313 : index
    %swap3A_2807 = arith.constant 0 : index
    %swap3A_2808 = vector.load %arg14[%swap3A_2806, %swap3A_2807] : memref<416x512xf32, #tpu.memory_space<vmem>>, vector<1x512xf32>
    %swap3A_2809 = vector.shape_cast %swap3A_2808 : vector<1x512xf32> to vector<512xf32>
    %swap3A_2810 = vector.shape_cast %reduce_sum3A_2805 : vector<512xf32> to vector<1x512xf32>
    tpu.vector_store %arg14[%swap3A_2806, %swap3A_2807], %swap3A_2810 {strides = array<i32>} : memref<416x512xf32, #tpu.memory_space<vmem>>, vector<1x512xf32>,
    %get3A_2811 = arith.constant 1024 : index
    %get3A_2812 = arith.constant 0 : index
    %get3A_2813 = vector.load %arg2[%get3A_2811, %get3A_2812] : memref<1664x512xf32, #tpu.memory_space<vmem>>, vector<64x512xf32>
    %mul3A_2814 = arith.mulf %get3A_2766, %get3A_2813 : vector<64x512xf32>
    %reduce_sum3A_2815 = arith.constant dense<0.000000e+00> : vector<512xf32>
    %reduce_sum3A_2816 = vector.multi_reduction <add>, %mul3A_2814, %reduce_sum3A_2815 [0] : vector<64x512xf32> to vector<512xf32>
    %swap3A_2817 = arith.constant 314 : index
    %swap3A_2818 = arith.constant 0 : index
    %swap3A_2819 = vector.load %arg14[%swap3A_2817, %swap3A_2818] : memref<416x512xf32, #tpu.memory_space<vmem>>, vector<1x512xf32>
    %swap3A_2820 = vector.shape_cast %swap3A_2819 : vector<1x512xf32> to vector<512xf32>
    %swap3A_2821 = vector.shape_cast %reduce_sum3A_2816 : vector<512xf32> to vector<1x512xf32>
    tpu.vector_store %arg14[%swap3A_2817, %swap3A_2818], %swap3A_2821 {strides = array<i32>} : memref<416x512xf32, #tpu.memory_space<vmem>>, vector<1x512xf32>,
    %get3A_2822 = arith.constant 1088 : index
    %get3A_2823 = arith.constant 0 : index
    %get3A_2824 = vector.load %arg2[%get3A_2822, %get3A_2823] : memref<1664x512xf32, #tpu.memory_space<vmem>>, vector<64x512xf32>
    %mul3A_2825 = arith.mulf %get3A_2766, %get3A_2824 : vector<64x512xf32>
    %reduce_sum3A_2826 = arith.constant dense<0.000000e+00> : vector<512xf32>
    %reduce_sum3A_2827 = vector.multi_reduction <add>, %mul3A_2825, %reduce_sum3A_2826 [0] : vector<64x512xf32> to vector<512xf32>
    %swap3A_2828 = arith.constant 315 : index
    %swap3A_2829 = arith.constant 0 : index
    %swap3A_2830 = vector.load %arg14[%swap3A_2828, %swap3A_2829] : memref<416x512xf32, #tpu.memory_space<vmem>>, vector<1x512xf32>
    %swap3A_2831 = vector.shape_cast %swap3A_2830 : vector<1x512xf32> to vector<512xf32>
    %swap3A_2832 = vector.shape_cast %reduce_sum3A_2827 : vector<512xf32> to vector<1x512xf32>
    tpu.vector_store %arg14[%swap3A_2828, %swap3A_2829], %swap3A_2832 {strides = array<i32>} : memref<416x512xf32, #tpu.memory_space<vmem>>, vector<1x512xf32>,
    %get3A_2833 = arith.constant 1152 : index
    %get3A_2834 = arith.constant 0 : index
    %get3A_2835 = vector.load %arg2[%get3A_2833, %get3A_2834] : memref<1664x512xf32, #tpu.memory_space<vmem>>, vector<64x512xf32>
    %mul3A_2836 = arith.mulf %get3A_2766, %get3A_2835 : vector<64x512xf32>
    %reduce_sum3A_2837 = arith.constant dense<0.000000e+00> : vector<512xf32>
    %reduce_sum3A_2838 = vector.multi_reduction <add>, %mul3A_2836, %reduce_sum3A_2837 [0] : vector<64x512xf32> to vector<512xf32>
    %swap3A_2839 = arith.constant 316 : index
    %swap3A_2840 = arith.constant 0 : index
    %swap3A_2841 = vector.load %arg14[%swap3A_2839, %swap3A_2840] : memref<416x512xf32, #tpu.memory_space<vmem>>, vector<1x512xf32>
    %swap3A_2842 = vector.shape_cast %swap3A_2841 : vector<1x512xf32> to vector<512xf32>
    %swap3A_2843 = vector.shape_cast %reduce_sum3A_2838 : vector<512xf32> to vector<1x512xf32>
    tpu.vector_store %arg14[%swap3A_2839, %swap3A_2840], %swap3A_2843 {strides = array<i32>} : memref<416x512xf32, #tpu.memory_space<vmem>>, vector<1x512xf32>,
    %get3A_2844 = arith.constant 1216 : index
    %get3A_2845 = arith.constant 0 : index
    %get3A_2846 = vector.load %arg2[%get3A_2844, %get3A_2845] : memref<1664x512xf32, #tpu.memory_space<vmem>>, vector<64x512xf32>
    %mul3A_2847 = arith.mulf %get3A_2766, %get3A_2846 : vector<64x512xf32>
    %reduce_sum3A_2848 = arith.constant dense<0.000000e+00> : vector<512xf32>
    %reduce_sum3A_2849 = vector.multi_reduction <add>, %mul3A_2847, %reduce_sum3A_2848 [0] : vector<64x512xf32> to vector<512xf32>
    %swap3A_2850 = arith.constant 317 : index
    %swap3A_2851 = arith.constant 0 : index
    %swap3A_2852 = vector.load %arg14[%swap3A_2850, %swap3A_2851] : memref<416x512xf32, #tpu.memory_space<vmem>>, vector<1x512xf32>
    %swap3A_2853 = vector.shape_cast %swap3A_2852 : vector<1x512xf32> to vector<512xf32>
    %swap3A_2854 = vector.shape_cast %reduce_sum3A_2849 : vector<512xf32> to vector<1x512xf32>
    tpu.vector_store %arg14[%swap3A_2850, %swap3A_2851], %swap3A_2854 {strides = array<i32>} : memref<416x512xf32, #tpu.memory_space<vmem>>, vector<1x512xf32>,
    %get3A_2855 = arith.constant 1280 : index
    %get3A_2856 = arith.constant 0 : index
    %get3A_2857 = vector.load %arg2[%get3A_2855, %get3A_2856] : memref<1664x512xf32, #tpu.memory_space<vmem>>, vector<64x512xf32>
    %mul3A_2858 = arith.mulf %get3A_2766, %get3A_2857 : vector<64x512xf32>
    %reduce_sum3A_2859 = arith.constant dense<0.000000e+00> : vector<512xf32>
    %reduce_sum3A_2860 = vector.multi_reduction <add>, %mul3A_2858, %reduce_sum3A_2859 [0] : vector<64x512xf32> to vector<512xf32>
    %swap3A_2861 = arith.constant 318 : index
    %swap3A_2862 = arith.constant 0 : index
    %swap3A_2863 = vector.load %arg14[%swap3A_2861, %swap3A_2862] : memref<416x512xf32, #tpu.memory_space<vmem>>, vector<1x512xf32>
    %swap3A_2864 = vector.shape_cast %swap3A_2863 : vector<1x512xf32> to vector<512xf32>
    %swap3A_2865 = vector.shape_cast %reduce_sum3A_2860 : vector<512xf32> to vector<1x512xf32>
    tpu.vector_store %arg14[%swap3A_2861, %swap3A_2862], %swap3A_2865 {strides = array<i32>} : memref<416x512xf32, #tpu.memory_space<vmem>>, vector<1x512xf32>,
    %get3A_2866 = arith.constant 1344 : index
    %get3A_2867 = arith.constant 0 : index
    %get3A_2868 = vector.load %arg2[%get3A_2866, %get3A_2867] : memref<1664x512xf32, #tpu.memory_space<vmem>>, vector<64x512xf32>
    %mul3A_2869 = arith.mulf %get3A_2766, %get3A_2868 : vector<64x512xf32>
    %reduce_sum3A_2870 = arith.constant dense<0.000000e+00> : vector<512xf32>
    %reduce_sum3A_2871 = vector.multi_reduction <add>, %mul3A_2869, %reduce_sum3A_2870 [0] : vector<64x512xf32> to vector<512xf32>
    %swap3A_2872 = arith.constant 319 : index
    %swap3A_2873 = arith.constant 0 : index
    %swap3A_2874 = vector.load %arg14[%swap3A_2872, %swap3A_2873] : memref<416x512xf32, #tpu.memory_space<vmem>>, vector<1x512xf32>
    %swap3A_2875 = vector.shape_cast %swap3A_2874 : vector<1x512xf32> to vector<512xf32>
    %swap3A_2876 = vector.shape_cast %reduce_sum3A_2871 : vector<512xf32> to vector<1x512xf32>
    tpu.vector_store %arg14[%swap3A_2872, %swap3A_2873], %swap3A_2876 {strides = array<i32>} : memref<416x512xf32, #tpu.memory_space<vmem>>, vector<1x512xf32>,
    %get3A_2877 = arith.constant 1408 : index
    %get3A_2878 = arith.constant 0 : index
    %get3A_2879 = vector.load %arg2[%get3A_2877, %get3A_2878] : memref<1664x512xf32, #tpu.memory_space<vmem>>, vector<64x512xf32>
    %mul3A_2880 = arith.mulf %get3A_2766, %get3A_2879 : vector<64x512xf32>
    %reduce_sum3A_2881 = arith.constant dense<0.000000e+00> : vector<512xf32>
    %reduce_sum3A_2882 = vector.multi_reduction <add>, %mul3A_2880, %reduce_sum3A_2881 [0] : vector<64x512xf32> to vector<512xf32>
    %swap3A_2883 = arith.constant 320 : index
    %swap3A_2884 = arith.constant 0 : index
    %swap3A_2885 = vector.load %arg14[%swap3A_2883, %swap3A_2884] : memref<416x512xf32, #tpu.memory_space<vmem>>, vector<1x512xf32>
    %swap3A_2886 = vector.shape_cast %swap3A_2885 : vector<1x512xf32> to vector<512xf32>
    %swap3A_2887 = vector.shape_cast %reduce_sum3A_2882 : vector<512xf32> to vector<1x512xf32>
    tpu.vector_store %arg14[%swap3A_2883, %swap3A_2884], %swap3A_2887 {strides = array<i32>} : memref<416x512xf32, #tpu.memory_space<vmem>>, vector<1x512xf32>,
    %get3A_2888 = arith.constant 1472 : index
    %get3A_2889 = arith.constant 0 : index
    %get3A_2890 = vector.load %arg2[%get3A_2888, %get3A_2889] : memref<1664x512xf32, #tpu.memory_space<vmem>>, vector<64x512xf32>
    %mul3A_2891 = arith.mulf %get3A_2766, %get3A_2890 : vector<64x512xf32>
    %reduce_sum3A_2892 = arith.constant dense<0.000000e+00> : vector<512xf32>
    %reduce_sum3A_2893 = vector.multi_reduction <add>, %mul3A_2891, %reduce_sum3A_2892 [0] : vector<64x512xf32> to vector<512xf32>
    %swap3A_2894 = arith.constant 321 : index
    %swap3A_2895 = arith.constant 0 : index
    %swap3A_2896 = vector.load %arg14[%swap3A_2894, %swap3A_2895] : memref<416x512xf32, #tpu.memory_space<vmem>>, vector<1x512xf32>
    %swap3A_2897 = vector.shape_cast %swap3A_2896 : vector<1x512xf32> to vector<512xf32>
    %swap3A_2898 = vector.shape_cast %reduce_sum3A_2893 : vector<512xf32> to vector<1x512xf32>
    tpu.vector_store %arg14[%swap3A_2894, %swap3A_2895], %swap3A_2898 {strides = array<i32>} : memref<416x512xf32, #tpu.memory_space<vmem>>, vector<1x512xf32>,
    %get3A_2899 = arith.constant 1536 : index
    %get3A_2900 = arith.constant 0 : index
    %get3A_2901 = vector.load %arg2[%get3A_2899, %get3A_2900] : memref<1664x512xf32, #tpu.memory_space<vmem>>, vector<64x512xf32>
    %mul3A_2902 = arith.mulf %get3A_2766, %get3A_2901 : vector<64x512xf32>
    %reduce_sum3A_2903 = arith.constant dense<0.000000e+00> : vector<512xf32>
    %reduce_sum3A_2904 = vector.multi_reduction <add>, %mul3A_2902, %reduce_sum3A_2903 [0] : vector<64x512xf32> to vector<512xf32>
    %swap3A_2905 = arith.constant 322 : index
    %swap3A_2906 = arith.constant 0 : index
    %swap3A_2907 = vector.load %arg14[%swap3A_2905, %swap3A_2906] : memref<416x512xf32, #tpu.memory_space<vmem>>, vector<1x512xf32>
    %swap3A_2908 = vector.shape_cast %swap3A_2907 : vector<1x512xf32> to vector<512xf32>
    %swap3A_2909 = vector.shape_cast %reduce_sum3A_2904 : vector<512xf32> to vector<1x512xf32>
    tpu.vector_store %arg14[%swap3A_2905, %swap3A_2906], %swap3A_2909 {strides = array<i32>} : memref<416x512xf32, #tpu.memory_space<vmem>>, vector<1x512xf32>,
    %get3A_2910 = arith.constant 1600 : index
    %get3A_2911 = arith.constant 0 : index
    %get3A_2912 = vector.load %arg2[%get3A_2910, %get3A_2911] : memref<1664x512xf32, #tpu.memory_space<vmem>>, vector<64x512xf32>
    %mul3A_2913 = arith.mulf %get3A_2766, %get3A_2912 : vector<64x512xf32>
    %reduce_sum3A_2914 = arith.constant dense<0.000000e+00> : vector<512xf32>
    %reduce_sum3A_2915 = vector.multi_reduction <add>, %mul3A_2913, %reduce_sum3A_2914 [0] : vector<64x512xf32> to vector<512xf32>
    %swap3A_2916 = arith.constant 323 : index
    %swap3A_2917 = arith.constant 0 : index
    %swap3A_2918 = vector.load %arg14[%swap3A_2916, %swap3A_2917] : memref<416x512xf32, #tpu.memory_space<vmem>>, vector<1x512xf32>
    %swap3A_2919 = vector.shape_cast %swap3A_2918 : vector<1x512xf32> to vector<512xf32>
    %swap3A_2920 = vector.shape_cast %reduce_sum3A_2915 : vector<512xf32> to vector<1x512xf32>
    tpu.vector_store %arg14[%swap3A_2916, %swap3A_2917], %swap3A_2920 {strides = array<i32>} : memref<416x512xf32, #tpu.memory_space<vmem>>, vector<1x512xf32>,
    %get3A_2921 = arith.constant 768 : index
    %get3A_2922 = arith.constant 0 : index
    %get3A_2923 = vector.load %arg2[%get3A_2921, %get3A_2922] : memref<1664x512xf32, #tpu.memory_space<vmem>>, vector<64x512xf32>
    %get3A_2924 = arith.constant 832 : index
    %get3A_2925 = arith.constant 0 : index
    %get3A_2926 = vector.load %arg2[%get3A_2924, %get3A_2925] : memref<1664x512xf32, #tpu.memory_space<vmem>>, vector<64x512xf32>
    %mul3A_2927 = arith.mulf %get3A_2923, %get3A_2926 : vector<64x512xf32>
    %reduce_sum3A_2928 = arith.constant dense<0.000000e+00> : vector<512xf32>
    %reduce_sum3A_2929 = vector.multi_reduction <add>, %mul3A_2927, %reduce_sum3A_2928 [0] : vector<64x512xf32> to vector<512xf32>
    %swap3A_2930 = arith.constant 324 : index
    %swap3A_2931 = arith.constant 0 : index
    %swap3A_2932 = vector.load %arg14[%swap3A_2930, %swap3A_2931] : memref<416x512xf32, #tpu.memory_space<vmem>>, vector<1x512xf32>
    %swap3A_2933 = vector.shape_cast %swap3A_2932 : vector<1x512xf32> to vector<512xf32>
    %swap3A_2934 = vector.shape_cast %reduce_sum3A_2929 : vector<512xf32> to vector<1x512xf32>
    tpu.vector_store %arg14[%swap3A_2930, %swap3A_2931], %swap3A_2934 {strides = array<i32>} : memref<416x512xf32, #tpu.memory_space<vmem>>, vector<1x512xf32>,
    %get3A_2935 = arith.constant 896 : index
    %get3A_2936 = arith.constant 0 : index
    %get3A_2937 = vector.load %arg2[%get3A_2935, %get3A_2936] : memref<1664x512xf32, #tpu.memory_space<vmem>>, vector<64x512xf32>
    %mul3A_2938 = arith.mulf %get3A_2923, %get3A_2937 : vector<64x512xf32>
    %reduce_sum3A_2939 = arith.constant dense<0.000000e+00> : vector<512xf32>
    %reduce_sum3A_2940 = vector.multi_reduction <add>, %mul3A_2938, %reduce_sum3A_2939 [0] : vector<64x512xf32> to vector<512xf32>
    %swap3A_2941 = arith.constant 325 : index
    %swap3A_2942 = arith.constant 0 : index
    %swap3A_2943 = vector.load %arg14[%swap3A_2941, %swap3A_2942] : memref<416x512xf32, #tpu.memory_space<vmem>>, vector<1x512xf32>
    %swap3A_2944 = vector.shape_cast %swap3A_2943 : vector<1x512xf32> to vector<512xf32>
    %swap3A_2945 = vector.shape_cast %reduce_sum3A_2940 : vector<512xf32> to vector<1x512xf32>
    tpu.vector_store %arg14[%swap3A_2941, %swap3A_2942], %swap3A_2945 {strides = array<i32>} : memref<416x512xf32, #tpu.memory_space<vmem>>, vector<1x512xf32>,
    %get3A_2946 = arith.constant 960 : index
    %get3A_2947 = arith.constant 0 : index
    %get3A_2948 = vector.load %arg2[%get3A_2946, %get3A_2947] : memref<1664x512xf32, #tpu.memory_space<vmem>>, vector<64x512xf32>
    %mul3A_2949 = arith.mulf %get3A_2923, %get3A_2948 : vector<64x512xf32>
    %reduce_sum3A_2950 = arith.constant dense<0.000000e+00> : vector<512xf32>
    %reduce_sum3A_2951 = vector.multi_reduction <add>, %mul3A_2949, %reduce_sum3A_2950 [0] : vector<64x512xf32> to vector<512xf32>
    %swap3A_2952 = arith.constant 326 : index
    %swap3A_2953 = arith.constant 0 : index
    %swap3A_2954 = vector.load %arg14[%swap3A_2952, %swap3A_2953] : memref<416x512xf32, #tpu.memory_space<vmem>>, vector<1x512xf32>
    %swap3A_2955 = vector.shape_cast %swap3A_2954 : vector<1x512xf32> to vector<512xf32>
    %swap3A_2956 = vector.shape_cast %reduce_sum3A_2951 : vector<512xf32> to vector<1x512xf32>
    tpu.vector_store %arg14[%swap3A_2952, %swap3A_2953], %swap3A_2956 {strides = array<i32>} : memref<416x512xf32, #tpu.memory_space<vmem>>, vector<1x512xf32>,
    %get3A_2957 = arith.constant 1024 : index
    %get3A_2958 = arith.constant 0 : index
    %get3A_2959 = vector.load %arg2[%get3A_2957, %get3A_2958] : memref<1664x512xf32, #tpu.memory_space<vmem>>, vector<64x512xf32>
    %mul3A_2960 = arith.mulf %get3A_2923, %get3A_2959 : vector<64x512xf32>
    %reduce_sum3A_2961 = arith.constant dense<0.000000e+00> : vector<512xf32>
    %reduce_sum3A_2962 = vector.multi_reduction <add>, %mul3A_2960, %reduce_sum3A_2961 [0] : vector<64x512xf32> to vector<512xf32>
    %swap3A_2963 = arith.constant 327 : index
    %swap3A_2964 = arith.constant 0 : index
    %swap3A_2965 = vector.load %arg14[%swap3A_2963, %swap3A_2964] : memref<416x512xf32, #tpu.memory_space<vmem>>, vector<1x512xf32>
    %swap3A_2966 = vector.shape_cast %swap3A_2965 : vector<1x512xf32> to vector<512xf32>
    %swap3A_2967 = vector.shape_cast %reduce_sum3A_2962 : vector<512xf32> to vector<1x512xf32>
    tpu.vector_store %arg14[%swap3A_2963, %swap3A_2964], %swap3A_2967 {strides = array<i32>} : memref<416x512xf32, #tpu.memory_space<vmem>>, vector<1x512xf32>,
    %get3A_2968 = arith.constant 1088 : index
    %get3A_2969 = arith.constant 0 : index
    %get3A_2970 = vector.load %arg2[%get3A_2968, %get3A_2969] : memref<1664x512xf32, #tpu.memory_space<vmem>>, vector<64x512xf32>
    %mul3A_2971 = arith.mulf %get3A_2923, %get3A_2970 : vector<64x512xf32>
    %reduce_sum3A_2972 = arith.constant dense<0.000000e+00> : vector<512xf32>
    %reduce_sum3A_2973 = vector.multi_reduction <add>, %mul3A_2971, %reduce_sum3A_2972 [0] : vector<64x512xf32> to vector<512xf32>
    %swap3A_2974 = arith.constant 328 : index
    %swap3A_2975 = arith.constant 0 : index
    %swap3A_2976 = vector.load %arg14[%swap3A_2974, %swap3A_2975] : memref<416x512xf32, #tpu.memory_space<vmem>>, vector<1x512xf32>
    %swap3A_2977 = vector.shape_cast %swap3A_2976 : vector<1x512xf32> to vector<512xf32>
    %swap3A_2978 = vector.shape_cast %reduce_sum3A_2973 : vector<512xf32> to vector<1x512xf32>
    tpu.vector_store %arg14[%swap3A_2974, %swap3A_2975], %swap3A_2978 {strides = array<i32>} : memref<416x512xf32, #tpu.memory_space<vmem>>, vector<1x512xf32>,
    %get3A_2979 = arith.constant 1152 : index
    %get3A_2980 = arith.constant 0 : index
    %get3A_2981 = vector.load %arg2[%get3A_2979, %get3A_2980] : memref<1664x512xf32, #tpu.memory_space<vmem>>, vector<64x512xf32>
    %mul3A_2982 = arith.mulf %get3A_2923, %get3A_2981 : vector<64x512xf32>
    %reduce_sum3A_2983 = arith.constant dense<0.000000e+00> : vector<512xf32>
    %reduce_sum3A_2984 = vector.multi_reduction <add>, %mul3A_2982, %reduce_sum3A_2983 [0] : vector<64x512xf32> to vector<512xf32>
    %swap3A_2985 = arith.constant 329 : index
    %swap3A_2986 = arith.constant 0 : index
    %swap3A_2987 = vector.load %arg14[%swap3A_2985, %swap3A_2986] : memref<416x512xf32, #tpu.memory_space<vmem>>, vector<1x512xf32>
    %swap3A_2988 = vector.shape_cast %swap3A_2987 : vector<1x512xf32> to vector<512xf32>
    %swap3A_2989 = vector.shape_cast %reduce_sum3A_2984 : vector<512xf32> to vector<1x512xf32>
    tpu.vector_store %arg14[%swap3A_2985, %swap3A_2986], %swap3A_2989 {strides = array<i32>} : memref<416x512xf32, #tpu.memory_space<vmem>>, vector<1x512xf32>,
    %get3A_2990 = arith.constant 1216 : index
    %get3A_2991 = arith.constant 0 : index
    %get3A_2992 = vector.load %arg2[%get3A_2990, %get3A_2991] : memref<1664x512xf32, #tpu.memory_space<vmem>>, vector<64x512xf32>
    %mul3A_2993 = arith.mulf %get3A_2923, %get3A_2992 : vector<64x512xf32>
    %reduce_sum3A_2994 = arith.constant dense<0.000000e+00> : vector<512xf32>
    %reduce_sum3A_2995 = vector.multi_reduction <add>, %mul3A_2993, %reduce_sum3A_2994 [0] : vector<64x512xf32> to vector<512xf32>
    %swap3A_2996 = arith.constant 330 : index
    %swap3A_2997 = arith.constant 0 : index
    %swap3A_2998 = vector.load %arg14[%swap3A_2996, %swap3A_2997] : memref<416x512xf32, #tpu.memory_space<vmem>>, vector<1x512xf32>
    %swap3A_2999 = vector.shape_cast %swap3A_2998 : vector<1x512xf32> to vector<512xf32>
    %swap3A_3000 = vector.shape_cast %reduce_sum3A_2995 : vector<512xf32> to vector<1x512xf32>
    tpu.vector_store %arg14[%swap3A_2996, %swap3A_2997], %swap3A_3000 {strides = array<i32>} : memref<416x512xf32, #tpu.memory_space<vmem>>, vector<1x512xf32>,
    %get3A_3001 = arith.constant 1280 : index
    %get3A_3002 = arith.constant 0 : index
    %get3A_3003 = vector.load %arg2[%get3A_3001, %get3A_3002] : memref<1664x512xf32, #tpu.memory_space<vmem>>, vector<64x512xf32>
    %mul3A_3004 = arith.mulf %get3A_2923, %get3A_3003 : vector<64x512xf32>
    %reduce_sum3A_3005 = arith.constant dense<0.000000e+00> : vector<512xf32>
    %reduce_sum3A_3006 = vector.multi_reduction <add>, %mul3A_3004, %reduce_sum3A_3005 [0] : vector<64x512xf32> to vector<512xf32>
    %swap3A_3007 = arith.constant 331 : index
    %swap3A_3008 = arith.constant 0 : index
    %swap3A_3009 = vector.load %arg14[%swap3A_3007, %swap3A_3008] : memref<416x512xf32, #tpu.memory_space<vmem>>, vector<1x512xf32>
    %swap3A_3010 = vector.shape_cast %swap3A_3009 : vector<1x512xf32> to vector<512xf32>
    %swap3A_3011 = vector.shape_cast %reduce_sum3A_3006 : vector<512xf32> to vector<1x512xf32>
    tpu.vector_store %arg14[%swap3A_3007, %swap3A_3008], %swap3A_3011 {strides = array<i32>} : memref<416x512xf32, #tpu.memory_space<vmem>>, vector<1x512xf32>,
    %get3A_3012 = arith.constant 1344 : index
    %get3A_3013 = arith.constant 0 : index
    %get3A_3014 = vector.load %arg2[%get3A_3012, %get3A_3013] : memref<1664x512xf32, #tpu.memory_space<vmem>>, vector<64x512xf32>
    %mul3A_3015 = arith.mulf %get3A_2923, %get3A_3014 : vector<64x512xf32>
    %reduce_sum3A_3016 = arith.constant dense<0.000000e+00> : vector<512xf32>
    %reduce_sum3A_3017 = vector.multi_reduction <add>, %mul3A_3015, %reduce_sum3A_3016 [0] : vector<64x512xf32> to vector<512xf32>
    %swap3A_3018 = arith.constant 332 : index
    %swap3A_3019 = arith.constant 0 : index
    %swap3A_3020 = vector.load %arg14[%swap3A_3018, %swap3A_3019] : memref<416x512xf32, #tpu.memory_space<vmem>>, vector<1x512xf32>
    %swap3A_3021 = vector.shape_cast %swap3A_3020 : vector<1x512xf32> to vector<512xf32>
    %swap3A_3022 = vector.shape_cast %reduce_sum3A_3017 : vector<512xf32> to vector<1x512xf32>
    tpu.vector_store %arg14[%swap3A_3018, %swap3A_3019], %swap3A_3022 {strides = array<i32>} : memref<416x512xf32, #tpu.memory_space<vmem>>, vector<1x512xf32>,
    %get3A_3023 = arith.constant 1408 : index
    %get3A_3024 = arith.constant 0 : index
    %get3A_3025 = vector.load %arg2[%get3A_3023, %get3A_3024] : memref<1664x512xf32, #tpu.memory_space<vmem>>, vector<64x512xf32>
    %mul3A_3026 = arith.mulf %get3A_2923, %get3A_3025 : vector<64x512xf32>
    %reduce_sum3A_3027 = arith.constant dense<0.000000e+00> : vector<512xf32>
    %reduce_sum3A_3028 = vector.multi_reduction <add>, %mul3A_3026, %reduce_sum3A_3027 [0] : vector<64x512xf32> to vector<512xf32>
    %swap3A_3029 = arith.constant 333 : index
    %swap3A_3030 = arith.constant 0 : index
    %swap3A_3031 = vector.load %arg14[%swap3A_3029, %swap3A_3030] : memref<416x512xf32, #tpu.memory_space<vmem>>, vector<1x512xf32>
    %swap3A_3032 = vector.shape_cast %swap3A_3031 : vector<1x512xf32> to vector<512xf32>
    %swap3A_3033 = vector.shape_cast %reduce_sum3A_3028 : vector<512xf32> to vector<1x512xf32>
    tpu.vector_store %arg14[%swap3A_3029, %swap3A_3030], %swap3A_3033 {strides = array<i32>} : memref<416x512xf32, #tpu.memory_space<vmem>>, vector<1x512xf32>,
    %get3A_3034 = arith.constant 1472 : index
    %get3A_3035 = arith.constant 0 : index
    %get3A_3036 = vector.load %arg2[%get3A_3034, %get3A_3035] : memref<1664x512xf32, #tpu.memory_space<vmem>>, vector<64x512xf32>
    %mul3A_3037 = arith.mulf %get3A_2923, %get3A_3036 : vector<64x512xf32>
    %reduce_sum3A_3038 = arith.constant dense<0.000000e+00> : vector<512xf32>
    %reduce_sum3A_3039 = vector.multi_reduction <add>, %mul3A_3037, %reduce_sum3A_3038 [0] : vector<64x512xf32> to vector<512xf32>
    %swap3A_3040 = arith.constant 334 : index
    %swap3A_3041 = arith.constant 0 : index
    %swap3A_3042 = vector.load %arg14[%swap3A_3040, %swap3A_3041] : memref<416x512xf32, #tpu.memory_space<vmem>>, vector<1x512xf32>
    %swap3A_3043 = vector.shape_cast %swap3A_3042 : vector<1x512xf32> to vector<512xf32>
    %swap3A_3044 = vector.shape_cast %reduce_sum3A_3039 : vector<512xf32> to vector<1x512xf32>
    tpu.vector_store %arg14[%swap3A_3040, %swap3A_3041], %swap3A_3044 {strides = array<i32>} : memref<416x512xf32, #tpu.memory_space<vmem>>, vector<1x512xf32>,
    %get3A_3045 = arith.constant 1536 : index
    %get3A_3046 = arith.constant 0 : index
    %get3A_3047 = vector.load %arg2[%get3A_3045, %get3A_3046] : memref<1664x512xf32, #tpu.memory_space<vmem>>, vector<64x512xf32>
    %mul3A_3048 = arith.mulf %get3A_2923, %get3A_3047 : vector<64x512xf32>
    %reduce_sum3A_3049 = arith.constant dense<0.000000e+00> : vector<512xf32>
    %reduce_sum3A_3050 = vector.multi_reduction <add>, %mul3A_3048, %reduce_sum3A_3049 [0] : vector<64x512xf32> to vector<512xf32>
    %swap3A_3051 = arith.constant 335 : index
    %swap3A_3052 = arith.constant 0 : index
    %swap3A_3053 = vector.load %arg14[%swap3A_3051, %swap3A_3052] : memref<416x512xf32, #tpu.memory_space<vmem>>, vector<1x512xf32>
    %swap3A_3054 = vector.shape_cast %swap3A_3053 : vector<1x512xf32> to vector<512xf32>
    %swap3A_3055 = vector.shape_cast %reduce_sum3A_3050 : vector<512xf32> to vector<1x512xf32>
    tpu.vector_store %arg14[%swap3A_3051, %swap3A_3052], %swap3A_3055 {strides = array<i32>} : memref<416x512xf32, #tpu.memory_space<vmem>>, vector<1x512xf32>,
    %get3A_3056 = arith.constant 1600 : index
    %get3A_3057 = arith.constant 0 : index
    %get3A_3058 = vector.load %arg2[%get3A_3056, %get3A_3057] : memref<1664x512xf32, #tpu.memory_space<vmem>>, vector<64x512xf32>
    %mul3A_3059 = arith.mulf %get3A_2923, %get3A_3058 : vector<64x512xf32>
    %reduce_sum3A_3060 = arith.constant dense<0.000000e+00> : vector<512xf32>
    %reduce_sum3A_3061 = vector.multi_reduction <add>, %mul3A_3059, %reduce_sum3A_3060 [0] : vector<64x512xf32> to vector<512xf32>
    %swap3A_3062 = arith.constant 336 : index
    %swap3A_3063 = arith.constant 0 : index
    %swap3A_3064 = vector.load %arg14[%swap3A_3062, %swap3A_3063] : memref<416x512xf32, #tpu.memory_space<vmem>>, vector<1x512xf32>
    %swap3A_3065 = vector.shape_cast %swap3A_3064 : vector<1x512xf32> to vector<512xf32>
    %swap3A_3066 = vector.shape_cast %reduce_sum3A_3061 : vector<512xf32> to vector<1x512xf32>
    tpu.vector_store %arg14[%swap3A_3062, %swap3A_3063], %swap3A_3066 {strides = array<i32>} : memref<416x512xf32, #tpu.memory_space<vmem>>, vector<1x512xf32>,
    %get3A_3067 = arith.constant 832 : index
    %get3A_3068 = arith.constant 0 : index
    %get3A_3069 = vector.load %arg2[%get3A_3067, %get3A_3068] : memref<1664x512xf32, #tpu.memory_space<vmem>>, vector<64x512xf32>
    %get3A_3070 = arith.constant 896 : index
    %get3A_3071 = arith.constant 0 : index
    %get3A_3072 = vector.load %arg2[%get3A_3070, %get3A_3071] : memref<1664x512xf32, #tpu.memory_space<vmem>>, vector<64x512xf32>
    %mul3A_3073 = arith.mulf %get3A_3069, %get3A_3072 : vector<64x512xf32>
    %reduce_sum3A_3074 = arith.constant dense<0.000000e+00> : vector<512xf32>
    %reduce_sum3A_3075 = vector.multi_reduction <add>, %mul3A_3073, %reduce_sum3A_3074 [0] : vector<64x512xf32> to vector<512xf32>
    %swap3A_3076 = arith.constant 337 : index
    %swap3A_3077 = arith.constant 0 : index
    %swap3A_3078 = vector.load %arg14[%swap3A_3076, %swap3A_3077] : memref<416x512xf32, #tpu.memory_space<vmem>>, vector<1x512xf32>
    %swap3A_3079 = vector.shape_cast %swap3A_3078 : vector<1x512xf32> to vector<512xf32>
    %swap3A_3080 = vector.shape_cast %reduce_sum3A_3075 : vector<512xf32> to vector<1x512xf32>
    tpu.vector_store %arg14[%swap3A_3076, %swap3A_3077], %swap3A_3080 {strides = array<i32>} : memref<416x512xf32, #tpu.memory_space<vmem>>, vector<1x512xf32>,
    %get3A_3081 = arith.constant 960 : index
    %get3A_3082 = arith.constant 0 : index
    %get3A_3083 = vector.load %arg2[%get3A_3081, %get3A_3082] : memref<1664x512xf32, #tpu.memory_space<vmem>>, vector<64x512xf32>
    %mul3A_3084 = arith.mulf %get3A_3069, %get3A_3083 : vector<64x512xf32>
    %reduce_sum3A_3085 = arith.constant dense<0.000000e+00> : vector<512xf32>
    %reduce_sum3A_3086 = vector.multi_reduction <add>, %mul3A_3084, %reduce_sum3A_3085 [0] : vector<64x512xf32> to vector<512xf32>
    %swap3A_3087 = arith.constant 338 : index
    %swap3A_3088 = arith.constant 0 : index
    %swap3A_3089 = vector.load %arg14[%swap3A_3087, %swap3A_3088] : memref<416x512xf32, #tpu.memory_space<vmem>>, vector<1x512xf32>
    %swap3A_3090 = vector.shape_cast %swap3A_3089 : vector<1x512xf32> to vector<512xf32>
    %swap3A_3091 = vector.shape_cast %reduce_sum3A_3086 : vector<512xf32> to vector<1x512xf32>
    tpu.vector_store %arg14[%swap3A_3087, %swap3A_3088], %swap3A_3091 {strides = array<i32>} : memref<416x512xf32, #tpu.memory_space<vmem>>, vector<1x512xf32>,
    %get3A_3092 = arith.constant 1024 : index
    %get3A_3093 = arith.constant 0 : index
    %get3A_3094 = vector.load %arg2[%get3A_3092, %get3A_3093] : memref<1664x512xf32, #tpu.memory_space<vmem>>, vector<64x512xf32>
    %mul3A_3095 = arith.mulf %get3A_3069, %get3A_3094 : vector<64x512xf32>
    %reduce_sum3A_3096 = arith.constant dense<0.000000e+00> : vector<512xf32>
    %reduce_sum3A_3097 = vector.multi_reduction <add>, %mul3A_3095, %reduce_sum3A_3096 [0] : vector<64x512xf32> to vector<512xf32>
    %swap3A_3098 = arith.constant 339 : index
    %swap3A_3099 = arith.constant 0 : index
    %swap3A_3100 = vector.load %arg14[%swap3A_3098, %swap3A_3099] : memref<416x512xf32, #tpu.memory_space<vmem>>, vector<1x512xf32>
    %swap3A_3101 = vector.shape_cast %swap3A_3100 : vector<1x512xf32> to vector<512xf32>
    %swap3A_3102 = vector.shape_cast %reduce_sum3A_3097 : vector<512xf32> to vector<1x512xf32>
    tpu.vector_store %arg14[%swap3A_3098, %swap3A_3099], %swap3A_3102 {strides = array<i32>} : memref<416x512xf32, #tpu.memory_space<vmem>>, vector<1x512xf32>,
    %get3A_3103 = arith.constant 1088 : index
    %get3A_3104 = arith.constant 0 : index
    %get3A_3105 = vector.load %arg2[%get3A_3103, %get3A_3104] : memref<1664x512xf32, #tpu.memory_space<vmem>>, vector<64x512xf32>
    %mul3A_3106 = arith.mulf %get3A_3069, %get3A_3105 : vector<64x512xf32>
    %reduce_sum3A_3107 = arith.constant dense<0.000000e+00> : vector<512xf32>
    %reduce_sum3A_3108 = vector.multi_reduction <add>, %mul3A_3106, %reduce_sum3A_3107 [0] : vector<64x512xf32> to vector<512xf32>
    %swap3A_3109 = arith.constant 340 : index
    %swap3A_3110 = arith.constant 0 : index
    %swap3A_3111 = vector.load %arg14[%swap3A_3109, %swap3A_3110] : memref<416x512xf32, #tpu.memory_space<vmem>>, vector<1x512xf32>
    %swap3A_3112 = vector.shape_cast %swap3A_3111 : vector<1x512xf32> to vector<512xf32>
    %swap3A_3113 = vector.shape_cast %reduce_sum3A_3108 : vector<512xf32> to vector<1x512xf32>
    tpu.vector_store %arg14[%swap3A_3109, %swap3A_3110], %swap3A_3113 {strides = array<i32>} : memref<416x512xf32, #tpu.memory_space<vmem>>, vector<1x512xf32>,
    %get3A_3114 = arith.constant 1152 : index
    %get3A_3115 = arith.constant 0 : index
    %get3A_3116 = vector.load %arg2[%get3A_3114, %get3A_3115] : memref<1664x512xf32, #tpu.memory_space<vmem>>, vector<64x512xf32>
    %mul3A_3117 = arith.mulf %get3A_3069, %get3A_3116 : vector<64x512xf32>
    %reduce_sum3A_3118 = arith.constant dense<0.000000e+00> : vector<512xf32>
    %reduce_sum3A_3119 = vector.multi_reduction <add>, %mul3A_3117, %reduce_sum3A_3118 [0] : vector<64x512xf32> to vector<512xf32>
    %swap3A_3120 = arith.constant 341 : index
    %swap3A_3121 = arith.constant 0 : index
    %swap3A_3122 = vector.load %arg14[%swap3A_3120, %swap3A_3121] : memref<416x512xf32, #tpu.memory_space<vmem>>, vector<1x512xf32>
    %swap3A_3123 = vector.shape_cast %swap3A_3122 : vector<1x512xf32> to vector<512xf32>
    %swap3A_3124 = vector.shape_cast %reduce_sum3A_3119 : vector<512xf32> to vector<1x512xf32>
    tpu.vector_store %arg14[%swap3A_3120, %swap3A_3121], %swap3A_3124 {strides = array<i32>} : memref<416x512xf32, #tpu.memory_space<vmem>>, vector<1x512xf32>,
    %get3A_3125 = arith.constant 1216 : index
    %get3A_3126 = arith.constant 0 : index
    %get3A_3127 = vector.load %arg2[%get3A_3125, %get3A_3126] : memref<1664x512xf32, #tpu.memory_space<vmem>>, vector<64x512xf32>
    %mul3A_3128 = arith.mulf %get3A_3069, %get3A_3127 : vector<64x512xf32>
    %reduce_sum3A_3129 = arith.constant dense<0.000000e+00> : vector<512xf32>
    %reduce_sum3A_3130 = vector.multi_reduction <add>, %mul3A_3128, %reduce_sum3A_3129 [0] : vector<64x512xf32> to vector<512xf32>
    %swap3A_3131 = arith.constant 342 : index
    %swap3A_3132 = arith.constant 0 : index
    %swap3A_3133 = vector.load %arg14[%swap3A_3131, %swap3A_3132] : memref<416x512xf32, #tpu.memory_space<vmem>>, vector<1x512xf32>
    %swap3A_3134 = vector.shape_cast %swap3A_3133 : vector<1x512xf32> to vector<512xf32>
    %swap3A_3135 = vector.shape_cast %reduce_sum3A_3130 : vector<512xf32> to vector<1x512xf32>
    tpu.vector_store %arg14[%swap3A_3131, %swap3A_3132], %swap3A_3135 {strides = array<i32>} : memref<416x512xf32, #tpu.memory_space<vmem>>, vector<1x512xf32>,
    %get3A_3136 = arith.constant 1280 : index
    %get3A_3137 = arith.constant 0 : index
    %get3A_3138 = vector.load %arg2[%get3A_3136, %get3A_3137] : memref<1664x512xf32, #tpu.memory_space<vmem>>, vector<64x512xf32>
    %mul3A_3139 = arith.mulf %get3A_3069, %get3A_3138 : vector<64x512xf32>
    %reduce_sum3A_3140 = arith.constant dense<0.000000e+00> : vector<512xf32>
    %reduce_sum3A_3141 = vector.multi_reduction <add>, %mul3A_3139, %reduce_sum3A_3140 [0] : vector<64x512xf32> to vector<512xf32>
    %swap3A_3142 = arith.constant 343 : index
    %swap3A_3143 = arith.constant 0 : index
    %swap3A_3144 = vector.load %arg14[%swap3A_3142, %swap3A_3143] : memref<416x512xf32, #tpu.memory_space<vmem>>, vector<1x512xf32>
    %swap3A_3145 = vector.shape_cast %swap3A_3144 : vector<1x512xf32> to vector<512xf32>
    %swap3A_3146 = vector.shape_cast %reduce_sum3A_3141 : vector<512xf32> to vector<1x512xf32>
    tpu.vector_store %arg14[%swap3A_3142, %swap3A_3143], %swap3A_3146 {strides = array<i32>} : memref<416x512xf32, #tpu.memory_space<vmem>>, vector<1x512xf32>,
    %get3A_3147 = arith.constant 1344 : index
    %get3A_3148 = arith.constant 0 : index
    %get3A_3149 = vector.load %arg2[%get3A_3147, %get3A_3148] : memref<1664x512xf32, #tpu.memory_space<vmem>>, vector<64x512xf32>
    %mul3A_3150 = arith.mulf %get3A_3069, %get3A_3149 : vector<64x512xf32>
    %reduce_sum3A_3151 = arith.constant dense<0.000000e+00> : vector<512xf32>
    %reduce_sum3A_3152 = vector.multi_reduction <add>, %mul3A_3150, %reduce_sum3A_3151 [0] : vector<64x512xf32> to vector<512xf32>
    %swap3A_3153 = arith.constant 344 : index
    %swap3A_3154 = arith.constant 0 : index
    %swap3A_3155 = vector.load %arg14[%swap3A_3153, %swap3A_3154] : memref<416x512xf32, #tpu.memory_space<vmem>>, vector<1x512xf32>
    %swap3A_3156 = vector.shape_cast %swap3A_3155 : vector<1x512xf32> to vector<512xf32>
    %swap3A_3157 = vector.shape_cast %reduce_sum3A_3152 : vector<512xf32> to vector<1x512xf32>
    tpu.vector_store %arg14[%swap3A_3153, %swap3A_3154], %swap3A_3157 {strides = array<i32>} : memref<416x512xf32, #tpu.memory_space<vmem>>, vector<1x512xf32>,
    %get3A_3158 = arith.constant 1408 : index
    %get3A_3159 = arith.constant 0 : index
    %get3A_3160 = vector.load %arg2[%get3A_3158, %get3A_3159] : memref<1664x512xf32, #tpu.memory_space<vmem>>, vector<64x512xf32>
    %mul3A_3161 = arith.mulf %get3A_3069, %get3A_3160 : vector<64x512xf32>
    %reduce_sum3A_3162 = arith.constant dense<0.000000e+00> : vector<512xf32>
    %reduce_sum3A_3163 = vector.multi_reduction <add>, %mul3A_3161, %reduce_sum3A_3162 [0] : vector<64x512xf32> to vector<512xf32>
    %swap3A_3164 = arith.constant 345 : index
    %swap3A_3165 = arith.constant 0 : index
    %swap3A_3166 = vector.load %arg14[%swap3A_3164, %swap3A_3165] : memref<416x512xf32, #tpu.memory_space<vmem>>, vector<1x512xf32>
    %swap3A_3167 = vector.shape_cast %swap3A_3166 : vector<1x512xf32> to vector<512xf32>
    %swap3A_3168 = vector.shape_cast %reduce_sum3A_3163 : vector<512xf32> to vector<1x512xf32>
    tpu.vector_store %arg14[%swap3A_3164, %swap3A_3165], %swap3A_3168 {strides = array<i32>} : memref<416x512xf32, #tpu.memory_space<vmem>>, vector<1x512xf32>,
    %get3A_3169 = arith.constant 1472 : index
    %get3A_3170 = arith.constant 0 : index
    %get3A_3171 = vector.load %arg2[%get3A_3169, %get3A_3170] : memref<1664x512xf32, #tpu.memory_space<vmem>>, vector<64x512xf32>
    %mul3A_3172 = arith.mulf %get3A_3069, %get3A_3171 : vector<64x512xf32>
    %reduce_sum3A_3173 = arith.constant dense<0.000000e+00> : vector<512xf32>
    %reduce_sum3A_3174 = vector.multi_reduction <add>, %mul3A_3172, %reduce_sum3A_3173 [0] : vector<64x512xf32> to vector<512xf32>
    %swap3A_3175 = arith.constant 346 : index
    %swap3A_3176 = arith.constant 0 : index
    %swap3A_3177 = vector.load %arg14[%swap3A_3175, %swap3A_3176] : memref<416x512xf32, #tpu.memory_space<vmem>>, vector<1x512xf32>
    %swap3A_3178 = vector.shape_cast %swap3A_3177 : vector<1x512xf32> to vector<512xf32>
    %swap3A_3179 = vector.shape_cast %reduce_sum3A_3174 : vector<512xf32> to vector<1x512xf32>
    tpu.vector_store %arg14[%swap3A_3175, %swap3A_3176], %swap3A_3179 {strides = array<i32>} : memref<416x512xf32, #tpu.memory_space<vmem>>, vector<1x512xf32>,
    %get3A_3180 = arith.constant 1536 : index
    %get3A_3181 = arith.constant 0 : index
    %get3A_3182 = vector.load %arg2[%get3A_3180, %get3A_3181] : memref<1664x512xf32, #tpu.memory_space<vmem>>, vector<64x512xf32>
    %mul3A_3183 = arith.mulf %get3A_3069, %get3A_3182 : vector<64x512xf32>
    %reduce_sum3A_3184 = arith.constant dense<0.000000e+00> : vector<512xf32>
    %reduce_sum3A_3185 = vector.multi_reduction <add>, %mul3A_3183, %reduce_sum3A_3184 [0] : vector<64x512xf32> to vector<512xf32>
    %swap3A_3186 = arith.constant 347 : index
    %swap3A_3187 = arith.constant 0 : index
    %swap3A_3188 = vector.load %arg14[%swap3A_3186, %swap3A_3187] : memref<416x512xf32, #tpu.memory_space<vmem>>, vector<1x512xf32>
    %swap3A_3189 = vector.shape_cast %swap3A_3188 : vector<1x512xf32> to vector<512xf32>
    %swap3A_3190 = vector.shape_cast %reduce_sum3A_3185 : vector<512xf32> to vector<1x512xf32>
    tpu.vector_store %arg14[%swap3A_3186, %swap3A_3187], %swap3A_3190 {strides = array<i32>} : memref<416x512xf32, #tpu.memory_space<vmem>>, vector<1x512xf32>,
    %get3A_3191 = arith.constant 1600 : index
    %get3A_3192 = arith.constant 0 : index
    %get3A_3193 = vector.load %arg2[%get3A_3191, %get3A_3192] : memref<1664x512xf32, #tpu.memory_space<vmem>>, vector<64x512xf32>
    %mul3A_3194 = arith.mulf %get3A_3069, %get3A_3193 : vector<64x512xf32>
    %reduce_sum3A_3195 = arith.constant dense<0.000000e+00> : vector<512xf32>
    %reduce_sum3A_3196 = vector.multi_reduction <add>, %mul3A_3194, %reduce_sum3A_3195 [0] : vector<64x512xf32> to vector<512xf32>
    %swap3A_3197 = arith.constant 348 : index
    %swap3A_3198 = arith.constant 0 : index
    %swap3A_3199 = vector.load %arg14[%swap3A_3197, %swap3A_3198] : memref<416x512xf32, #tpu.memory_space<vmem>>, vector<1x512xf32>
    %swap3A_3200 = vector.shape_cast %swap3A_3199 : vector<1x512xf32> to vector<512xf32>
    %swap3A_3201 = vector.shape_cast %reduce_sum3A_3196 : vector<512xf32> to vector<1x512xf32>
    tpu.vector_store %arg14[%swap3A_3197, %swap3A_3198], %swap3A_3201 {strides = array<i32>} : memref<416x512xf32, #tpu.memory_space<vmem>>, vector<1x512xf32>,
    %get3A_3202 = arith.constant 896 : index
    %get3A_3203 = arith.constant 0 : index
    %get3A_3204 = vector.load %arg2[%get3A_3202, %get3A_3203] : memref<1664x512xf32, #tpu.memory_space<vmem>>, vector<64x512xf32>
    %get3A_3205 = arith.constant 960 : index
    %get3A_3206 = arith.constant 0 : index
    %get3A_3207 = vector.load %arg2[%get3A_3205, %get3A_3206] : memref<1664x512xf32, #tpu.memory_space<vmem>>, vector<64x512xf32>
    %mul3A_3208 = arith.mulf %get3A_3204, %get3A_3207 : vector<64x512xf32>
    %reduce_sum3A_3209 = arith.constant dense<0.000000e+00> : vector<512xf32>
    %reduce_sum3A_3210 = vector.multi_reduction <add>, %mul3A_3208, %reduce_sum3A_3209 [0] : vector<64x512xf32> to vector<512xf32>
    %swap3A_3211 = arith.constant 349 : index
    %swap3A_3212 = arith.constant 0 : index
    %swap3A_3213 = vector.load %arg14[%swap3A_3211, %swap3A_3212] : memref<416x512xf32, #tpu.memory_space<vmem>>, vector<1x512xf32>
    %swap3A_3214 = vector.shape_cast %swap3A_3213 : vector<1x512xf32> to vector<512xf32>
    %swap3A_3215 = vector.shape_cast %reduce_sum3A_3210 : vector<512xf32> to vector<1x512xf32>
    tpu.vector_store %arg14[%swap3A_3211, %swap3A_3212], %swap3A_3215 {strides = array<i32>} : memref<416x512xf32, #tpu.memory_space<vmem>>, vector<1x512xf32>,
    %get3A_3216 = arith.constant 1024 : index
    %get3A_3217 = arith.constant 0 : index
    %get3A_3218 = vector.load %arg2[%get3A_3216, %get3A_3217] : memref<1664x512xf32, #tpu.memory_space<vmem>>, vector<64x512xf32>
    %mul3A_3219 = arith.mulf %get3A_3204, %get3A_3218 : vector<64x512xf32>
    %reduce_sum3A_3220 = arith.constant dense<0.000000e+00> : vector<512xf32>
    %reduce_sum3A_3221 = vector.multi_reduction <add>, %mul3A_3219, %reduce_sum3A_3220 [0] : vector<64x512xf32> to vector<512xf32>
    %swap3A_3222 = arith.constant 350 : index
    %swap3A_3223 = arith.constant 0 : index
    %swap3A_3224 = vector.load %arg14[%swap3A_3222, %swap3A_3223] : memref<416x512xf32, #tpu.memory_space<vmem>>, vector<1x512xf32>
    %swap3A_3225 = vector.shape_cast %swap3A_3224 : vector<1x512xf32> to vector<512xf32>
    %swap3A_3226 = vector.shape_cast %reduce_sum3A_3221 : vector<512xf32> to vector<1x512xf32>
    tpu.vector_store %arg14[%swap3A_3222, %swap3A_3223], %swap3A_3226 {strides = array<i32>} : memref<416x512xf32, #tpu.memory_space<vmem>>, vector<1x512xf32>,
    %get3A_3227 = arith.constant 1088 : index
    %get3A_3228 = arith.constant 0 : index
    %get3A_3229 = vector.load %arg2[%get3A_3227, %get3A_3228] : memref<1664x512xf32, #tpu.memory_space<vmem>>, vector<64x512xf32>
    %mul3A_3230 = arith.mulf %get3A_3204, %get3A_3229 : vector<64x512xf32>
    %reduce_sum3A_3231 = arith.constant dense<0.000000e+00> : vector<512xf32>
    %reduce_sum3A_3232 = vector.multi_reduction <add>, %mul3A_3230, %reduce_sum3A_3231 [0] : vector<64x512xf32> to vector<512xf32>
    %swap3A_3233 = arith.constant 351 : index
    %swap3A_3234 = arith.constant 0 : index
    %swap3A_3235 = vector.load %arg14[%swap3A_3233, %swap3A_3234] : memref<416x512xf32, #tpu.memory_space<vmem>>, vector<1x512xf32>
    %swap3A_3236 = vector.shape_cast %swap3A_3235 : vector<1x512xf32> to vector<512xf32>
    %swap3A_3237 = vector.shape_cast %reduce_sum3A_3232 : vector<512xf32> to vector<1x512xf32>
    tpu.vector_store %arg14[%swap3A_3233, %swap3A_3234], %swap3A_3237 {strides = array<i32>} : memref<416x512xf32, #tpu.memory_space<vmem>>, vector<1x512xf32>,
    %get3A_3238 = arith.constant 1152 : index
    %get3A_3239 = arith.constant 0 : index
    %get3A_3240 = vector.load %arg2[%get3A_3238, %get3A_3239] : memref<1664x512xf32, #tpu.memory_space<vmem>>, vector<64x512xf32>
    %mul3A_3241 = arith.mulf %get3A_3204, %get3A_3240 : vector<64x512xf32>
    %reduce_sum3A_3242 = arith.constant dense<0.000000e+00> : vector<512xf32>
    %reduce_sum3A_3243 = vector.multi_reduction <add>, %mul3A_3241, %reduce_sum3A_3242 [0] : vector<64x512xf32> to vector<512xf32>
    %swap3A_3244 = arith.constant 352 : index
    %swap3A_3245 = arith.constant 0 : index
    %swap3A_3246 = vector.load %arg14[%swap3A_3244, %swap3A_3245] : memref<416x512xf32, #tpu.memory_space<vmem>>, vector<1x512xf32>
    %swap3A_3247 = vector.shape_cast %swap3A_3246 : vector<1x512xf32> to vector<512xf32>
    %swap3A_3248 = vector.shape_cast %reduce_sum3A_3243 : vector<512xf32> to vector<1x512xf32>
    tpu.vector_store %arg14[%swap3A_3244, %swap3A_3245], %swap3A_3248 {strides = array<i32>} : memref<416x512xf32, #tpu.memory_space<vmem>>, vector<1x512xf32>,
    %get3A_3249 = arith.constant 1216 : index
    %get3A_3250 = arith.constant 0 : index
    %get3A_3251 = vector.load %arg2[%get3A_3249, %get3A_3250] : memref<1664x512xf32, #tpu.memory_space<vmem>>, vector<64x512xf32>
    %mul3A_3252 = arith.mulf %get3A_3204, %get3A_3251 : vector<64x512xf32>
    %reduce_sum3A_3253 = arith.constant dense<0.000000e+00> : vector<512xf32>
    %reduce_sum3A_3254 = vector.multi_reduction <add>, %mul3A_3252, %reduce_sum3A_3253 [0] : vector<64x512xf32> to vector<512xf32>
    %swap3A_3255 = arith.constant 353 : index
    %swap3A_3256 = arith.constant 0 : index
    %swap3A_3257 = vector.load %arg14[%swap3A_3255, %swap3A_3256] : memref<416x512xf32, #tpu.memory_space<vmem>>, vector<1x512xf32>
    %swap3A_3258 = vector.shape_cast %swap3A_3257 : vector<1x512xf32> to vector<512xf32>
    %swap3A_3259 = vector.shape_cast %reduce_sum3A_3254 : vector<512xf32> to vector<1x512xf32>
    tpu.vector_store %arg14[%swap3A_3255, %swap3A_3256], %swap3A_3259 {strides = array<i32>} : memref<416x512xf32, #tpu.memory_space<vmem>>, vector<1x512xf32>,
    %get3A_3260 = arith.constant 1280 : index
    %get3A_3261 = arith.constant 0 : index
    %get3A_3262 = vector.load %arg2[%get3A_3260, %get3A_3261] : memref<1664x512xf32, #tpu.memory_space<vmem>>, vector<64x512xf32>
    %mul3A_3263 = arith.mulf %get3A_3204, %get3A_3262 : vector<64x512xf32>
    %reduce_sum3A_3264 = arith.constant dense<0.000000e+00> : vector<512xf32>
    %reduce_sum3A_3265 = vector.multi_reduction <add>, %mul3A_3263, %reduce_sum3A_3264 [0] : vector<64x512xf32> to vector<512xf32>
    %swap3A_3266 = arith.constant 354 : index
    %swap3A_3267 = arith.constant 0 : index
    %swap3A_3268 = vector.load %arg14[%swap3A_3266, %swap3A_3267] : memref<416x512xf32, #tpu.memory_space<vmem>>, vector<1x512xf32>
    %swap3A_3269 = vector.shape_cast %swap3A_3268 : vector<1x512xf32> to vector<512xf32>
    %swap3A_3270 = vector.shape_cast %reduce_sum3A_3265 : vector<512xf32> to vector<1x512xf32>
    tpu.vector_store %arg14[%swap3A_3266, %swap3A_3267], %swap3A_3270 {strides = array<i32>} : memref<416x512xf32, #tpu.memory_space<vmem>>, vector<1x512xf32>,
    %get3A_3271 = arith.constant 1344 : index
    %get3A_3272 = arith.constant 0 : index
    %get3A_3273 = vector.load %arg2[%get3A_3271, %get3A_3272] : memref<1664x512xf32, #tpu.memory_space<vmem>>, vector<64x512xf32>
    %mul3A_3274 = arith.mulf %get3A_3204, %get3A_3273 : vector<64x512xf32>
    %reduce_sum3A_3275 = arith.constant dense<0.000000e+00> : vector<512xf32>
    %reduce_sum3A_3276 = vector.multi_reduction <add>, %mul3A_3274, %reduce_sum3A_3275 [0] : vector<64x512xf32> to vector<512xf32>
    %swap3A_3277 = arith.constant 355 : index
    %swap3A_3278 = arith.constant 0 : index
    %swap3A_3279 = vector.load %arg14[%swap3A_3277, %swap3A_3278] : memref<416x512xf32, #tpu.memory_space<vmem>>, vector<1x512xf32>
    %swap3A_3280 = vector.shape_cast %swap3A_3279 : vector<1x512xf32> to vector<512xf32>
    %swap3A_3281 = vector.shape_cast %reduce_sum3A_3276 : vector<512xf32> to vector<1x512xf32>
    tpu.vector_store %arg14[%swap3A_3277, %swap3A_3278], %swap3A_3281 {strides = array<i32>} : memref<416x512xf32, #tpu.memory_space<vmem>>, vector<1x512xf32>,
    %get3A_3282 = arith.constant 1408 : index
    %get3A_3283 = arith.constant 0 : index
    %get3A_3284 = vector.load %arg2[%get3A_3282, %get3A_3283] : memref<1664x512xf32, #tpu.memory_space<vmem>>, vector<64x512xf32>
    %mul3A_3285 = arith.mulf %get3A_3204, %get3A_3284 : vector<64x512xf32>
    %reduce_sum3A_3286 = arith.constant dense<0.000000e+00> : vector<512xf32>
    %reduce_sum3A_3287 = vector.multi_reduction <add>, %mul3A_3285, %reduce_sum3A_3286 [0] : vector<64x512xf32> to vector<512xf32>
    %swap3A_3288 = arith.constant 356 : index
    %swap3A_3289 = arith.constant 0 : index
    %swap3A_3290 = vector.load %arg14[%swap3A_3288, %swap3A_3289] : memref<416x512xf32, #tpu.memory_space<vmem>>, vector<1x512xf32>
    %swap3A_3291 = vector.shape_cast %swap3A_3290 : vector<1x512xf32> to vector<512xf32>
    %swap3A_3292 = vector.shape_cast %reduce_sum3A_3287 : vector<512xf32> to vector<1x512xf32>
    tpu.vector_store %arg14[%swap3A_3288, %swap3A_3289], %swap3A_3292 {strides = array<i32>} : memref<416x512xf32, #tpu.memory_space<vmem>>, vector<1x512xf32>,
    %get3A_3293 = arith.constant 1472 : index
    %get3A_3294 = arith.constant 0 : index
    %get3A_3295 = vector.load %arg2[%get3A_3293, %get3A_3294] : memref<1664x512xf32, #tpu.memory_space<vmem>>, vector<64x512xf32>
    %mul3A_3296 = arith.mulf %get3A_3204, %get3A_3295 : vector<64x512xf32>
    %reduce_sum3A_3297 = arith.constant dense<0.000000e+00> : vector<512xf32>
    %reduce_sum3A_3298 = vector.multi_reduction <add>, %mul3A_3296, %reduce_sum3A_3297 [0] : vector<64x512xf32> to vector<512xf32>
    %swap3A_3299 = arith.constant 357 : index
    %swap3A_3300 = arith.constant 0 : index
    %swap3A_3301 = vector.load %arg14[%swap3A_3299, %swap3A_3300] : memref<416x512xf32, #tpu.memory_space<vmem>>, vector<1x512xf32>
    %swap3A_3302 = vector.shape_cast %swap3A_3301 : vector<1x512xf32> to vector<512xf32>
    %swap3A_3303 = vector.shape_cast %reduce_sum3A_3298 : vector<512xf32> to vector<1x512xf32>
    tpu.vector_store %arg14[%swap3A_3299, %swap3A_3300], %swap3A_3303 {strides = array<i32>} : memref<416x512xf32, #tpu.memory_space<vmem>>, vector<1x512xf32>,
    %get3A_3304 = arith.constant 1536 : index
    %get3A_3305 = arith.constant 0 : index
    %get3A_3306 = vector.load %arg2[%get3A_3304, %get3A_3305] : memref<1664x512xf32, #tpu.memory_space<vmem>>, vector<64x512xf32>
    %mul3A_3307 = arith.mulf %get3A_3204, %get3A_3306 : vector<64x512xf32>
    %reduce_sum3A_3308 = arith.constant dense<0.000000e+00> : vector<512xf32>
    %reduce_sum3A_3309 = vector.multi_reduction <add>, %mul3A_3307, %reduce_sum3A_3308 [0] : vector<64x512xf32> to vector<512xf32>
    %swap3A_3310 = arith.constant 358 : index
    %swap3A_3311 = arith.constant 0 : index
    %swap3A_3312 = vector.load %arg14[%swap3A_3310, %swap3A_3311] : memref<416x512xf32, #tpu.memory_space<vmem>>, vector<1x512xf32>
    %swap3A_3313 = vector.shape_cast %swap3A_3312 : vector<1x512xf32> to vector<512xf32>
    %swap3A_3314 = vector.shape_cast %reduce_sum3A_3309 : vector<512xf32> to vector<1x512xf32>
    tpu.vector_store %arg14[%swap3A_3310, %swap3A_3311], %swap3A_3314 {strides = array<i32>} : memref<416x512xf32, #tpu.memory_space<vmem>>, vector<1x512xf32>,
    %get3A_3315 = arith.constant 1600 : index
    %get3A_3316 = arith.constant 0 : index
    %get3A_3317 = vector.load %arg2[%get3A_3315, %get3A_3316] : memref<1664x512xf32, #tpu.memory_space<vmem>>, vector<64x512xf32>
    %mul3A_3318 = arith.mulf %get3A_3204, %get3A_3317 : vector<64x512xf32>
    %reduce_sum3A_3319 = arith.constant dense<0.000000e+00> : vector<512xf32>
    %reduce_sum3A_3320 = vector.multi_reduction <add>, %mul3A_3318, %reduce_sum3A_3319 [0] : vector<64x512xf32> to vector<512xf32>
    %swap3A_3321 = arith.constant 359 : index
    %swap3A_3322 = arith.constant 0 : index
    %swap3A_3323 = vector.load %arg14[%swap3A_3321, %swap3A_3322] : memref<416x512xf32, #tpu.memory_space<vmem>>, vector<1x512xf32>
    %swap3A_3324 = vector.shape_cast %swap3A_3323 : vector<1x512xf32> to vector<512xf32>
    %swap3A_3325 = vector.shape_cast %reduce_sum3A_3320 : vector<512xf32> to vector<1x512xf32>
    tpu.vector_store %arg14[%swap3A_3321, %swap3A_3322], %swap3A_3325 {strides = array<i32>} : memref<416x512xf32, #tpu.memory_space<vmem>>, vector<1x512xf32>,
    %get3A_3326 = arith.constant 960 : index
    %get3A_3327 = arith.constant 0 : index
    %get3A_3328 = vector.load %arg2[%get3A_3326, %get3A_3327] : memref<1664x512xf32, #tpu.memory_space<vmem>>, vector<64x512xf32>
    %get3A_3329 = arith.constant 1024 : index
    %get3A_3330 = arith.constant 0 : index
    %get3A_3331 = vector.load %arg2[%get3A_3329, %get3A_3330] : memref<1664x512xf32, #tpu.memory_space<vmem>>, vector<64x512xf32>
    %mul3A_3332 = arith.mulf %get3A_3328, %get3A_3331 : vector<64x512xf32>
    %reduce_sum3A_3333 = arith.constant dense<0.000000e+00> : vector<512xf32>
    %reduce_sum3A_3334 = vector.multi_reduction <add>, %mul3A_3332, %reduce_sum3A_3333 [0] : vector<64x512xf32> to vector<512xf32>
    %swap3A_3335 = arith.constant 360 : index
    %swap3A_3336 = arith.constant 0 : index
    %swap3A_3337 = vector.load %arg14[%swap3A_3335, %swap3A_3336] : memref<416x512xf32, #tpu.memory_space<vmem>>, vector<1x512xf32>
    %swap3A_3338 = vector.shape_cast %swap3A_3337 : vector<1x512xf32> to vector<512xf32>
    %swap3A_3339 = vector.shape_cast %reduce_sum3A_3334 : vector<512xf32> to vector<1x512xf32>
    tpu.vector_store %arg14[%swap3A_3335, %swap3A_3336], %swap3A_3339 {strides = array<i32>} : memref<416x512xf32, #tpu.memory_space<vmem>>, vector<1x512xf32>,
    %get3A_3340 = arith.constant 1088 : index
    %get3A_3341 = arith.constant 0 : index
    %get3A_3342 = vector.load %arg2[%get3A_3340, %get3A_3341] : memref<1664x512xf32, #tpu.memory_space<vmem>>, vector<64x512xf32>
    %mul3A_3343 = arith.mulf %get3A_3328, %get3A_3342 : vector<64x512xf32>
    %reduce_sum3A_3344 = arith.constant dense<0.000000e+00> : vector<512xf32>
    %reduce_sum3A_3345 = vector.multi_reduction <add>, %mul3A_3343, %reduce_sum3A_3344 [0] : vector<64x512xf32> to vector<512xf32>
    %swap3A_3346 = arith.constant 361 : index
    %swap3A_3347 = arith.constant 0 : index
    %swap3A_3348 = vector.load %arg14[%swap3A_3346, %swap3A_3347] : memref<416x512xf32, #tpu.memory_space<vmem>>, vector<1x512xf32>
    %swap3A_3349 = vector.shape_cast %swap3A_3348 : vector<1x512xf32> to vector<512xf32>
    %swap3A_3350 = vector.shape_cast %reduce_sum3A_3345 : vector<512xf32> to vector<1x512xf32>
    tpu.vector_store %arg14[%swap3A_3346, %swap3A_3347], %swap3A_3350 {strides = array<i32>} : memref<416x512xf32, #tpu.memory_space<vmem>>, vector<1x512xf32>,
    %get3A_3351 = arith.constant 1152 : index
    %get3A_3352 = arith.constant 0 : index
    %get3A_3353 = vector.load %arg2[%get3A_3351, %get3A_3352] : memref<1664x512xf32, #tpu.memory_space<vmem>>, vector<64x512xf32>
    %mul3A_3354 = arith.mulf %get3A_3328, %get3A_3353 : vector<64x512xf32>
    %reduce_sum3A_3355 = arith.constant dense<0.000000e+00> : vector<512xf32>
    %reduce_sum3A_3356 = vector.multi_reduction <add>, %mul3A_3354, %reduce_sum3A_3355 [0] : vector<64x512xf32> to vector<512xf32>
    %swap3A_3357 = arith.constant 362 : index
    %swap3A_3358 = arith.constant 0 : index
    %swap3A_3359 = vector.load %arg14[%swap3A_3357, %swap3A_3358] : memref<416x512xf32, #tpu.memory_space<vmem>>, vector<1x512xf32>
    %swap3A_3360 = vector.shape_cast %swap3A_3359 : vector<1x512xf32> to vector<512xf32>
    %swap3A_3361 = vector.shape_cast %reduce_sum3A_3356 : vector<512xf32> to vector<1x512xf32>
    tpu.vector_store %arg14[%swap3A_3357, %swap3A_3358], %swap3A_3361 {strides = array<i32>} : memref<416x512xf32, #tpu.memory_space<vmem>>, vector<1x512xf32>,
    %get3A_3362 = arith.constant 1216 : index
    %get3A_3363 = arith.constant 0 : index
    %get3A_3364 = vector.load %arg2[%get3A_3362, %get3A_3363] : memref<1664x512xf32, #tpu.memory_space<vmem>>, vector<64x512xf32>
    %mul3A_3365 = arith.mulf %get3A_3328, %get3A_3364 : vector<64x512xf32>
    %reduce_sum3A_3366 = arith.constant dense<0.000000e+00> : vector<512xf32>
    %reduce_sum3A_3367 = vector.multi_reduction <add>, %mul3A_3365, %reduce_sum3A_3366 [0] : vector<64x512xf32> to vector<512xf32>
    %swap3A_3368 = arith.constant 363 : index
    %swap3A_3369 = arith.constant 0 : index
    %swap3A_3370 = vector.load %arg14[%swap3A_3368, %swap3A_3369] : memref<416x512xf32, #tpu.memory_space<vmem>>, vector<1x512xf32>
    %swap3A_3371 = vector.shape_cast %swap3A_3370 : vector<1x512xf32> to vector<512xf32>
    %swap3A_3372 = vector.shape_cast %reduce_sum3A_3367 : vector<512xf32> to vector<1x512xf32>
    tpu.vector_store %arg14[%swap3A_3368, %swap3A_3369], %swap3A_3372 {strides = array<i32>} : memref<416x512xf32, #tpu.memory_space<vmem>>, vector<1x512xf32>,
    %get3A_3373 = arith.constant 1280 : index
    %get3A_3374 = arith.constant 0 : index
    %get3A_3375 = vector.load %arg2[%get3A_3373, %get3A_3374] : memref<1664x512xf32, #tpu.memory_space<vmem>>, vector<64x512xf32>
    %mul3A_3376 = arith.mulf %get3A_3328, %get3A_3375 : vector<64x512xf32>
    %reduce_sum3A_3377 = arith.constant dense<0.000000e+00> : vector<512xf32>
    %reduce_sum3A_3378 = vector.multi_reduction <add>, %mul3A_3376, %reduce_sum3A_3377 [0] : vector<64x512xf32> to vector<512xf32>
    %swap3A_3379 = arith.constant 364 : index
    %swap3A_3380 = arith.constant 0 : index
    %swap3A_3381 = vector.load %arg14[%swap3A_3379, %swap3A_3380] : memref<416x512xf32, #tpu.memory_space<vmem>>, vector<1x512xf32>
    %swap3A_3382 = vector.shape_cast %swap3A_3381 : vector<1x512xf32> to vector<512xf32>
    %swap3A_3383 = vector.shape_cast %reduce_sum3A_3378 : vector<512xf32> to vector<1x512xf32>
    tpu.vector_store %arg14[%swap3A_3379, %swap3A_3380], %swap3A_3383 {strides = array<i32>} : memref<416x512xf32, #tpu.memory_space<vmem>>, vector<1x512xf32>,
    %get3A_3384 = arith.constant 1344 : index
    %get3A_3385 = arith.constant 0 : index
    %get3A_3386 = vector.load %arg2[%get3A_3384, %get3A_3385] : memref<1664x512xf32, #tpu.memory_space<vmem>>, vector<64x512xf32>
    %mul3A_3387 = arith.mulf %get3A_3328, %get3A_3386 : vector<64x512xf32>
    %reduce_sum3A_3388 = arith.constant dense<0.000000e+00> : vector<512xf32>
    %reduce_sum3A_3389 = vector.multi_reduction <add>, %mul3A_3387, %reduce_sum3A_3388 [0] : vector<64x512xf32> to vector<512xf32>
    %swap3A_3390 = arith.constant 365 : index
    %swap3A_3391 = arith.constant 0 : index
    %swap3A_3392 = vector.load %arg14[%swap3A_3390, %swap3A_3391] : memref<416x512xf32, #tpu.memory_space<vmem>>, vector<1x512xf32>
    %swap3A_3393 = vector.shape_cast %swap3A_3392 : vector<1x512xf32> to vector<512xf32>
    %swap3A_3394 = vector.shape_cast %reduce_sum3A_3389 : vector<512xf32> to vector<1x512xf32>
    tpu.vector_store %arg14[%swap3A_3390, %swap3A_3391], %swap3A_3394 {strides = array<i32>} : memref<416x512xf32, #tpu.memory_space<vmem>>, vector<1x512xf32>,
    %get3A_3395 = arith.constant 1408 : index
    %get3A_3396 = arith.constant 0 : index
    %get3A_3397 = vector.load %arg2[%get3A_3395, %get3A_3396] : memref<1664x512xf32, #tpu.memory_space<vmem>>, vector<64x512xf32>
    %mul3A_3398 = arith.mulf %get3A_3328, %get3A_3397 : vector<64x512xf32>
    %reduce_sum3A_3399 = arith.constant dense<0.000000e+00> : vector<512xf32>
    %reduce_sum3A_3400 = vector.multi_reduction <add>, %mul3A_3398, %reduce_sum3A_3399 [0] : vector<64x512xf32> to vector<512xf32>
    %swap3A_3401 = arith.constant 366 : index
    %swap3A_3402 = arith.constant 0 : index
    %swap3A_3403 = vector.load %arg14[%swap3A_3401, %swap3A_3402] : memref<416x512xf32, #tpu.memory_space<vmem>>, vector<1x512xf32>
    %swap3A_3404 = vector.shape_cast %swap3A_3403 : vector<1x512xf32> to vector<512xf32>
    %swap3A_3405 = vector.shape_cast %reduce_sum3A_3400 : vector<512xf32> to vector<1x512xf32>
    tpu.vector_store %arg14[%swap3A_3401, %swap3A_3402], %swap3A_3405 {strides = array<i32>} : memref<416x512xf32, #tpu.memory_space<vmem>>, vector<1x512xf32>,
    %get3A_3406 = arith.constant 1472 : index
    %get3A_3407 = arith.constant 0 : index
    %get3A_3408 = vector.load %arg2[%get3A_3406, %get3A_3407] : memref<1664x512xf32, #tpu.memory_space<vmem>>, vector<64x512xf32>
    %mul3A_3409 = arith.mulf %get3A_3328, %get3A_3408 : vector<64x512xf32>
    %reduce_sum3A_3410 = arith.constant dense<0.000000e+00> : vector<512xf32>
    %reduce_sum3A_3411 = vector.multi_reduction <add>, %mul3A_3409, %reduce_sum3A_3410 [0] : vector<64x512xf32> to vector<512xf32>
    %swap3A_3412 = arith.constant 367 : index
    %swap3A_3413 = arith.constant 0 : index
    %swap3A_3414 = vector.load %arg14[%swap3A_3412, %swap3A_3413] : memref<416x512xf32, #tpu.memory_space<vmem>>, vector<1x512xf32>
    %swap3A_3415 = vector.shape_cast %swap3A_3414 : vector<1x512xf32> to vector<512xf32>
    %swap3A_3416 = vector.shape_cast %reduce_sum3A_3411 : vector<512xf32> to vector<1x512xf32>
    tpu.vector_store %arg14[%swap3A_3412, %swap3A_3413], %swap3A_3416 {strides = array<i32>} : memref<416x512xf32, #tpu.memory_space<vmem>>, vector<1x512xf32>,
    %get3A_3417 = arith.constant 1536 : index
    %get3A_3418 = arith.constant 0 : index
    %get3A_3419 = vector.load %arg2[%get3A_3417, %get3A_3418] : memref<1664x512xf32, #tpu.memory_space<vmem>>, vector<64x512xf32>
    %mul3A_3420 = arith.mulf %get3A_3328, %get3A_3419 : vector<64x512xf32>
    %reduce_sum3A_3421 = arith.constant dense<0.000000e+00> : vector<512xf32>
    %reduce_sum3A_3422 = vector.multi_reduction <add>, %mul3A_3420, %reduce_sum3A_3421 [0] : vector<64x512xf32> to vector<512xf32>
    %swap3A_3423 = arith.constant 368 : index
    %swap3A_3424 = arith.constant 0 : index
    %swap3A_3425 = vector.load %arg14[%swap3A_3423, %swap3A_3424] : memref<416x512xf32, #tpu.memory_space<vmem>>, vector<1x512xf32>
    %swap3A_3426 = vector.shape_cast %swap3A_3425 : vector<1x512xf32> to vector<512xf32>
    %swap3A_3427 = vector.shape_cast %reduce_sum3A_3422 : vector<512xf32> to vector<1x512xf32>
    tpu.vector_store %arg14[%swap3A_3423, %swap3A_3424], %swap3A_3427 {strides = array<i32>} : memref<416x512xf32, #tpu.memory_space<vmem>>, vector<1x512xf32>,
    %get3A_3428 = arith.constant 1600 : index
    %get3A_3429 = arith.constant 0 : index
    %get3A_3430 = vector.load %arg2[%get3A_3428, %get3A_3429] : memref<1664x512xf32, #tpu.memory_space<vmem>>, vector<64x512xf32>
    %mul3A_3431 = arith.mulf %get3A_3328, %get3A_3430 : vector<64x512xf32>
    %reduce_sum3A_3432 = arith.constant dense<0.000000e+00> : vector<512xf32>
    %reduce_sum3A_3433 = vector.multi_reduction <add>, %mul3A_3431, %reduce_sum3A_3432 [0] : vector<64x512xf32> to vector<512xf32>
    %swap3A_3434 = arith.constant 369 : index
    %swap3A_3435 = arith.constant 0 : index
    %swap3A_3436 = vector.load %arg14[%swap3A_3434, %swap3A_3435] : memref<416x512xf32, #tpu.memory_space<vmem>>, vector<1x512xf32>
    %swap3A_3437 = vector.shape_cast %swap3A_3436 : vector<1x512xf32> to vector<512xf32>
    %swap3A_3438 = vector.shape_cast %reduce_sum3A_3433 : vector<512xf32> to vector<1x512xf32>
    tpu.vector_store %arg14[%swap3A_3434, %swap3A_3435], %swap3A_3438 {strides = array<i32>} : memref<416x512xf32, #tpu.memory_space<vmem>>, vector<1x512xf32>,
    %get3A_3439 = arith.constant 1024 : index
    %get3A_3440 = arith.constant 0 : index
    %get3A_3441 = vector.load %arg2[%get3A_3439, %get3A_3440] : memref<1664x512xf32, #tpu.memory_space<vmem>>, vector<64x512xf32>
    %get3A_3442 = arith.constant 1088 : index
    %get3A_3443 = arith.constant 0 : index
    %get3A_3444 = vector.load %arg2[%get3A_3442, %get3A_3443] : memref<1664x512xf32, #tpu.memory_space<vmem>>, vector<64x512xf32>
    %mul3A_3445 = arith.mulf %get3A_3441, %get3A_3444 : vector<64x512xf32>
    %reduce_sum3A_3446 = arith.constant dense<0.000000e+00> : vector<512xf32>
    %reduce_sum3A_3447 = vector.multi_reduction <add>, %mul3A_3445, %reduce_sum3A_3446 [0] : vector<64x512xf32> to vector<512xf32>
    %swap3A_3448 = arith.constant 370 : index
    %swap3A_3449 = arith.constant 0 : index
    %swap3A_3450 = vector.load %arg14[%swap3A_3448, %swap3A_3449] : memref<416x512xf32, #tpu.memory_space<vmem>>, vector<1x512xf32>
    %swap3A_3451 = vector.shape_cast %swap3A_3450 : vector<1x512xf32> to vector<512xf32>
    %swap3A_3452 = vector.shape_cast %reduce_sum3A_3447 : vector<512xf32> to vector<1x512xf32>
    tpu.vector_store %arg14[%swap3A_3448, %swap3A_3449], %swap3A_3452 {strides = array<i32>} : memref<416x512xf32, #tpu.memory_space<vmem>>, vector<1x512xf32>,
    %get3A_3453 = arith.constant 1152 : index
    %get3A_3454 = arith.constant 0 : index
    %get3A_3455 = vector.load %arg2[%get3A_3453, %get3A_3454] : memref<1664x512xf32, #tpu.memory_space<vmem>>, vector<64x512xf32>
    %mul3A_3456 = arith.mulf %get3A_3441, %get3A_3455 : vector<64x512xf32>
    %reduce_sum3A_3457 = arith.constant dense<0.000000e+00> : vector<512xf32>
    %reduce_sum3A_3458 = vector.multi_reduction <add>, %mul3A_3456, %reduce_sum3A_3457 [0] : vector<64x512xf32> to vector<512xf32>
    %swap3A_3459 = arith.constant 371 : index
    %swap3A_3460 = arith.constant 0 : index
    %swap3A_3461 = vector.load %arg14[%swap3A_3459, %swap3A_3460] : memref<416x512xf32, #tpu.memory_space<vmem>>, vector<1x512xf32>
    %swap3A_3462 = vector.shape_cast %swap3A_3461 : vector<1x512xf32> to vector<512xf32>
    %swap3A_3463 = vector.shape_cast %reduce_sum3A_3458 : vector<512xf32> to vector<1x512xf32>
    tpu.vector_store %arg14[%swap3A_3459, %swap3A_3460], %swap3A_3463 {strides = array<i32>} : memref<416x512xf32, #tpu.memory_space<vmem>>, vector<1x512xf32>,
    %get3A_3464 = arith.constant 1216 : index
    %get3A_3465 = arith.constant 0 : index
    %get3A_3466 = vector.load %arg2[%get3A_3464, %get3A_3465] : memref<1664x512xf32, #tpu.memory_space<vmem>>, vector<64x512xf32>
    %mul3A_3467 = arith.mulf %get3A_3441, %get3A_3466 : vector<64x512xf32>
    %reduce_sum3A_3468 = arith.constant dense<0.000000e+00> : vector<512xf32>
    %reduce_sum3A_3469 = vector.multi_reduction <add>, %mul3A_3467, %reduce_sum3A_3468 [0] : vector<64x512xf32> to vector<512xf32>
    %swap3A_3470 = arith.constant 372 : index
    %swap3A_3471 = arith.constant 0 : index
    %swap3A_3472 = vector.load %arg14[%swap3A_3470, %swap3A_3471] : memref<416x512xf32, #tpu.memory_space<vmem>>, vector<1x512xf32>
    %swap3A_3473 = vector.shape_cast %swap3A_3472 : vector<1x512xf32> to vector<512xf32>
    %swap3A_3474 = vector.shape_cast %reduce_sum3A_3469 : vector<512xf32> to vector<1x512xf32>
    tpu.vector_store %arg14[%swap3A_3470, %swap3A_3471], %swap3A_3474 {strides = array<i32>} : memref<416x512xf32, #tpu.memory_space<vmem>>, vector<1x512xf32>,
    %get3A_3475 = arith.constant 1280 : index
    %get3A_3476 = arith.constant 0 : index
    %get3A_3477 = vector.load %arg2[%get3A_3475, %get3A_3476] : memref<1664x512xf32, #tpu.memory_space<vmem>>, vector<64x512xf32>
    %mul3A_3478 = arith.mulf %get3A_3441, %get3A_3477 : vector<64x512xf32>
    %reduce_sum3A_3479 = arith.constant dense<0.000000e+00> : vector<512xf32>
    %reduce_sum3A_3480 = vector.multi_reduction <add>, %mul3A_3478, %reduce_sum3A_3479 [0] : vector<64x512xf32> to vector<512xf32>
    %swap3A_3481 = arith.constant 373 : index
    %swap3A_3482 = arith.constant 0 : index
    %swap3A_3483 = vector.load %arg14[%swap3A_3481, %swap3A_3482] : memref<416x512xf32, #tpu.memory_space<vmem>>, vector<1x512xf32>
    %swap3A_3484 = vector.shape_cast %swap3A_3483 : vector<1x512xf32> to vector<512xf32>
    %swap3A_3485 = vector.shape_cast %reduce_sum3A_3480 : vector<512xf32> to vector<1x512xf32>
    tpu.vector_store %arg14[%swap3A_3481, %swap3A_3482], %swap3A_3485 {strides = array<i32>} : memref<416x512xf32, #tpu.memory_space<vmem>>, vector<1x512xf32>,
    %get3A_3486 = arith.constant 1344 : index
    %get3A_3487 = arith.constant 0 : index
    %get3A_3488 = vector.load %arg2[%get3A_3486, %get3A_3487] : memref<1664x512xf32, #tpu.memory_space<vmem>>, vector<64x512xf32>
    %mul3A_3489 = arith.mulf %get3A_3441, %get3A_3488 : vector<64x512xf32>
    %reduce_sum3A_3490 = arith.constant dense<0.000000e+00> : vector<512xf32>
    %reduce_sum3A_3491 = vector.multi_reduction <add>, %mul3A_3489, %reduce_sum3A_3490 [0] : vector<64x512xf32> to vector<512xf32>
    %swap3A_3492 = arith.constant 374 : index
    %swap3A_3493 = arith.constant 0 : index
    %swap3A_3494 = vector.load %arg14[%swap3A_3492, %swap3A_3493] : memref<416x512xf32, #tpu.memory_space<vmem>>, vector<1x512xf32>
    %swap3A_3495 = vector.shape_cast %swap3A_3494 : vector<1x512xf32> to vector<512xf32>
    %swap3A_3496 = vector.shape_cast %reduce_sum3A_3491 : vector<512xf32> to vector<1x512xf32>
    tpu.vector_store %arg14[%swap3A_3492, %swap3A_3493], %swap3A_3496 {strides = array<i32>} : memref<416x512xf32, #tpu.memory_space<vmem>>, vector<1x512xf32>,
    %get3A_3497 = arith.constant 1408 : index
    %get3A_3498 = arith.constant 0 : index
    %get3A_3499 = vector.load %arg2[%get3A_3497, %get3A_3498] : memref<1664x512xf32, #tpu.memory_space<vmem>>, vector<64x512xf32>
    %mul3A_3500 = arith.mulf %get3A_3441, %get3A_3499 : vector<64x512xf32>
    %reduce_sum3A_3501 = arith.constant dense<0.000000e+00> : vector<512xf32>
    %reduce_sum3A_3502 = vector.multi_reduction <add>, %mul3A_3500, %reduce_sum3A_3501 [0] : vector<64x512xf32> to vector<512xf32>
    %swap3A_3503 = arith.constant 375 : index
    %swap3A_3504 = arith.constant 0 : index
    %swap3A_3505 = vector.load %arg14[%swap3A_3503, %swap3A_3504] : memref<416x512xf32, #tpu.memory_space<vmem>>, vector<1x512xf32>
    %swap3A_3506 = vector.shape_cast %swap3A_3505 : vector<1x512xf32> to vector<512xf32>
    %swap3A_3507 = vector.shape_cast %reduce_sum3A_3502 : vector<512xf32> to vector<1x512xf32>
    tpu.vector_store %arg14[%swap3A_3503, %swap3A_3504], %swap3A_3507 {strides = array<i32>} : memref<416x512xf32, #tpu.memory_space<vmem>>, vector<1x512xf32>,
    %get3A_3508 = arith.constant 1472 : index
    %get3A_3509 = arith.constant 0 : index
    %get3A_3510 = vector.load %arg2[%get3A_3508, %get3A_3509] : memref<1664x512xf32, #tpu.memory_space<vmem>>, vector<64x512xf32>
    %mul3A_3511 = arith.mulf %get3A_3441, %get3A_3510 : vector<64x512xf32>
    %reduce_sum3A_3512 = arith.constant dense<0.000000e+00> : vector<512xf32>
    %reduce_sum3A_3513 = vector.multi_reduction <add>, %mul3A_3511, %reduce_sum3A_3512 [0] : vector<64x512xf32> to vector<512xf32>
    %swap3A_3514 = arith.constant 376 : index
    %swap3A_3515 = arith.constant 0 : index
    %swap3A_3516 = vector.load %arg14[%swap3A_3514, %swap3A_3515] : memref<416x512xf32, #tpu.memory_space<vmem>>, vector<1x512xf32>
    %swap3A_3517 = vector.shape_cast %swap3A_3516 : vector<1x512xf32> to vector<512xf32>
    %swap3A_3518 = vector.shape_cast %reduce_sum3A_3513 : vector<512xf32> to vector<1x512xf32>
    tpu.vector_store %arg14[%swap3A_3514, %swap3A_3515], %swap3A_3518 {strides = array<i32>} : memref<416x512xf32, #tpu.memory_space<vmem>>, vector<1x512xf32>,
    %get3A_3519 = arith.constant 1536 : index
    %get3A_3520 = arith.constant 0 : index
    %get3A_3521 = vector.load %arg2[%get3A_3519, %get3A_3520] : memref<1664x512xf32, #tpu.memory_space<vmem>>, vector<64x512xf32>
    %mul3A_3522 = arith.mulf %get3A_3441, %get3A_3521 : vector<64x512xf32>
    %reduce_sum3A_3523 = arith.constant dense<0.000000e+00> : vector<512xf32>
    %reduce_sum3A_3524 = vector.multi_reduction <add>, %mul3A_3522, %reduce_sum3A_3523 [0] : vector<64x512xf32> to vector<512xf32>
    %swap3A_3525 = arith.constant 377 : index
    %swap3A_3526 = arith.constant 0 : index
    %swap3A_3527 = vector.load %arg14[%swap3A_3525, %swap3A_3526] : memref<416x512xf32, #tpu.memory_space<vmem>>, vector<1x512xf32>
    %swap3A_3528 = vector.shape_cast %swap3A_3527 : vector<1x512xf32> to vector<512xf32>
    %swap3A_3529 = vector.shape_cast %reduce_sum3A_3524 : vector<512xf32> to vector<1x512xf32>
    tpu.vector_store %arg14[%swap3A_3525, %swap3A_3526], %swap3A_3529 {strides = array<i32>} : memref<416x512xf32, #tpu.memory_space<vmem>>, vector<1x512xf32>,
    %get3A_3530 = arith.constant 1600 : index
    %get3A_3531 = arith.constant 0 : index
    %get3A_3532 = vector.load %arg2[%get3A_3530, %get3A_3531] : memref<1664x512xf32, #tpu.memory_space<vmem>>, vector<64x512xf32>
    %mul3A_3533 = arith.mulf %get3A_3441, %get3A_3532 : vector<64x512xf32>
    %reduce_sum3A_3534 = arith.constant dense<0.000000e+00> : vector<512xf32>
    %reduce_sum3A_3535 = vector.multi_reduction <add>, %mul3A_3533, %reduce_sum3A_3534 [0] : vector<64x512xf32> to vector<512xf32>
    %swap3A_3536 = arith.constant 378 : index
    %swap3A_3537 = arith.constant 0 : index
    %swap3A_3538 = vector.load %arg14[%swap3A_3536, %swap3A_3537] : memref<416x512xf32, #tpu.memory_space<vmem>>, vector<1x512xf32>
    %swap3A_3539 = vector.shape_cast %swap3A_3538 : vector<1x512xf32> to vector<512xf32>
    %swap3A_3540 = vector.shape_cast %reduce_sum3A_3535 : vector<512xf32> to vector<1x512xf32>
    tpu.vector_store %arg14[%swap3A_3536, %swap3A_3537], %swap3A_3540 {strides = array<i32>} : memref<416x512xf32, #tpu.memory_space<vmem>>, vector<1x512xf32>,
    %get3A_3541 = arith.constant 1088 : index
    %get3A_3542 = arith.constant 0 : index
    %get3A_3543 = vector.load %arg2[%get3A_3541, %get3A_3542] : memref<1664x512xf32, #tpu.memory_space<vmem>>, vector<64x512xf32>
    %get3A_3544 = arith.constant 1152 : index
    %get3A_3545 = arith.constant 0 : index
    %get3A_3546 = vector.load %arg2[%get3A_3544, %get3A_3545] : memref<1664x512xf32, #tpu.memory_space<vmem>>, vector<64x512xf32>
    %mul3A_3547 = arith.mulf %get3A_3543, %get3A_3546 : vector<64x512xf32>
    %reduce_sum3A_3548 = arith.constant dense<0.000000e+00> : vector<512xf32>
    %reduce_sum3A_3549 = vector.multi_reduction <add>, %mul3A_3547, %reduce_sum3A_3548 [0] : vector<64x512xf32> to vector<512xf32>
    %swap3A_3550 = arith.constant 379 : index
    %swap3A_3551 = arith.constant 0 : index
    %swap3A_3552 = vector.load %arg14[%swap3A_3550, %swap3A_3551] : memref<416x512xf32, #tpu.memory_space<vmem>>, vector<1x512xf32>
    %swap3A_3553 = vector.shape_cast %swap3A_3552 : vector<1x512xf32> to vector<512xf32>
    %swap3A_3554 = vector.shape_cast %reduce_sum3A_3549 : vector<512xf32> to vector<1x512xf32>
    tpu.vector_store %arg14[%swap3A_3550, %swap3A_3551], %swap3A_3554 {strides = array<i32>} : memref<416x512xf32, #tpu.memory_space<vmem>>, vector<1x512xf32>,
    %get3A_3555 = arith.constant 1216 : index
    %get3A_3556 = arith.constant 0 : index
    %get3A_3557 = vector.load %arg2[%get3A_3555, %get3A_3556] : memref<1664x512xf32, #tpu.memory_space<vmem>>, vector<64x512xf32>
    %mul3A_3558 = arith.mulf %get3A_3543, %get3A_3557 : vector<64x512xf32>
    %reduce_sum3A_3559 = arith.constant dense<0.000000e+00> : vector<512xf32>
    %reduce_sum3A_3560 = vector.multi_reduction <add>, %mul3A_3558, %reduce_sum3A_3559 [0] : vector<64x512xf32> to vector<512xf32>
    %swap3A_3561 = arith.constant 380 : index
    %swap3A_3562 = arith.constant 0 : index
    %swap3A_3563 = vector.load %arg14[%swap3A_3561, %swap3A_3562] : memref<416x512xf32, #tpu.memory_space<vmem>>, vector<1x512xf32>
    %swap3A_3564 = vector.shape_cast %swap3A_3563 : vector<1x512xf32> to vector<512xf32>
    %swap3A_3565 = vector.shape_cast %reduce_sum3A_3560 : vector<512xf32> to vector<1x512xf32>
    tpu.vector_store %arg14[%swap3A_3561, %swap3A_3562], %swap3A_3565 {strides = array<i32>} : memref<416x512xf32, #tpu.memory_space<vmem>>, vector<1x512xf32>,
    %get3A_3566 = arith.constant 1280 : index
    %get3A_3567 = arith.constant 0 : index
    %get3A_3568 = vector.load %arg2[%get3A_3566, %get3A_3567] : memref<1664x512xf32, #tpu.memory_space<vmem>>, vector<64x512xf32>
    %mul3A_3569 = arith.mulf %get3A_3543, %get3A_3568 : vector<64x512xf32>
    %reduce_sum3A_3570 = arith.constant dense<0.000000e+00> : vector<512xf32>
    %reduce_sum3A_3571 = vector.multi_reduction <add>, %mul3A_3569, %reduce_sum3A_3570 [0] : vector<64x512xf32> to vector<512xf32>
    %swap3A_3572 = arith.constant 381 : index
    %swap3A_3573 = arith.constant 0 : index
    %swap3A_3574 = vector.load %arg14[%swap3A_3572, %swap3A_3573] : memref<416x512xf32, #tpu.memory_space<vmem>>, vector<1x512xf32>
    %swap3A_3575 = vector.shape_cast %swap3A_3574 : vector<1x512xf32> to vector<512xf32>
    %swap3A_3576 = vector.shape_cast %reduce_sum3A_3571 : vector<512xf32> to vector<1x512xf32>
    tpu.vector_store %arg14[%swap3A_3572, %swap3A_3573], %swap3A_3576 {strides = array<i32>} : memref<416x512xf32, #tpu.memory_space<vmem>>, vector<1x512xf32>,
    %get3A_3577 = arith.constant 1344 : index
    %get3A_3578 = arith.constant 0 : index
    %get3A_3579 = vector.load %arg2[%get3A_3577, %get3A_3578] : memref<1664x512xf32, #tpu.memory_space<vmem>>, vector<64x512xf32>
    %mul3A_3580 = arith.mulf %get3A_3543, %get3A_3579 : vector<64x512xf32>
    %reduce_sum3A_3581 = arith.constant dense<0.000000e+00> : vector<512xf32>
    %reduce_sum3A_3582 = vector.multi_reduction <add>, %mul3A_3580, %reduce_sum3A_3581 [0] : vector<64x512xf32> to vector<512xf32>
    %swap3A_3583 = arith.constant 382 : index
    %swap3A_3584 = arith.constant 0 : index
    %swap3A_3585 = vector.load %arg14[%swap3A_3583, %swap3A_3584] : memref<416x512xf32, #tpu.memory_space<vmem>>, vector<1x512xf32>
    %swap3A_3586 = vector.shape_cast %swap3A_3585 : vector<1x512xf32> to vector<512xf32>
    %swap3A_3587 = vector.shape_cast %reduce_sum3A_3582 : vector<512xf32> to vector<1x512xf32>
    tpu.vector_store %arg14[%swap3A_3583, %swap3A_3584], %swap3A_3587 {strides = array<i32>} : memref<416x512xf32, #tpu.memory_space<vmem>>, vector<1x512xf32>,
    %get3A_3588 = arith.constant 1408 : index
    %get3A_3589 = arith.constant 0 : index
    %get3A_3590 = vector.load %arg2[%get3A_3588, %get3A_3589] : memref<1664x512xf32, #tpu.memory_space<vmem>>, vector<64x512xf32>
    %mul3A_3591 = arith.mulf %get3A_3543, %get3A_3590 : vector<64x512xf32>
    %reduce_sum3A_3592 = arith.constant dense<0.000000e+00> : vector<512xf32>
    %reduce_sum3A_3593 = vector.multi_reduction <add>, %mul3A_3591, %reduce_sum3A_3592 [0] : vector<64x512xf32> to vector<512xf32>
    %swap3A_3594 = arith.constant 383 : index
    %swap3A_3595 = arith.constant 0 : index
    %swap3A_3596 = vector.load %arg14[%swap3A_3594, %swap3A_3595] : memref<416x512xf32, #tpu.memory_space<vmem>>, vector<1x512xf32>
    %swap3A_3597 = vector.shape_cast %swap3A_3596 : vector<1x512xf32> to vector<512xf32>
    %swap3A_3598 = vector.shape_cast %reduce_sum3A_3593 : vector<512xf32> to vector<1x512xf32>
    tpu.vector_store %arg14[%swap3A_3594, %swap3A_3595], %swap3A_3598 {strides = array<i32>} : memref<416x512xf32, #tpu.memory_space<vmem>>, vector<1x512xf32>,
    %get3A_3599 = arith.constant 1472 : index
    %get3A_3600 = arith.constant 0 : index
    %get3A_3601 = vector.load %arg2[%get3A_3599, %get3A_3600] : memref<1664x512xf32, #tpu.memory_space<vmem>>, vector<64x512xf32>
    %mul3A_3602 = arith.mulf %get3A_3543, %get3A_3601 : vector<64x512xf32>
    %reduce_sum3A_3603 = arith.constant dense<0.000000e+00> : vector<512xf32>
    %reduce_sum3A_3604 = vector.multi_reduction <add>, %mul3A_3602, %reduce_sum3A_3603 [0] : vector<64x512xf32> to vector<512xf32>
    %swap3A_3605 = arith.constant 384 : index
    %swap3A_3606 = arith.constant 0 : index
    %swap3A_3607 = vector.load %arg14[%swap3A_3605, %swap3A_3606] : memref<416x512xf32, #tpu.memory_space<vmem>>, vector<1x512xf32>
    %swap3A_3608 = vector.shape_cast %swap3A_3607 : vector<1x512xf32> to vector<512xf32>
    %swap3A_3609 = vector.shape_cast %reduce_sum3A_3604 : vector<512xf32> to vector<1x512xf32>
    tpu.vector_store %arg14[%swap3A_3605, %swap3A_3606], %swap3A_3609 {strides = array<i32>} : memref<416x512xf32, #tpu.memory_space<vmem>>, vector<1x512xf32>,
    %get3A_3610 = arith.constant 1536 : index
    %get3A_3611 = arith.constant 0 : index
    %get3A_3612 = vector.load %arg2[%get3A_3610, %get3A_3611] : memref<1664x512xf32, #tpu.memory_space<vmem>>, vector<64x512xf32>
    %mul3A_3613 = arith.mulf %get3A_3543, %get3A_3612 : vector<64x512xf32>
    %reduce_sum3A_3614 = arith.constant dense<0.000000e+00> : vector<512xf32>
    %reduce_sum3A_3615 = vector.multi_reduction <add>, %mul3A_3613, %reduce_sum3A_3614 [0] : vector<64x512xf32> to vector<512xf32>
    %swap3A_3616 = arith.constant 385 : index
    %swap3A_3617 = arith.constant 0 : index
    %swap3A_3618 = vector.load %arg14[%swap3A_3616, %swap3A_3617] : memref<416x512xf32, #tpu.memory_space<vmem>>, vector<1x512xf32>
    %swap3A_3619 = vector.shape_cast %swap3A_3618 : vector<1x512xf32> to vector<512xf32>
    %swap3A_3620 = vector.shape_cast %reduce_sum3A_3615 : vector<512xf32> to vector<1x512xf32>
    tpu.vector_store %arg14[%swap3A_3616, %swap3A_3617], %swap3A_3620 {strides = array<i32>} : memref<416x512xf32, #tpu.memory_space<vmem>>, vector<1x512xf32>,
    %get3A_3621 = arith.constant 1600 : index
    %get3A_3622 = arith.constant 0 : index
    %get3A_3623 = vector.load %arg2[%get3A_3621, %get3A_3622] : memref<1664x512xf32, #tpu.memory_space<vmem>>, vector<64x512xf32>
    %mul3A_3624 = arith.mulf %get3A_3543, %get3A_3623 : vector<64x512xf32>
    %reduce_sum3A_3625 = arith.constant dense<0.000000e+00> : vector<512xf32>
    %reduce_sum3A_3626 = vector.multi_reduction <add>, %mul3A_3624, %reduce_sum3A_3625 [0] : vector<64x512xf32> to vector<512xf32>
    %swap3A_3627 = arith.constant 386 : index
    %swap3A_3628 = arith.constant 0 : index
    %swap3A_3629 = vector.load %arg14[%swap3A_3627, %swap3A_3628] : memref<416x512xf32, #tpu.memory_space<vmem>>, vector<1x512xf32>
    %swap3A_3630 = vector.shape_cast %swap3A_3629 : vector<1x512xf32> to vector<512xf32>
    %swap3A_3631 = vector.shape_cast %reduce_sum3A_3626 : vector<512xf32> to vector<1x512xf32>
    tpu.vector_store %arg14[%swap3A_3627, %swap3A_3628], %swap3A_3631 {strides = array<i32>} : memref<416x512xf32, #tpu.memory_space<vmem>>, vector<1x512xf32>,
    %get3A_3632 = arith.constant 1152 : index
    %get3A_3633 = arith.constant 0 : index
    %get3A_3634 = vector.load %arg2[%get3A_3632, %get3A_3633] : memref<1664x512xf32, #tpu.memory_space<vmem>>, vector<64x512xf32>
    %get3A_3635 = arith.constant 1216 : index
    %get3A_3636 = arith.constant 0 : index
    %get3A_3637 = vector.load %arg2[%get3A_3635, %get3A_3636] : memref<1664x512xf32, #tpu.memory_space<vmem>>, vector<64x512xf32>
    %mul3A_3638 = arith.mulf %get3A_3634, %get3A_3637 : vector<64x512xf32>
    %reduce_sum3A_3639 = arith.constant dense<0.000000e+00> : vector<512xf32>
    %reduce_sum3A_3640 = vector.multi_reduction <add>, %mul3A_3638, %reduce_sum3A_3639 [0] : vector<64x512xf32> to vector<512xf32>
    %swap3A_3641 = arith.constant 387 : index
    %swap3A_3642 = arith.constant 0 : index
    %swap3A_3643 = vector.load %arg14[%swap3A_3641, %swap3A_3642] : memref<416x512xf32, #tpu.memory_space<vmem>>, vector<1x512xf32>
    %swap3A_3644 = vector.shape_cast %swap3A_3643 : vector<1x512xf32> to vector<512xf32>
    %swap3A_3645 = vector.shape_cast %reduce_sum3A_3640 : vector<512xf32> to vector<1x512xf32>
    tpu.vector_store %arg14[%swap3A_3641, %swap3A_3642], %swap3A_3645 {strides = array<i32>} : memref<416x512xf32, #tpu.memory_space<vmem>>, vector<1x512xf32>,
    %get3A_3646 = arith.constant 1280 : index
    %get3A_3647 = arith.constant 0 : index
    %get3A_3648 = vector.load %arg2[%get3A_3646, %get3A_3647] : memref<1664x512xf32, #tpu.memory_space<vmem>>, vector<64x512xf32>
    %mul3A_3649 = arith.mulf %get3A_3634, %get3A_3648 : vector<64x512xf32>
    %reduce_sum3A_3650 = arith.constant dense<0.000000e+00> : vector<512xf32>
    %reduce_sum3A_3651 = vector.multi_reduction <add>, %mul3A_3649, %reduce_sum3A_3650 [0] : vector<64x512xf32> to vector<512xf32>
    %swap3A_3652 = arith.constant 388 : index
    %swap3A_3653 = arith.constant 0 : index
    %swap3A_3654 = vector.load %arg14[%swap3A_3652, %swap3A_3653] : memref<416x512xf32, #tpu.memory_space<vmem>>, vector<1x512xf32>
    %swap3A_3655 = vector.shape_cast %swap3A_3654 : vector<1x512xf32> to vector<512xf32>
    %swap3A_3656 = vector.shape_cast %reduce_sum3A_3651 : vector<512xf32> to vector<1x512xf32>
    tpu.vector_store %arg14[%swap3A_3652, %swap3A_3653], %swap3A_3656 {strides = array<i32>} : memref<416x512xf32, #tpu.memory_space<vmem>>, vector<1x512xf32>,
    %get3A_3657 = arith.constant 1344 : index
    %get3A_3658 = arith.constant 0 : index
    %get3A_3659 = vector.load %arg2[%get3A_3657, %get3A_3658] : memref<1664x512xf32, #tpu.memory_space<vmem>>, vector<64x512xf32>
    %mul3A_3660 = arith.mulf %get3A_3634, %get3A_3659 : vector<64x512xf32>
    %reduce_sum3A_3661 = arith.constant dense<0.000000e+00> : vector<512xf32>
    %reduce_sum3A_3662 = vector.multi_reduction <add>, %mul3A_3660, %reduce_sum3A_3661 [0] : vector<64x512xf32> to vector<512xf32>
    %swap3A_3663 = arith.constant 389 : index
    %swap3A_3664 = arith.constant 0 : index
    %swap3A_3665 = vector.load %arg14[%swap3A_3663, %swap3A_3664] : memref<416x512xf32, #tpu.memory_space<vmem>>, vector<1x512xf32>
    %swap3A_3666 = vector.shape_cast %swap3A_3665 : vector<1x512xf32> to vector<512xf32>
    %swap3A_3667 = vector.shape_cast %reduce_sum3A_3662 : vector<512xf32> to vector<1x512xf32>
    tpu.vector_store %arg14[%swap3A_3663, %swap3A_3664], %swap3A_3667 {strides = array<i32>} : memref<416x512xf32, #tpu.memory_space<vmem>>, vector<1x512xf32>,
    %get3A_3668 = arith.constant 1408 : index
    %get3A_3669 = arith.constant 0 : index
    %get3A_3670 = vector.load %arg2[%get3A_3668, %get3A_3669] : memref<1664x512xf32, #tpu.memory_space<vmem>>, vector<64x512xf32>
    %mul3A_3671 = arith.mulf %get3A_3634, %get3A_3670 : vector<64x512xf32>
    %reduce_sum3A_3672 = arith.constant dense<0.000000e+00> : vector<512xf32>
    %reduce_sum3A_3673 = vector.multi_reduction <add>, %mul3A_3671, %reduce_sum3A_3672 [0] : vector<64x512xf32> to vector<512xf32>
    %swap3A_3674 = arith.constant 390 : index
    %swap3A_3675 = arith.constant 0 : index
    %swap3A_3676 = vector.load %arg14[%swap3A_3674, %swap3A_3675] : memref<416x512xf32, #tpu.memory_space<vmem>>, vector<1x512xf32>
    %swap3A_3677 = vector.shape_cast %swap3A_3676 : vector<1x512xf32> to vector<512xf32>
    %swap3A_3678 = vector.shape_cast %reduce_sum3A_3673 : vector<512xf32> to vector<1x512xf32>
    tpu.vector_store %arg14[%swap3A_3674, %swap3A_3675], %swap3A_3678 {strides = array<i32>} : memref<416x512xf32, #tpu.memory_space<vmem>>, vector<1x512xf32>,
    %get3A_3679 = arith.constant 1472 : index
    %get3A_3680 = arith.constant 0 : index
    %get3A_3681 = vector.load %arg2[%get3A_3679, %get3A_3680] : memref<1664x512xf32, #tpu.memory_space<vmem>>, vector<64x512xf32>
    %mul3A_3682 = arith.mulf %get3A_3634, %get3A_3681 : vector<64x512xf32>
    %reduce_sum3A_3683 = arith.constant dense<0.000000e+00> : vector<512xf32>
    %reduce_sum3A_3684 = vector.multi_reduction <add>, %mul3A_3682, %reduce_sum3A_3683 [0] : vector<64x512xf32> to vector<512xf32>
    %swap3A_3685 = arith.constant 391 : index
    %swap3A_3686 = arith.constant 0 : index
    %swap3A_3687 = vector.load %arg14[%swap3A_3685, %swap3A_3686] : memref<416x512xf32, #tpu.memory_space<vmem>>, vector<1x512xf32>
    %swap3A_3688 = vector.shape_cast %swap3A_3687 : vector<1x512xf32> to vector<512xf32>
    %swap3A_3689 = vector.shape_cast %reduce_sum3A_3684 : vector<512xf32> to vector<1x512xf32>
    tpu.vector_store %arg14[%swap3A_3685, %swap3A_3686], %swap3A_3689 {strides = array<i32>} : memref<416x512xf32, #tpu.memory_space<vmem>>, vector<1x512xf32>,
    %get3A_3690 = arith.constant 1536 : index
    %get3A_3691 = arith.constant 0 : index
    %get3A_3692 = vector.load %arg2[%get3A_3690, %get3A_3691] : memref<1664x512xf32, #tpu.memory_space<vmem>>, vector<64x512xf32>
    %mul3A_3693 = arith.mulf %get3A_3634, %get3A_3692 : vector<64x512xf32>
    %reduce_sum3A_3694 = arith.constant dense<0.000000e+00> : vector<512xf32>
    %reduce_sum3A_3695 = vector.multi_reduction <add>, %mul3A_3693, %reduce_sum3A_3694 [0] : vector<64x512xf32> to vector<512xf32>
    %swap3A_3696 = arith.constant 392 : index
    %swap3A_3697 = arith.constant 0 : index
    %swap3A_3698 = vector.load %arg14[%swap3A_3696, %swap3A_3697] : memref<416x512xf32, #tpu.memory_space<vmem>>, vector<1x512xf32>
    %swap3A_3699 = vector.shape_cast %swap3A_3698 : vector<1x512xf32> to vector<512xf32>
    %swap3A_3700 = vector.shape_cast %reduce_sum3A_3695 : vector<512xf32> to vector<1x512xf32>
    tpu.vector_store %arg14[%swap3A_3696, %swap3A_3697], %swap3A_3700 {strides = array<i32>} : memref<416x512xf32, #tpu.memory_space<vmem>>, vector<1x512xf32>,
    %get3A_3701 = arith.constant 1600 : index
    %get3A_3702 = arith.constant 0 : index
    %get3A_3703 = vector.load %arg2[%get3A_3701, %get3A_3702] : memref<1664x512xf32, #tpu.memory_space<vmem>>, vector<64x512xf32>
    %mul3A_3704 = arith.mulf %get3A_3634, %get3A_3703 : vector<64x512xf32>
    %reduce_sum3A_3705 = arith.constant dense<0.000000e+00> : vector<512xf32>
    %reduce_sum3A_3706 = vector.multi_reduction <add>, %mul3A_3704, %reduce_sum3A_3705 [0] : vector<64x512xf32> to vector<512xf32>
    %swap3A_3707 = arith.constant 393 : index
    %swap3A_3708 = arith.constant 0 : index
    %swap3A_3709 = vector.load %arg14[%swap3A_3707, %swap3A_3708] : memref<416x512xf32, #tpu.memory_space<vmem>>, vector<1x512xf32>
    %swap3A_3710 = vector.shape_cast %swap3A_3709 : vector<1x512xf32> to vector<512xf32>
    %swap3A_3711 = vector.shape_cast %reduce_sum3A_3706 : vector<512xf32> to vector<1x512xf32>
    tpu.vector_store %arg14[%swap3A_3707, %swap3A_3708], %swap3A_3711 {strides = array<i32>} : memref<416x512xf32, #tpu.memory_space<vmem>>, vector<1x512xf32>,
    %get3A_3712 = arith.constant 1216 : index
    %get3A_3713 = arith.constant 0 : index
    %get3A_3714 = vector.load %arg2[%get3A_3712, %get3A_3713] : memref<1664x512xf32, #tpu.memory_space<vmem>>, vector<64x512xf32>
    %get3A_3715 = arith.constant 1280 : index
    %get3A_3716 = arith.constant 0 : index
    %get3A_3717 = vector.load %arg2[%get3A_3715, %get3A_3716] : memref<1664x512xf32, #tpu.memory_space<vmem>>, vector<64x512xf32>
    %mul3A_3718 = arith.mulf %get3A_3714, %get3A_3717 : vector<64x512xf32>
    %reduce_sum3A_3719 = arith.constant dense<0.000000e+00> : vector<512xf32>
    %reduce_sum3A_3720 = vector.multi_reduction <add>, %mul3A_3718, %reduce_sum3A_3719 [0] : vector<64x512xf32> to vector<512xf32>
    %swap3A_3721 = arith.constant 394 : index
    %swap3A_3722 = arith.constant 0 : index
    %swap3A_3723 = vector.load %arg14[%swap3A_3721, %swap3A_3722] : memref<416x512xf32, #tpu.memory_space<vmem>>, vector<1x512xf32>
    %swap3A_3724 = vector.shape_cast %swap3A_3723 : vector<1x512xf32> to vector<512xf32>
    %swap3A_3725 = vector.shape_cast %reduce_sum3A_3720 : vector<512xf32> to vector<1x512xf32>
    tpu.vector_store %arg14[%swap3A_3721, %swap3A_3722], %swap3A_3725 {strides = array<i32>} : memref<416x512xf32, #tpu.memory_space<vmem>>, vector<1x512xf32>,
    %get3A_3726 = arith.constant 1344 : index
    %get3A_3727 = arith.constant 0 : index
    %get3A_3728 = vector.load %arg2[%get3A_3726, %get3A_3727] : memref<1664x512xf32, #tpu.memory_space<vmem>>, vector<64x512xf32>
    %mul3A_3729 = arith.mulf %get3A_3714, %get3A_3728 : vector<64x512xf32>
    %reduce_sum3A_3730 = arith.constant dense<0.000000e+00> : vector<512xf32>
    %reduce_sum3A_3731 = vector.multi_reduction <add>, %mul3A_3729, %reduce_sum3A_3730 [0] : vector<64x512xf32> to vector<512xf32>
    %swap3A_3732 = arith.constant 395 : index
    %swap3A_3733 = arith.constant 0 : index
    %swap3A_3734 = vector.load %arg14[%swap3A_3732, %swap3A_3733] : memref<416x512xf32, #tpu.memory_space<vmem>>, vector<1x512xf32>
    %swap3A_3735 = vector.shape_cast %swap3A_3734 : vector<1x512xf32> to vector<512xf32>
    %swap3A_3736 = vector.shape_cast %reduce_sum3A_3731 : vector<512xf32> to vector<1x512xf32>
    tpu.vector_store %arg14[%swap3A_3732, %swap3A_3733], %swap3A_3736 {strides = array<i32>} : memref<416x512xf32, #tpu.memory_space<vmem>>, vector<1x512xf32>,
    %get3A_3737 = arith.constant 1408 : index
    %get3A_3738 = arith.constant 0 : index
    %get3A_3739 = vector.load %arg2[%get3A_3737, %get3A_3738] : memref<1664x512xf32, #tpu.memory_space<vmem>>, vector<64x512xf32>
    %mul3A_3740 = arith.mulf %get3A_3714, %get3A_3739 : vector<64x512xf32>
    %reduce_sum3A_3741 = arith.constant dense<0.000000e+00> : vector<512xf32>
    %reduce_sum3A_3742 = vector.multi_reduction <add>, %mul3A_3740, %reduce_sum3A_3741 [0] : vector<64x512xf32> to vector<512xf32>
    %swap3A_3743 = arith.constant 396 : index
    %swap3A_3744 = arith.constant 0 : index
    %swap3A_3745 = vector.load %arg14[%swap3A_3743, %swap3A_3744] : memref<416x512xf32, #tpu.memory_space<vmem>>, vector<1x512xf32>
    %swap3A_3746 = vector.shape_cast %swap3A_3745 : vector<1x512xf32> to vector<512xf32>
    %swap3A_3747 = vector.shape_cast %reduce_sum3A_3742 : vector<512xf32> to vector<1x512xf32>
    tpu.vector_store %arg14[%swap3A_3743, %swap3A_3744], %swap3A_3747 {strides = array<i32>} : memref<416x512xf32, #tpu.memory_space<vmem>>, vector<1x512xf32>,
    %get3A_3748 = arith.constant 1472 : index
    %get3A_3749 = arith.constant 0 : index
    %get3A_3750 = vector.load %arg2[%get3A_3748, %get3A_3749] : memref<1664x512xf32, #tpu.memory_space<vmem>>, vector<64x512xf32>
    %mul3A_3751 = arith.mulf %get3A_3714, %get3A_3750 : vector<64x512xf32>
    %reduce_sum3A_3752 = arith.constant dense<0.000000e+00> : vector<512xf32>
    %reduce_sum3A_3753 = vector.multi_reduction <add>, %mul3A_3751, %reduce_sum3A_3752 [0] : vector<64x512xf32> to vector<512xf32>
    %swap3A_3754 = arith.constant 397 : index
    %swap3A_3755 = arith.constant 0 : index
    %swap3A_3756 = vector.load %arg14[%swap3A_3754, %swap3A_3755] : memref<416x512xf32, #tpu.memory_space<vmem>>, vector<1x512xf32>
    %swap3A_3757 = vector.shape_cast %swap3A_3756 : vector<1x512xf32> to vector<512xf32>
    %swap3A_3758 = vector.shape_cast %reduce_sum3A_3753 : vector<512xf32> to vector<1x512xf32>
    tpu.vector_store %arg14[%swap3A_3754, %swap3A_3755], %swap3A_3758 {strides = array<i32>} : memref<416x512xf32, #tpu.memory_space<vmem>>, vector<1x512xf32>,
    %get3A_3759 = arith.constant 1536 : index
    %get3A_3760 = arith.constant 0 : index
    %get3A_3761 = vector.load %arg2[%get3A_3759, %get3A_3760] : memref<1664x512xf32, #tpu.memory_space<vmem>>, vector<64x512xf32>
    %mul3A_3762 = arith.mulf %get3A_3714, %get3A_3761 : vector<64x512xf32>
    %reduce_sum3A_3763 = arith.constant dense<0.000000e+00> : vector<512xf32>
    %reduce_sum3A_3764 = vector.multi_reduction <add>, %mul3A_3762, %reduce_sum3A_3763 [0] : vector<64x512xf32> to vector<512xf32>
    %swap3A_3765 = arith.constant 398 : index
    %swap3A_3766 = arith.constant 0 : index
    %swap3A_3767 = vector.load %arg14[%swap3A_3765, %swap3A_3766] : memref<416x512xf32, #tpu.memory_space<vmem>>, vector<1x512xf32>
    %swap3A_3768 = vector.shape_cast %swap3A_3767 : vector<1x512xf32> to vector<512xf32>
    %swap3A_3769 = vector.shape_cast %reduce_sum3A_3764 : vector<512xf32> to vector<1x512xf32>
    tpu.vector_store %arg14[%swap3A_3765, %swap3A_3766], %swap3A_3769 {strides = array<i32>} : memref<416x512xf32, #tpu.memory_space<vmem>>, vector<1x512xf32>,
    %get3A_3770 = arith.constant 1600 : index
    %get3A_3771 = arith.constant 0 : index
    %get3A_3772 = vector.load %arg2[%get3A_3770, %get3A_3771] : memref<1664x512xf32, #tpu.memory_space<vmem>>, vector<64x512xf32>
    %mul3A_3773 = arith.mulf %get3A_3714, %get3A_3772 : vector<64x512xf32>
    %reduce_sum3A_3774 = arith.constant dense<0.000000e+00> : vector<512xf32>
    %reduce_sum3A_3775 = vector.multi_reduction <add>, %mul3A_3773, %reduce_sum3A_3774 [0] : vector<64x512xf32> to vector<512xf32>
    %swap3A_3776 = arith.constant 399 : index
    %swap3A_3777 = arith.constant 0 : index
    %swap3A_3778 = vector.load %arg14[%swap3A_3776, %swap3A_3777] : memref<416x512xf32, #tpu.memory_space<vmem>>, vector<1x512xf32>
    %swap3A_3779 = vector.shape_cast %swap3A_3778 : vector<1x512xf32> to vector<512xf32>
    %swap3A_3780 = vector.shape_cast %reduce_sum3A_3775 : vector<512xf32> to vector<1x512xf32>
    tpu.vector_store %arg14[%swap3A_3776, %swap3A_3777], %swap3A_3780 {strides = array<i32>} : memref<416x512xf32, #tpu.memory_space<vmem>>, vector<1x512xf32>,
    %get3A_3781 = arith.constant 1280 : index
    %get3A_3782 = arith.constant 0 : index
    %get3A_3783 = vector.load %arg2[%get3A_3781, %get3A_3782] : memref<1664x512xf32, #tpu.memory_space<vmem>>, vector<64x512xf32>
    %get3A_3784 = arith.constant 1344 : index
    %get3A_3785 = arith.constant 0 : index
    %get3A_3786 = vector.load %arg2[%get3A_3784, %get3A_3785] : memref<1664x512xf32, #tpu.memory_space<vmem>>, vector<64x512xf32>
    %mul3A_3787 = arith.mulf %get3A_3783, %get3A_3786 : vector<64x512xf32>
    %reduce_sum3A_3788 = arith.constant dense<0.000000e+00> : vector<512xf32>
    %reduce_sum3A_3789 = vector.multi_reduction <add>, %mul3A_3787, %reduce_sum3A_3788 [0] : vector<64x512xf32> to vector<512xf32>
    %swap3A_3790 = arith.constant 400 : index
    %swap3A_3791 = arith.constant 0 : index
    %swap3A_3792 = vector.load %arg14[%swap3A_3790, %swap3A_3791] : memref<416x512xf32, #tpu.memory_space<vmem>>, vector<1x512xf32>
    %swap3A_3793 = vector.shape_cast %swap3A_3792 : vector<1x512xf32> to vector<512xf32>
    %swap3A_3794 = vector.shape_cast %reduce_sum3A_3789 : vector<512xf32> to vector<1x512xf32>
    tpu.vector_store %arg14[%swap3A_3790, %swap3A_3791], %swap3A_3794 {strides = array<i32>} : memref<416x512xf32, #tpu.memory_space<vmem>>, vector<1x512xf32>,
    %get3A_3795 = arith.constant 1408 : index
    %get3A_3796 = arith.constant 0 : index
    %get3A_3797 = vector.load %arg2[%get3A_3795, %get3A_3796] : memref<1664x512xf32, #tpu.memory_space<vmem>>, vector<64x512xf32>
    %mul3A_3798 = arith.mulf %get3A_3783, %get3A_3797 : vector<64x512xf32>
    %reduce_sum3A_3799 = arith.constant dense<0.000000e+00> : vector<512xf32>
    %reduce_sum3A_3800 = vector.multi_reduction <add>, %mul3A_3798, %reduce_sum3A_3799 [0] : vector<64x512xf32> to vector<512xf32>
    %swap3A_3801 = arith.constant 401 : index
    %swap3A_3802 = arith.constant 0 : index
    %swap3A_3803 = vector.load %arg14[%swap3A_3801, %swap3A_3802] : memref<416x512xf32, #tpu.memory_space<vmem>>, vector<1x512xf32>
    %swap3A_3804 = vector.shape_cast %swap3A_3803 : vector<1x512xf32> to vector<512xf32>
    %swap3A_3805 = vector.shape_cast %reduce_sum3A_3800 : vector<512xf32> to vector<1x512xf32>
    tpu.vector_store %arg14[%swap3A_3801, %swap3A_3802], %swap3A_3805 {strides = array<i32>} : memref<416x512xf32, #tpu.memory_space<vmem>>, vector<1x512xf32>,
    %get3A_3806 = arith.constant 1472 : index
    %get3A_3807 = arith.constant 0 : index
    %get3A_3808 = vector.load %arg2[%get3A_3806, %get3A_3807] : memref<1664x512xf32, #tpu.memory_space<vmem>>, vector<64x512xf32>
    %mul3A_3809 = arith.mulf %get3A_3783, %get3A_3808 : vector<64x512xf32>
    %reduce_sum3A_3810 = arith.constant dense<0.000000e+00> : vector<512xf32>
    %reduce_sum3A_3811 = vector.multi_reduction <add>, %mul3A_3809, %reduce_sum3A_3810 [0] : vector<64x512xf32> to vector<512xf32>
    %swap3A_3812 = arith.constant 402 : index
    %swap3A_3813 = arith.constant 0 : index
    %swap3A_3814 = vector.load %arg14[%swap3A_3812, %swap3A_3813] : memref<416x512xf32, #tpu.memory_space<vmem>>, vector<1x512xf32>
    %swap3A_3815 = vector.shape_cast %swap3A_3814 : vector<1x512xf32> to vector<512xf32>
    %swap3A_3816 = vector.shape_cast %reduce_sum3A_3811 : vector<512xf32> to vector<1x512xf32>
    tpu.vector_store %arg14[%swap3A_3812, %swap3A_3813], %swap3A_3816 {strides = array<i32>} : memref<416x512xf32, #tpu.memory_space<vmem>>, vector<1x512xf32>,
    %get3A_3817 = arith.constant 1536 : index
    %get3A_3818 = arith.constant 0 : index
    %get3A_3819 = vector.load %arg2[%get3A_3817, %get3A_3818] : memref<1664x512xf32, #tpu.memory_space<vmem>>, vector<64x512xf32>
    %mul3A_3820 = arith.mulf %get3A_3783, %get3A_3819 : vector<64x512xf32>
    %reduce_sum3A_3821 = arith.constant dense<0.000000e+00> : vector<512xf32>
    %reduce_sum3A_3822 = vector.multi_reduction <add>, %mul3A_3820, %reduce_sum3A_3821 [0] : vector<64x512xf32> to vector<512xf32>
    %swap3A_3823 = arith.constant 403 : index
    %swap3A_3824 = arith.constant 0 : index
    %swap3A_3825 = vector.load %arg14[%swap3A_3823, %swap3A_3824] : memref<416x512xf32, #tpu.memory_space<vmem>>, vector<1x512xf32>
    %swap3A_3826 = vector.shape_cast %swap3A_3825 : vector<1x512xf32> to vector<512xf32>
    %swap3A_3827 = vector.shape_cast %reduce_sum3A_3822 : vector<512xf32> to vector<1x512xf32>
    tpu.vector_store %arg14[%swap3A_3823, %swap3A_3824], %swap3A_3827 {strides = array<i32>} : memref<416x512xf32, #tpu.memory_space<vmem>>, vector<1x512xf32>,
    %get3A_3828 = arith.constant 1600 : index
    %get3A_3829 = arith.constant 0 : index
    %get3A_3830 = vector.load %arg2[%get3A_3828, %get3A_3829] : memref<1664x512xf32, #tpu.memory_space<vmem>>, vector<64x512xf32>
    %mul3A_3831 = arith.mulf %get3A_3783, %get3A_3830 : vector<64x512xf32>
    %reduce_sum3A_3832 = arith.constant dense<0.000000e+00> : vector<512xf32>
    %reduce_sum3A_3833 = vector.multi_reduction <add>, %mul3A_3831, %reduce_sum3A_3832 [0] : vector<64x512xf32> to vector<512xf32>
    %swap3A_3834 = arith.constant 404 : index
    %swap3A_3835 = arith.constant 0 : index
    %swap3A_3836 = vector.load %arg14[%swap3A_3834, %swap3A_3835] : memref<416x512xf32, #tpu.memory_space<vmem>>, vector<1x512xf32>
    %swap3A_3837 = vector.shape_cast %swap3A_3836 : vector<1x512xf32> to vector<512xf32>
    %swap3A_3838 = vector.shape_cast %reduce_sum3A_3833 : vector<512xf32> to vector<1x512xf32>
    tpu.vector_store %arg14[%swap3A_3834, %swap3A_3835], %swap3A_3838 {strides = array<i32>} : memref<416x512xf32, #tpu.memory_space<vmem>>, vector<1x512xf32>,
    %get3A_3839 = arith.constant 1344 : index
    %get3A_3840 = arith.constant 0 : index
    %get3A_3841 = vector.load %arg2[%get3A_3839, %get3A_3840] : memref<1664x512xf32, #tpu.memory_space<vmem>>, vector<64x512xf32>
    %get3A_3842 = arith.constant 1408 : index
    %get3A_3843 = arith.constant 0 : index
    %get3A_3844 = vector.load %arg2[%get3A_3842, %get3A_3843] : memref<1664x512xf32, #tpu.memory_space<vmem>>, vector<64x512xf32>
    %mul3A_3845 = arith.mulf %get3A_3841, %get3A_3844 : vector<64x512xf32>
    %reduce_sum3A_3846 = arith.constant dense<0.000000e+00> : vector<512xf32>
    %reduce_sum3A_3847 = vector.multi_reduction <add>, %mul3A_3845, %reduce_sum3A_3846 [0] : vector<64x512xf32> to vector<512xf32>
    %swap3A_3848 = arith.constant 405 : index
    %swap3A_3849 = arith.constant 0 : index
    %swap3A_3850 = vector.load %arg14[%swap3A_3848, %swap3A_3849] : memref<416x512xf32, #tpu.memory_space<vmem>>, vector<1x512xf32>
    %swap3A_3851 = vector.shape_cast %swap3A_3850 : vector<1x512xf32> to vector<512xf32>
    %swap3A_3852 = vector.shape_cast %reduce_sum3A_3847 : vector<512xf32> to vector<1x512xf32>
    tpu.vector_store %arg14[%swap3A_3848, %swap3A_3849], %swap3A_3852 {strides = array<i32>} : memref<416x512xf32, #tpu.memory_space<vmem>>, vector<1x512xf32>,
    %get3A_3853 = arith.constant 1472 : index
    %get3A_3854 = arith.constant 0 : index
    %get3A_3855 = vector.load %arg2[%get3A_3853, %get3A_3854] : memref<1664x512xf32, #tpu.memory_space<vmem>>, vector<64x512xf32>
    %mul3A_3856 = arith.mulf %get3A_3841, %get3A_3855 : vector<64x512xf32>
    %reduce_sum3A_3857 = arith.constant dense<0.000000e+00> : vector<512xf32>
    %reduce_sum3A_3858 = vector.multi_reduction <add>, %mul3A_3856, %reduce_sum3A_3857 [0] : vector<64x512xf32> to vector<512xf32>
    %swap3A_3859 = arith.constant 406 : index
    %swap3A_3860 = arith.constant 0 : index
    %swap3A_3861 = vector.load %arg14[%swap3A_3859, %swap3A_3860] : memref<416x512xf32, #tpu.memory_space<vmem>>, vector<1x512xf32>
    %swap3A_3862 = vector.shape_cast %swap3A_3861 : vector<1x512xf32> to vector<512xf32>
    %swap3A_3863 = vector.shape_cast %reduce_sum3A_3858 : vector<512xf32> to vector<1x512xf32>
    tpu.vector_store %arg14[%swap3A_3859, %swap3A_3860], %swap3A_3863 {strides = array<i32>} : memref<416x512xf32, #tpu.memory_space<vmem>>, vector<1x512xf32>,
    %get3A_3864 = arith.constant 1536 : index
    %get3A_3865 = arith.constant 0 : index
    %get3A_3866 = vector.load %arg2[%get3A_3864, %get3A_3865] : memref<1664x512xf32, #tpu.memory_space<vmem>>, vector<64x512xf32>
    %mul3A_3867 = arith.mulf %get3A_3841, %get3A_3866 : vector<64x512xf32>
    %reduce_sum3A_3868 = arith.constant dense<0.000000e+00> : vector<512xf32>
    %reduce_sum3A_3869 = vector.multi_reduction <add>, %mul3A_3867, %reduce_sum3A_3868 [0] : vector<64x512xf32> to vector<512xf32>
    %swap3A_3870 = arith.constant 407 : index
    %swap3A_3871 = arith.constant 0 : index
    %swap3A_3872 = vector.load %arg14[%swap3A_3870, %swap3A_3871] : memref<416x512xf32, #tpu.memory_space<vmem>>, vector<1x512xf32>
    %swap3A_3873 = vector.shape_cast %swap3A_3872 : vector<1x512xf32> to vector<512xf32>
    %swap3A_3874 = vector.shape_cast %reduce_sum3A_3869 : vector<512xf32> to vector<1x512xf32>
    tpu.vector_store %arg14[%swap3A_3870, %swap3A_3871], %swap3A_3874 {strides = array<i32>} : memref<416x512xf32, #tpu.memory_space<vmem>>, vector<1x512xf32>,
    %get3A_3875 = arith.constant 1600 : index
    %get3A_3876 = arith.constant 0 : index
    %get3A_3877 = vector.load %arg2[%get3A_3875, %get3A_3876] : memref<1664x512xf32, #tpu.memory_space<vmem>>, vector<64x512xf32>
    %mul3A_3878 = arith.mulf %get3A_3841, %get3A_3877 : vector<64x512xf32>
    %reduce_sum3A_3879 = arith.constant dense<0.000000e+00> : vector<512xf32>
    %reduce_sum3A_3880 = vector.multi_reduction <add>, %mul3A_3878, %reduce_sum3A_3879 [0] : vector<64x512xf32> to vector<512xf32>
    %swap3A_3881 = arith.constant 408 : index
    %swap3A_3882 = arith.constant 0 : index
    %swap3A_3883 = vector.load %arg14[%swap3A_3881, %swap3A_3882] : memref<416x512xf32, #tpu.memory_space<vmem>>, vector<1x512xf32>
    %swap3A_3884 = vector.shape_cast %swap3A_3883 : vector<1x512xf32> to vector<512xf32>
    %swap3A_3885 = vector.shape_cast %reduce_sum3A_3880 : vector<512xf32> to vector<1x512xf32>
    tpu.vector_store %arg14[%swap3A_3881, %swap3A_3882], %swap3A_3885 {strides = array<i32>} : memref<416x512xf32, #tpu.memory_space<vmem>>, vector<1x512xf32>,
    %get3A_3886 = arith.constant 1408 : index
    %get3A_3887 = arith.constant 0 : index
    %get3A_3888 = vector.load %arg2[%get3A_3886, %get3A_3887] : memref<1664x512xf32, #tpu.memory_space<vmem>>, vector<64x512xf32>
    %get3A_3889 = arith.constant 1472 : index
    %get3A_3890 = arith.constant 0 : index
    %get3A_3891 = vector.load %arg2[%get3A_3889, %get3A_3890] : memref<1664x512xf32, #tpu.memory_space<vmem>>, vector<64x512xf32>
    %mul3A_3892 = arith.mulf %get3A_3888, %get3A_3891 : vector<64x512xf32>
    %reduce_sum3A_3893 = arith.constant dense<0.000000e+00> : vector<512xf32>
    %reduce_sum3A_3894 = vector.multi_reduction <add>, %mul3A_3892, %reduce_sum3A_3893 [0] : vector<64x512xf32> to vector<512xf32>
    %swap3A_3895 = arith.constant 409 : index
    %swap3A_3896 = arith.constant 0 : index
    %swap3A_3897 = vector.load %arg14[%swap3A_3895, %swap3A_3896] : memref<416x512xf32, #tpu.memory_space<vmem>>, vector<1x512xf32>
    %swap3A_3898 = vector.shape_cast %swap3A_3897 : vector<1x512xf32> to vector<512xf32>
    %swap3A_3899 = vector.shape_cast %reduce_sum3A_3894 : vector<512xf32> to vector<1x512xf32>
    tpu.vector_store %arg14[%swap3A_3895, %swap3A_3896], %swap3A_3899 {strides = array<i32>} : memref<416x512xf32, #tpu.memory_space<vmem>>, vector<1x512xf32>,
    %get3A_3900 = arith.constant 1536 : index
    %get3A_3901 = arith.constant 0 : index
    %get3A_3902 = vector.load %arg2[%get3A_3900, %get3A_3901] : memref<1664x512xf32, #tpu.memory_space<vmem>>, vector<64x512xf32>
    %mul3A_3903 = arith.mulf %get3A_3888, %get3A_3902 : vector<64x512xf32>
    %reduce_sum3A_3904 = arith.constant dense<0.000000e+00> : vector<512xf32>
    %reduce_sum3A_3905 = vector.multi_reduction <add>, %mul3A_3903, %reduce_sum3A_3904 [0] : vector<64x512xf32> to vector<512xf32>
    %swap3A_3906 = arith.constant 410 : index
    %swap3A_3907 = arith.constant 0 : index
    %swap3A_3908 = vector.load %arg14[%swap3A_3906, %swap3A_3907] : memref<416x512xf32, #tpu.memory_space<vmem>>, vector<1x512xf32>
    %swap3A_3909 = vector.shape_cast %swap3A_3908 : vector<1x512xf32> to vector<512xf32>
    %swap3A_3910 = vector.shape_cast %reduce_sum3A_3905 : vector<512xf32> to vector<1x512xf32>
    tpu.vector_store %arg14[%swap3A_3906, %swap3A_3907], %swap3A_3910 {strides = array<i32>} : memref<416x512xf32, #tpu.memory_space<vmem>>, vector<1x512xf32>,
    %get3A_3911 = arith.constant 1600 : index
    %get3A_3912 = arith.constant 0 : index
    %get3A_3913 = vector.load %arg2[%get3A_3911, %get3A_3912] : memref<1664x512xf32, #tpu.memory_space<vmem>>, vector<64x512xf32>
    %mul3A_3914 = arith.mulf %get3A_3888, %get3A_3913 : vector<64x512xf32>
    %reduce_sum3A_3915 = arith.constant dense<0.000000e+00> : vector<512xf32>
    %reduce_sum3A_3916 = vector.multi_reduction <add>, %mul3A_3914, %reduce_sum3A_3915 [0] : vector<64x512xf32> to vector<512xf32>
    %swap3A_3917 = arith.constant 411 : index
    %swap3A_3918 = arith.constant 0 : index
    %swap3A_3919 = vector.load %arg14[%swap3A_3917, %swap3A_3918] : memref<416x512xf32, #tpu.memory_space<vmem>>, vector<1x512xf32>
    %swap3A_3920 = vector.shape_cast %swap3A_3919 : vector<1x512xf32> to vector<512xf32>
    %swap3A_3921 = vector.shape_cast %reduce_sum3A_3916 : vector<512xf32> to vector<1x512xf32>
    tpu.vector_store %arg14[%swap3A_3917, %swap3A_3918], %swap3A_3921 {strides = array<i32>} : memref<416x512xf32, #tpu.memory_space<vmem>>, vector<1x512xf32>,
    %get3A_3922 = arith.constant 1472 : index
    %get3A_3923 = arith.constant 0 : index
    %get3A_3924 = vector.load %arg2[%get3A_3922, %get3A_3923] : memref<1664x512xf32, #tpu.memory_space<vmem>>, vector<64x512xf32>
    %get3A_3925 = arith.constant 1536 : index
    %get3A_3926 = arith.constant 0 : index
    %get3A_3927 = vector.load %arg2[%get3A_3925, %get3A_3926] : memref<1664x512xf32, #tpu.memory_space<vmem>>, vector<64x512xf32>
    %mul3A_3928 = arith.mulf %get3A_3924, %get3A_3927 : vector<64x512xf32>
    %reduce_sum3A_3929 = arith.constant dense<0.000000e+00> : vector<512xf32>
    %reduce_sum3A_3930 = vector.multi_reduction <add>, %mul3A_3928, %reduce_sum3A_3929 [0] : vector<64x512xf32> to vector<512xf32>
    %swap3A_3931 = arith.constant 412 : index
    %swap3A_3932 = arith.constant 0 : index
    %swap3A_3933 = vector.load %arg14[%swap3A_3931, %swap3A_3932] : memref<416x512xf32, #tpu.memory_space<vmem>>, vector<1x512xf32>
    %swap3A_3934 = vector.shape_cast %swap3A_3933 : vector<1x512xf32> to vector<512xf32>
    %swap3A_3935 = vector.shape_cast %reduce_sum3A_3930 : vector<512xf32> to vector<1x512xf32>
    tpu.vector_store %arg14[%swap3A_3931, %swap3A_3932], %swap3A_3935 {strides = array<i32>} : memref<416x512xf32, #tpu.memory_space<vmem>>, vector<1x512xf32>,
    %get3A_3936 = arith.constant 1600 : index
    %get3A_3937 = arith.constant 0 : index
    %get3A_3938 = vector.load %arg2[%get3A_3936, %get3A_3937] : memref<1664x512xf32, #tpu.memory_space<vmem>>, vector<64x512xf32>
    %mul3A_3939 = arith.mulf %get3A_3924, %get3A_3938 : vector<64x512xf32>
    %reduce_sum3A_3940 = arith.constant dense<0.000000e+00> : vector<512xf32>
    %reduce_sum3A_3941 = vector.multi_reduction <add>, %mul3A_3939, %reduce_sum3A_3940 [0] : vector<64x512xf32> to vector<512xf32>
    %swap3A_3942 = arith.constant 413 : index
    %swap3A_3943 = arith.constant 0 : index
    %swap3A_3944 = vector.load %arg14[%swap3A_3942, %swap3A_3943] : memref<416x512xf32, #tpu.memory_space<vmem>>, vector<1x512xf32>
    %swap3A_3945 = vector.shape_cast %swap3A_3944 : vector<1x512xf32> to vector<512xf32>
    %swap3A_3946 = vector.shape_cast %reduce_sum3A_3941 : vector<512xf32> to vector<1x512xf32>
    tpu.vector_store %arg14[%swap3A_3942, %swap3A_3943], %swap3A_3946 {strides = array<i32>} : memref<416x512xf32, #tpu.memory_space<vmem>>, vector<1x512xf32>,
    %get3A_3947 = arith.constant 1536 : index
    %get3A_3948 = arith.constant 0 : index
    %get3A_3949 = vector.load %arg2[%get3A_3947, %get3A_3948] : memref<1664x512xf32, #tpu.memory_space<vmem>>, vector<64x512xf32>
    %get3A_3950 = arith.constant 1600 : index
    %get3A_3951 = arith.constant 0 : index
    %get3A_3952 = vector.load %arg2[%get3A_3950, %get3A_3951] : memref<1664x512xf32, #tpu.memory_space<vmem>>, vector<64x512xf32>
    %mul3A_3953 = arith.mulf %get3A_3949, %get3A_3952 : vector<64x512xf32>
    %reduce_sum3A_3954 = arith.constant dense<0.000000e+00> : vector<512xf32>
    %reduce_sum3A_3955 = vector.multi_reduction <add>, %mul3A_3953, %reduce_sum3A_3954 [0] : vector<64x512xf32> to vector<512xf32>
    %swap3A_3956 = arith.constant 414 : index
    %swap3A_3957 = arith.constant 0 : index
    %swap3A_3958 = vector.load %arg14[%swap3A_3956, %swap3A_3957] : memref<416x512xf32, #tpu.memory_space<vmem>>, vector<1x512xf32>
    %swap3A_3959 = vector.shape_cast %swap3A_3958 : vector<1x512xf32> to vector<512xf32>
    %swap3A_3960 = vector.shape_cast %reduce_sum3A_3955 : vector<512xf32> to vector<1x512xf32>
    tpu.vector_store %arg14[%swap3A_3956, %swap3A_3957], %swap3A_3960 {strides = array<i32>} : memref<416x512xf32, #tpu.memory_space<vmem>>, vector<1x512xf32>,
    %get3A_3961 = arith.constant 0 : index
    %get3A_3962 = arith.constant 0 : index
    %get3A_3963 = vector.load %arg14[%get3A_3961, %get3A_3962] : memref<416x512xf32, #tpu.memory_space<vmem>>, vector<415x512xf32>
    %get3A_3964 = arith.constant 0 : index
    %get3A_3965 = arith.constant 0 : index
    %get3A_3966 = vector.load %arg7[%get3A_3964, %get3A_3965] : memref<128x415xf32, #tpu.memory_space<vmem>>, vector<128x415xf32>
    %dot_general3A_3967 = arith.constant dense<0.000000e+00> : vector<128x512xf32>
    %dot_general3A_3968 = tpu.matmul %get3A_3966, %get3A_3963, %dot_general3A_3967 {dimension_numbers = #tpu.dot_dimension_numbers<[1], [0], [0], [1], [0, 0, 1, 1], [], []>, transpose_lhs_hint = false} : vector<128x415xf32>, vector<415x512xf32>, vector<128x512xf32> -> vector<128x512xf32>
    %get3A_3969 = arith.constant 0 : index
    %get3A_3970 = arith.constant 0 : index
    %get3A_3971 = vector.load %arg8[%get3A_3969, %get3A_3970] : memref<128x1xf32, #tpu.memory_space<vmem>>, vector<128x1xf32>
    %add3A_3972 = vector.broadcast %get3A_3971 : vector<128x1xf32> to vector<128x512xf32>
    %add3A_3973 = arith.addf %dot_general3A_3968, %add3A_3972 : vector<128x512xf32>
    %max3A_3974 = arith.constant 0.000000e+00 : f32
    %max3A_3975 = vector.broadcast %max3A_3974 : f32 to vector<128x512xf32>
    %max3A_3976 = arith.maximumf %add3A_3973, %max3A_3975 : vector<128x512xf32>
    %get3A_3977 = arith.constant 0 : index
    %get3A_3978 = arith.constant 0 : index
    %get3A_3979 = vector.load %arg9[%get3A_3977, %get3A_3978] : memref<64x128xf32, #tpu.memory_space<vmem>>, vector<64x128xf32>
    %dot_general3A_3980 = arith.constant dense<0.000000e+00> : vector<64x512xf32>
    %dot_general3A_3981 = tpu.matmul %get3A_3979, %max3A_3976, %dot_general3A_3980 {dimension_numbers = #tpu.dot_dimension_numbers<[1], [0], [0], [1], [0, 0, 1, 1], [], []>, transpose_lhs_hint = false} : vector<64x128xf32>, vector<128x512xf32>, vector<64x512xf32> -> vector<64x512xf32>
    %get3A_3982 = arith.constant 0 : index
    %get3A_3983 = arith.constant 0 : index
    %get3A_3984 = vector.load %arg10[%get3A_3982, %get3A_3983] : memref<64x1xf32, #tpu.memory_space<vmem>>, vector<64x1xf32>
    %add3A_3985 = vector.broadcast %get3A_3984 : vector<64x1xf32> to vector<64x512xf32>
    %add3A_3986 = arith.addf %dot_general3A_3981, %add3A_3985 : vector<64x512xf32>
    %max3A_3987 = arith.constant 0.000000e+00 : f32
    %max3A_3988 = vector.broadcast %max3A_3987 : f32 to vector<64x512xf32>
    %max3A_3989 = arith.maximumf %add3A_3986, %max3A_3988 : vector<64x512xf32>
    %get3A_3990 = arith.constant 0 : index
    %get3A_3991 = arith.constant 0 : index
    %get3A_3992 = vector.load %arg11[%get3A_3990, %get3A_3991] : memref<1x64xf32, #tpu.memory_space<vmem>>, vector<1x64xf32>
    %dot_general3A_3993 = arith.constant dense<0.000000e+00> : vector<1x512xf32>
    %dot_general3A_3994 = tpu.matmul %get3A_3992, %max3A_3989, %dot_general3A_3993 {dimension_numbers = #tpu.dot_dimension_numbers<[1], [0], [0], [1], [0, 0, 1, 1], [], []>, transpose_lhs_hint = false} : vector<1x64xf32>, vector<64x512xf32>, vector<1x512xf32> -> vector<1x512xf32>
    %get3A_3995 = arith.constant 0 : index
    %get3A_3996 = arith.constant 0 : index
    %get3A_3997 = vector.load %arg12[%get3A_3995, %get3A_3996] : memref<1x1xf32, #tpu.memory_space<vmem>>, vector<1x1xf32>
    %add3A_3998 = vector.broadcast %get3A_3997 : vector<1x1xf32> to vector<1x512xf32>
    %add3A_3999 = arith.addf %dot_general3A_3994, %add3A_3998 : vector<1x512xf32>
    %neg3A = arith.constant 0.000000e+00 : f32
    %neg3A_4000 = vector.broadcast %neg3A : f32 to vector<1x512xf32>
    %neg3A_4001 = arith.subf %neg3A_4000, %add3A_3999 : vector<1x512xf32>
    %exp3A = math.exp %neg3A_4001 : vector<1x512xf32>
    %add3A_4002 = arith.constant 1.000000e+00 : f32
    %add3A_4003 = vector.broadcast %add3A_4002 : f32 to vector<1x512xf32>
    %add3A_4004 = arith.addf %add3A_4003, %exp3A : vector<1x512xf32>
    %div3A = arith.constant 1.000000e+00 : f32
    %div3A_4005 = vector.broadcast %div3A : f32 to vector<1x512xf32>
    %div3A_4006 = arith.divf %div3A_4005, %add3A_4004 : vector<1x512xf32>
    %swap3A_4007 = arith.constant 0 : index
    %swap3A_4008 = arith.constant 0 : index
    %swap3A_4009 = arith.constant 0 : index
    %swap3A_4010 = vector.load %arg13[%swap3A_4007, %swap3A_4008, %swap3A_4009] : memref<1x1x512xf32, #tpu.memory_space<vmem>>, vector<1x1x512xf32>
    %swap3A_4011 = vector.shape_cast %swap3A_4010 : vector<1x1x512xf32> to vector<1x512xf32>
    %swap3A_4012 = vector.shape_cast %div3A_4006 : vector<1x512xf32> to vector<1x1x512xf32>
    tpu.vector_store %arg13[%swap3A_4007, %swap3A_4008, %swap3A_4009], %swap3A_4012 {strides = array<i32>} : memref<1x1x512xf32, #tpu.memory_space<vmem>>, vector<1x1x512xf32>,
    return
  }
  func.func @transform_0(%arg0: i32) -> (i32, i32) {
    %c0_i32 = arith.constant 0 : i32
    %c0_i32_0 = arith.constant 0 : i32
    return %c0_i32, %arg0 : i32, i32
  }
  func.func @transform_1(%arg0: i32) -> (i32, i32) {
    %c0_i32 = arith.constant 0 : i32
    %c0_i32_0 = arith.constant 0 : i32
    return %c0_i32, %arg0 : i32, i32
  }
  func.func @transform_2(%arg0: i32) -> (i32, i32) {
    %c0_i32 = arith.constant 0 : i32
    %c0_i32_0 = arith.constant 0 : i32
    %c0_i32_1 = arith.constant 0 : i32
    return %c0_i32, %c0_i32_0 : i32, i32
  }
  func.func @transform_3(%arg0: i32) -> (i32, i32) {
    %c0_i32 = arith.constant 0 : i32
    %c0_i32_0 = arith.constant 0 : i32
    %c0_i32_1 = arith.constant 0 : i32
    return %c0_i32, %c0_i32_0 : i32, i32
  }
  func.func @transform_4(%arg0: i32) -> (i32, i32) {
    %c0_i32 = arith.constant 0 : i32
    %c0_i32_0 = arith.constant 0 : i32
    %c0_i32_1 = arith.constant 0 : i32
    return %c0_i32, %c0_i32_0 : i32, i32
  }
  func.func @transform_5(%arg0: i32) -> (i32, i32) {
    %c0_i32 = arith.constant 0 : i32
    %c0_i32_0 = arith.constant 0 : i32
    %c0_i32_1 = arith.constant 0 : i32
    return %c0_i32, %c0_i32_0 : i32, i32
  }
  func.func @transform_6(%arg0: i32) -> (i32, i32) {
    %c0_i32 = arith.constant 0 : i32
    %c0_i32_0 = arith.constant 0 : i32
    %c0_i32_1 = arith.constant 0 : i32
    return %c0_i32, %c0_i32_0 : i32, i32
  }
  func.func @transform_7(%arg0: i32) -> (i32, i32) {
    %c0_i32 = arith.constant 0 : i32
    %c0_i32_0 = arith.constant 0 : i32
    %c0_i32_1 = arith.constant 0 : i32
    return %c0_i32, %c0_i32_0 : i32, i32
  }
  func.func @transform_8(%arg0: i32) -> (i32, i32) {
    %c0_i32 = arith.constant 0 : i32
    %c0_i32_0 = arith.constant 0 : i32
    %c0_i32_1 = arith.constant 0 : i32
    return %c0_i32, %c0_i32_0 : i32, i32
  }
  func.func @transform_9(%arg0: i32) -> (i32, i32) {
    %c0_i32 = arith.constant 0 : i32
    %c0_i32_0 = arith.constant 0 : i32
    %c0_i32_1 = arith.constant 0 : i32
    return %c0_i32, %c0_i32_0 : i32, i32
  }
  func.func @transform_10(%arg0: i32) -> (i32, i32) {
    %c0_i32 = arith.constant 0 : i32
    %c0_i32_0 = arith.constant 0 : i32
    %c0_i32_1 = arith.constant 0 : i32
    return %c0_i32, %c0_i32_0 : i32, i32
  }
  func.func @transform_11(%arg0: i32) -> (i32, i32) {
    %c0_i32 = arith.constant 0 : i32
    %c0_i32_0 = arith.constant 0 : i32
    %c0_i32_1 = arith.constant 0 : i32
    return %c0_i32, %c0_i32_0 : i32, i32
  }
  func.func @transform_12(%arg0: i32) -> (i32, i32, i32) {
    %c0_i32 = arith.constant 0 : i32
    %c0_i32_0 = arith.constant 0 : i32
    %c0_i32_1 = arith.constant 0 : i32
    return %arg0, %c0_i32, %c0_i32_0 : i32, i32, i32
  }
}

</mosaic_0001>

<sc_bundles>
// kernel: kernel.4.cloned.1.call-start
scs
__scs_entry_jumppad:
0x0: {  	(pc) =	sbr.rel $0x88, $3  }
0x1: {  	(tag) =	ssettag $0x0;
	lr =	simm.s32 $0x1  }
0x2: {  	[smem:$0x3F94] =	sst lr;
	_ =	strace $0xD0000000  }
0x3: {  	_ = 	snop  }
0x4: {  	_ = 	snop  }
0x5: {  	_ = 	snop  }
0x6: {  	_ = 	snop  }
0x7: {  	_ = 	snop  }
__scs_overlays_trampoline_lowered:
0x8: {  	[smem:$0x3FA3] =	sst s0  }
0x9: {  	[smem:$0x3FA4] =	sst s1  }
0xa: {  	[smem:$0x3FA5] =	sst s2  }
0xb: {  	[smem:$0x3FA6] =	sst s3  }
0xc: {  	[smem:$0x3FA7] =	sst s4  }
0xd: {  	[smem:$0x3FA8] =	sst s5  }
0xe: {  	[smem:$0x3FA9] =	sst s6  }
0xf: {  	[smem:$0x3FAA] =	sst s7  }
0x10: {  	[smem:$0x3FAB] =	sst s8  }
0x11: {  	[smem:$0x3FAC] =	sst s9;
	s0 =	simm.s32 @!p0 $0x0  }
0x12: {  	s1 =	sld [smem:$0x3F92];
	s0 =	simm.s32 @p0 $0x1  }
0x13: {  	[smem:$0x3FAD] =	sst s0;
	s0 =	simm.s32 @!p1 $0x0  }
0x14: {  	s2 =	sld [smem:$0x3F91];
	s0 =	simm.s32 @p1 $0x1  }
0x15: {  	[smem:$0x3FAE] =	sst s0;
	s0 =	simm.s32 @!p2 $0x0  }
0x16: {  	s3 =	sld [smem:$0x3FDB];
	s0 =	simm.s32 @p2 $0x1  }
0x17: {  	s4 =	simm.s32 $0x1BF5;
	[smem:$0x3FB0] =	sst s0  }
0x18: {  	s0 =	sld [smem:$0x3F93];
	_ =	swait.ge [sflag:s4], $0x0  }
0x19: {  	s7 =	sld [smem:$0x3F94]  }
0x1a: {  	s8 =	sadd.s32 $0xFFFFE003, lr  }
0x1b: {  	s9 =	sadd.s32 $0xFFFFFEF7, lr;
	s5 =	simm.s32 $0xFFFFFFFF;
	p2 =	slt.u32 s8, $0xFFFFF086  }
0x1c: {  	p1 =	slt.u32 s9, $0xF7A;
	s5 =	simm.s32 @!p2 $0x0  }
0x1d: {  	s5 =	simm.s32 @p1 $0x1;
	p0 =	seq.s32 s7, s2  }
0x1e: {  	s7 =	smul.u32 @!p0 $0xF7A, s2;
	p2 =	seq.s32 @!p0 s5, $0x0  }
0x1f: {  	s9 =	smul.u32 $0xF7A, s1;
	s8 =	simm.s32 @!p0 $0x1BF5;
	p2 =	por !p2, p0  }
0x20: {  	[sflag:s8] =	ssyncset.s32 @!p0 $0xFFFFF086;
	s6 =	sadd.s32 @!p0 s3, s7;
	s7 =	simm.s32 @!p0 $0x108  }
0x21: {  	s3 =	sadd.s32 s3, s9;
	s6 =	sadd.s32 @!p0 $0x88, s6;
	s7 =	simm.s32 @p2 $0x1082  }
0x22: {  	[simem:s7], [sflag:s8] =	dma.local @!p0 [hbm:s6], $0xF7A  }
0x23: {  	s9 =	sor.u32 $0xD0000000, s2;
	s6 =	simm.s32 $0x108;
	_ =	swait.ge @!p0 [sflag:s8], $0x0  }
0x24: {  	s3 =	sadd.s32 $0x88, s3;
	s6 =	simm.s32 @!p1 $0x1082;
	[sflag:s4] =	ssyncset.s32 $0xFFFFF086  }
0x25: {  	[simem:s6], [sflag:s4] =	dma.local [hbm:s3], $0xF7A  }
0x26: {  	[smem:$0x3F94] =	sst s1;
	(tag) =	ssettag s2;
	_ =	strace s9  }
0x27: {  	s1 =	sld [smem:$0x3FA4]  }
0x28: {  	s2 =	sld [smem:$0x3FA5]  }
0x29: {  	s4 =	sld [smem:$0x3FA7]  }
0x2a: {  	p0 =	seq.s32 s5, $0x0;
	s5 =	sld [smem:$0x3FA8]  }
0x2b: {  	s6 =	sld [smem:$0x3FA9]  }
0x2c: {  	s7 =	sld [smem:$0x3FAA]  }
0x2d: {  	s3 =	simm.s32 $0x108;
	s8 =	sld [smem:$0x3FAB]  }
0x2e: {  	s3 =	simm.s32 @!p0 $0x1082;
	s9 =	sld [smem:$0x3FAC]  }
0x2f: {  	lr =	sadd.s32 s0, s3;
	s0 =	sld [smem:$0x3FA3]  }
0x30: {  	s3 =	sld [smem:$0x3FA6]  }
0x31: {  	[smem:$0x3FAF] =	sst s10  }
0x32: {  	s10 =	sld [smem:$0x3FAD];
	_ =	sdelay $0x3  }
0x33: {  	p0 =	seq.s32 s10, $0x1;
	s10 =	sld [smem:$0x3FAF];
	_ =	sdelay $0x3  }
0x34: {  	[smem:$0x3FAF] =	sst s10  }
0x35: {  	s10 =	sld [smem:$0x3FAE];
	_ =	sdelay $0x3  }
0x36: {  	p1 =	seq.s32 s10, $0x1;
	s10 =	sld [smem:$0x3FAF];
	_ =	sdelay $0x3  }
0x37: {  	[smem:$0x3FAF] =	sst s10  }
0x38: {  	s10 =	sld [smem:$0x3FB0]  }
0x39: {  	_ = 	snop;
	(pc) =	sbr.ind lr, $3  }
0x3a: {  	_ = 	snop  }
0x3b: {  	_ = 	snop  }
0x3c: {  	p2 =	seq.s32 s10, $0x1;
	s10 =	sld [smem:$0x3FAF]  }
0x3d: {  	_ =	shalt  }
0x3e: {  	_ =	shalt  }
0x3f: {  	_ =	shalt  }
0x40: {  	_ =	shalt  }
0x41: {  	_ =	shalt  }
0x42: {  	_ =	shalt  }
0x43: {  	_ =	shalt  }
0x44: {  	_ =	shalt  }
0x45: {  	_ =	shalt  }
0x46: {  	_ =	shalt  }
0x47: {  	_ =	shalt  }
0x48: {  	_ =	shalt  }
0x49: {  	_ =	shalt  }
0x4a: {  	_ =	shalt  }
0x4b: {  	_ =	shalt  }
0x4c: {  	_ =	shalt  }
0x4d: {  	_ =	shalt  }
0x4e: {  	_ =	shalt  }
0x4f: {  	_ =	shalt  }
0x50: {  	_ =	shalt  }
0x51: {  	_ =	shalt  }
0x52: {  	_ =	shalt  }
0x53: {  	_ =	shalt  }
0x54: {  	_ =	shalt  }
0x55: {  	_ =	shalt  }
0x56: {  	_ =	shalt  }
0x57: {  	_ =	shalt  }
0x58: {  	_ =	shalt  }
0x59: {  	_ =	shalt  }
0x5a: {  	_ =	shalt  }
0x5b: {  	_ =	shalt  }
0x5c: {  	_ =	shalt  }
0x5d: {  	_ =	shalt  }
0x5e: {  	_ =	shalt  }
0x5f: {  	_ =	shalt  }
0x60: {  	_ =	shalt  }
0x61: {  	_ =	shalt  }
0x62: {  	_ =	shalt  }
0x63: {  	_ =	shalt  }
0x64: {  	_ =	shalt  }
0x65: {  	_ =	shalt  }
0x66: {  	_ =	shalt  }
0x67: {  	_ =	shalt  }
0x68: {  	_ =	shalt  }
0x69: {  	_ =	shalt  }
0x6a: {  	_ =	shalt  }
0x6b: {  	_ =	shalt  }
0x6c: {  	_ =	shalt  }
0x6d: {  	_ =	shalt  }
0x6e: {  	_ =	shalt  }
0x6f: {  	_ =	shalt  }
0x70: {  	_ =	shalt  }
0x71: {  	_ =	shalt  }
0x72: {  	_ =	shalt  }
0x73: {  	_ =	shalt  }
0x74: {  	_ =	shalt  }
0x75: {  	_ =	shalt  }
0x76: {  	_ =	shalt  }
0x77: {  	_ =	shalt  }
0x78: {  	_ =	shalt  }
0x79: {  	_ =	shalt  }
0x7a: {  	_ =	shalt  }
0x7b: {  	_ =	shalt  }
0x7c: {  	_ =	shalt  }
0x7d: {  	_ =	shalt  }
0x7e: {  	_ =	shalt  }
0x7f: {  	_ =	shalt  }
0x80: {  	_ =	shalt  }
0x81: {  	_ =	shalt  }
0x82: {  	_ =	shalt  }
0x83: {  	_ =	shalt  }
0x84: {  	_ =	shalt  }
0x85: {  	_ =	shalt  }
0x86: {  	_ =	shalt  }
0x87: {  	_ =	shalt  }
.Lfunc_end0:
.L_simem_size_0:
called_computation_lowered:
.L_overlay_start_0:
0x88: {  	s2 =	sld [smem:$0x3FD9]  }
0x89: {  	s3 =	sld [smem:$0x3FFE];
	_ =	sdelay $0x1  }
0x8a: {  	s1 =	srdreg.scid  }
0x8b: {  	s0 =	sand.u32 $0x1, s1  }
0x8c: {  	s17 =	sshll.u32 s0, $0xA;
	s2 =	sadd.s32 s3, s2  }
0x8d: {  	s2 =	sadd.s32 s2, s17  }
0x8e: {  	[smem:$0x3FBB] =	sst s2  }
0x8f: {  	_ = 	snop  }
0x90: {  	s2 =	sld [smem:$0x3FC8]  }
0x91: {  	s18 =	sld [smem:$0x3FC7];
	(tm) =	ssettm $0x1  }
0x92: {  	s4 =	sld [smem:$0x3FFB];
	_ =	sdelay $0x3  }
0x93: {  	_ =	strace s4  }
0x94: {  	s4 =	sld [smem:$0x3FFC];
	_ =	sdelay $0x3  }
0x95: {  	_ =	strace s4  }
0x96: {  	s4 =	sld [smem:$0x3FFD];
	_ =	sdelay $0x3  }
0x97: {  	_ =	strace s4  }
0x98: {  	_ =	strace $0x8FFFFFFF  }
0x99: {  	s19 =	sld [smem:$0x3FDB];
	_ =	sdelay $0x1  }
0x9a: {  	s5 =	simm.s32 $_scs_section_size  }
0x9b: {  	s6 =	simm.s32 $_size__tile_overlayer_lowered;
	s7 =	simm.s32 $_tile_overlayer_lowered  }
0x9c: {  	s22 =	simm.s32 $0x1BFF;
	s21 =	sshll.u32 s7, $0x1;
	s4 =	sadd.s32 s5, s19  }
0x9d: {  	s8 =	simm.s32 $0x0;
	s20 =	sshll.u32 s6, $0x1;
	s6 =	sadd.s32 s21, s4  }
0x9e: {  	[timem:s8], [sflag:s22] =	dma.local [hbm:s6], s20  }
0x9f: {  	_ =	swait.ge [sflag:s22], s20  }
0xa0: {  	s5 =	ssub.s32 $0x0, s20;
	[sflag:s22] =	ssyncset.done $0x0  }
0xa1: {  	[sflag:s22] =	ssyncadd.s32 s5;
	_ =	sdelay $0x1  }
0xa2: {  	s23 =	simm.s32 $0x1B8B  }
0xa3: {  	_ =	swait.ge [sflag:s23], $0x1  }
0xa4: {  	[sflag:s23] =	ssyncset.done $0x0  }
0xa5: {  	s25 =	simm.s32 $0x1B8E;
	s24 =	sld [smem:$0x3FFE];
	[sflag:s23] =	ssyncadd.s32 $0xFFFFFFFF  }
0xa6: {  	s26 =	simm.s32 $execute0_lowered;
	[smem:$0x3FD2] =	sst s25  }
0xa7: {  	s6 =	sshll.u32 s26, $0x1;
	_ =	strace $0x80000046;
	[dreg:$0x1] =	wrdreg $0xFFFFFFFF  }
0xa8: {  	s28 =	simm.s32 $_size_execute0_lowered;
	s4 =	sadd.s32 s4, s6;
	[dreg:$0x0] =	wrdreg $0x0  }
0xa9: {  	s6 =	sshll.u32 s28, $0x1;
	[dreg:$0x2] =	wrdreg s4  }
0xaa: {  	[dreg:$0x3] =	wrdreg s6  }
0xab: {  	[dreg:$0x4] =	wrdreg $0xC0  }
0xac: {  	_ =	task [dreg:s8], $0x5FFFF  }
0xad: {  	[dreg:$0x1] =	wrdreg $0xFFFFFFFF  }
0xae: {  	[dreg:$0x0] =	wrdreg $0x60  }
0xaf: {  	[dreg:$0x2] =	wrdreg s18  }
0xb0: {  	[dreg:$0x3] =	wrdreg s2  }
0xb1: {  	[dreg:$0x4] =	wrdreg s24  }
0xb2: {  	[dreg:$0x5] =	wrdreg $0x9  }
0xb3: {  	_ =	task.clear_ibuf [dreg:s8], $0x6FFFF;
	_ =	strace $0x90000046  }
0xb4: {  	s29 =	simm.s32 $0x9;
	_ =	strace $0x80000048  }
0xb5: {  	_ =	swait.ge [sflag:s29], $0x1  }
0xb6: {  	[sflag:s29] =	ssyncadd.s32 $0xFFFFFFFF  }
0xb7: {  	_ =	strace $0x90000048  }
0xb8: {  	_ =	sfence  }
0xb9: {  	s30 =	sld [smem:$0x0];
	_ =	sdelay $0x2  }
0xba: {  	s31 =	sshll.u32 s1, $0xD;
	s1 =	sshrl.u32 s1, $0x2  }
0xbb: {  	s3 =	sand.u32 $0x4000, s31;
	s1 =	sadd.s32 s1, s30  }
0xbc: {  	s0 =	sor.u32 s3, s0;
	s1 =	sshll.u32 s1, $0x11  }
0xbd: {  	s0 =	sor.u32 s1, s0  }
0xbe: {  	s0 =	sadd.s32 $0x8F2B, s0  }
0xbf: {  	[sflag:s0] =	ssyncadd.remote.s32 $0x1  }
0xc0: {  	_ =	sfence.sel $0xFFFF  }
0xc1: {  	[dreg:$0x0] =	wrdreg $0xFFFFFFFF;
	(pc) =	sbr.abs _section_cstart, $3  }
0xc2: {  	[dreg:$0x1] =	wrdreg $0xFFFFFFFF  }
0xc3: {  	_ =	task.clear_ibuf [dreg:s8], $0x2FFFF;
	_ =	strace $0x9FFFFFFF  }
0xc4: {  	(tm) =	ssettm $0x7FFFFFFF  }
0xc5: {  	_ =	shalt  }
tec
execute0_lowered:
.L_overlay_start_1:
0x0: {  	(tag) =	ssettag $0x1  }
0x1: {  	s1 =	rddreg [dreg:$0x0]  }
0x2: {  	s2 =	rddreg [dreg:$0x1]  }
0x3: {  	s11 =	rddreg [dreg:$0x2]  }
0x4: {  	s0 =	rddreg [dreg:$0x3]  }
0x5: {  	s4 =	simm.s32 $0x0;
	s5 =	srdreg.scid;
	s3 =	stileid.u32  }
0x6: {  	s13 =	simm.s32 $0x1;
	s14 =	simm.s32 $0x4000;
	s15 =	simm.s32 $0x2  }
0x7: {  	s16 =	simm.s32 $0x0;
	[smem:$0x7FF] =	sst s4;
	s5 =	sand.u32 $0x1, s5  }
0x8: {  	s6 =	sshll.u32 s3, $0x1;
	s10 =	sadd.s32 $0x3800, s11;
	_ =	strace $0x80000047  }
0x9: {  	s7 =	ssub.s32 $0x2, s5;
	s5 =	sor.u32 s5, s6;
	s6 =	sadd.s32 $0x1800, s11  }
0xa: {  	s8 =	sshrl.u32 s7, $0x1;
	s9 =	sshll.u32 s5, $0x7;
	s31 =	sshll.u32 s5, $0x4  }
0xb: {  	s12 =	ssub.s32 s7, s8;
	s7 =	sand.u32 $0x380, s9;
	s8 =	sand.u32 $0x70, s31  }
0xc: {  	s9 =	sadd.s32 $0x2800, s11;
	s11 =	sadd.s32 $0x4800, s11;
	s12 =	smax.u32 s12, $0x1  }
.LBB2_1:
0xd: {  	s17 =	simm.s32 $0x0  }
.LBB2_2:
0xe: {  	s19 =	sshrl.u32 s17, $0x1  }
0xf: {  	s18 =	sshll.u32 s17, $0x5;
	s20 =	sshll.u32 s19, $0x6  }
0x10: {  	s21 =	sand.u32 $0x20, s18;
	s20 =	sor.u32 s5, s20  }
0x11: {  	p0 =	sne.s32 s21, $0x0;
	s18 =	sor.u32 s21, s20  }
0x12: {  	s21 =	sshrl.u32 @p0 s18, $0x3  }
0x13: {  	s21 =	smul.u32 @p0 $0xC3800, s21;
	_ =	sdelay $0x1  }
0x14: {  	s21 =	sor.u32 @p0 s7, s21  }
0x15: {  	s22 =	simm.s32 @p0 $0x80;
	s21 =	sshrl.u32 @p0 s21, $0x3  }
0x16: {  	s23 =	simm.s32 @p0 $0x400;
	s24 =	simm.s32 @p0 $0x4000;
	s21 =	sadd.s32 @p0 s1, s21  }
0x17: {  	[tilespmem:s24], [sflag:$0x1] =	stream.strided.gather @p0 [hbm4b:s21+s22], $0x18700, s23, s22, $0x38;
	[tilespmem:$0x1E700] =	vst v63  }
0x18: {  	s20 =	sshrl.u32 @!p0 s20, $0x3;
	s21 =	sshll.u32 @!p0 s19, $0x4  }
0x19: {  	s20 =	smul.u32 @!p0 $0xC3800, s20;
	s19 =	sshll.u32 @!p0 s19, $0xB;
	s21 =	sand.u32 @!p0 $0x70, s21  }
0x1a: {  	s22 =	simm.s32 @!p0 $0x400;
	s19 =	sand.u32 @!p0 $0xC000, s19;
	s21 =	sadd.s32 @!p0 s2, s21  }
0x1b: {  	s23 =	simm.s32 @!p0 $0x0;
	s19 =	sadd.s32 @!p0 s19, s21;
	s21 =	simm.s32 @!p0 $0x80  }
0x1c: {  	[tilespmem:s23], [sflag:$0x3] =	stream.strided.gather @!p0 [hbm4b:s19+s21], $0x4000, s22, s21, $0x38;
	[tilespmem:$0x1E700] =	vst v63  }
0x1d: {  	s19 =	sor.u32 @!p0 s7, s20  }
0x1e: {  	s19 =	sshrl.u32 @!p0 s19, $0x3  }
0x1f: {  	s20 =	simm.s32 @!p0 $0x4000;
	s19 =	sadd.s32 @!p0 s1, s19  }
0x20: {  	[tilespmem:s20], [sflag:$0x1] =	stream.strided.gather @!p0 [hbm4b:s19+s21], $0x18700, s22, s21, $0x38;
	[tilespmem:$0x1E700] =	vst v63  }
0x21: {  	s19 =	simm.s32 @!p0 $0x3  }
0x22: {  	_ =	swait.ge @!p0 [sflag:s19], $0x4000  }
0x23: {  	[sflag:s19] =	ssyncset.done @!p0 $0x0  }
0x24: {  	[sflag:s19] =	ssyncadd.s32 @!p0 $0xFFFFC000  }
0x25: {  	_ =	swait.ge [sflag:s13], $0x18700  }
0x26: {  	[sflag:s13] =	ssyncset.done $0x0  }
0x27: {  	s31 =	simm.s32 $0x80;
	[sflag:s13] =	ssyncadd.s32 $0xFFFE7900  }
0x28: {  	v0 =	vld [tilespmem:s31+$0x70]  }
0x29: {  	v1 =	vld [tilespmem:s31+$0xFFFFFF90]  }
0x2a: {  	v2 =	vld [tilespmem:s31+$0xFFFFFFA0]  }
0x2b: {  	v3 =	vld [tilespmem:s31+$0xFFFFFFB0]  }
0x2c: {  	v4 =	vld [tilespmem:s31+$0xFFFFFFC0]  }
0x2d: {  	v5 =	vld [tilespmem:s31+$0xFFFFFFD0]  }
0x2e: {  	v6 =	vld [tilespmem:s31+$0xFFFFFFE0]  }
0x2f: {  	v7 =	vld [tilespmem:s31+$0xFFFFFFF0]  }
0x30: {  	v8 =	vld [tilespmem:s31+$0x0]  }
0x31: {  	v9 =	vld [tilespmem:s31+$0x10]  }
0x32: {  	v10 =	vld [tilespmem:s31+$0x20]  }
0x33: {  	v11 =	vld [tilespmem:s31+$0x30]  }
0x34: {  	v12 =	vld [tilespmem:s31+$0x40]  }
0x35: {  	v13 =	vld [tilespmem:s31+$0x50]  }
0x36: {  	v14 =	vld [tilespmem:s31+$0x60]  }
0x37: {  	v15 =	vld [tilespmem:s31+$0xFFFFFF80]  }
0x38: {  	v0 =	vld.idx.msk [tilespmem:v0+s14+$0x0], $0xffff  }
0x39: {  	v1 =	vld.idx.msk [tilespmem:v1+s14+$0x0], $0xffff  }
0x3a: {  	v2 =	vld.idx.msk [tilespmem:v2+s14+$0x0], $0xffff  }
0x3b: {  	v3 =	vld.idx.msk [tilespmem:v3+s14+$0x0], $0xffff  }
0x3c: {  	v4 =	vld.idx.msk [tilespmem:v4+s14+$0x0], $0xffff  }
0x3d: {  	s19 =	simm.s32 $0x1C800;
	v5 =	vld.idx.msk [tilespmem:v5+s14+$0x0], $0xffff  }
0x3e: {  	v6 =	vld.idx.msk [tilespmem:v6+s14+$0x0], $0xffff;
	[tilespmem:s19+$0x70] =	vst v0  }
0x3f: {  	v7 =	vld.idx.msk [tilespmem:v7+s14+$0x0], $0xffff;
	[tilespmem:s19+$0xFFFFFF10] =	vst v1  }
0x40: {  	v15 =	vld.idx.msk [tilespmem:v15+s14+$0x0], $0xffff;
	[tilespmem:s19+$0xFFFFFF20] =	vst v2  }
0x41: {  	v8 =	vld.idx.msk [tilespmem:v8+s14+$0x0], $0xffff;
	[tilespmem:s19+$0xFFFFFF30] =	vst v3  }
0x42: {  	[tilespmem:s19+$0xFFFFFF40] =	vst v4;
	v0 =	vld.idx.msk [tilespmem:v9+s14+$0x0], $0xffff  }
0x43: {  	[tilespmem:s19+$0xFFFFFF50] =	vst v5;
	v1 =	vld.idx.msk [tilespmem:v10+s14+$0x0], $0xffff  }
0x44: {  	[tilespmem:s19+$0xFFFFFF60] =	vst v6;
	v2 =	vld.idx.msk [tilespmem:v11+s14+$0x0], $0xffff  }
0x45: {  	[tilespmem:s19+$0xFFFFFF70] =	vst v7;
	v3 =	vld.idx.msk [tilespmem:v12+s14+$0x0], $0xffff  }
0x46: {  	[tilespmem:s19+$0xFFFFFF00] =	vst v15;
	v4 =	vld.idx.msk [tilespmem:v13+s14+$0x0], $0xffff  }
0x47: {  	s20 =	simm.s32 $0x0;
	s21 =	simm.s32 $0x180;
	[tilespmem:s19+$0x0] =	vst v8;
	v5 =	vld.idx.msk [tilespmem:v14+s14+$0x0], $0xffff  }
.LBB2_3:
0x48: {  	v6 =	vld [tilespmem:s21+$0x70];
	s20 =	sadd.s32 $0x100, s20;
	[tilespmem:s19+$0x10] =	vst v0  }
0x49: {  	v0 =	vld [tilespmem:s21+$0xFFFFFF90];
	p0 =	slt.u32 s20, $0xF00;
	[tilespmem:s19+$0x20] =	vst v1  }
0x4a: {  	v1 =	vld [tilespmem:s21+$0xFFFFFFA0];
	[tilespmem:s19+$0x30] =	vst v2  }
0x4b: {  	v2 =	vld [tilespmem:s21+$0xFFFFFFB0];
	[tilespmem:s19+$0x40] =	vst v3  }
0x4c: {  	v3 =	vld [tilespmem:s21+$0xFFFFFFC0];
	[tilespmem:s19+$0x50] =	vst v4  }
0x4d: {  	v4 =	vld [tilespmem:s21+$0xFFFFFFD0];
	[tilespmem:s19+$0x60] =	vst v5  }
0x4e: {  	v5 =	vld [tilespmem:s21+$0xFFFFFFE0]  }
0x4f: {  	v7 =	vld [tilespmem:s21+$0xFFFFFFF0]  }
0x50: {  	v6 =	vld.idx.msk [tilespmem:v6+s14+$0x0], $0xffff  }
0x51: {  	v8 =	vld [tilespmem:s21+$0x0]  }
0x52: {  	v9 =	vld [tilespmem:s21+$0x10]  }
0x53: {  	v10 =	vld [tilespmem:s21+$0x20]  }
0x54: {  	v11 =	vld [tilespmem:s21+$0x30]  }
0x55: {  	s19 =	sadd.s32 $0x200, s19;
	v12 =	vld [tilespmem:s21+$0x40]  }
0x56: {  	v13 =	vld [tilespmem:s21+$0x50];
	[tilespmem:s19+$0x70] =	vst v6  }
0x57: {  	v6 =	vld [tilespmem:s21+$0x60]  }
0x58: {  	v14 =	vld [tilespmem:s21+$0xFFFFFF80]  }
0x59: {  	v0 =	vld.idx.msk [tilespmem:v0+s14+$0x0], $0xffff  }
0x5a: {  	v1 =	vld.idx.msk [tilespmem:v1+s14+$0x0], $0xffff  }
0x5b: {  	v2 =	vld.idx.msk [tilespmem:v2+s14+$0x0], $0xffff  }
0x5c: {  	v3 =	vld.idx.msk [tilespmem:v3+s14+$0x0], $0xffff  }
0x5d: {  	v4 =	vld.idx.msk [tilespmem:v4+s14+$0x0], $0xffff  }
0x5e: {  	v5 =	vld.idx.msk [tilespmem:v5+s14+$0x0], $0xffff  }
0x5f: {  	[tilespmem:s19+$0xFFFFFF10] =	vst v0;
	v7 =	vld.idx.msk [tilespmem:v7+s14+$0x0], $0xffff  }
0x60: {  	v14 =	vld.idx.msk [tilespmem:v14+s14+$0x0], $0xffff;
	[tilespmem:s19+$0xFFFFFF20] =	vst v1  }
0x61: {  	[tilespmem:s19+$0xFFFFFF30] =	vst v2;
	v8 =	vld.idx.msk [tilespmem:v8+s14+$0x0], $0xffff  }
0x62: {  	[tilespmem:s19+$0xFFFFFF40] =	vst v3;
	v0 =	vld.idx.msk [tilespmem:v9+s14+$0x0], $0xffff  }
.Ltmp0:
0x63: {  	[tilespmem:s19+$0xFFFFFF50] =	vst v4;
	v1 =	vld.idx.msk [tilespmem:v10+s14+$0x0], $0xffff;
	(pc) =	sbr.rel @p0 .LBB2_3-.Ltmp0, $4  }
0x64: {  	[tilespmem:s19+$0xFFFFFF60] =	vst v5;
	v2 =	vld.idx.msk [tilespmem:v11+s14+$0x0], $0xffff  }
0x65: {  	[tilespmem:s19+$0xFFFFFF70] =	vst v7;
	v3 =	vld.idx.msk [tilespmem:v12+s14+$0x0], $0xffff  }
0x66: {  	[tilespmem:s19+$0xFFFFFF00] =	vst v14;
	v4 =	vld.idx.msk [tilespmem:v13+s14+$0x0], $0xffff  }
0x67: {  	s21 =	sadd.s32 $0x100, s21;
	[tilespmem:s19+$0x0] =	vst v8;
	v5 =	vld.idx.msk [tilespmem:v6+s14+$0x0], $0xffff  }
0x68: {  	[tilespmem:s19+$0x10] =	vst v0  }
0x69: {  	[tilespmem:s19+$0x20] =	vst v1  }
0x6a: {  	s18 =	sshll.u32 s18, $0xB;
	[tilespmem:s19+$0x30] =	vst v2  }
0x6b: {  	s18 =	sand.u32 $0xFFFC000, s18;
	[tilespmem:s19+$0x40] =	vst v3  }
0x6c: {  	s18 =	sor.u32 s8, s18;
	[tilespmem:s19+$0x50] =	vst v4  }
0x6d: {  	s20 =	simm.s32 $0x0;
	s21 =	simm.s32 $0x1C700;
	[tilespmem:s19+$0x60] =	vst v5;
	s19 =	sadd.s32 s6, s18  }
.LBB2_5:
0x6e: {  	p0 =	sne.s32 s20, $0xF80  }
.Ltmp1:
0x6f: {  	_ = 	snop;
	(pc) =	sbr.rel @p0 .LBB2_5-.Ltmp1, $4  }
0x70: {  	_ = 	snop  }
0x71: {  	s22 =	sadd.s32 s20, s19  }
0x72: {  	[hbm4b:s22+s4] =	stream.linear.scatter [tilespmem:s21], [sflag:$0x2], $0x80, $0x38;
	[tilespmem:$0x1E700] =	vst v63  }
0x73: {  	s20 =	sadd.s32 $0x80, s20;
	s21 =	sadd.s32 $0x100, s21  }
0x74: {  	s19 =	simm.s32 $0x10F0  }
0x75: {  	v0 =	vld [tilespmem:s19+$0x0]  }
0x76: {  	v1 =	vld [tilespmem:s19+$0xFFFFFF20]  }
0x77: {  	v2 =	vld [tilespmem:s19+$0xFFFFFF30]  }
0x78: {  	v3 =	vld [tilespmem:s19+$0xFFFFFF40]  }
0x79: {  	v4 =	vld [tilespmem:s19+$0xFFFFFF50]  }
0x7a: {  	v5 =	vld [tilespmem:s19+$0xFFFFFF60]  }
0x7b: {  	v6 =	vld [tilespmem:s19+$0xFFFFFF70]  }
0x7c: {  	v7 =	vld [tilespmem:s19+$0xFFFFFF80]  }
0x7d: {  	v8 =	vld [tilespmem:s19+$0xFFFFFF90]  }
0x7e: {  	v9 =	vld [tilespmem:s19+$0xFFFFFFA0]  }
0x7f: {  	v10 =	vld [tilespmem:s19+$0xFFFFFFB0]  }
0x80: {  	v11 =	vld [tilespmem:s19+$0xFFFFFFC0]  }
0x81: {  	v12 =	vld [tilespmem:s19+$0xFFFFFFD0]  }
0x82: {  	v13 =	vld [tilespmem:s19+$0xFFFFFFE0]  }
0x83: {  	v14 =	vld [tilespmem:s19+$0xFFFFFFF0]  }
0x84: {  	v15 =	vld [tilespmem:s19+$0xFFFFFF10]  }
0x85: {  	v0 =	vld.idx.msk [tilespmem:v0+s14+$0x0], $0xffff  }
0x86: {  	v1 =	vld.idx.msk [tilespmem:v1+s14+$0x0], $0xffff  }
0x87: {  	v2 =	vld.idx.msk [tilespmem:v2+s14+$0x0], $0xffff  }
0x88: {  	v3 =	vld.idx.msk [tilespmem:v3+s14+$0x0], $0xffff  }
0x89: {  	v4 =	vld.idx.msk [tilespmem:v4+s14+$0x0], $0xffff  }
0x8a: {  	s19 =	simm.s32 $0x1C880;
	v5 =	vld.idx.msk [tilespmem:v5+s14+$0x0], $0xffff  }
0x8b: {  	v6 =	vld.idx.msk [tilespmem:v6+s14+$0x0], $0xffff;
	[tilespmem:s19+$0x70] =	vst v0  }
0x8c: {  	v7 =	vld.idx.msk [tilespmem:v7+s14+$0x0], $0xffff;
	[tilespmem:s19+$0xFFFFFF10] =	vst v1  }
0x8d: {  	v15 =	vld.idx.msk [tilespmem:v15+s14+$0x0], $0xffff;
	[tilespmem:s19+$0xFFFFFF20] =	vst v2  }
0x8e: {  	v8 =	vld.idx.msk [tilespmem:v8+s14+$0x0], $0xffff;
	[tilespmem:s19+$0xFFFFFF30] =	vst v3  }
0x8f: {  	[tilespmem:s19+$0xFFFFFF40] =	vst v4;
	v0 =	vld.idx.msk [tilespmem:v9+s14+$0x0], $0xffff  }
0x90: {  	[tilespmem:s19+$0xFFFFFF50] =	vst v5;
	v1 =	vld.idx.msk [tilespmem:v10+s14+$0x0], $0xffff  }
0x91: {  	[tilespmem:s19+$0xFFFFFF60] =	vst v6;
	v2 =	vld.idx.msk [tilespmem:v11+s14+$0x0], $0xffff  }
0x92: {  	[tilespmem:s19+$0xFFFFFF70] =	vst v7;
	v3 =	vld.idx.msk [tilespmem:v12+s14+$0x0], $0xffff  }
0x93: {  	[tilespmem:s19+$0xFFFFFF00] =	vst v15;
	v4 =	vld.idx.msk [tilespmem:v13+s14+$0x0], $0xffff  }
0x94: {  	s20 =	simm.s32 $0x0;
	s21 =	simm.s32 $0x11F0;
	[tilespmem:s19+$0x0] =	vst v8;
	v5 =	vld.idx.msk [tilespmem:v14+s14+$0x0], $0xffff  }
.LBB2_7:
0x95: {  	v6 =	vld [tilespmem:s21+$0x0];
	s20 =	sadd.s32 $0x100, s20;
	[tilespmem:s19+$0x10] =	vst v0  }
0x96: {  	v0 =	vld [tilespmem:s21+$0xFFFFFF20];
	p0 =	slt.u32 s20, $0xF00;
	[tilespmem:s19+$0x20] =	vst v1  }
0x97: {  	v1 =	vld [tilespmem:s21+$0xFFFFFF30];
	[tilespmem:s19+$0x30] =	vst v2  }
0x98: {  	v2 =	vld [tilespmem:s21+$0xFFFFFF40];
	[tilespmem:s19+$0x40] =	vst v3  }
0x99: {  	v3 =	vld [tilespmem:s21+$0xFFFFFF50];
	[tilespmem:s19+$0x50] =	vst v4  }
0x9a: {  	v4 =	vld [tilespmem:s21+$0xFFFFFF60];
	[tilespmem:s19+$0x60] =	vst v5  }
0x9b: {  	v5 =	vld [tilespmem:s21+$0xFFFFFF70]  }
0x9c: {  	v7 =	vld [tilespmem:s21+$0xFFFFFF80]  }
0x9d: {  	v6 =	vld.idx.msk [tilespmem:v6+s14+$0x0], $0xffff  }
0x9e: {  	v8 =	vld [tilespmem:s21+$0xFFFFFF90]  }
0x9f: {  	v9 =	vld [tilespmem:s21+$0xFFFFFFA0]  }
0xa0: {  	v10 =	vld [tilespmem:s21+$0xFFFFFFB0]  }
0xa1: {  	v11 =	vld [tilespmem:s21+$0xFFFFFFC0]  }
0xa2: {  	s19 =	sadd.s32 $0x200, s19;
	v12 =	vld [tilespmem:s21+$0xFFFFFFD0]  }
0xa3: {  	v13 =	vld [tilespmem:s21+$0xFFFFFFE0];
	[tilespmem:s19+$0x70] =	vst v6  }
0xa4: {  	v6 =	vld [tilespmem:s21+$0xFFFFFFF0]  }
0xa5: {  	v14 =	vld [tilespmem:s21+$0xFFFFFF10]  }
0xa6: {  	v0 =	vld.idx.msk [tilespmem:v0+s14+$0x0], $0xffff  }
0xa7: {  	v1 =	vld.idx.msk [tilespmem:v1+s14+$0x0], $0xffff  }
0xa8: {  	v2 =	vld.idx.msk [tilespmem:v2+s14+$0x0], $0xffff  }
0xa9: {  	v3 =	vld.idx.msk [tilespmem:v3+s14+$0x0], $0xffff  }
0xaa: {  	v4 =	vld.idx.msk [tilespmem:v4+s14+$0x0], $0xffff  }
0xab: {  	v5 =	vld.idx.msk [tilespmem:v5+s14+$0x0], $0xffff  }
0xac: {  	[tilespmem:s19+$0xFFFFFF10] =	vst v0;
	v7 =	vld.idx.msk [tilespmem:v7+s14+$0x0], $0xffff  }
0xad: {  	v14 =	vld.idx.msk [tilespmem:v14+s14+$0x0], $0xffff;
	[tilespmem:s19+$0xFFFFFF20] =	vst v1  }
0xae: {  	[tilespmem:s19+$0xFFFFFF30] =	vst v2;
	v8 =	vld.idx.msk [tilespmem:v8+s14+$0x0], $0xffff  }
0xaf: {  	[tilespmem:s19+$0xFFFFFF40] =	vst v3;
	v0 =	vld.idx.msk [tilespmem:v9+s14+$0x0], $0xffff  }
.Ltmp2:
0xb0: {  	[tilespmem:s19+$0xFFFFFF50] =	vst v4;
	v1 =	vld.idx.msk [tilespmem:v10+s14+$0x0], $0xffff;
	(pc) =	sbr.rel @p0 .LBB2_7-.Ltmp2, $4  }
0xb1: {  	[tilespmem:s19+$0xFFFFFF60] =	vst v5;
	v2 =	vld.idx.msk [tilespmem:v11+s14+$0x0], $0xffff  }
0xb2: {  	[tilespmem:s19+$0xFFFFFF70] =	vst v7;
	v3 =	vld.idx.msk [tilespmem:v12+s14+$0x0], $0xffff  }
0xb3: {  	[tilespmem:s19+$0xFFFFFF00] =	vst v14;
	v4 =	vld.idx.msk [tilespmem:v13+s14+$0x0], $0xffff  }
0xb4: {  	s21 =	sadd.s32 $0x100, s21;
	[tilespmem:s19+$0x0] =	vst v8;
	v5 =	vld.idx.msk [tilespmem:v6+s14+$0x0], $0xffff  }
0xb5: {  	[tilespmem:s19+$0x10] =	vst v0  }
0xb6: {  	[tilespmem:s19+$0x20] =	vst v1  }
0xb7: {  	[tilespmem:s19+$0x30] =	vst v2  }
0xb8: {  	[tilespmem:s19+$0x40] =	vst v3  }
0xb9: {  	[tilespmem:s19+$0x50] =	vst v4  }
0xba: {  	[tilespmem:s19+$0x60] =	vst v5  }
0xbb: {  	_ =	swait.ge [sflag:s15], $0x1000  }
0xbc: {  	s20 =	simm.s32 $0x0;
	[sflag:s15] =	ssyncset.done $0x0  }
0xbd: {  	s21 =	simm.s32 $0x1C780;
	s19 =	sadd.s32 s18, s9;
	[sflag:s15] =	ssyncadd.s32 $0xFFFFF000  }
.LBB2_9:
0xbe: {  	p0 =	sne.s32 s20, $0xF80  }
.Ltmp3:
0xbf: {  	_ = 	snop;
	(pc) =	sbr.rel @p0 .LBB2_9-.Ltmp3, $4  }
0xc0: {  	_ = 	snop  }
0xc1: {  	s22 =	sadd.s32 s20, s19  }
0xc2: {  	[hbm4b:s22+s4] =	stream.linear.scatter [tilespmem:s21], [sflag:$0x2], $0x80, $0x38;
	[tilespmem:$0x1E700] =	vst v63  }
0xc3: {  	s20 =	sadd.s32 $0x80, s20;
	s21 =	sadd.s32 $0x100, s21  }
0xc4: {  	s19 =	simm.s32 $0x20F0  }
0xc5: {  	v0 =	vld [tilespmem:s19+$0x0]  }
0xc6: {  	v1 =	vld [tilespmem:s19+$0xFFFFFF20]  }
0xc7: {  	v2 =	vld [tilespmem:s19+$0xFFFFFF30]  }
0xc8: {  	v3 =	vld [tilespmem:s19+$0xFFFFFF40]  }
0xc9: {  	v4 =	vld [tilespmem:s19+$0xFFFFFF50]  }
0xca: {  	v5 =	vld [tilespmem:s19+$0xFFFFFF60]  }
0xcb: {  	v6 =	vld [tilespmem:s19+$0xFFFFFF70]  }
0xcc: {  	v7 =	vld [tilespmem:s19+$0xFFFFFF80]  }
0xcd: {  	v8 =	vld [tilespmem:s19+$0xFFFFFF90]  }
0xce: {  	v9 =	vld [tilespmem:s19+$0xFFFFFFA0]  }
0xcf: {  	v10 =	vld [tilespmem:s19+$0xFFFFFFB0]  }
0xd0: {  	v11 =	vld [tilespmem:s19+$0xFFFFFFC0]  }
0xd1: {  	v12 =	vld [tilespmem:s19+$0xFFFFFFD0]  }
0xd2: {  	v13 =	vld [tilespmem:s19+$0xFFFFFFE0]  }
0xd3: {  	v14 =	vld [tilespmem:s19+$0xFFFFFFF0]  }
0xd4: {  	v15 =	vld [tilespmem:s19+$0xFFFFFF10]  }
0xd5: {  	v0 =	vld.idx.msk [tilespmem:v0+s14+$0x0], $0xffff  }
0xd6: {  	v1 =	vld.idx.msk [tilespmem:v1+s14+$0x0], $0xffff  }
0xd7: {  	v2 =	vld.idx.msk [tilespmem:v2+s14+$0x0], $0xffff  }
0xd8: {  	v3 =	vld.idx.msk [tilespmem:v3+s14+$0x0], $0xffff  }
0xd9: {  	v4 =	vld.idx.msk [tilespmem:v4+s14+$0x0], $0xffff  }
0xda: {  	s19 =	simm.s32 $0x1C800;
	v5 =	vld.idx.msk [tilespmem:v5+s14+$0x0], $0xffff  }
0xdb: {  	v6 =	vld.idx.msk [tilespmem:v6+s14+$0x0], $0xffff;
	[tilespmem:s19+$0x70] =	vst v0  }
0xdc: {  	v7 =	vld.idx.msk [tilespmem:v7+s14+$0x0], $0xffff;
	[tilespmem:s19+$0xFFFFFF10] =	vst v1  }
0xdd: {  	v15 =	vld.idx.msk [tilespmem:v15+s14+$0x0], $0xffff;
	[tilespmem:s19+$0xFFFFFF20] =	vst v2  }
0xde: {  	v8 =	vld.idx.msk [tilespmem:v8+s14+$0x0], $0xffff;
	[tilespmem:s19+$0xFFFFFF30] =	vst v3  }
0xdf: {  	[tilespmem:s19+$0xFFFFFF40] =	vst v4;
	v0 =	vld.idx.msk [tilespmem:v9+s14+$0x0], $0xffff  }
0xe0: {  	[tilespmem:s19+$0xFFFFFF50] =	vst v5;
	v1 =	vld.idx.msk [tilespmem:v10+s14+$0x0], $0xffff  }
0xe1: {  	[tilespmem:s19+$0xFFFFFF60] =	vst v6;
	v2 =	vld.idx.msk [tilespmem:v11+s14+$0x0], $0xffff  }
0xe2: {  	[tilespmem:s19+$0xFFFFFF70] =	vst v7;
	v3 =	vld.idx.msk [tilespmem:v12+s14+$0x0], $0xffff  }
0xe3: {  	[tilespmem:s19+$0xFFFFFF00] =	vst v15;
	v4 =	vld.idx.msk [tilespmem:v13+s14+$0x0], $0xffff  }
0xe4: {  	s20 =	simm.s32 $0x0;
	s21 =	simm.s32 $0x21F0;
	[tilespmem:s19+$0x0] =	vst v8;
	v5 =	vld.idx.msk [tilespmem:v14+s14+$0x0], $0xffff  }
.LBB2_11:
0xe5: {  	v6 =	vld [tilespmem:s21+$0x0];
	s20 =	sadd.s32 $0x100, s20;
	[tilespmem:s19+$0x10] =	vst v0  }
0xe6: {  	v0 =	vld [tilespmem:s21+$0xFFFFFF20];
	p0 =	slt.u32 s20, $0xF00;
	[tilespmem:s19+$0x20] =	vst v1  }
0xe7: {  	v1 =	vld [tilespmem:s21+$0xFFFFFF30];
	[tilespmem:s19+$0x30] =	vst v2  }
0xe8: {  	v2 =	vld [tilespmem:s21+$0xFFFFFF40];
	[tilespmem:s19+$0x40] =	vst v3  }
0xe9: {  	v3 =	vld [tilespmem:s21+$0xFFFFFF50];
	[tilespmem:s19+$0x50] =	vst v4  }
0xea: {  	v4 =	vld [tilespmem:s21+$0xFFFFFF60];
	[tilespmem:s19+$0x60] =	vst v5  }
0xeb: {  	v5 =	vld [tilespmem:s21+$0xFFFFFF70]  }
0xec: {  	v7 =	vld [tilespmem:s21+$0xFFFFFF80]  }
0xed: {  	v6 =	vld.idx.msk [tilespmem:v6+s14+$0x0], $0xffff  }
0xee: {  	v8 =	vld [tilespmem:s21+$0xFFFFFF90]  }
0xef: {  	v9 =	vld [tilespmem:s21+$0xFFFFFFA0]  }
0xf0: {  	v10 =	vld [tilespmem:s21+$0xFFFFFFB0]  }
0xf1: {  	v11 =	vld [tilespmem:s21+$0xFFFFFFC0]  }
0xf2: {  	s19 =	sadd.s32 $0x200, s19;
	v12 =	vld [tilespmem:s21+$0xFFFFFFD0]  }
0xf3: {  	v13 =	vld [tilespmem:s21+$0xFFFFFFE0];
	[tilespmem:s19+$0x70] =	vst v6  }
0xf4: {  	v6 =	vld [tilespmem:s21+$0xFFFFFFF0]  }
0xf5: {  	v14 =	vld [tilespmem:s21+$0xFFFFFF10]  }
0xf6: {  	v0 =	vld.idx.msk [tilespmem:v0+s14+$0x0], $0xffff  }
0xf7: {  	v1 =	vld.idx.msk [tilespmem:v1+s14+$0x0], $0xffff  }
0xf8: {  	v2 =	vld.idx.msk [tilespmem:v2+s14+$0x0], $0xffff  }
0xf9: {  	v3 =	vld.idx.msk [tilespmem:v3+s14+$0x0], $0xffff  }
0xfa: {  	v4 =	vld.idx.msk [tilespmem:v4+s14+$0x0], $0xffff  }
0xfb: {  	v5 =	vld.idx.msk [tilespmem:v5+s14+$0x0], $0xffff  }
0xfc: {  	[tilespmem:s19+$0xFFFFFF10] =	vst v0;
	v7 =	vld.idx.msk [tilespmem:v7+s14+$0x0], $0xffff  }
0xfd: {  	v14 =	vld.idx.msk [tilespmem:v14+s14+$0x0], $0xffff;
	[tilespmem:s19+$0xFFFFFF20] =	vst v1  }
0xfe: {  	[tilespmem:s19+$0xFFFFFF30] =	vst v2;
	v8 =	vld.idx.msk [tilespmem:v8+s14+$0x0], $0xffff  }
0xff: {  	[tilespmem:s19+$0xFFFFFF40] =	vst v3;
	v0 =	vld.idx.msk [tilespmem:v9+s14+$0x0], $0xffff  }
.Ltmp4:
0x100: {  	[tilespmem:s19+$0xFFFFFF50] =	vst v4;
	v1 =	vld.idx.msk [tilespmem:v10+s14+$0x0], $0xffff;
	(pc) =	sbr.rel @p0 .LBB2_11-.Ltmp4, $4  }
0x101: {  	[tilespmem:s19+$0xFFFFFF60] =	vst v5;
	v2 =	vld.idx.msk [tilespmem:v11+s14+$0x0], $0xffff  }
0x102: {  	[tilespmem:s19+$0xFFFFFF70] =	vst v7;
	v3 =	vld.idx.msk [tilespmem:v12+s14+$0x0], $0xffff  }
0x103: {  	[tilespmem:s19+$0xFFFFFF00] =	vst v14;
	v4 =	vld.idx.msk [tilespmem:v13+s14+$0x0], $0xffff  }
0x104: {  	s21 =	sadd.s32 $0x100, s21;
	[tilespmem:s19+$0x0] =	vst v8;
	v5 =	vld.idx.msk [tilespmem:v6+s14+$0x0], $0xffff  }
0x105: {  	[tilespmem:s19+$0x10] =	vst v0  }
0x106: {  	[tilespmem:s19+$0x20] =	vst v1  }
0x107: {  	[tilespmem:s19+$0x30] =	vst v2  }
0x108: {  	[tilespmem:s19+$0x40] =	vst v3  }
0x109: {  	[tilespmem:s19+$0x50] =	vst v4  }
0x10a: {  	[tilespmem:s19+$0x60] =	vst v5  }
0x10b: {  	_ =	swait.ge [sflag:s15], $0x1000  }
0x10c: {  	s20 =	simm.s32 $0x0;
	[sflag:s15] =	ssyncset.done $0x0  }
0x10d: {  	s21 =	simm.s32 $0x1C700;
	s19 =	sadd.s32 s18, s10;
	[sflag:s15] =	ssyncadd.s32 $0xFFFFF000  }
.LBB2_13:
0x10e: {  	p0 =	sne.s32 s20, $0xF80  }
.Ltmp5:
0x10f: {  	_ = 	snop;
	(pc) =	sbr.rel @p0 .LBB2_13-.Ltmp5, $4  }
0x110: {  	_ = 	snop  }
0x111: {  	s22 =	sadd.s32 s20, s19  }
0x112: {  	[hbm4b:s22+s4] =	stream.linear.scatter [tilespmem:s21], [sflag:$0x2], $0x80, $0x38;
	[tilespmem:$0x1E700] =	vst v63  }
0x113: {  	s20 =	sadd.s32 $0x80, s20;
	s21 =	sadd.s32 $0x100, s21  }
0x114: {  	s19 =	simm.s32 $0x30F0  }
0x115: {  	v0 =	vld [tilespmem:s19+$0x0]  }
0x116: {  	v1 =	vld [tilespmem:s19+$0xFFFFFF20]  }
0x117: {  	v2 =	vld [tilespmem:s19+$0xFFFFFF30]  }
0x118: {  	v3 =	vld [tilespmem:s19+$0xFFFFFF40]  }
0x119: {  	v4 =	vld [tilespmem:s19+$0xFFFFFF50]  }
0x11a: {  	v5 =	vld [tilespmem:s19+$0xFFFFFF60]  }
0x11b: {  	v6 =	vld [tilespmem:s19+$0xFFFFFF70]  }
0x11c: {  	v7 =	vld [tilespmem:s19+$0xFFFFFF80]  }
0x11d: {  	v8 =	vld [tilespmem:s19+$0xFFFFFF90]  }
0x11e: {  	v9 =	vld [tilespmem:s19+$0xFFFFFFA0]  }
0x11f: {  	v10 =	vld [tilespmem:s19+$0xFFFFFFB0]  }
0x120: {  	v11 =	vld [tilespmem:s19+$0xFFFFFFC0]  }
0x121: {  	v12 =	vld [tilespmem:s19+$0xFFFFFFD0]  }
0x122: {  	v13 =	vld [tilespmem:s19+$0xFFFFFFE0]  }
0x123: {  	v14 =	vld [tilespmem:s19+$0xFFFFFFF0]  }
0x124: {  	v15 =	vld [tilespmem:s19+$0xFFFFFF10]  }
0x125: {  	v0 =	vld.idx.msk [tilespmem:v0+s14+$0x0], $0xffff  }
0x126: {  	v1 =	vld.idx.msk [tilespmem:v1+s14+$0x0], $0xffff  }
0x127: {  	v2 =	vld.idx.msk [tilespmem:v2+s14+$0x0], $0xffff  }
0x128: {  	v3 =	vld.idx.msk [tilespmem:v3+s14+$0x0], $0xffff  }
0x129: {  	v4 =	vld.idx.msk [tilespmem:v4+s14+$0x0], $0xffff  }
0x12a: {  	s19 =	simm.s32 $0x1C880;
	v5 =	vld.idx.msk [tilespmem:v5+s14+$0x0], $0xffff  }
0x12b: {  	v6 =	vld.idx.msk [tilespmem:v6+s14+$0x0], $0xffff;
	[tilespmem:s19+$0x70] =	vst v0  }
0x12c: {  	v7 =	vld.idx.msk [tilespmem:v7+s14+$0x0], $0xffff;
	[tilespmem:s19+$0xFFFFFF10] =	vst v1  }
0x12d: {  	v15 =	vld.idx.msk [tilespmem:v15+s14+$0x0], $0xffff;
	[tilespmem:s19+$0xFFFFFF20] =	vst v2  }
0x12e: {  	v8 =	vld.idx.msk [tilespmem:v8+s14+$0x0], $0xffff;
	[tilespmem:s19+$0xFFFFFF30] =	vst v3  }
0x12f: {  	[tilespmem:s19+$0xFFFFFF40] =	vst v4;
	v0 =	vld.idx.msk [tilespmem:v9+s14+$0x0], $0xffff  }
0x130: {  	[tilespmem:s19+$0xFFFFFF50] =	vst v5;
	v1 =	vld.idx.msk [tilespmem:v10+s14+$0x0], $0xffff  }
0x131: {  	[tilespmem:s19+$0xFFFFFF60] =	vst v6;
	v2 =	vld.idx.msk [tilespmem:v11+s14+$0x0], $0xffff  }
0x132: {  	[tilespmem:s19+$0xFFFFFF70] =	vst v7;
	v3 =	vld.idx.msk [tilespmem:v12+s14+$0x0], $0xffff  }
0x133: {  	[tilespmem:s19+$0xFFFFFF00] =	vst v15;
	v4 =	vld.idx.msk [tilespmem:v13+s14+$0x0], $0xffff  }
0x134: {  	s20 =	simm.s32 $0x0;
	s21 =	simm.s32 $0x31F0;
	[tilespmem:s19+$0x0] =	vst v8;
	v5 =	vld.idx.msk [tilespmem:v14+s14+$0x0], $0xffff  }
.LBB2_15:
0x135: {  	v6 =	vld [tilespmem:s21+$0x0];
	s20 =	sadd.s32 $0x100, s20;
	[tilespmem:s19+$0x10] =	vst v0  }
0x136: {  	v0 =	vld [tilespmem:s21+$0xFFFFFF20];
	p0 =	slt.u32 s20, $0xF00;
	[tilespmem:s19+$0x20] =	vst v1  }
0x137: {  	v1 =	vld [tilespmem:s21+$0xFFFFFF30];
	[tilespmem:s19+$0x30] =	vst v2  }
0x138: {  	v2 =	vld [tilespmem:s21+$0xFFFFFF40];
	[tilespmem:s19+$0x40] =	vst v3  }
0x139: {  	v3 =	vld [tilespmem:s21+$0xFFFFFF50];
	[tilespmem:s19+$0x50] =	vst v4  }
0x13a: {  	v4 =	vld [tilespmem:s21+$0xFFFFFF60];
	[tilespmem:s19+$0x60] =	vst v5  }
0x13b: {  	v5 =	vld [tilespmem:s21+$0xFFFFFF70]  }
0x13c: {  	v7 =	vld [tilespmem:s21+$0xFFFFFF80]  }
0x13d: {  	v6 =	vld.idx.msk [tilespmem:v6+s14+$0x0], $0xffff  }
0x13e: {  	v8 =	vld [tilespmem:s21+$0xFFFFFF90]  }
0x13f: {  	v9 =	vld [tilespmem:s21+$0xFFFFFFA0]  }
0x140: {  	v10 =	vld [tilespmem:s21+$0xFFFFFFB0]  }
0x141: {  	v11 =	vld [tilespmem:s21+$0xFFFFFFC0]  }
0x142: {  	s19 =	sadd.s32 $0x200, s19;
	v12 =	vld [tilespmem:s21+$0xFFFFFFD0]  }
0x143: {  	v13 =	vld [tilespmem:s21+$0xFFFFFFE0];
	[tilespmem:s19+$0x70] =	vst v6  }
0x144: {  	v6 =	vld [tilespmem:s21+$0xFFFFFFF0]  }
0x145: {  	v14 =	vld [tilespmem:s21+$0xFFFFFF10]  }
0x146: {  	v0 =	vld.idx.msk [tilespmem:v0+s14+$0x0], $0xffff  }
0x147: {  	v1 =	vld.idx.msk [tilespmem:v1+s14+$0x0], $0xffff  }
0x148: {  	v2 =	vld.idx.msk [tilespmem:v2+s14+$0x0], $0xffff  }
0x149: {  	v3 =	vld.idx.msk [tilespmem:v3+s14+$0x0], $0xffff  }
0x14a: {  	v4 =	vld.idx.msk [tilespmem:v4+s14+$0x0], $0xffff  }
0x14b: {  	v5 =	vld.idx.msk [tilespmem:v5+s14+$0x0], $0xffff  }
0x14c: {  	[tilespmem:s19+$0xFFFFFF10] =	vst v0;
	v7 =	vld.idx.msk [tilespmem:v7+s14+$0x0], $0xffff  }
0x14d: {  	v14 =	vld.idx.msk [tilespmem:v14+s14+$0x0], $0xffff;
	[tilespmem:s19+$0xFFFFFF20] =	vst v1  }
0x14e: {  	[tilespmem:s19+$0xFFFFFF30] =	vst v2;
	v8 =	vld.idx.msk [tilespmem:v8+s14+$0x0], $0xffff  }
0x14f: {  	[tilespmem:s19+$0xFFFFFF40] =	vst v3;
	v0 =	vld.idx.msk [tilespmem:v9+s14+$0x0], $0xffff  }
.Ltmp6:
0x150: {  	[tilespmem:s19+$0xFFFFFF50] =	vst v4;
	v1 =	vld.idx.msk [tilespmem:v10+s14+$0x0], $0xffff;
	(pc) =	sbr.rel @p0 .LBB2_15-.Ltmp6, $4  }
0x151: {  	[tilespmem:s19+$0xFFFFFF60] =	vst v5;
	v2 =	vld.idx.msk [tilespmem:v11+s14+$0x0], $0xffff  }
0x152: {  	[tilespmem:s19+$0xFFFFFF70] =	vst v7;
	v3 =	vld.idx.msk [tilespmem:v12+s14+$0x0], $0xffff  }
0x153: {  	[tilespmem:s19+$0xFFFFFF00] =	vst v14;
	v4 =	vld.idx.msk [tilespmem:v13+s14+$0x0], $0xffff  }
0x154: {  	s21 =	sadd.s32 $0x100, s21;
	[tilespmem:s19+$0x0] =	vst v8;
	v5 =	vld.idx.msk [tilespmem:v6+s14+$0x0], $0xffff  }
0x155: {  	[tilespmem:s19+$0x10] =	vst v0  }
0x156: {  	[tilespmem:s19+$0x20] =	vst v1  }
0x157: {  	[tilespmem:s19+$0x30] =	vst v2  }
0x158: {  	[tilespmem:s19+$0x40] =	vst v3  }
0x159: {  	[tilespmem:s19+$0x50] =	vst v4  }
0x15a: {  	[tilespmem:s19+$0x60] =	vst v5  }
0x15b: {  	s18 =	sadd.s32 s18, s11;
	_ =	swait.ge [sflag:s15], $0x1000  }
0x15c: {  	s20 =	simm.s32 $0x80;
	s21 =	simm.s32 $0x1C880;
	[sflag:s15] =	ssyncset.done $0x0  }
0x15d: {  	s22 =	sadd.s32 $0x0, s18;
	s19 =	simm.s32 $0x1C780;
	[sflag:s15] =	ssyncadd.s32 $0xFFFFF000  }
.LBB2_17:
0x15e: {  	[hbm4b:s22+s4] =	stream.linear.scatter [tilespmem:s19], [sflag:$0x2], $0x80, $0x38;
	[tilespmem:$0x1E700] =	vst v63  }
0x15f: {  	s22 =	smov.u32 s20;
	s19 =	smov.u32 s21;
	p0 =	sne.s32 s20, $0xF80  }
.Ltmp7:
0x160: {  	s20 =	sadd.s32 $0x80, s20;
	(pc) =	sbr.rel @p0 .LBB2_17-.Ltmp7, $2  }
0x161: {  	_ =	sdelay $0x2  }
0x162: {  	s21 =	sadd.s32 $0x100, s21;
	s22 =	sadd.s32 s22, s18  }
0x163: {  	s17 =	sadd.s32 $0x1, s17  }
0x164: {  	p0 =	sne.s32 s17, $0x34  }
.Ltmp8:
0x165: {  	_ = 	snop;
	(pc) =	sbr.rel @p0 .LBB2_2-.Ltmp8, $4  }
0x166: {  	[hbm4b:s22+s4] =	stream.linear.scatter [tilespmem:s19], [sflag:$0x2], $0x80, $0x38;
	[tilespmem:$0x1E700] =	vst v63  }
0x167: {  	_ =	swait.ge [sflag:s15], $0x1000  }
0x168: {  	[sflag:s15] =	ssyncset.done $0x0  }
0x169: {  	[sflag:s15] =	ssyncadd.s32 $0xFFFFF000  }
0x16a: {  	s16 =	sadd.s32 $0x1, s16  }
0x16b: {  	p0 =	sne.s32 s16, s12  }
.Ltmp9:
0x16c: {  	_ = 	snop;
	(pc) =	sbr.rel @p0 .LBB2_1-.Ltmp9, $1  }
0x16d: {  	_ =	sdelay $0x3  }
0x16e: {  	_ =	sfence.sel $0x180000  }
0x16f: {  	[bflag:$0x0] =	sbarrier.arrive $0xFFFF  }
0x170: {  	p0 =	sne.s32 s3, $0x0;
	_ =	strace $0x90000047  }
0x171: {  	s0 =	sadd.s32 @!p0 $0x100000, s0;
	[bflag:$0x2] =	sbarrier.arrive $0xFFFF  }
0x172: {  	[sflag:s0] =	ssyncadd.tile.s32 @!p0 $0x1;
	_ =	shalt  }
.Lfunc_end2:
_tile_overlayer_lowered:
.L_overlay_start_2:
0x173: {  	(tag) =	ssettag $0x2  }
0x174: {  	s0 =	rddreg [dreg:$0x0];
	s2 =	stileid.u32  }
0x175: {  	s1 =	rddreg [dreg:$0x1];
	p0 =	sne.s32 s2, $0x0  }
0x176: {  	s3 =	rddreg [dreg:$0x2];
	[bflag:$0x3] =	sbarrier.arrive $0xFFFF;
	s2 =	simm.s32 @!p0 $0x1C04  }
0x177: {  	[timem:s3], [sflag:s2] =	dma.local @!p0 [hbm:s0], s1  }
0x178: {  	s0 =	simm.s32 @!p0 $0x4  }
0x179: {  	_ =	swait.ge @!p0 [sflag:s0], s1  }
0x17a: {  	s1 =	ssub.s32 @!p0 $0x0, s1;
	[sflag:s0] =	ssyncset.done @!p0 $0x0  }
0x17b: {  	[sflag:s0] =	ssyncadd.s32 @!p0 s1  }
0x17c: {  	[bflag:$0x3] =	sbarrier.arrive $0xFFFF  }
0x17d: {  	_ =	shalt  }

</sc_bundles>
